<compile_context>
chip_gen: v7x
topology: tpu7x:2x2x1
jax: 0.10.2.dev20260603
libtpu: 0.0.44.dev20260713+nightly
codegen_flags: <defaults>
</compile_context>

<pallas_src>
import functools

import jax
import jax.numpy as jnp
import numpy as np
from jax.experimental import pallas as pl
from jax.experimental.pallas import tpu as pltpu
from jax.experimental.pallas import tpu_sc as plsc

NT = 8; NQ = 128; NK = 10000; DF = 128; TD = 64; K = 16
RS = (0.5, 1.0); MAXT = 1.0; NENC = 10000.0; ANG = 1.0; LIN = 1.0
NKP = 10240
NC = NKP // 128
NR = NT * NQ
RB = 128
NB = NR // RB
RG = 32
NG = RB // RG
PADC = 1.0e9
NXW = 128
BIG = np.int32(1 << 30)
INF = np.float32(np.inf)


def _qapply(q, p):
    w = q[..., 0:1]; v = q[..., 1:]
    t = 2.0 * jnp.cross(v, p)
    return p + w * t + jnp.cross(v, t)



def _comp(av, ai, bv, bi):
    c = av < bv
    return (jnp.minimum(av, bv), jnp.where(c, ai, bi),
            jnp.maximum(av, bv), jnp.where(c, bi, ai))


def _merge44(A, B):
    (a1, a2, a3, a4), (ai1, ai2, ai3, ai4) = A
    (b1, b2, b3, b4), (bi1, bi2, bi3, bi4) = B

    def lo(av, ai, bv, bi):
        c = av < bv
        return jnp.minimum(av, bv), jnp.where(c, ai, bi)

    l1, li1 = lo(a1, ai1, b4, bi4)
    l2, li2 = lo(a2, ai2, b3, bi3)
    l3, li3 = lo(a3, ai3, b2, bi2)
    l4, li4 = lo(a4, ai4, b1, bi1)
    x1, xi1, x3, xi3 = _comp(l1, li1, l3, li3)
    x2, xi2, x4, xi4 = _comp(l2, li2, l4, li4)
    y1, yi1, y2, yi2 = _comp(x1, xi1, x2, xi2)
    y3, yi3, y4, yi4 = _comp(x3, xi3, x4, xi4)
    return ((y1, y2, y3, y4), (yi1, yi2, yi3, yi4))


def _topk_body(fx_ref, kxt_ref, idx_ref, dd_ref, d2_ref):
    f32, i32 = jnp.float32, jnp.int32
    px = fx_ref[:, 0:1]
    py = fx_ref[:, 1:2]
    pz = fx_ref[:, 2:3]

    lane = jax.lax.broadcasted_iota(i32, (RB, 128), 1)
    kio = jax.lax.broadcasted_iota(i32, (RB, K), 1)

    def chunk_d2(c):
        s = slice(c * 128, (c + 1) * 128)
        dx = px - kxt_ref[0, 0:1, s]
        dy = py - kxt_ref[0, 1:2, s]
        dz = pz - kxt_ref[0, 2:3, s]
        d2 = (dx * dx + dy * dy) + dz * dz
        d2_ref[:, s] = d2
        return d2

    l4 = []
    for c0 in range(0, NC, 4):
        pl_ = [chunk_d2(c0 + o) for o in range(4)]
        ii = [jnp.full((RB, 128), c0 + o, i32) for o in range(4)]
        s1a, s1ai, s1b, s1bi = _comp(pl_[0], ii[0], pl_[1], ii[1])
        s2a, s2ai, s2b, s2bi = _comp(pl_[2], ii[2], pl_[3], ii[3])
        l1, li1, h1, hi1 = _comp(s1a, s1ai, s2a, s2ai)
        l2, li2, h2, hi2 = _comp(s1b, s1bi, s2b, s2bi)
        m1, mi1, m2, mi2 = _comp(h1, hi1, l2, li2)
        l4.append(((l1, m1, m2, h2), (li1, mi1, mi2, hi2)))
    while len(l4) > 1:
        nxt = [_merge44(l4[i], l4[i + 1]) for i in range(0, len(l4) - 1, 2)]
        if len(l4) % 2:
            nxt.append(l4[-1])
        l4 = nxt
    (v1, v2, v3, v4), (i1, i2, i3, i4) = l4[0]
    g1 = i1 * 128 + lane
    g2 = i2 * 128 + lane
    g3 = i3 * 128 + lane
    g4 = i4 * 128 + lane

    def ext(k, carry):
        v1, v2, v3, v4, macc, iacc = carry
        m = jnp.min(jnp.minimum(jnp.minimum(v1, v2), jnp.minimum(v3, v4)),
                    axis=1, keepdims=True)
        jc = jnp.minimum(
            jnp.minimum(jnp.where(v1 == m, g1, BIG),
                        jnp.where(v2 == m, g2, BIG)),
            jnp.minimum(jnp.where(v3 == m, g3, BIG),
                        jnp.where(v4 == m, g4, BIG)))
        j = jnp.min(jc, axis=1, keepdims=True)
        v1 = jnp.where((v1 == m) & (g1 == j), INF, v1)
        v2 = jnp.where((v2 == m) & (g2 == j), INF, v2)
        v3 = jnp.where((v3 == m) & (g3 == j), INF, v3)
        v4 = jnp.where((v4 == m) & (g4 == j), INF, v4)
        macc = jnp.where(kio == k, m, macc)
        iacc = jnp.where(kio == k, j, iacc)
        return v1, v2, v3, v4, macc, iacc

    _, _, _, _, macc, iacc = jax.lax.fori_loop(
        0, K, ext, (v1, v2, v3, v4,
                    jnp.zeros((RB, K), f32), jnp.zeros((RB, K), i32)))
    dd_ref[0] = macc
    idx_ref[0] = iacc

    tau = macc[:, K - 1:K]
    istar = jnp.max(jnp.where(macc == tau, iacc, -1),
                    axis=1, keepdims=True)
    iota = jax.lax.broadcasted_iota(i32, (RB, NKP), 1)
    D2 = d2_ref[...]
    sel = (D2 < tau) | ((D2 == tau) & (iota <= istar))
    cnt = jnp.sum(sel.astype(i32), axis=1, keepdims=True)
    bad = jnp.sum(jnp.sum(cnt != K, axis=1))

    @pl.when(bad != 0)
    def _():
        def fb(k, carry):
            macc, iacc = carry
            D = d2_ref[...]
            m = jnp.min(D, axis=1, keepdims=True)
            j = jnp.min(jnp.where(D == m, iota, BIG), axis=1, keepdims=True)
            d2_ref[...] = jnp.where(iota == j, INF, D)
            macc = jnp.where(kio == k, m, macc)
            iacc = jnp.where(kio == k, j, iacc)
            return macc, iacc

        macc2, iacc2 = jax.lax.fori_loop(
            0, K, fb,
            (jnp.zeros((RB, K), f32), jnp.zeros((RB, K), i32)))
        dd_ref[0] = macc2
        idx_ref[0] = iacc2


def _topk_pallas(fx, kxts):
    return pl.pallas_call(
        _topk_body,
        grid=(NB,),
        in_specs=[
            pl.BlockSpec((RB, 3), lambda r: (r, 0)),
            pl.BlockSpec((1, 3, NKP), lambda r: (0, 0, 0)),
        ],
        out_specs=[
            pl.BlockSpec((1, RB, K), lambda r: (0, r, 0)),
            pl.BlockSpec((1, RB, K), lambda r: (0, r, 0)),
        ],
        out_shape=[
            jax.ShapeDtypeStruct((1, NR, K), jnp.int32),
            jax.ShapeDtypeStruct((1, NR, K), jnp.float32),
        ],
        scratch_shapes=[pltpu.VMEM((RB, NKP), jnp.float32)],
    )(fx, kxts)



_GW = 128


def _sc_gather(kf, kxp, idx):
    n = idx.shape[1]
    mesh = plsc.VectorSubcoreMesh(core_axis_name="c", subcore_axis_name="s")
    out_types = [
        jax.ShapeDtypeStruct((n, DF), jnp.float32),
        jax.ShapeDtypeStruct((n, NXW), jnp.float32),
    ]

    @functools.partial(pl.kernel, out_type=out_types, mesh=mesh)
    def gk(kf_h, kxp_h, i_h, nf_h, nx_h):
        def body(i_vm, nf_vm, nx_vm):
            pltpu.sync_copy(kf_h.at[i_vm.at[0]], nf_vm)
            pltpu.sync_copy(kxp_h.at[i_vm.at[0]], nx_vm)

        pltpu.emit_pipeline(
            body,
            grid=(n // _GW,),
            in_specs=[pl.BlockSpec((1, _GW), lambda i: (0, i))],
            out_specs=[pl.BlockSpec((_GW, DF), lambda i: (i, 0)),
                       pl.BlockSpec((_GW, NXW), lambda i: (i, 0))],
            core_axis_name=("c", "s"),
            dimension_semantics=(pltpu.PARALLEL,),
        )(i_h, nf_h, nx_h)

    return gk(kf, kxp, idx)



def _dense_body(dd_ref, nf0_ref, nx0_ref, nf1_ref, nx1_ref, fxq_ref, te_ref,
                qf_ref, qw_ref, wq1_ref, bq1_ref, wq2_ref, bq2_ref,
                w0_ref, u0_ref, w1_ref, u1_ref, gp_ref):
    t = pl.program_id(0)
    f32 = jnp.float32

    h = jnp.dot(te_ref[...], wq1_ref[...], preferred_element_type=f32)
    h = h + bq1_ref[...]
    h = h * jax.nn.sigmoid(h)
    qtemb = jnp.dot(h, wq2_ref[...], preferred_element_type=f32) + bq2_ref[...]
    rowi = jax.lax.broadcasted_iota(jnp.int32, (NT, DF), 0)
    ffrow = jnp.sum(jnp.where(rowi == t, qtemb, 0.0), axis=0,
                    keepdims=True)

    dd = dd_ref[...]
    w0 = jnp.exp(-dd[0] / (RS[0] * RS[0]))
    w1 = jnp.exp(-dd[1] / (RS[1] * RS[1]))
    nf0 = nf0_ref[...].reshape(RB, K, DF)
    nf1 = nf1_ref[...].reshape(RB, K, DF)
    agg0 = jnp.sum(nf0 * w0[:, :, None], axis=1)
    agg1 = jnp.sum(nf1 * w1[:, :, None], axis=1)

    out = (jnp.dot(agg0, w0_ref[...], preferred_element_type=f32)
           + jnp.dot(agg1, w1_ref[...], preferred_element_type=f32)
           + jnp.dot(ffrow, u0_ref[...] + u1_ref[...],
                     preferred_element_type=f32))
    resid = out - qf_ref[...]
    g_out = (-2.0 / DF) * qw_ref[...] * resid

    dn = (((1,), (1,)), ((), ()))
    g_agg0 = jax.lax.dot_general(g_out, w0_ref[...], dn,
                                 preferred_element_type=f32)
    g_agg1 = jax.lax.dot_general(g_out, w1_ref[...], dn,
                                 preferred_element_type=f32)

    gw0 = jnp.sum(nf0 * g_agg0[:, None, :], axis=2)
    gw1 = jnp.sum(nf1 * g_agg1[:, None, :], axis=2)
    c0 = gw0 * w0 * (-2.0 / (RS[0] * RS[0]))
    c1 = gw1 * w1 * (-2.0 / (RS[1] * RS[1]))

    nx0 = nx0_ref[...].reshape(RB, K, NXW)
    nx1 = nx1_ref[...].reshape(RB, K, NXW)
    p = fxq_ref[...]
    lane = jax.lax.broadcasted_iota(jnp.int32, (RB, DF), 1)
    g = jnp.zeros((RB, DF), f32)
    for d in range(3):
        acc = (jnp.sum(c0 * (p[:, d:d + 1] - nx0[:, :, d]), axis=1,
                       keepdims=True)
               + jnp.sum(c1 * (p[:, d:d + 1] - nx1[:, :, d]), axis=1,
                         keepdims=True))
        g = jnp.where(lane == d, acc, g)
    gp_ref[...] = g


def _dense_pallas(dd, nf0, nx0, nf1, nx1, fx, te, qf, qw2,
                  Wq1, bq1r, Wq2, bq2r, W0, U0, W1, U1):
    full = lambda a: pl.BlockSpec(a.shape, lambda r: tuple(0 for _ in a.shape))
    return pl.pallas_call(
        _dense_body,
        grid=(NB,),
        in_specs=[
            pl.BlockSpec((2, RB, K), lambda r: (0, r, 0)),
            pl.BlockSpec((RB * K, DF), lambda r: (r, 0)),
            pl.BlockSpec((RB * K, NXW), lambda r: (r, 0)),
            pl.BlockSpec((RB * K, DF), lambda r: (r, 0)),
            pl.BlockSpec((RB * K, NXW), lambda r: (r, 0)),
            pl.BlockSpec((RB, 3), lambda r: (r, 0)),
            full(te), full(qf), full(qw2),
            full(Wq1), full(bq1r), full(Wq2), full(bq2r),
            full(W0), full(U0), full(W1), full(U1),
        ],
        out_specs=pl.BlockSpec((RB, DF), lambda r: (r, 0)),
        out_shape=jax.ShapeDtypeStruct((NR, DF), jnp.float32),
    )(dd, nf0, nx0, nf1, nx1, fx, te, qf, qw2,
      Wq1, bq1r, Wq2, bq2r, W0, U0, W1, U1)



def _run(Ts, time, key_x0, key_f0, key_x1, key_f1, query_x, query_f, query_w,
         Wq1, bq1, Wq2, bq2, W0, U0, W1, U1, topk_fn, gather_fn, dense_fn):
    def fx_of(T):
        qr = T[:, :4]
        qr = qr / jnp.linalg.norm(qr, axis=-1, keepdims=True)
        tr = T[:, 4:]
        xt = _qapply(qr[:, None, :], query_x[None, :, :]) + tr[:, None, :]
        return xt.reshape(-1, 3)

    fx, fx_vjp = jax.vjp(fx_of, Ts)

    half = TD // 2
    freqs = jnp.exp(jnp.arange(half, dtype=jnp.float32)
                    * (-np.log(NENC) / (half - 1)))
    a = (time / MAXT)[:, None] * freqs[None, :]
    te = jnp.concatenate([jnp.sin(a), jnp.cos(a)], axis=-1)

    def chunked(kx):
        kxT = jnp.concatenate(
            [kx.T, jnp.full((3, NKP - NK), PADC, jnp.float32)], axis=1)
        return kxT[None]

    padW = lambda kx: jnp.concatenate(
        [kx, jnp.zeros((NK, NXW - 3), jnp.float32)], axis=1)

    idx0, dd0 = topk_fn(fx, chunked(key_x0))
    nf0, nx0 = gather_fn(key_f0, padW(key_x0), idx0[0].reshape(1, -1))
    idx1, dd1 = topk_fn(fx, chunked(key_x1))
    nf1, nx1 = gather_fn(key_f1, padW(key_x1), idx1[0].reshape(1, -1))
    dd = jnp.concatenate([dd0, dd1], axis=0)

    gp_pad = dense_fn(dd, nf0, nx0, nf1, nx1, fx, te, query_f,
                      query_w[:, None], Wq1, bq1[None, :], Wq2, bq2[None, :],
                      W0, U0, W1, U1)
    gp = gp_pad[:, :3]

    grad = fx_vjp(gp)[0]

    qi = jnp.array([[1, 2, 3], [0, 3, 2], [3, 0, 1], [2, 1, 0]])
    qfac = jnp.array([[-0.5, -0.5, -0.5], [0.5, -0.5, 0.5],
                      [0.5, 0.5, -0.5], [-0.5, 0.5, 0.5]], jnp.float32)
    L = Ts[:, qi] * qfac
    ang_vel = jnp.einsum('tia,ti->ta', L, grad[:, :4]) * ANG
    qr = Ts[:, :4] / jnp.linalg.norm(Ts[:, :4], axis=-1, keepdims=True)
    qinv = qr * jnp.array([1.0, -1.0, -1.0, -1.0], jnp.float32)
    lin_vel = _qapply(qinv, grad[:, 4:]) * LIN
    return ang_vel, lin_vel


def kernel(Ts, time, key_x0, key_f0, key_x1, key_f1, query_x, query_f,
           query_w, Wq1, bq1, Wq2, bq2, W0, U0, W1, U1):
    return _run(Ts, time, key_x0, key_f0, key_x1, key_f1, query_x, query_f,
                query_w, Wq1, bq1, Wq2, bq2, W0, U0, W1, U1,
                _topk_pallas, _sc_gather, _dense_pallas)

# --- scband reference (transcript-rebuilt; emitter-appended) ---
"""Pipeline reference for scband-ebm-score-model-head-25512105738645 (READ-ONLY COPY).

The authoritative reference and input builder live on the scoring server;
editing this copy changes nothing except your own understanding.
"""

import jax, jax.numpy as jnp
import numpy as np

NT = 8; NQ = 128; NK = 10000; DF = 128; TD = 64; K = 16
RS = [0.5, 1.0]; MAXT = 1.0; NENC = 10000.0; ANG = 1.0; LIN = 1.0


def setup_inputs(seed: int = 0) -> dict:
    key = jax.random.key(seed)
    ks = jax.random.split(key, 20)
    inp = {}
    inp['Ts'] = jax.random.normal(ks[0], (NT, 7), dtype=jnp.float32)
    inp['time'] = jax.random.uniform(ks[1], (NT,), dtype=jnp.float32)
    inp['key_x0'] = jax.random.normal(ks[2], (NK, 3), dtype=jnp.float32)
    inp['key_f0'] = jax.random.normal(ks[3], (NK, DF), dtype=jnp.float32) * 0.1
    inp['key_x1'] = jax.random.normal(ks[4], (NK, 3), dtype=jnp.float32)
    inp['key_f1'] = jax.random.normal(ks[5], (NK, DF), dtype=jnp.float32) * 0.1
    inp['query_x'] = jax.random.normal(ks[6], (NQ, 3), dtype=jnp.float32)
    inp['query_f'] = jax.random.normal(ks[7], (NQ, DF), dtype=jnp.float32) * 0.1
    inp['query_w'] = jax.random.uniform(ks[8], (NQ,), dtype=jnp.float32)
    s1 = 1.0 / np.sqrt(TD); s2 = 1.0 / np.sqrt(DF)
    inp['Wq1'] = jax.random.normal(ks[9], (TD, DF), dtype=jnp.float32) * s1
    inp['bq1'] = jnp.zeros((DF,), dtype=jnp.float32)
    inp['Wq2'] = jax.random.normal(ks[10], (DF, DF), dtype=jnp.float32) * s2
    inp['bq2'] = jnp.zeros((DF,), dtype=jnp.float32)
    inp['W0'] = jax.random.normal(ks[11], (DF, DF), dtype=jnp.float32) * s2
    inp['U0'] = jax.random.normal(ks[12], (DF, DF), dtype=jnp.float32) * s2
    inp['W1'] = jax.random.normal(ks[13], (DF, DF), dtype=jnp.float32) * s2
    inp['U1'] = jax.random.normal(ks[14], (DF, DF), dtype=jnp.float32) * s2
    return inp


def _sinus(t):
    half = TD // 2
    freqs = jnp.exp(jnp.arange(half, dtype=jnp.float32) * (-np.log(NENC) / (half - 1)))
    a = (t / MAXT)[:, None] * freqs[None, :]
    return jnp.concatenate([jnp.sin(a), jnp.cos(a)], axis=-1)


def _qapply(q, p):
    # pytorch3d convention: q = [w, x, y, z]
    w = q[..., 0:1]; v = q[..., 1:]
    t = 2.0 * jnp.cross(v, p)
    return p + w * t + jnp.cross(v, t)


def _energy(Ts, time, kxs, kfs, qx, qf, qw, params):
    Wq1, bq1, Wq2, bq2, W0, U0, W1, U1 = params
    qr = Ts[:, :4]
    qr = qr / jnp.linalg.norm(qr, axis=-1, keepdims=True)
    tr = Ts[:, 4:]
    te = _sinus(time)                                   # [nT, TD]
    qtemb = jax.nn.silu(te @ Wq1 + bq1) @ Wq2 + bq2      # query time MLP [nT, DF]
    xt = _qapply(qr[:, None, :], qx[None, :, :]) + tr[:, None, :]  # [nT, nQ, 3]
    nT = Ts.shape[0]; nQ = qx.shape[0]
    fx = xt.reshape(-1, 3)
    ff = jnp.broadcast_to(qtemb[:, None, :], (nT, nQ, DF)).reshape(-1, DF)
    out = jnp.zeros((fx.shape[0], DF), dtype=jnp.float32)
    for (kx, kf, r, W, U) in [(kxs[0], kfs[0], RS[0], W0, U0), (kxs[1], kfs[1], RS[1], W1, U1)]:
        d2 = jnp.sum((fx[:, None, :] - kx[None, :, :]) ** 2, axis=-1)  # [nT*nQ, NK]
        _, idx = jax.lax.top_k(-d2, K)                                  # kNN indices
        nx = kx[idx]                                                    # gather [nT*nQ, K, 3]
        nf = kf[idx]                                                    # gather [nT*nQ, K, DF]
        dd = jnp.sum((fx[:, None, :] - nx) ** 2, axis=-1)
        wgt = jnp.exp(-dd / (r * r))
        agg = jnp.einsum('qk,qkd->qd', wgt, nf)
        out = out + agg @ W + ff @ U
    qft = jnp.broadcast_to(qf[None, :, :], (nT, nQ, DF)).reshape(-1, DF)
    e = jnp.sum((out - qft) ** 2, axis=-1) / float(DF)
    return jnp.einsum('q,tq->t', qw, e.reshape(nT, nQ))


def reference(Ts, time, key_x0, key_f0, key_x1, key_f1, query_x, query_f, query_w, Wq1, bq1, Wq2, bq2, W0, U0, W1, U1):
    params = (Wq1, bq1, Wq2, bq2, W0, U0, W1, U1)
    efun = lambda T: -jnp.sum(_energy(T, time, (key_x0, key_x1), (key_f0, key_f1), query_x, query_f, query_w, params))
    grad = jax.grad(efun)(Ts)
    qi = np.array([[1, 2, 3], [0, 3, 2], [3, 0, 1], [2, 1, 0]])
    qfac = jnp.array([[-0.5, -0.5, -0.5], [0.5, -0.5, 0.5], [0.5, 0.5, -0.5], [-0.5, 0.5, 0.5]], dtype=jnp.float32)
    L = Ts[:, qi] * qfac                                  # [nT, 4, 3]
    ang_vel = jnp.einsum('tia,ti->ta', L, grad[:, :4]) * ANG
    qr = Ts[:, :4] / jnp.linalg.norm(Ts[:, :4], axis=-1, keepdims=True)
    qinv = qr * jnp.array([1.0, -1.0, -1.0, -1.0], dtype=jnp.float32)
    lin_vel = _qapply(qinv, grad[:, 4:]) * LIN
    return ang_vel, lin_vel

if __name__ == "__main__":
    import jax
    _d = setup_inputs()
    print(jax.jit(kernel)(*tuple(_d.values())))

</pallas_src>

<mosaic_0001>
#map = affine_map<(d0, d1) -> (0, 0)>
module attributes {stable_mosaic.version = 14 : i64} {
  func.func @gk(%arg0: i32, %arg1: i32, %arg2: memref<10000x128xf32, #tpu.memory_space<hbm>>, %arg3: memref<10000x128xf32, #tpu.memory_space<hbm>>, %arg4: memref<1x16384xi32, #tpu.memory_space<hbm>>, %arg5: memref<16384x128xf32, #tpu.memory_space<hbm>>, %arg6: memref<16384x128xf32, #tpu.memory_space<hbm>>) attributes {dimension_semantics = [#tpu.dimension_semantics<core_parallel>, #tpu.dimension_semantics<subcore_parallel>], iteration_bounds = array<i64: 2, 16>, scalar_prefetch = 0 : i64, scratch_operands = 0 : i64, tpu.core_type = #tpu.core_type<sc_vector_subcore>, window_params = [{transform_indices = #map}, {transform_indices = #map}, {transform_indices = #map}, {transform_indices = #map}, {transform_indices = #map}]} {
    %mul3A = arith.constant 1 : i32
    %mul3A_0 = arith.muli %arg1, %mul3A : i32
    %add3A = arith.constant 0 : i32
    %add3A_1 = arith.addi %add3A, %mul3A_0 : i32
    %mul3A_2 = arith.constant 16 : i32
    %mul3A_3 = arith.muli %arg0, %mul3A_2 : i32
    %add3A_4 = arith.addi %add3A_1, %mul3A_3 : i32
    %mul3A_5 = arith.constant 4 : i32
    %mul3A_6 = arith.muli %add3A_4, %mul3A_5 : i32
    "tpu.region"() ({
      %run_scoped3A = memref.alloca() : memref<2x1x128xi32, #tpu.memory_space<vmem>>
      %run_scoped3A_7 = tpu.sem_alloc : memref<2x!tpu.dma_semaphore, #tpu.memory_space<semaphore_mem>>
      %run_scoped3A_8 = memref.alloca() : memref<2x128x128xf32, #tpu.memory_space<vmem>>
      %run_scoped3A_9 = tpu.sem_alloc : memref<2x!tpu.dma_semaphore, #tpu.memory_space<semaphore_mem>>
      %run_scoped3A_10 = memref.alloca() : memref<2x128x128xf32, #tpu.memory_space<vmem>>
      %run_scoped3A_11 = tpu.sem_alloc : memref<2x!tpu.dma_semaphore, #tpu.memory_space<semaphore_mem>>
      %add3A_12 = arith.constant 0 : i32
      %add3A_13 = arith.addi %add3A_12, %mul3A_6 : i32
      %select_n3A = arith.constant true
      %select_n3A_14 = arith.constant 0 : i32
      %select_n3A_15 = arith.constant -1 : i32
      %select_n3A_16 = arith.select %select_n3A, %select_n3A_15, %select_n3A_14 : i32
      %eq3A = arith.constant -1 : i32
      %eq3A_17 = arith.cmpi eq, %select_n3A_16, %eq3A : i32
      %select_n3A_18 = arith.constant 3 : i32
      %select_n3A_19 = arith.select %eq3A_17, %select_n3A_18, %select_n3A_16 : i32
      %add3A_20 = arith.addi %select_n3A_19, %mul3A_6 : i32
      %select_n3A_21 = arith.constant true
      %select_n3A_22 = arith.constant 0 : i32
      %select_n3A_23 = arith.constant 1 : i32
      %select_n3A_24 = arith.select %select_n3A_21, %select_n3A_23, %select_n3A_22 : i32
      %eq3A_25 = arith.constant 4 : i32
      %eq3A_26 = arith.cmpi eq, %select_n3A_24, %eq3A_25 : i32
      %select_n3A_27 = arith.constant 0 : i32
      %select_n3A_28 = arith.select %eq3A_26, %select_n3A_27, %select_n3A_24 : i32
      %add3A_29 = arith.addi %select_n3A_28, %mul3A_6 : i32
      %add3A_30 = arith.constant 1 : i32
      %add3A_31 = arith.addi %select_n3A_28, %add3A_30 : i32
      %select_n3A_32 = arith.constant true
      %select_n3A_33 = arith.select %select_n3A_32, %add3A_31, %select_n3A_28 : i32
      %eq3A_34 = arith.constant 4 : i32
      %eq3A_35 = arith.cmpi eq, %select_n3A_33, %eq3A_34 : i32
      %select_n3A_36 = arith.constant 0 : i32
      %select_n3A_37 = arith.select %eq3A_35, %select_n3A_36, %select_n3A_33 : i32
      %add3A_38 = arith.addi %select_n3A_37, %mul3A_6 : i32
      "tpu.trace_start"() <{level = 10 : i32, message = "ep_initialize_0"}> : () -> ()
      %rem3A = arith.constant 0 : i32
      %rem3A_39 = arith.constant 2 : i32
      %rem3A_40 = arith.remui %rem3A, %rem3A_39 : i32
      %mul3A_41 = arith.constant 128 : i32
      %mul3A_42 = arith.muli %mul3A_41, %add3A_13 : i32
      %dma_start3A = arith.constant 0 : i32
      %dma_start3A_43 = arith.constant 0 : i32
      %dma_start3A_44 = tpu.memref_slice %run_scoped3A[%rem3A_40, %dma_start3A, %dma_start3A_43] : memref<2x1x128xi32, #tpu.memory_space<vmem>> -> memref<1x1x128xi32, #tpu.memory_space<vmem>>
      %dma_start3A_45 = tpu.memref_squeeze %dma_start3A_44 : memref<1x1x128xi32, #tpu.memory_space<vmem>> -> memref<1x128xi32, #tpu.memory_space<vmem>>
      %dma_start3A_46 = arith.constant 0 : i32
      %dma_start3A_47 = tpu.memref_slice %arg4[%dma_start3A_46, %mul3A_42] : memref<1x16384xi32, #tpu.memory_space<hbm>> -> memref<1x128xi32, #tpu.memory_space<hbm>>
      %dma_start3A_48 = tpu.memref_slice %run_scoped3A_7[%rem3A_40] : memref<2x!tpu.dma_semaphore, #tpu.memory_space<semaphore_mem>> -> memref<1x!tpu.dma_semaphore, #tpu.memory_space<semaphore_mem>>
      %dma_start3A_49 = tpu.memref_squeeze %dma_start3A_48 : memref<1x!tpu.dma_semaphore, #tpu.memory_space<semaphore_mem>> -> memref<!tpu.dma_semaphore, #tpu.memory_space<semaphore_mem>>
      %dma_start3A_50 = arith.constant 0 : i32
      %dma_start3A_51 = arith.constant 0 : i32
      %dma_start3A_52 = tpu.memref_slice %run_scoped3A[%rem3A_40, %dma_start3A_50, %dma_start3A_51] : memref<2x1x128xi32, #tpu.memory_space<vmem>> -> memref<1x1x128xi32, #tpu.memory_space<vmem>>
      %dma_start3A_53 = tpu.memref_squeeze %dma_start3A_52 : memref<1x1x128xi32, #tpu.memory_space<vmem>> -> memref<1x128xi32, #tpu.memory_space<vmem>>
      %dma_start3A_54 = arith.constant 0 : i32
      %dma_start3A_55 = tpu.memref_slice %arg4[%dma_start3A_54, %mul3A_42] : memref<1x16384xi32, #tpu.memory_space<hbm>> -> memref<1x128xi32, #tpu.memory_space<hbm>>
      tpu.enqueue_dma source(%dma_start3A_55 : memref<1x128xi32, #tpu.memory_space<hbm>>) target(%dma_start3A_53 : memref<1x128xi32, #tpu.memory_space<vmem>>) target_semaphore(%dma_start3A_49 : memref<!tpu.dma_semaphore, #tpu.memory_space<semaphore_mem>>)
      %add3A_56 = arith.constant 0 : i32
      %add3A_57 = arith.constant 1 : i32
      %add3A_58 = arith.addi %add3A_56, %add3A_57 : i32
      %select_n3A_59 = arith.constant true
      %select_n3A_60 = arith.constant 0 : i32
      %select_n3A_61 = arith.select %select_n3A_59, %add3A_58, %select_n3A_60 : i32
      "tpu.trace_stop"() : () -> ()
      %scan3A = arith.constant 0 : i32
      %scan3A_62 = arith.constant 0 : i32
      %scan3A_63 = arith.constant 0 : i32
      %scan3A_64 = arith.constant 0 : i32
      %scan3A_65 = arith.constant 0 : i32
      %scan3A_66 = arith.constant 0 : i32
      %scan3A_67 = arith.constant 0 : i32
      %scan3A_68 = arith.constant 4 : i32
      %scan3A_69 = arith.addi %scan3A_67, %scan3A_68 : i32
      %scan3A_70 = arith.constant 1 : i32
      %scan3A_71:7 = scf.for %scan3A_143 = %scan3A_67 to %scan3A_69 step %scan3A_70 iter_args(%scan3A_144 = %select_n3A_61, %scan3A_145 = %scan3A, %scan3A_146 = %scan3A_62, %scan3A_147 = %scan3A_63, %scan3A_148 = %scan3A_64, %scan3A_149 = %scan3A_65, %scan3A_150 = %scan3A_66) -> (i32, i32, i32, i32, i32, i32, i32)  : i32 {
        %eq3A_151 = arith.constant 0 : i32
        %eq3A_152 = arith.cmpi eq, %scan3A_143, %eq3A_151 : i32
        %eq3A_153 = arith.constant 3 : i32
        %eq3A_154 = arith.cmpi eq, %scan3A_143, %eq3A_153 : i32
        %add3A_155 = arith.addi %scan3A_150, %mul3A_6 : i32
        %sub3A_156 = arith.constant 1 : i32
        %sub3A_157 = arith.subi %scan3A_150, %sub3A_156 : i32
        %select_n3A_158 = arith.constant true
        %select_n3A_159 = arith.select %select_n3A_158, %sub3A_157, %scan3A_150 : i32
        %eq3A_160 = arith.constant -1 : i32
        %eq3A_161 = arith.cmpi eq, %select_n3A_159, %eq3A_160 : i32
        %select_n3A_162 = arith.constant 3 : i32
        %select_n3A_163 = arith.select %eq3A_161, %select_n3A_162, %select_n3A_159 : i32
        %add3A_164 = arith.addi %select_n3A_163, %mul3A_6 : i32
        %add3A_165 = arith.constant 1 : i32
        %add3A_166 = arith.addi %scan3A_150, %add3A_165 : i32
        %select_n3A_167 = arith.constant true
        %select_n3A_168 = arith.select %select_n3A_167, %add3A_166, %scan3A_150 : i32
        %eq3A_169 = arith.constant 4 : i32
        %eq3A_170 = arith.cmpi eq, %select_n3A_168, %eq3A_169 : i32
        %select_n3A_171 = arith.constant 0 : i32
        %select_n3A_172 = arith.select %eq3A_170, %select_n3A_171, %select_n3A_168 : i32
        %add3A_173 = arith.addi %select_n3A_172, %mul3A_6 : i32
        %add3A_174 = arith.constant 1 : i32
        %add3A_175 = arith.addi %select_n3A_172, %add3A_174 : i32
        %select_n3A_176 = arith.constant true
        %select_n3A_177 = arith.select %select_n3A_176, %add3A_175, %select_n3A_172 : i32
        %eq3A_178 = arith.constant 4 : i32
        %eq3A_179 = arith.cmpi eq, %select_n3A_177, %eq3A_178 : i32
        %select_n3A_180 = arith.constant 0 : i32
        %select_n3A_181 = arith.select %eq3A_179, %select_n3A_180, %select_n3A_177 : i32
        %add3A_182 = arith.addi %select_n3A_181, %mul3A_6 : i32
        %ne3A = arith.cmpi ne, %add3A_155, %add3A_173 : i32
        %or3A = arith.constant false
        %or3A_183 = arith.ori %or3A, %ne3A : i1
        %ge3A = arith.constant 3 : i32
        %ge3A_184 = arith.cmpi sge, %scan3A_143, %ge3A : i32
        %not3A = arith.constant true
        %not3A_185 = arith.xori %ge3A_184, %not3A : i1
        %and3A = arith.andi %or3A_183, %not3A_185 : i1
        %convert_element_type3A = arith.extui %and3A : i1 to i32
        %cond3A = arith.constant 0 : i32
        %cond3A_186 = arith.cmpi ne, %convert_element_type3A, %cond3A : i32
        scf.if %cond3A_186 {
          "tpu.trace_start"() <{level = 10 : i32, message = "ep_copy_in"}> : () -> ()
          %rem3A_340 = arith.constant 2 : i32
          %rem3A_341 = arith.remui %scan3A_144, %rem3A_340 : i32
          %mul3A_342 = arith.constant 128 : i32
          %mul3A_343 = arith.muli %mul3A_342, %add3A_173 : i32
          %dma_start3A_344 = arith.constant 0 : i32
          %dma_start3A_345 = arith.constant 0 : i32
          %dma_start3A_346 = tpu.memref_slice %run_scoped3A[%rem3A_341, %dma_start3A_344, %dma_start3A_345] : memref<2x1x128xi32, #tpu.memory_space<vmem>> -> memref<1x1x128xi32, #tpu.memory_space<vmem>>
          %dma_start3A_347 = tpu.memref_squeeze %dma_start3A_346 : memref<1x1x128xi32, #tpu.memory_space<vmem>> -> memref<1x128xi32, #tpu.memory_space<vmem>>
          %dma_start3A_348 = arith.constant 0 : i32
          %dma_start3A_349 = tpu.memref_slice %arg4[%dma_start3A_348, %mul3A_343] : memref<1x16384xi32, #tpu.memory_space<hbm>> -> memref<1x128xi32, #tpu.memory_space<hbm>>
          %dma_start3A_350 = tpu.memref_slice %run_scoped3A_7[%rem3A_341] : memref<2x!tpu.dma_semaphore, #tpu.memory_space<semaphore_mem>> -> memref<1x!tpu.dma_semaphore, #tpu.memory_space<semaphore_mem>>
          %dma_start3A_351 = tpu.memref_squeeze %dma_start3A_350 : memref<1x!tpu.dma_semaphore, #tpu.memory_space<semaphore_mem>> -> memref<!tpu.dma_semaphore, #tpu.memory_space<semaphore_mem>>
          %dma_start3A_352 = arith.constant 0 : i32
          %dma_start3A_353 = arith.constant 0 : i32
          %dma_start3A_354 = tpu.memref_slice %run_scoped3A[%rem3A_341, %dma_start3A_352, %dma_start3A_353] : memref<2x1x128xi32, #tpu.memory_space<vmem>> -> memref<1x1x128xi32, #tpu.memory_space<vmem>>
          %dma_start3A_355 = tpu.memref_squeeze %dma_start3A_354 : memref<1x1x128xi32, #tpu.memory_space<vmem>> -> memref<1x128xi32, #tpu.memory_space<vmem>>
          %dma_start3A_356 = arith.constant 0 : i32
          %dma_start3A_357 = tpu.memref_slice %arg4[%dma_start3A_356, %mul3A_343] : memref<1x16384xi32, #tpu.memory_space<hbm>> -> memref<1x128xi32, #tpu.memory_space<hbm>>
          tpu.enqueue_dma source(%dma_start3A_357 : memref<1x128xi32, #tpu.memory_space<hbm>>) target(%dma_start3A_355 : memref<1x128xi32, #tpu.memory_space<vmem>>) target_semaphore(%dma_start3A_351 : memref<!tpu.dma_semaphore, #tpu.memory_space<semaphore_mem>>)
          "tpu.trace_stop"() : () -> ()
        } else {
        }
        %and3A_187 = arith.constant true
        %and3A_188 = arith.andi %and3A, %and3A_187 : i1
        %add3A_189 = arith.constant 1 : i32
        %add3A_190 = arith.addi %scan3A_144, %add3A_189 : i32
        %select_n3A_191 = arith.select %and3A_188, %add3A_190, %scan3A_144 : i32
        %ne3A_192 = arith.cmpi ne, %add3A_155, %add3A_173 : i32
        %or3A_193 = arith.constant false
        %or3A_194 = arith.ori %or3A_193, %ne3A_192 : i1
        %or3A_195 = arith.constant false
        %or3A_196 = arith.ori %or3A_194, %or3A_195 : i1
        %ge3A_197 = arith.constant 3 : i32
        %ge3A_198 = arith.cmpi sge, %scan3A_143, %ge3A_197 : i32
        %not3A_199 = arith.constant true
        %not3A_200 = arith.xori %ge3A_198, %not3A_199 : i1
        %and3A_201 = arith.andi %or3A_196, %not3A_200 : i1
        %ne3A_202 = arith.cmpi ne, %add3A_155, %add3A_173 : i32
        %or3A_203 = arith.constant false
        %or3A_204 = arith.ori %or3A_203, %ne3A_202 : i1
        %or3A_205 = arith.constant false
        %or3A_206 = arith.ori %or3A_204, %or3A_205 : i1
        %ge3A_207 = arith.constant 3 : i32
        %ge3A_208 = arith.cmpi sge, %scan3A_143, %ge3A_207 : i32
        %not3A_209 = arith.constant true
        %not3A_210 = arith.xori %ge3A_208, %not3A_209 : i1
        %and3A_211 = arith.andi %or3A_206, %not3A_210 : i1
        %ne3A_212 = arith.cmpi ne, %add3A_155, %add3A_164 : i32
        %or3A_213 = arith.constant false
        %or3A_214 = arith.ori %or3A_213, %ne3A_212 : i1
        %or3A_215 = arith.ori %or3A_214, %eq3A_152 : i1
        %convert_element_type3A_216 = arith.extui %or3A_215 : i1 to i32
        %cond3A_217 = arith.constant 0 : i32
        %cond3A_218 = arith.cmpi ne, %convert_element_type3A_216, %cond3A_217 : i32
        scf.if %cond3A_218 {
          "tpu.trace_start"() <{level = 10 : i32, message = "ep_wait_in"}> : () -> ()
          %mul3A_340 = arith.constant 128 : i32
          %mul3A_341 = arith.muli %mul3A_340, %add3A_155 : i32
          %rem3A_342 = arith.constant 2 : i32
          %rem3A_343 = arith.remui %scan3A_145, %rem3A_342 : i32
          %dma_wait3A_344 = arith.constant 0 : i32
          %dma_wait3A_345 = arith.constant 0 : i32
          %dma_wait3A_346 = tpu.memref_slice %run_scoped3A[%rem3A_343, %dma_wait3A_344, %dma_wait3A_345] : memref<2x1x128xi32, #tpu.memory_space<vmem>> -> memref<1x1x128xi32, #tpu.memory_space<vmem>>
          %dma_wait3A_347 = tpu.memref_squeeze %dma_wait3A_346 : memref<1x1x128xi32, #tpu.memory_space<vmem>> -> memref<1x128xi32, #tpu.memory_space<vmem>>
          %dma_wait3A_348 = arith.constant 0 : i32
          %dma_wait3A_349 = tpu.memref_slice %arg4[%dma_wait3A_348, %mul3A_341] : memref<1x16384xi32, #tpu.memory_space<hbm>> -> memref<1x128xi32, #tpu.memory_space<hbm>>
          %dma_wait3A_350 = tpu.memref_slice %run_scoped3A_7[%rem3A_343] : memref<2x!tpu.dma_semaphore, #tpu.memory_space<semaphore_mem>> -> memref<1x!tpu.dma_semaphore, #tpu.memory_space<semaphore_mem>>
          %dma_wait3A_351 = tpu.memref_squeeze %dma_wait3A_350 : memref<1x!tpu.dma_semaphore, #tpu.memory_space<semaphore_mem>> -> memref<!tpu.dma_semaphore, #tpu.memory_space<semaphore_mem>>
          %dma_wait3A_352 = arith.constant 0 : i32
          %dma_wait3A_353 = arith.constant 0 : i32
          %dma_wait3A_354 = tpu.memref_slice %run_scoped3A[%rem3A_343, %dma_wait3A_352, %dma_wait3A_353] : memref<2x1x128xi32, #tpu.memory_space<vmem>> -> memref<1x1x128xi32, #tpu.memory_space<vmem>>
          %dma_wait3A_355 = tpu.memref_squeeze %dma_wait3A_354 : memref<1x1x128xi32, #tpu.memory_space<vmem>> -> memref<1x128xi32, #tpu.memory_space<vmem>>
          %dma_wait3A_356 = arith.constant 0 : i32
          %dma_wait3A_357 = tpu.memref_slice %arg4[%dma_wait3A_356, %mul3A_341] : memref<1x16384xi32, #tpu.memory_space<hbm>> -> memref<1x128xi32, #tpu.memory_space<hbm>>
          tpu.wait_dma2 semaphore(%dma_wait3A_351 : memref<!tpu.dma_semaphore, #tpu.memory_space<semaphore_mem>>) src(%dma_wait3A_357 : memref<1x128xi32, #tpu.memory_space<hbm>>) dst(%dma_wait3A_355 : memref<1x128xi32, #tpu.memory_space<vmem>>)
          "tpu.trace_stop"() : () -> ()
        } else {
        }
        %ne3A_219 = arith.cmpi ne, %add3A_155, %add3A_164 : i32
        %or3A_220 = arith.constant false
        %or3A_221 = arith.ori %or3A_220, %ne3A_219 : i1
        %or3A_222 = arith.constant false
        %or3A_223 = arith.ori %or3A_221, %or3A_222 : i1
        %or3A_224 = arith.ori %or3A_223, %eq3A_152 : i1
        %convert_element_type3A_225 = arith.extui %or3A_224 : i1 to i32
        %cond3A_226 = arith.constant 0 : i32
        %cond3A_227 = arith.cmpi ne, %convert_element_type3A_225, %cond3A_226 : i32
        scf.if %cond3A_227 {
        } else {
        }
        %ne3A_228 = arith.cmpi ne, %add3A_155, %add3A_164 : i32
        %or3A_229 = arith.constant false
        %or3A_230 = arith.ori %or3A_229, %ne3A_228 : i1
        %or3A_231 = arith.constant false
        %or3A_232 = arith.ori %or3A_230, %or3A_231 : i1
        %or3A_233 = arith.ori %or3A_232, %eq3A_152 : i1
        %convert_element_type3A_234 = arith.extui %or3A_233 : i1 to i32
        %cond3A_235 = arith.constant 0 : i32
        %cond3A_236 = arith.cmpi ne, %convert_element_type3A_234, %cond3A_235 : i32
        scf.if %cond3A_236 {
        } else {
        }
        %rem3A_237 = arith.constant 2 : i32
        %rem3A_238 = arith.remui %scan3A_145, %rem3A_237 : i32
        %rem3A_239 = arith.constant 2 : i32
        %rem3A_240 = arith.remui %scan3A_146, %rem3A_239 : i32
        %rem3A_241 = arith.constant 2 : i32
        %rem3A_242 = arith.remui %scan3A_148, %rem3A_241 : i32
        %run_scoped3A_243 = arith.constant 0 : i32
        "tpu.trace_start"() <{level = 10 : i32, message = "ep_run_kernel"}> : () -> ()
        "tpu.region"() ({
          %run_scoped3A_340 = tpu.sem_alloc : memref<!tpu.dma_semaphore, #tpu.memory_space<semaphore_mem>>
          %dma_start3A_341 = arith.constant 0 : i32
          %dma_start3A_342 = arith.constant 0 : i32
          %dma_start3A_343 = tpu.memref_slice %run_scoped3A_8[%rem3A_240, %dma_start3A_341, %dma_start3A_342] : memref<2x128x128xf32, #tpu.memory_space<vmem>> -> memref<1x128x128xf32, #tpu.memory_space<vmem>>
          %dma_start3A_344 = tpu.memref_squeeze %dma_start3A_343 : memref<1x128x128xf32, #tpu.memory_space<vmem>> -> memref<128x128xf32, #tpu.memory_space<vmem>>
          %dma_start3A_345 = arith.constant 0 : i32
          %dma_start3A_346 = arith.constant 0 : i32
          %dma_start3A_347 = tpu.memref_slice %run_scoped3A[%rem3A_238, %dma_start3A_345, %dma_start3A_346] : memref<2x1x128xi32, #tpu.memory_space<vmem>> -> memref<1x1x128xi32, #tpu.memory_space<vmem>>
          %dma_start3A_348 = tpu.memref_squeeze %dma_start3A_347 : memref<1x1x128xi32, #tpu.memory_space<vmem>> -> memref<1x128xi32, #tpu.memory_space<vmem>>
          %dma_start3A_349 = arith.constant 0 : i32
          %dma_start3A_350 = tpu.memref_slice %dma_start3A_348[%run_scoped3A_243, %dma_start3A_349] : memref<1x128xi32, #tpu.memory_space<vmem>> -> memref<1x128xi32, #tpu.memory_space<vmem>>
          %dma_start3A_351 = tpu.memref_squeeze %dma_start3A_350 : memref<1x128xi32, #tpu.memory_space<vmem>> -> memref<128xi32, #tpu.memory_space<vmem>>
          %dma_start3A_352 = arith.constant 0 : i32
          %dma_start3A_353 = arith.constant 0 : i32
          %dma_start3A_354 = tpu.memref_slice %arg2[%dma_start3A_352, %dma_start3A_353] : memref<10000x128xf32, #tpu.memory_space<hbm>> -> memref<10000x128xf32, #tpu.memory_space<hbm>>
          tpu.enqueue_indirect_dma source(%dma_start3A_354 : memref<10000x128xf32, #tpu.memory_space<hbm>>) target(%dma_start3A_344 : memref<128x128xf32, #tpu.memory_space<vmem>>) offsets(%dma_start3A_351 : memref<128xi32, #tpu.memory_space<vmem>>) semaphore(%run_scoped3A_340 : memref<!tpu.dma_semaphore, #tpu.memory_space<semaphore_mem>>)
          %dma_wait3A_355 = arith.constant 0 : i32
          %dma_wait3A_356 = arith.constant 0 : i32
          %dma_wait3A_357 = tpu.memref_slice %run_scoped3A_8[%rem3A_240, %dma_wait3A_355, %dma_wait3A_356] : memref<2x128x128xf32, #tpu.memory_space<vmem>> -> memref<1x128x128xf32, #tpu.memory_space<vmem>>
          %dma_wait3A_358 = tpu.memref_squeeze %dma_wait3A_357 : memref<1x128x128xf32, #tpu.memory_space<vmem>> -> memref<128x128xf32, #tpu.memory_space<vmem>>
          %dma_wait3A_359 = arith.constant 0 : i32
          %dma_wait3A_360 = arith.constant 0 : i32
          %dma_wait3A_361 = tpu.memref_slice %run_scoped3A[%rem3A_238, %dma_wait3A_359, %dma_wait3A_360] : memref<2x1x128xi32, #tpu.memory_space<vmem>> -> memref<1x1x128xi32, #tpu.memory_space<vmem>>
          %dma_wait3A_362 = tpu.memref_squeeze %dma_wait3A_361 : memref<1x1x128xi32, #tpu.memory_space<vmem>> -> memref<1x128xi32, #tpu.memory_space<vmem>>
          %dma_wait3A_363 = arith.constant 0 : i32
          %dma_wait3A_364 = tpu.memref_slice %dma_wait3A_362[%run_scoped3A_243, %dma_wait3A_363] : memref<1x128xi32, #tpu.memory_space<vmem>> -> memref<1x128xi32, #tpu.memory_space<vmem>>
          %dma_wait3A_365 = tpu.memref_squeeze %dma_wait3A_364 : memref<1x128xi32, #tpu.memory_space<vmem>> -> memref<128xi32, #tpu.memory_space<vmem>>
          %dma_wait3A_366 = arith.constant 0 : i32
          %dma_wait3A_367 = arith.constant 0 : i32
          %dma_wait3A_368 = tpu.memref_slice %arg2[%dma_wait3A_366, %dma_wait3A_367] : memref<10000x128xf32, #tpu.memory_space<hbm>> -> memref<10000x128xf32, #tpu.memory_space<hbm>>
          tpu.wait_indirect_dma semaphore(%run_scoped3A_340 : memref<!tpu.dma_semaphore, #tpu.memory_space<semaphore_mem>>) src(%dma_wait3A_368 : memref<10000x128xf32, #tpu.memory_space<hbm>>) dst(%dma_wait3A_358 : memref<128x128xf32, #tpu.memory_space<vmem>>)
          tpu.yield
        }) : () -> ()
        %run_scoped3A_244 = arith.constant 0 : i32
        "tpu.region"() ({
          %run_scoped3A_340 = tpu.sem_alloc : memref<!tpu.dma_semaphore, #tpu.memory_space<semaphore_mem>>
          %dma_start3A_341 = arith.constant 0 : i32
          %dma_start3A_342 = arith.constant 0 : i32
          %dma_start3A_343 = tpu.memref_slice %run_scoped3A_10[%rem3A_242, %dma_start3A_341, %dma_start3A_342] : memref<2x128x128xf32, #tpu.memory_space<vmem>> -> memref<1x128x128xf32, #tpu.memory_space<vmem>>
          %dma_start3A_344 = tpu.memref_squeeze %dma_start3A_343 : memref<1x128x128xf32, #tpu.memory_space<vmem>> -> memref<128x128xf32, #tpu.memory_space<vmem>>
          %dma_start3A_345 = arith.constant 0 : i32
          %dma_start3A_346 = arith.constant 0 : i32
          %dma_start3A_347 = tpu.memref_slice %run_scoped3A[%rem3A_238, %dma_start3A_345, %dma_start3A_346] : memref<2x1x128xi32, #tpu.memory_space<vmem>> -> memref<1x1x128xi32, #tpu.memory_space<vmem>>
          %dma_start3A_348 = tpu.memref_squeeze %dma_start3A_347 : memref<1x1x128xi32, #tpu.memory_space<vmem>> -> memref<1x128xi32, #tpu.memory_space<vmem>>
          %dma_start3A_349 = arith.constant 0 : i32
          %dma_start3A_350 = tpu.memref_slice %dma_start3A_348[%run_scoped3A_244, %dma_start3A_349] : memref<1x128xi32, #tpu.memory_space<vmem>> -> memref<1x128xi32, #tpu.memory_space<vmem>>
          %dma_start3A_351 = tpu.memref_squeeze %dma_start3A_350 : memref<1x128xi32, #tpu.memory_space<vmem>> -> memref<128xi32, #tpu.memory_space<vmem>>
          %dma_start3A_352 = arith.constant 0 : i32
          %dma_start3A_353 = arith.constant 0 : i32
          %dma_start3A_354 = tpu.memref_slice %arg3[%dma_start3A_352, %dma_start3A_353] : memref<10000x128xf32, #tpu.memory_space<hbm>> -> memref<10000x128xf32, #tpu.memory_space<hbm>>
          tpu.enqueue_indirect_dma source(%dma_start3A_354 : memref<10000x128xf32, #tpu.memory_space<hbm>>) target(%dma_start3A_344 : memref<128x128xf32, #tpu.memory_space<vmem>>) offsets(%dma_start3A_351 : memref<128xi32, #tpu.memory_space<vmem>>) semaphore(%run_scoped3A_340 : memref<!tpu.dma_semaphore, #tpu.memory_space<semaphore_mem>>)
          %dma_wait3A_355 = arith.constant 0 : i32
          %dma_wait3A_356 = arith.constant 0 : i32
          %dma_wait3A_357 = tpu.memref_slice %run_scoped3A_10[%rem3A_242, %dma_wait3A_355, %dma_wait3A_356] : memref<2x128x128xf32, #tpu.memory_space<vmem>> -> memref<1x128x128xf32, #tpu.memory_space<vmem>>
          %dma_wait3A_358 = tpu.memref_squeeze %dma_wait3A_357 : memref<1x128x128xf32, #tpu.memory_space<vmem>> -> memref<128x128xf32, #tpu.memory_space<vmem>>
          %dma_wait3A_359 = arith.constant 0 : i32
          %dma_wait3A_360 = arith.constant 0 : i32
          %dma_wait3A_361 = tpu.memref_slice %run_scoped3A[%rem3A_238, %dma_wait3A_359, %dma_wait3A_360] : memref<2x1x128xi32, #tpu.memory_space<vmem>> -> memref<1x1x128xi32, #tpu.memory_space<vmem>>
          %dma_wait3A_362 = tpu.memref_squeeze %dma_wait3A_361 : memref<1x1x128xi32, #tpu.memory_space<vmem>> -> memref<1x128xi32, #tpu.memory_space<vmem>>
          %dma_wait3A_363 = arith.constant 0 : i32
          %dma_wait3A_364 = tpu.memref_slice %dma_wait3A_362[%run_scoped3A_244, %dma_wait3A_363] : memref<1x128xi32, #tpu.memory_space<vmem>> -> memref<1x128xi32, #tpu.memory_space<vmem>>
          %dma_wait3A_365 = tpu.memref_squeeze %dma_wait3A_364 : memref<1x128xi32, #tpu.memory_space<vmem>> -> memref<128xi32, #tpu.memory_space<vmem>>
          %dma_wait3A_366 = arith.constant 0 : i32
          %dma_wait3A_367 = arith.constant 0 : i32
          %dma_wait3A_368 = tpu.memref_slice %arg3[%dma_wait3A_366, %dma_wait3A_367] : memref<10000x128xf32, #tpu.memory_space<hbm>> -> memref<10000x128xf32, #tpu.memory_space<hbm>>
          tpu.wait_indirect_dma semaphore(%run_scoped3A_340 : memref<!tpu.dma_semaphore, #tpu.memory_space<semaphore_mem>>) src(%dma_wait3A_368 : memref<10000x128xf32, #tpu.memory_space<hbm>>) dst(%dma_wait3A_358 : memref<128x128xf32, #tpu.memory_space<vmem>>)
          tpu.yield
        }) : () -> ()
        "tpu.trace_stop"() : () -> ()
        %ne3A_245 = arith.cmpi ne, %add3A_155, %add3A_173 : i32
        %or3A_246 = arith.constant false
        %or3A_247 = arith.ori %or3A_246, %ne3A_245 : i1
        %or3A_248 = arith.ori %or3A_247, %eq3A_154 : i1
        %convert_element_type3A_249 = arith.extui %or3A_248 : i1 to i32
        %cond3A_250 = arith.constant 0 : i32
        %cond3A_251 = arith.cmpi ne, %convert_element_type3A_249, %cond3A_250 : i32
        scf.if %cond3A_251 {
        } else {
        }
        %and3A_252 = arith.constant false
        %and3A_253 = arith.andi %or3A_248, %and3A_252 : i1
        %ne3A_254 = arith.cmpi ne, %add3A_155, %add3A_173 : i32
        %or3A_255 = arith.constant false
        %or3A_256 = arith.ori %or3A_255, %ne3A_254 : i1
        %or3A_257 = arith.constant false
        %or3A_258 = arith.ori %or3A_256, %or3A_257 : i1
        %or3A_259 = arith.ori %or3A_258, %eq3A_154 : i1
        %convert_element_type3A_260 = arith.extui %or3A_259 : i1 to i32
        %cond3A_261 = arith.constant 0 : i32
        %cond3A_262 = arith.cmpi ne, %convert_element_type3A_260, %cond3A_261 : i32
        scf.if %cond3A_262 {
          "tpu.trace_start"() <{level = 10 : i32, message = "ep_copy_out"}> : () -> ()
          %rem3A_340 = arith.constant 2 : i32
          %rem3A_341 = arith.remui %scan3A_146, %rem3A_340 : i32
          %mul3A_342 = arith.constant 128 : i32
          %mul3A_343 = arith.muli %mul3A_342, %add3A_155 : i32
          %dma_start3A_344 = arith.constant 0 : i32
          %dma_start3A_345 = arith.constant 0 : i32
          %dma_start3A_346 = tpu.memref_slice %run_scoped3A_8[%rem3A_341, %dma_start3A_344, %dma_start3A_345] : memref<2x128x128xf32, #tpu.memory_space<vmem>> -> memref<1x128x128xf32, #tpu.memory_space<vmem>>
          %dma_start3A_347 = tpu.memref_squeeze %dma_start3A_346 : memref<1x128x128xf32, #tpu.memory_space<vmem>> -> memref<128x128xf32, #tpu.memory_space<vmem>>
          %dma_start3A_348 = arith.constant 0 : i32
          %dma_start3A_349 = tpu.memref_slice %arg5[%mul3A_343, %dma_start3A_348] : memref<16384x128xf32, #tpu.memory_space<hbm>> -> memref<128x128xf32, #tpu.memory_space<hbm>>
          %dma_start3A_350 = tpu.memref_slice %run_scoped3A_9[%rem3A_341] : memref<2x!tpu.dma_semaphore, #tpu.memory_space<semaphore_mem>> -> memref<1x!tpu.dma_semaphore, #tpu.memory_space<semaphore_mem>>
          %dma_start3A_351 = tpu.memref_squeeze %dma_start3A_350 : memref<1x!tpu.dma_semaphore, #tpu.memory_space<semaphore_mem>> -> memref<!tpu.dma_semaphore, #tpu.memory_space<semaphore_mem>>
          %dma_start3A_352 = arith.constant 0 : i32
          %dma_start3A_353 = tpu.memref_slice %arg5[%mul3A_343, %dma_start3A_352] : memref<16384x128xf32, #tpu.memory_space<hbm>> -> memref<128x128xf32, #tpu.memory_space<hbm>>
          %dma_start3A_354 = arith.constant 0 : i32
          %dma_start3A_355 = arith.constant 0 : i32
          %dma_start3A_356 = tpu.memref_slice %run_scoped3A_8[%rem3A_341, %dma_start3A_354, %dma_start3A_355] : memref<2x128x128xf32, #tpu.memory_space<vmem>> -> memref<1x128x128xf32, #tpu.memory_space<vmem>>
          %dma_start3A_357 = tpu.memref_squeeze %dma_start3A_356 : memref<1x128x128xf32, #tpu.memory_space<vmem>> -> memref<128x128xf32, #tpu.memory_space<vmem>>
          tpu.enqueue_dma source(%dma_start3A_357 : memref<128x128xf32, #tpu.memory_space<vmem>>) target(%dma_start3A_353 : memref<128x128xf32, #tpu.memory_space<hbm>>) target_semaphore(%dma_start3A_351 : memref<!tpu.dma_semaphore, #tpu.memory_space<semaphore_mem>>)
          "tpu.trace_stop"() : () -> ()
        } else {
        }
        %and3A_263 = arith.constant true
        %and3A_264 = arith.andi %or3A_259, %and3A_263 : i1
        %add3A_265 = arith.constant 1 : i32
        %add3A_266 = arith.addi %scan3A_146, %add3A_265 : i32
        %select_n3A_267 = arith.select %and3A_264, %add3A_266, %scan3A_146 : i32
        %ne3A_268 = arith.cmpi ne, %add3A_155, %add3A_173 : i32
        %or3A_269 = arith.constant false
        %or3A_270 = arith.ori %or3A_269, %ne3A_268 : i1
        %or3A_271 = arith.constant false
        %or3A_272 = arith.ori %or3A_270, %or3A_271 : i1
        %or3A_273 = arith.ori %or3A_272, %eq3A_154 : i1
        %convert_element_type3A_274 = arith.extui %or3A_273 : i1 to i32
        %cond3A_275 = arith.constant 0 : i32
        %cond3A_276 = arith.cmpi ne, %convert_element_type3A_274, %cond3A_275 : i32
        scf.if %cond3A_276 {
          "tpu.trace_start"() <{level = 10 : i32, message = "ep_copy_out"}> : () -> ()
          %rem3A_340 = arith.constant 2 : i32
          %rem3A_341 = arith.remui %scan3A_148, %rem3A_340 : i32
          %mul3A_342 = arith.constant 128 : i32
          %mul3A_343 = arith.muli %mul3A_342, %add3A_155 : i32
          %dma_start3A_344 = arith.constant 0 : i32
          %dma_start3A_345 = arith.constant 0 : i32
          %dma_start3A_346 = tpu.memref_slice %run_scoped3A_10[%rem3A_341, %dma_start3A_344, %dma_start3A_345] : memref<2x128x128xf32, #tpu.memory_space<vmem>> -> memref<1x128x128xf32, #tpu.memory_space<vmem>>
          %dma_start3A_347 = tpu.memref_squeeze %dma_start3A_346 : memref<1x128x128xf32, #tpu.memory_space<vmem>> -> memref<128x128xf32, #tpu.memory_space<vmem>>
          %dma_start3A_348 = arith.constant 0 : i32
          %dma_start3A_349 = tpu.memref_slice %arg6[%mul3A_343, %dma_start3A_348] : memref<16384x128xf32, #tpu.memory_space<hbm>> -> memref<128x128xf32, #tpu.memory_space<hbm>>
          %dma_start3A_350 = tpu.memref_slice %run_scoped3A_11[%rem3A_341] : memref<2x!tpu.dma_semaphore, #tpu.memory_space<semaphore_mem>> -> memref<1x!tpu.dma_semaphore, #tpu.memory_space<semaphore_mem>>
          %dma_start3A_351 = tpu.memref_squeeze %dma_start3A_350 : memref<1x!tpu.dma_semaphore, #tpu.memory_space<semaphore_mem>> -> memref<!tpu.dma_semaphore, #tpu.memory_space<semaphore_mem>>
          %dma_start3A_352 = arith.constant 0 : i32
          %dma_start3A_353 = tpu.memref_slice %arg6[%mul3A_343, %dma_start3A_352] : memref<16384x128xf32, #tpu.memory_space<hbm>> -> memref<128x128xf32, #tpu.memory_space<hbm>>
          %dma_start3A_354 = arith.constant 0 : i32
          %dma_start3A_355 = arith.constant 0 : i32
          %dma_start3A_356 = tpu.memref_slice %run_scoped3A_10[%rem3A_341, %dma_start3A_354, %dma_start3A_355] : memref<2x128x128xf32, #tpu.memory_space<vmem>> -> memref<1x128x128xf32, #tpu.memory_space<vmem>>
          %dma_start3A_357 = tpu.memref_squeeze %dma_start3A_356 : memref<1x128x128xf32, #tpu.memory_space<vmem>> -> memref<128x128xf32, #tpu.memory_space<vmem>>
          tpu.enqueue_dma source(%dma_start3A_357 : memref<128x128xf32, #tpu.memory_space<vmem>>) target(%dma_start3A_353 : memref<128x128xf32, #tpu.memory_space<hbm>>) target_semaphore(%dma_start3A_351 : memref<!tpu.dma_semaphore, #tpu.memory_space<semaphore_mem>>)
          "tpu.trace_stop"() : () -> ()
        } else {
        }
        %and3A_277 = arith.constant true
        %and3A_278 = arith.andi %or3A_273, %and3A_277 : i1
        %add3A_279 = arith.constant 1 : i32
        %add3A_280 = arith.addi %scan3A_148, %add3A_279 : i32
        %select_n3A_281 = arith.select %and3A_278, %add3A_280, %scan3A_148 : i32
        %ne3A_282 = arith.cmpi ne, %add3A_155, %add3A_164 : i32
        %or3A_283 = arith.constant false
        %or3A_284 = arith.ori %or3A_283, %ne3A_282 : i1
        %not3A_285 = arith.constant true
        %not3A_286 = arith.xori %eq3A_152, %not3A_285 : i1
        %and3A_287 = arith.andi %or3A_284, %not3A_286 : i1
        %convert_element_type3A_288 = arith.extui %and3A_287 : i1 to i32
        %cond3A_289 = arith.constant 0 : i32
        %cond3A_290 = arith.cmpi ne, %convert_element_type3A_288, %cond3A_289 : i32
        scf.if %cond3A_290 {
        } else {
        }
        %and3A_291 = arith.constant false
        %and3A_292 = arith.andi %and3A_287, %and3A_291 : i1
        %ne3A_293 = arith.cmpi ne, %add3A_155, %add3A_164 : i32
        %or3A_294 = arith.constant false
        %or3A_295 = arith.ori %or3A_294, %ne3A_293 : i1
        %or3A_296 = arith.constant false
        %or3A_297 = arith.ori %or3A_295, %or3A_296 : i1
        %not3A_298 = arith.constant true
        %not3A_299 = arith.xori %eq3A_152, %not3A_298 : i1
        %and3A_300 = arith.andi %or3A_297, %not3A_299 : i1
        %convert_element_type3A_301 = arith.extui %and3A_300 : i1 to i32
        %cond3A_302 = arith.constant 0 : i32
        %cond3A_303 = arith.cmpi ne, %convert_element_type3A_301, %cond3A_302 : i32
        scf.if %cond3A_303 {
          "tpu.trace_start"() <{level = 10 : i32, message = "ep_wait_out"}> : () -> ()
          %rem3A_340 = arith.constant 2 : i32
          %rem3A_341 = arith.remui %scan3A_147, %rem3A_340 : i32
          %mul3A_342 = arith.constant 128 : i32
          %mul3A_343 = arith.muli %mul3A_342, %add3A_164 : i32
          %dma_wait3A_344 = arith.constant 0 : i32
          %dma_wait3A_345 = arith.constant 0 : i32
          %dma_wait3A_346 = tpu.memref_slice %run_scoped3A_8[%rem3A_341, %dma_wait3A_344, %dma_wait3A_345] : memref<2x128x128xf32, #tpu.memory_space<vmem>> -> memref<1x128x128xf32, #tpu.memory_space<vmem>>
          %dma_wait3A_347 = tpu.memref_squeeze %dma_wait3A_346 : memref<1x128x128xf32, #tpu.memory_space<vmem>> -> memref<128x128xf32, #tpu.memory_space<vmem>>
          %dma_wait3A_348 = arith.constant 0 : i32
          %dma_wait3A_349 = tpu.memref_slice %arg5[%mul3A_343, %dma_wait3A_348] : memref<16384x128xf32, #tpu.memory_space<hbm>> -> memref<128x128xf32, #tpu.memory_space<hbm>>
          %dma_wait3A_350 = tpu.memref_slice %run_scoped3A_9[%rem3A_341] : memref<2x!tpu.dma_semaphore, #tpu.memory_space<semaphore_mem>> -> memref<1x!tpu.dma_semaphore, #tpu.memory_space<semaphore_mem>>
          %dma_wait3A_351 = tpu.memref_squeeze %dma_wait3A_350 : memref<1x!tpu.dma_semaphore, #tpu.memory_space<semaphore_mem>> -> memref<!tpu.dma_semaphore, #tpu.memory_space<semaphore_mem>>
          %dma_wait3A_352 = arith.constant 0 : i32
          %dma_wait3A_353 = tpu.memref_slice %arg5[%mul3A_343, %dma_wait3A_352] : memref<16384x128xf32, #tpu.memory_space<hbm>> -> memref<128x128xf32, #tpu.memory_space<hbm>>
          %dma_wait3A_354 = arith.constant 0 : i32
          %dma_wait3A_355 = arith.constant 0 : i32
          %dma_wait3A_356 = tpu.memref_slice %run_scoped3A_8[%rem3A_341, %dma_wait3A_354, %dma_wait3A_355] : memref<2x128x128xf32, #tpu.memory_space<vmem>> -> memref<1x128x128xf32, #tpu.memory_space<vmem>>
          %dma_wait3A_357 = tpu.memref_squeeze %dma_wait3A_356 : memref<1x128x128xf32, #tpu.memory_space<vmem>> -> memref<128x128xf32, #tpu.memory_space<vmem>>
          tpu.wait_dma2 semaphore(%dma_wait3A_351 : memref<!tpu.dma_semaphore, #tpu.memory_space<semaphore_mem>>) src(%dma_wait3A_357 : memref<128x128xf32, #tpu.memory_space<vmem>>) dst(%dma_wait3A_353 : memref<128x128xf32, #tpu.memory_space<hbm>>)
          "tpu.trace_stop"() : () -> ()
        } else {
        }
        %and3A_304 = arith.constant true
        %and3A_305 = arith.andi %and3A_300, %and3A_304 : i1
        %add3A_306 = arith.constant 1 : i32
        %add3A_307 = arith.addi %scan3A_147, %add3A_306 : i32
        %select_n3A_308 = arith.select %and3A_305, %add3A_307, %scan3A_147 : i32
        %ne3A_309 = arith.cmpi ne, %add3A_155, %add3A_164 : i32
        %or3A_310 = arith.constant false
        %or3A_311 = arith.ori %or3A_310, %ne3A_309 : i1
        %or3A_312 = arith.constant false
        %or3A_313 = arith.ori %or3A_311, %or3A_312 : i1
        %not3A_314 = arith.constant true
        %not3A_315 = arith.xori %eq3A_152, %not3A_314 : i1
        %and3A_316 = arith.andi %or3A_313, %not3A_315 : i1
        %convert_element_type3A_317 = arith.extui %and3A_316 : i1 to i32
        %cond3A_318 = arith.constant 0 : i32
        %cond3A_319 = arith.cmpi ne, %convert_element_type3A_317, %cond3A_318 : i32
        scf.if %cond3A_319 {
          "tpu.trace_start"() <{level = 10 : i32, message = "ep_wait_out"}> : () -> ()
          %rem3A_340 = arith.constant 2 : i32
          %rem3A_341 = arith.remui %scan3A_149, %rem3A_340 : i32
          %mul3A_342 = arith.constant 128 : i32
          %mul3A_343 = arith.muli %mul3A_342, %add3A_164 : i32
          %dma_wait3A_344 = arith.constant 0 : i32
          %dma_wait3A_345 = arith.constant 0 : i32
          %dma_wait3A_346 = tpu.memref_slice %run_scoped3A_10[%rem3A_341, %dma_wait3A_344, %dma_wait3A_345] : memref<2x128x128xf32, #tpu.memory_space<vmem>> -> memref<1x128x128xf32, #tpu.memory_space<vmem>>
          %dma_wait3A_347 = tpu.memref_squeeze %dma_wait3A_346 : memref<1x128x128xf32, #tpu.memory_space<vmem>> -> memref<128x128xf32, #tpu.memory_space<vmem>>
          %dma_wait3A_348 = arith.constant 0 : i32
          %dma_wait3A_349 = tpu.memref_slice %arg6[%mul3A_343, %dma_wait3A_348] : memref<16384x128xf32, #tpu.memory_space<hbm>> -> memref<128x128xf32, #tpu.memory_space<hbm>>
          %dma_wait3A_350 = tpu.memref_slice %run_scoped3A_11[%rem3A_341] : memref<2x!tpu.dma_semaphore, #tpu.memory_space<semaphore_mem>> -> memref<1x!tpu.dma_semaphore, #tpu.memory_space<semaphore_mem>>
          %dma_wait3A_351 = tpu.memref_squeeze %dma_wait3A_350 : memref<1x!tpu.dma_semaphore, #tpu.memory_space<semaphore_mem>> -> memref<!tpu.dma_semaphore, #tpu.memory_space<semaphore_mem>>
          %dma_wait3A_352 = arith.constant 0 : i32
          %dma_wait3A_353 = tpu.memref_slice %arg6[%mul3A_343, %dma_wait3A_352] : memref<16384x128xf32, #tpu.memory_space<hbm>> -> memref<128x128xf32, #tpu.memory_space<hbm>>
          %dma_wait3A_354 = arith.constant 0 : i32
          %dma_wait3A_355 = arith.constant 0 : i32
          %dma_wait3A_356 = tpu.memref_slice %run_scoped3A_10[%rem3A_341, %dma_wait3A_354, %dma_wait3A_355] : memref<2x128x128xf32, #tpu.memory_space<vmem>> -> memref<1x128x128xf32, #tpu.memory_space<vmem>>
          %dma_wait3A_357 = tpu.memref_squeeze %dma_wait3A_356 : memref<1x128x128xf32, #tpu.memory_space<vmem>> -> memref<128x128xf32, #tpu.memory_space<vmem>>
          tpu.wait_dma2 semaphore(%dma_wait3A_351 : memref<!tpu.dma_semaphore, #tpu.memory_space<semaphore_mem>>) src(%dma_wait3A_357 : memref<128x128xf32, #tpu.memory_space<vmem>>) dst(%dma_wait3A_353 : memref<128x128xf32, #tpu.memory_space<hbm>>)
          "tpu.trace_stop"() : () -> ()
        } else {
        }
        %and3A_320 = arith.constant true
        %and3A_321 = arith.andi %and3A_316, %and3A_320 : i1
        %add3A_322 = arith.constant 1 : i32
        %add3A_323 = arith.addi %scan3A_149, %add3A_322 : i32
        %select_n3A_324 = arith.select %and3A_321, %add3A_323, %scan3A_149 : i32
        %ne3A_325 = arith.cmpi ne, %add3A_155, %add3A_173 : i32
        %or3A_326 = arith.constant false
        %or3A_327 = arith.ori %or3A_326, %ne3A_325 : i1
        %or3A_328 = arith.ori %or3A_327, %eq3A_154 : i1
        %add3A_329 = arith.constant 1 : i32
        %add3A_330 = arith.addi %scan3A_145, %add3A_329 : i32
        %select_n3A_331 = arith.select %or3A_328, %add3A_330, %scan3A_145 : i32
        %add3A_332 = arith.constant 1 : i32
        %add3A_333 = arith.addi %scan3A_150, %add3A_332 : i32
        %select_n3A_334 = arith.constant true
        %select_n3A_335 = arith.select %select_n3A_334, %add3A_333, %scan3A_150 : i32
        %eq3A_336 = arith.constant 4 : i32
        %eq3A_337 = arith.cmpi eq, %select_n3A_335, %eq3A_336 : i32
        %select_n3A_338 = arith.constant 0 : i32
        %select_n3A_339 = arith.select %eq3A_337, %select_n3A_338, %select_n3A_335 : i32
        scf.yield %select_n3A_191, %select_n3A_331, %select_n3A_267, %select_n3A_308, %select_n3A_281, %select_n3A_324, %select_n3A_339 : i32, i32, i32, i32, i32, i32, i32
      }
      %scan3A_72 = arith.constant 4 : i32
      %sub3A = arith.constant 1 : i32
      %sub3A_73 = arith.subi %scan3A_71#6, %sub3A : i32
      %select_n3A_74 = arith.constant true
      %select_n3A_75 = arith.select %select_n3A_74, %sub3A_73, %scan3A_71#6 : i32
      %eq3A_76 = arith.constant -1 : i32
      %eq3A_77 = arith.cmpi eq, %select_n3A_75, %eq3A_76 : i32
      %select_n3A_78 = arith.constant 3 : i32
      %select_n3A_79 = arith.select %eq3A_77, %select_n3A_78, %select_n3A_75 : i32
      %add3A_80 = arith.addi %select_n3A_79, %mul3A_6 : i32
      %sub3A_81 = arith.constant 1 : i32
      %sub3A_82 = arith.subi %select_n3A_79, %sub3A_81 : i32
      %select_n3A_83 = arith.constant true
      %select_n3A_84 = arith.select %select_n3A_83, %sub3A_82, %select_n3A_79 : i32
      %eq3A_85 = arith.constant -1 : i32
      %eq3A_86 = arith.cmpi eq, %select_n3A_84, %eq3A_85 : i32
      %select_n3A_87 = arith.constant 3 : i32
      %select_n3A_88 = arith.select %eq3A_86, %select_n3A_87, %select_n3A_84 : i32
      %add3A_89 = arith.addi %select_n3A_88, %mul3A_6 : i32
      %add3A_90 = arith.constant 1 : i32
      %add3A_91 = arith.addi %select_n3A_79, %add3A_90 : i32
      %select_n3A_92 = arith.constant true
      %select_n3A_93 = arith.select %select_n3A_92, %add3A_91, %select_n3A_79 : i32
      %eq3A_94 = arith.constant 4 : i32
      %eq3A_95 = arith.cmpi eq, %select_n3A_93, %eq3A_94 : i32
      %select_n3A_96 = arith.constant 0 : i32
      %select_n3A_97 = arith.select %eq3A_95, %select_n3A_96, %select_n3A_93 : i32
      %add3A_98 = arith.addi %select_n3A_97, %mul3A_6 : i32
      %add3A_99 = arith.constant 1 : i32
      %add3A_100 = arith.addi %select_n3A_97, %add3A_99 : i32
      %select_n3A_101 = arith.constant true
      %select_n3A_102 = arith.select %select_n3A_101, %add3A_100, %select_n3A_97 : i32
      %eq3A_103 = arith.constant 4 : i32
      %eq3A_104 = arith.cmpi eq, %select_n3A_102, %eq3A_103 : i32
      %select_n3A_105 = arith.constant 0 : i32
      %select_n3A_106 = arith.select %eq3A_104, %select_n3A_105, %select_n3A_102 : i32
      %add3A_107 = arith.addi %select_n3A_106, %mul3A_6 : i32
      "tpu.trace_start"() <{level = 10 : i32, message = "ep_finalize"}> : () -> ()
      %rem3A_108 = arith.constant 2 : i32
      %rem3A_109 = arith.remui %scan3A_71#3, %rem3A_108 : i32
      %mul3A_110 = arith.constant 128 : i32
      %mul3A_111 = arith.muli %mul3A_110, %add3A_80 : i32
      %dma_wait3A = arith.constant 0 : i32
      %dma_wait3A_112 = arith.constant 0 : i32
      %dma_wait3A_113 = tpu.memref_slice %run_scoped3A_8[%rem3A_109, %dma_wait3A, %dma_wait3A_112] : memref<2x128x128xf32, #tpu.memory_space<vmem>> -> memref<1x128x128xf32, #tpu.memory_space<vmem>>
      %dma_wait3A_114 = tpu.memref_squeeze %dma_wait3A_113 : memref<1x128x128xf32, #tpu.memory_space<vmem>> -> memref<128x128xf32, #tpu.memory_space<vmem>>
      %dma_wait3A_115 = arith.constant 0 : i32
      %dma_wait3A_116 = tpu.memref_slice %arg5[%mul3A_111, %dma_wait3A_115] : memref<16384x128xf32, #tpu.memory_space<hbm>> -> memref<128x128xf32, #tpu.memory_space<hbm>>
      %dma_wait3A_117 = tpu.memref_slice %run_scoped3A_9[%rem3A_109] : memref<2x!tpu.dma_semaphore, #tpu.memory_space<semaphore_mem>> -> memref<1x!tpu.dma_semaphore, #tpu.memory_space<semaphore_mem>>
      %dma_wait3A_118 = tpu.memref_squeeze %dma_wait3A_117 : memref<1x!tpu.dma_semaphore, #tpu.memory_space<semaphore_mem>> -> memref<!tpu.dma_semaphore, #tpu.memory_space<semaphore_mem>>
      %dma_wait3A_119 = arith.constant 0 : i32
      %dma_wait3A_120 = tpu.memref_slice %arg5[%mul3A_111, %dma_wait3A_119] : memref<16384x128xf32, #tpu.memory_space<hbm>> -> memref<128x128xf32, #tpu.memory_space<hbm>>
      %dma_wait3A_121 = arith.constant 0 : i32
      %dma_wait3A_122 = arith.constant 0 : i32
      %dma_wait3A_123 = tpu.memref_slice %run_scoped3A_8[%rem3A_109, %dma_wait3A_121, %dma_wait3A_122] : memref<2x128x128xf32, #tpu.memory_space<vmem>> -> memref<1x128x128xf32, #tpu.memory_space<vmem>>
      %dma_wait3A_124 = tpu.memref_squeeze %dma_wait3A_123 : memref<1x128x128xf32, #tpu.memory_space<vmem>> -> memref<128x128xf32, #tpu.memory_space<vmem>>
      tpu.wait_dma2 semaphore(%dma_wait3A_118 : memref<!tpu.dma_semaphore, #tpu.memory_space<semaphore_mem>>) src(%dma_wait3A_124 : memref<128x128xf32, #tpu.memory_space<vmem>>) dst(%dma_wait3A_120 : memref<128x128xf32, #tpu.memory_space<hbm>>)
      %rem3A_125 = arith.constant 2 : i32
      %rem3A_126 = arith.remui %scan3A_71#5, %rem3A_125 : i32
      %mul3A_127 = arith.constant 128 : i32
      %mul3A_128 = arith.muli %mul3A_127, %add3A_80 : i32
      %dma_wait3A_129 = arith.constant 0 : i32
      %dma_wait3A_130 = arith.constant 0 : i32
      %dma_wait3A_131 = tpu.memref_slice %run_scoped3A_10[%rem3A_126, %dma_wait3A_129, %dma_wait3A_130] : memref<2x128x128xf32, #tpu.memory_space<vmem>> -> memref<1x128x128xf32, #tpu.memory_space<vmem>>
      %dma_wait3A_132 = tpu.memref_squeeze %dma_wait3A_131 : memref<1x128x128xf32, #tpu.memory_space<vmem>> -> memref<128x128xf32, #tpu.memory_space<vmem>>
      %dma_wait3A_133 = arith.constant 0 : i32
      %dma_wait3A_134 = tpu.memref_slice %arg6[%mul3A_128, %dma_wait3A_133] : memref<16384x128xf32, #tpu.memory_space<hbm>> -> memref<128x128xf32, #tpu.memory_space<hbm>>
      %dma_wait3A_135 = tpu.memref_slice %run_scoped3A_11[%rem3A_126] : memref<2x!tpu.dma_semaphore, #tpu.memory_space<semaphore_mem>> -> memref<1x!tpu.dma_semaphore, #tpu.memory_space<semaphore_mem>>
      %dma_wait3A_136 = tpu.memref_squeeze %dma_wait3A_135 : memref<1x!tpu.dma_semaphore, #tpu.memory_space<semaphore_mem>> -> memref<!tpu.dma_semaphore, #tpu.memory_space<semaphore_mem>>
      %dma_wait3A_137 = arith.constant 0 : i32
      %dma_wait3A_138 = tpu.memref_slice %arg6[%mul3A_128, %dma_wait3A_137] : memref<16384x128xf32, #tpu.memory_space<hbm>> -> memref<128x128xf32, #tpu.memory_space<hbm>>
      %dma_wait3A_139 = arith.constant 0 : i32
      %dma_wait3A_140 = arith.constant 0 : i32
      %dma_wait3A_141 = tpu.memref_slice %run_scoped3A_10[%rem3A_126, %dma_wait3A_139, %dma_wait3A_140] : memref<2x128x128xf32, #tpu.memory_space<vmem>> -> memref<1x128x128xf32, #tpu.memory_space<vmem>>
      %dma_wait3A_142 = tpu.memref_squeeze %dma_wait3A_141 : memref<1x128x128xf32, #tpu.memory_space<vmem>> -> memref<128x128xf32, #tpu.memory_space<vmem>>
      tpu.wait_dma2 semaphore(%dma_wait3A_136 : memref<!tpu.dma_semaphore, #tpu.memory_space<semaphore_mem>>) src(%dma_wait3A_142 : memref<128x128xf32, #tpu.memory_space<vmem>>) dst(%dma_wait3A_138 : memref<128x128xf32, #tpu.memory_space<hbm>>)
      "tpu.trace_stop"() : () -> ()
      tpu.yield
    }) : () -> ()
    return
  }
}

#map = affine_map<(d0, d1) -> (0, 0)>
module attributes {stable_mosaic.version = 14 : i64} {
  func.func @gk(%arg0: i32, %arg1: i32, %arg2: memref<10000x128xf32, #tpu.memory_space<hbm>>, %arg3: memref<10000x128xf32, #tpu.memory_space<hbm>>, %arg4: memref<1x16384xi32, #tpu.memory_space<hbm>>, %arg5: memref<16384x128xf32, #tpu.memory_space<hbm>>, %arg6: memref<16384x128xf32, #tpu.memory_space<hbm>>) attributes {dimension_semantics = [#tpu.dimension_semantics<core_parallel>, #tpu.dimension_semantics<subcore_parallel>], iteration_bounds = array<i64: 2, 16>, scalar_prefetch = 0 : i64, scratch_operands = 0 : i64, tpu.core_type = #tpu.core_type<sc_vector_subcore>, window_params = [{transform_indices = #map}, {transform_indices = #map}, {transform_indices = #map}, {transform_indices = #map}, {transform_indices = #map}]} {
    %mul3A = arith.constant 1 : i32
    %mul3A_0 = arith.muli %arg1, %mul3A : i32
    %add3A = arith.constant 0 : i32
    %add3A_1 = arith.addi %add3A, %mul3A_0 : i32
    %mul3A_2 = arith.constant 16 : i32
    %mul3A_3 = arith.muli %arg0, %mul3A_2 : i32
    %add3A_4 = arith.addi %add3A_1, %mul3A_3 : i32
    %mul3A_5 = arith.constant 4 : i32
    %mul3A_6 = arith.muli %add3A_4, %mul3A_5 : i32
    "tpu.region"() ({
      %run_scoped3A = memref.alloca() : memref<2x1x128xi32, #tpu.memory_space<vmem>>
      %run_scoped3A_7 = tpu.sem_alloc : memref<2x!tpu.dma_semaphore, #tpu.memory_space<semaphore_mem>>
      %run_scoped3A_8 = memref.alloca() : memref<2x128x128xf32, #tpu.memory_space<vmem>>
      %run_scoped3A_9 = tpu.sem_alloc : memref<2x!tpu.dma_semaphore, #tpu.memory_space<semaphore_mem>>
      %run_scoped3A_10 = memref.alloca() : memref<2x128x128xf32, #tpu.memory_space<vmem>>
      %run_scoped3A_11 = tpu.sem_alloc : memref<2x!tpu.dma_semaphore, #tpu.memory_space<semaphore_mem>>
      %add3A_12 = arith.constant 0 : i32
      %add3A_13 = arith.addi %add3A_12, %mul3A_6 : i32
      %select_n3A = arith.constant true
      %select_n3A_14 = arith.constant 0 : i32
      %select_n3A_15 = arith.constant -1 : i32
      %select_n3A_16 = arith.select %select_n3A, %select_n3A_15, %select_n3A_14 : i32
      %eq3A = arith.constant -1 : i32
      %eq3A_17 = arith.cmpi eq, %select_n3A_16, %eq3A : i32
      %select_n3A_18 = arith.constant 3 : i32
      %select_n3A_19 = arith.select %eq3A_17, %select_n3A_18, %select_n3A_16 : i32
      %add3A_20 = arith.addi %select_n3A_19, %mul3A_6 : i32
      %select_n3A_21 = arith.constant true
      %select_n3A_22 = arith.constant 0 : i32
      %select_n3A_23 = arith.constant 1 : i32
      %select_n3A_24 = arith.select %select_n3A_21, %select_n3A_23, %select_n3A_22 : i32
      %eq3A_25 = arith.constant 4 : i32
      %eq3A_26 = arith.cmpi eq, %select_n3A_24, %eq3A_25 : i32
      %select_n3A_27 = arith.constant 0 : i32
      %select_n3A_28 = arith.select %eq3A_26, %select_n3A_27, %select_n3A_24 : i32
      %add3A_29 = arith.addi %select_n3A_28, %mul3A_6 : i32
      %add3A_30 = arith.constant 1 : i32
      %add3A_31 = arith.addi %select_n3A_28, %add3A_30 : i32
      %select_n3A_32 = arith.constant true
      %select_n3A_33 = arith.select %select_n3A_32, %add3A_31, %select_n3A_28 : i32
      %eq3A_34 = arith.constant 4 : i32
      %eq3A_35 = arith.cmpi eq, %select_n3A_33, %eq3A_34 : i32
      %select_n3A_36 = arith.constant 0 : i32
      %select_n3A_37 = arith.select %eq3A_35, %select_n3A_36, %select_n3A_33 : i32
      %add3A_38 = arith.addi %select_n3A_37, %mul3A_6 : i32
      "tpu.trace_start"() <{level = 10 : i32, message = "ep_initialize_0"}> : () -> ()
      %rem3A = arith.constant 0 : i32
      %rem3A_39 = arith.constant 2 : i32
      %rem3A_40 = arith.remui %rem3A, %rem3A_39 : i32
      %mul3A_41 = arith.constant 128 : i32
      %mul3A_42 = arith.muli %mul3A_41, %add3A_13 : i32
      %dma_start3A = arith.constant 0 : i32
      %dma_start3A_43 = arith.constant 0 : i32
      %dma_start3A_44 = tpu.memref_slice %run_scoped3A[%rem3A_40, %dma_start3A, %dma_start3A_43] : memref<2x1x128xi32, #tpu.memory_space<vmem>> -> memref<1x1x128xi32, #tpu.memory_space<vmem>>
      %dma_start3A_45 = tpu.memref_squeeze %dma_start3A_44 : memref<1x1x128xi32, #tpu.memory_space<vmem>> -> memref<1x128xi32, #tpu.memory_space<vmem>>
      %dma_start3A_46 = arith.constant 0 : i32
      %dma_start3A_47 = tpu.memref_slice %arg4[%dma_start3A_46, %mul3A_42] : memref<1x16384xi32, #tpu.memory_space<hbm>> -> memref<1x128xi32, #tpu.memory_space<hbm>>
      %dma_start3A_48 = tpu.memref_slice %run_scoped3A_7[%rem3A_40] : memref<2x!tpu.dma_semaphore, #tpu.memory_space<semaphore_mem>> -> memref<1x!tpu.dma_semaphore, #tpu.memory_space<semaphore_mem>>
      %dma_start3A_49 = tpu.memref_squeeze %dma_start3A_48 : memref<1x!tpu.dma_semaphore, #tpu.memory_space<semaphore_mem>> -> memref<!tpu.dma_semaphore, #tpu.memory_space<semaphore_mem>>
      %dma_start3A_50 = arith.constant 0 : i32
      %dma_start3A_51 = arith.constant 0 : i32
      %dma_start3A_52 = tpu.memref_slice %run_scoped3A[%rem3A_40, %dma_start3A_50, %dma_start3A_51] : memref<2x1x128xi32, #tpu.memory_space<vmem>> -> memref<1x1x128xi32, #tpu.memory_space<vmem>>
      %dma_start3A_53 = tpu.memref_squeeze %dma_start3A_52 : memref<1x1x128xi32, #tpu.memory_space<vmem>> -> memref<1x128xi32, #tpu.memory_space<vmem>>
      %dma_start3A_54 = arith.constant 0 : i32
      %dma_start3A_55 = tpu.memref_slice %arg4[%dma_start3A_54, %mul3A_42] : memref<1x16384xi32, #tpu.memory_space<hbm>> -> memref<1x128xi32, #tpu.memory_space<hbm>>
      tpu.enqueue_dma source(%dma_start3A_55 : memref<1x128xi32, #tpu.memory_space<hbm>>) target(%dma_start3A_53 : memref<1x128xi32, #tpu.memory_space<vmem>>) target_semaphore(%dma_start3A_49 : memref<!tpu.dma_semaphore, #tpu.memory_space<semaphore_mem>>)
      %add3A_56 = arith.constant 0 : i32
      %add3A_57 = arith.constant 1 : i32
      %add3A_58 = arith.addi %add3A_56, %add3A_57 : i32
      %select_n3A_59 = arith.constant true
      %select_n3A_60 = arith.constant 0 : i32
      %select_n3A_61 = arith.select %select_n3A_59, %add3A_58, %select_n3A_60 : i32
      "tpu.trace_stop"() : () -> ()
      %scan3A = arith.constant 0 : i32
      %scan3A_62 = arith.constant 0 : i32
      %scan3A_63 = arith.constant 0 : i32
      %scan3A_64 = arith.constant 0 : i32
      %scan3A_65 = arith.constant 0 : i32
      %scan3A_66 = arith.constant 0 : i32
      %scan3A_67 = arith.constant 0 : i32
      %scan3A_68 = arith.constant 4 : i32
      %scan3A_69 = arith.addi %scan3A_67, %scan3A_68 : i32
      %scan3A_70 = arith.constant 1 : i32
      %scan3A_71:7 = scf.for %scan3A_143 = %scan3A_67 to %scan3A_69 step %scan3A_70 iter_args(%scan3A_144 = %select_n3A_61, %scan3A_145 = %scan3A, %scan3A_146 = %scan3A_62, %scan3A_147 = %scan3A_63, %scan3A_148 = %scan3A_64, %scan3A_149 = %scan3A_65, %scan3A_150 = %scan3A_66) -> (i32, i32, i32, i32, i32, i32, i32)  : i32 {
        %eq3A_151 = arith.constant 0 : i32
        %eq3A_152 = arith.cmpi eq, %scan3A_143, %eq3A_151 : i32
        %eq3A_153 = arith.constant 3 : i32
        %eq3A_154 = arith.cmpi eq, %scan3A_143, %eq3A_153 : i32
        %add3A_155 = arith.addi %scan3A_150, %mul3A_6 : i32
        %sub3A_156 = arith.constant 1 : i32
        %sub3A_157 = arith.subi %scan3A_150, %sub3A_156 : i32
        %select_n3A_158 = arith.constant true
        %select_n3A_159 = arith.select %select_n3A_158, %sub3A_157, %scan3A_150 : i32
        %eq3A_160 = arith.constant -1 : i32
        %eq3A_161 = arith.cmpi eq, %select_n3A_159, %eq3A_160 : i32
        %select_n3A_162 = arith.constant 3 : i32
        %select_n3A_163 = arith.select %eq3A_161, %select_n3A_162, %select_n3A_159 : i32
        %add3A_164 = arith.addi %select_n3A_163, %mul3A_6 : i32
        %add3A_165 = arith.constant 1 : i32
        %add3A_166 = arith.addi %scan3A_150, %add3A_165 : i32
        %select_n3A_167 = arith.constant true
        %select_n3A_168 = arith.select %select_n3A_167, %add3A_166, %scan3A_150 : i32
        %eq3A_169 = arith.constant 4 : i32
        %eq3A_170 = arith.cmpi eq, %select_n3A_168, %eq3A_169 : i32
        %select_n3A_171 = arith.constant 0 : i32
        %select_n3A_172 = arith.select %eq3A_170, %select_n3A_171, %select_n3A_168 : i32
        %add3A_173 = arith.addi %select_n3A_172, %mul3A_6 : i32
        %add3A_174 = arith.constant 1 : i32
        %add3A_175 = arith.addi %select_n3A_172, %add3A_174 : i32
        %select_n3A_176 = arith.constant true
        %select_n3A_177 = arith.select %select_n3A_176, %add3A_175, %select_n3A_172 : i32
        %eq3A_178 = arith.constant 4 : i32
        %eq3A_179 = arith.cmpi eq, %select_n3A_177, %eq3A_178 : i32
        %select_n3A_180 = arith.constant 0 : i32
        %select_n3A_181 = arith.select %eq3A_179, %select_n3A_180, %select_n3A_177 : i32
        %add3A_182 = arith.addi %select_n3A_181, %mul3A_6 : i32
        %ne3A = arith.cmpi ne, %add3A_155, %add3A_173 : i32
        %or3A = arith.constant false
        %or3A_183 = arith.ori %or3A, %ne3A : i1
        %ge3A = arith.constant 3 : i32
        %ge3A_184 = arith.cmpi sge, %scan3A_143, %ge3A : i32
        %not3A = arith.constant true
        %not3A_185 = arith.xori %ge3A_184, %not3A : i1
        %and3A = arith.andi %or3A_183, %not3A_185 : i1
        %convert_element_type3A = arith.extui %and3A : i1 to i32
        %cond3A = arith.constant 0 : i32
        %cond3A_186 = arith.cmpi ne, %convert_element_type3A, %cond3A : i32
        scf.if %cond3A_186 {
          "tpu.trace_start"() <{level = 10 : i32, message = "ep_copy_in"}> : () -> ()
          %rem3A_340 = arith.constant 2 : i32
          %rem3A_341 = arith.remui %scan3A_144, %rem3A_340 : i32
          %mul3A_342 = arith.constant 128 : i32
          %mul3A_343 = arith.muli %mul3A_342, %add3A_173 : i32
          %dma_start3A_344 = arith.constant 0 : i32
          %dma_start3A_345 = arith.constant 0 : i32
          %dma_start3A_346 = tpu.memref_slice %run_scoped3A[%rem3A_341, %dma_start3A_344, %dma_start3A_345] : memref<2x1x128xi32, #tpu.memory_space<vmem>> -> memref<1x1x128xi32, #tpu.memory_space<vmem>>
          %dma_start3A_347 = tpu.memref_squeeze %dma_start3A_346 : memref<1x1x128xi32, #tpu.memory_space<vmem>> -> memref<1x128xi32, #tpu.memory_space<vmem>>
          %dma_start3A_348 = arith.constant 0 : i32
          %dma_start3A_349 = tpu.memref_slice %arg4[%dma_start3A_348, %mul3A_343] : memref<1x16384xi32, #tpu.memory_space<hbm>> -> memref<1x128xi32, #tpu.memory_space<hbm>>
          %dma_start3A_350 = tpu.memref_slice %run_scoped3A_7[%rem3A_341] : memref<2x!tpu.dma_semaphore, #tpu.memory_space<semaphore_mem>> -> memref<1x!tpu.dma_semaphore, #tpu.memory_space<semaphore_mem>>
          %dma_start3A_351 = tpu.memref_squeeze %dma_start3A_350 : memref<1x!tpu.dma_semaphore, #tpu.memory_space<semaphore_mem>> -> memref<!tpu.dma_semaphore, #tpu.memory_space<semaphore_mem>>
          %dma_start3A_352 = arith.constant 0 : i32
          %dma_start3A_353 = arith.constant 0 : i32
          %dma_start3A_354 = tpu.memref_slice %run_scoped3A[%rem3A_341, %dma_start3A_352, %dma_start3A_353] : memref<2x1x128xi32, #tpu.memory_space<vmem>> -> memref<1x1x128xi32, #tpu.memory_space<vmem>>
          %dma_start3A_355 = tpu.memref_squeeze %dma_start3A_354 : memref<1x1x128xi32, #tpu.memory_space<vmem>> -> memref<1x128xi32, #tpu.memory_space<vmem>>
          %dma_start3A_356 = arith.constant 0 : i32
          %dma_start3A_357 = tpu.memref_slice %arg4[%dma_start3A_356, %mul3A_343] : memref<1x16384xi32, #tpu.memory_space<hbm>> -> memref<1x128xi32, #tpu.memory_space<hbm>>
          tpu.enqueue_dma source(%dma_start3A_357 : memref<1x128xi32, #tpu.memory_space<hbm>>) target(%dma_start3A_355 : memref<1x128xi32, #tpu.memory_space<vmem>>) target_semaphore(%dma_start3A_351 : memref<!tpu.dma_semaphore, #tpu.memory_space<semaphore_mem>>)
          "tpu.trace_stop"() : () -> ()
        } else {
        }
        %and3A_187 = arith.constant true
        %and3A_188 = arith.andi %and3A, %and3A_187 : i1
        %add3A_189 = arith.constant 1 : i32
        %add3A_190 = arith.addi %scan3A_144, %add3A_189 : i32
        %select_n3A_191 = arith.select %and3A_188, %add3A_190, %scan3A_144 : i32
        %ne3A_192 = arith.cmpi ne, %add3A_155, %add3A_173 : i32
        %or3A_193 = arith.constant false
        %or3A_194 = arith.ori %or3A_193, %ne3A_192 : i1
        %or3A_195 = arith.constant false
        %or3A_196 = arith.ori %or3A_194, %or3A_195 : i1
        %ge3A_197 = arith.constant 3 : i32
        %ge3A_198 = arith.cmpi sge, %scan3A_143, %ge3A_197 : i32
        %not3A_199 = arith.constant true
        %not3A_200 = arith.xori %ge3A_198, %not3A_199 : i1
        %and3A_201 = arith.andi %or3A_196, %not3A_200 : i1
        %ne3A_202 = arith.cmpi ne, %add3A_155, %add3A_173 : i32
        %or3A_203 = arith.constant false
        %or3A_204 = arith.ori %or3A_203, %ne3A_202 : i1
        %or3A_205 = arith.constant false
        %or3A_206 = arith.ori %or3A_204, %or3A_205 : i1
        %ge3A_207 = arith.constant 3 : i32
        %ge3A_208 = arith.cmpi sge, %scan3A_143, %ge3A_207 : i32
        %not3A_209 = arith.constant true
        %not3A_210 = arith.xori %ge3A_208, %not3A_209 : i1
        %and3A_211 = arith.andi %or3A_206, %not3A_210 : i1
        %ne3A_212 = arith.cmpi ne, %add3A_155, %add3A_164 : i32
        %or3A_213 = arith.constant false
        %or3A_214 = arith.ori %or3A_213, %ne3A_212 : i1
        %or3A_215 = arith.ori %or3A_214, %eq3A_152 : i1
        %convert_element_type3A_216 = arith.extui %or3A_215 : i1 to i32
        %cond3A_217 = arith.constant 0 : i32
        %cond3A_218 = arith.cmpi ne, %convert_element_type3A_216, %cond3A_217 : i32
        scf.if %cond3A_218 {
          "tpu.trace_start"() <{level = 10 : i32, message = "ep_wait_in"}> : () -> ()
          %mul3A_340 = arith.constant 128 : i32
          %mul3A_341 = arith.muli %mul3A_340, %add3A_155 : i32
          %rem3A_342 = arith.constant 2 : i32
          %rem3A_343 = arith.remui %scan3A_145, %rem3A_342 : i32
          %dma_wait3A_344 = arith.constant 0 : i32
          %dma_wait3A_345 = arith.constant 0 : i32
          %dma_wait3A_346 = tpu.memref_slice %run_scoped3A[%rem3A_343, %dma_wait3A_344, %dma_wait3A_345] : memref<2x1x128xi32, #tpu.memory_space<vmem>> -> memref<1x1x128xi32, #tpu.memory_space<vmem>>
          %dma_wait3A_347 = tpu.memref_squeeze %dma_wait3A_346 : memref<1x1x128xi32, #tpu.memory_space<vmem>> -> memref<1x128xi32, #tpu.memory_space<vmem>>
          %dma_wait3A_348 = arith.constant 0 : i32
          %dma_wait3A_349 = tpu.memref_slice %arg4[%dma_wait3A_348, %mul3A_341] : memref<1x16384xi32, #tpu.memory_space<hbm>> -> memref<1x128xi32, #tpu.memory_space<hbm>>
          %dma_wait3A_350 = tpu.memref_slice %run_scoped3A_7[%rem3A_343] : memref<2x!tpu.dma_semaphore, #tpu.memory_space<semaphore_mem>> -> memref<1x!tpu.dma_semaphore, #tpu.memory_space<semaphore_mem>>
          %dma_wait3A_351 = tpu.memref_squeeze %dma_wait3A_350 : memref<1x!tpu.dma_semaphore, #tpu.memory_space<semaphore_mem>> -> memref<!tpu.dma_semaphore, #tpu.memory_space<semaphore_mem>>
          %dma_wait3A_352 = arith.constant 0 : i32
          %dma_wait3A_353 = arith.constant 0 : i32
          %dma_wait3A_354 = tpu.memref_slice %run_scoped3A[%rem3A_343, %dma_wait3A_352, %dma_wait3A_353] : memref<2x1x128xi32, #tpu.memory_space<vmem>> -> memref<1x1x128xi32, #tpu.memory_space<vmem>>
          %dma_wait3A_355 = tpu.memref_squeeze %dma_wait3A_354 : memref<1x1x128xi32, #tpu.memory_space<vmem>> -> memref<1x128xi32, #tpu.memory_space<vmem>>
          %dma_wait3A_356 = arith.constant 0 : i32
          %dma_wait3A_357 = tpu.memref_slice %arg4[%dma_wait3A_356, %mul3A_341] : memref<1x16384xi32, #tpu.memory_space<hbm>> -> memref<1x128xi32, #tpu.memory_space<hbm>>
          tpu.wait_dma2 semaphore(%dma_wait3A_351 : memref<!tpu.dma_semaphore, #tpu.memory_space<semaphore_mem>>) src(%dma_wait3A_357 : memref<1x128xi32, #tpu.memory_space<hbm>>) dst(%dma_wait3A_355 : memref<1x128xi32, #tpu.memory_space<vmem>>)
          "tpu.trace_stop"() : () -> ()
        } else {
        }
        %ne3A_219 = arith.cmpi ne, %add3A_155, %add3A_164 : i32
        %or3A_220 = arith.constant false
        %or3A_221 = arith.ori %or3A_220, %ne3A_219 : i1
        %or3A_222 = arith.constant false
        %or3A_223 = arith.ori %or3A_221, %or3A_222 : i1
        %or3A_224 = arith.ori %or3A_223, %eq3A_152 : i1
        %convert_element_type3A_225 = arith.extui %or3A_224 : i1 to i32
        %cond3A_226 = arith.constant 0 : i32
        %cond3A_227 = arith.cmpi ne, %convert_element_type3A_225, %cond3A_226 : i32
        scf.if %cond3A_227 {
        } else {
        }
        %ne3A_228 = arith.cmpi ne, %add3A_155, %add3A_164 : i32
        %or3A_229 = arith.constant false
        %or3A_230 = arith.ori %or3A_229, %ne3A_228 : i1
        %or3A_231 = arith.constant false
        %or3A_232 = arith.ori %or3A_230, %or3A_231 : i1
        %or3A_233 = arith.ori %or3A_232, %eq3A_152 : i1
        %convert_element_type3A_234 = arith.extui %or3A_233 : i1 to i32
        %cond3A_235 = arith.constant 0 : i32
        %cond3A_236 = arith.cmpi ne, %convert_element_type3A_234, %cond3A_235 : i32
        scf.if %cond3A_236 {
        } else {
        }
        %rem3A_237 = arith.constant 2 : i32
        %rem3A_238 = arith.remui %scan3A_145, %rem3A_237 : i32
        %rem3A_239 = arith.constant 2 : i32
        %rem3A_240 = arith.remui %scan3A_146, %rem3A_239 : i32
        %rem3A_241 = arith.constant 2 : i32
        %rem3A_242 = arith.remui %scan3A_148, %rem3A_241 : i32
        %run_scoped3A_243 = arith.constant 0 : i32
        "tpu.trace_start"() <{level = 10 : i32, message = "ep_run_kernel"}> : () -> ()
        "tpu.region"() ({
          %run_scoped3A_340 = tpu.sem_alloc : memref<!tpu.dma_semaphore, #tpu.memory_space<semaphore_mem>>
          %dma_start3A_341 = arith.constant 0 : i32
          %dma_start3A_342 = arith.constant 0 : i32
          %dma_start3A_343 = tpu.memref_slice %run_scoped3A_8[%rem3A_240, %dma_start3A_341, %dma_start3A_342] : memref<2x128x128xf32, #tpu.memory_space<vmem>> -> memref<1x128x128xf32, #tpu.memory_space<vmem>>
          %dma_start3A_344 = tpu.memref_squeeze %dma_start3A_343 : memref<1x128x128xf32, #tpu.memory_space<vmem>> -> memref<128x128xf32, #tpu.memory_space<vmem>>
          %dma_start3A_345 = arith.constant 0 : i32
          %dma_start3A_346 = arith.constant 0 : i32
          %dma_start3A_347 = tpu.memref_slice %run_scoped3A[%rem3A_238, %dma_start3A_345, %dma_start3A_346] : memref<2x1x128xi32, #tpu.memory_space<vmem>> -> memref<1x1x128xi32, #tpu.memory_space<vmem>>
          %dma_start3A_348 = tpu.memref_squeeze %dma_start3A_347 : memref<1x1x128xi32, #tpu.memory_space<vmem>> -> memref<1x128xi32, #tpu.memory_space<vmem>>
          %dma_start3A_349 = arith.constant 0 : i32
          %dma_start3A_350 = tpu.memref_slice %dma_start3A_348[%run_scoped3A_243, %dma_start3A_349] : memref<1x128xi32, #tpu.memory_space<vmem>> -> memref<1x128xi32, #tpu.memory_space<vmem>>
          %dma_start3A_351 = tpu.memref_squeeze %dma_start3A_350 : memref<1x128xi32, #tpu.memory_space<vmem>> -> memref<128xi32, #tpu.memory_space<vmem>>
          %dma_start3A_352 = arith.constant 0 : i32
          %dma_start3A_353 = arith.constant 0 : i32
          %dma_start3A_354 = tpu.memref_slice %arg2[%dma_start3A_352, %dma_start3A_353] : memref<10000x128xf32, #tpu.memory_space<hbm>> -> memref<10000x128xf32, #tpu.memory_space<hbm>>
          tpu.enqueue_indirect_dma source(%dma_start3A_354 : memref<10000x128xf32, #tpu.memory_space<hbm>>) target(%dma_start3A_344 : memref<128x128xf32, #tpu.memory_space<vmem>>) offsets(%dma_start3A_351 : memref<128xi32, #tpu.memory_space<vmem>>) semaphore(%run_scoped3A_340 : memref<!tpu.dma_semaphore, #tpu.memory_space<semaphore_mem>>)
          %dma_wait3A_355 = arith.constant 0 : i32
          %dma_wait3A_356 = arith.constant 0 : i32
          %dma_wait3A_357 = tpu.memref_slice %run_scoped3A_8[%rem3A_240, %dma_wait3A_355, %dma_wait3A_356] : memref<2x128x128xf32, #tpu.memory_space<vmem>> -> memref<1x128x128xf32, #tpu.memory_space<vmem>>
          %dma_wait3A_358 = tpu.memref_squeeze %dma_wait3A_357 : memref<1x128x128xf32, #tpu.memory_space<vmem>> -> memref<128x128xf32, #tpu.memory_space<vmem>>
          %dma_wait3A_359 = arith.constant 0 : i32
          %dma_wait3A_360 = arith.constant 0 : i32
          %dma_wait3A_361 = tpu.memref_slice %run_scoped3A[%rem3A_238, %dma_wait3A_359, %dma_wait3A_360] : memref<2x1x128xi32, #tpu.memory_space<vmem>> -> memref<1x1x128xi32, #tpu.memory_space<vmem>>
          %dma_wait3A_362 = tpu.memref_squeeze %dma_wait3A_361 : memref<1x1x128xi32, #tpu.memory_space<vmem>> -> memref<1x128xi32, #tpu.memory_space<vmem>>
          %dma_wait3A_363 = arith.constant 0 : i32
          %dma_wait3A_364 = tpu.memref_slice %dma_wait3A_362[%run_scoped3A_243, %dma_wait3A_363] : memref<1x128xi32, #tpu.memory_space<vmem>> -> memref<1x128xi32, #tpu.memory_space<vmem>>
          %dma_wait3A_365 = tpu.memref_squeeze %dma_wait3A_364 : memref<1x128xi32, #tpu.memory_space<vmem>> -> memref<128xi32, #tpu.memory_space<vmem>>
          %dma_wait3A_366 = arith.constant 0 : i32
          %dma_wait3A_367 = arith.constant 0 : i32
          %dma_wait3A_368 = tpu.memref_slice %arg2[%dma_wait3A_366, %dma_wait3A_367] : memref<10000x128xf32, #tpu.memory_space<hbm>> -> memref<10000x128xf32, #tpu.memory_space<hbm>>
          tpu.wait_indirect_dma semaphore(%run_scoped3A_340 : memref<!tpu.dma_semaphore, #tpu.memory_space<semaphore_mem>>) src(%dma_wait3A_368 : memref<10000x128xf32, #tpu.memory_space<hbm>>) dst(%dma_wait3A_358 : memref<128x128xf32, #tpu.memory_space<vmem>>)
          tpu.yield
        }) : () -> ()
        %run_scoped3A_244 = arith.constant 0 : i32
        "tpu.region"() ({
          %run_scoped3A_340 = tpu.sem_alloc : memref<!tpu.dma_semaphore, #tpu.memory_space<semaphore_mem>>
          %dma_start3A_341 = arith.constant 0 : i32
          %dma_start3A_342 = arith.constant 0 : i32
          %dma_start3A_343 = tpu.memref_slice %run_scoped3A_10[%rem3A_242, %dma_start3A_341, %dma_start3A_342] : memref<2x128x128xf32, #tpu.memory_space<vmem>> -> memref<1x128x128xf32, #tpu.memory_space<vmem>>
          %dma_start3A_344 = tpu.memref_squeeze %dma_start3A_343 : memref<1x128x128xf32, #tpu.memory_space<vmem>> -> memref<128x128xf32, #tpu.memory_space<vmem>>
          %dma_start3A_345 = arith.constant 0 : i32
          %dma_start3A_346 = arith.constant 0 : i32
          %dma_start3A_347 = tpu.memref_slice %run_scoped3A[%rem3A_238, %dma_start3A_345, %dma_start3A_346] : memref<2x1x128xi32, #tpu.memory_space<vmem>> -> memref<1x1x128xi32, #tpu.memory_space<vmem>>
          %dma_start3A_348 = tpu.memref_squeeze %dma_start3A_347 : memref<1x1x128xi32, #tpu.memory_space<vmem>> -> memref<1x128xi32, #tpu.memory_space<vmem>>
          %dma_start3A_349 = arith.constant 0 : i32
          %dma_start3A_350 = tpu.memref_slice %dma_start3A_348[%run_scoped3A_244, %dma_start3A_349] : memref<1x128xi32, #tpu.memory_space<vmem>> -> memref<1x128xi32, #tpu.memory_space<vmem>>
          %dma_start3A_351 = tpu.memref_squeeze %dma_start3A_350 : memref<1x128xi32, #tpu.memory_space<vmem>> -> memref<128xi32, #tpu.memory_space<vmem>>
          %dma_start3A_352 = arith.constant 0 : i32
          %dma_start3A_353 = arith.constant 0 : i32
          %dma_start3A_354 = tpu.memref_slice %arg3[%dma_start3A_352, %dma_start3A_353] : memref<10000x128xf32, #tpu.memory_space<hbm>> -> memref<10000x128xf32, #tpu.memory_space<hbm>>
          tpu.enqueue_indirect_dma source(%dma_start3A_354 : memref<10000x128xf32, #tpu.memory_space<hbm>>) target(%dma_start3A_344 : memref<128x128xf32, #tpu.memory_space<vmem>>) offsets(%dma_start3A_351 : memref<128xi32, #tpu.memory_space<vmem>>) semaphore(%run_scoped3A_340 : memref<!tpu.dma_semaphore, #tpu.memory_space<semaphore_mem>>)
          %dma_wait3A_355 = arith.constant 0 : i32
          %dma_wait3A_356 = arith.constant 0 : i32
          %dma_wait3A_357 = tpu.memref_slice %run_scoped3A_10[%rem3A_242, %dma_wait3A_355, %dma_wait3A_356] : memref<2x128x128xf32, #tpu.memory_space<vmem>> -> memref<1x128x128xf32, #tpu.memory_space<vmem>>
          %dma_wait3A_358 = tpu.memref_squeeze %dma_wait3A_357 : memref<1x128x128xf32, #tpu.memory_space<vmem>> -> memref<128x128xf32, #tpu.memory_space<vmem>>
          %dma_wait3A_359 = arith.constant 0 : i32
          %dma_wait3A_360 = arith.constant 0 : i32
          %dma_wait3A_361 = tpu.memref_slice %run_scoped3A[%rem3A_238, %dma_wait3A_359, %dma_wait3A_360] : memref<2x1x128xi32, #tpu.memory_space<vmem>> -> memref<1x1x128xi32, #tpu.memory_space<vmem>>
          %dma_wait3A_362 = tpu.memref_squeeze %dma_wait3A_361 : memref<1x1x128xi32, #tpu.memory_space<vmem>> -> memref<1x128xi32, #tpu.memory_space<vmem>>
          %dma_wait3A_363 = arith.constant 0 : i32
          %dma_wait3A_364 = tpu.memref_slice %dma_wait3A_362[%run_scoped3A_244, %dma_wait3A_363] : memref<1x128xi32, #tpu.memory_space<vmem>> -> memref<1x128xi32, #tpu.memory_space<vmem>>
          %dma_wait3A_365 = tpu.memref_squeeze %dma_wait3A_364 : memref<1x128xi32, #tpu.memory_space<vmem>> -> memref<128xi32, #tpu.memory_space<vmem>>
          %dma_wait3A_366 = arith.constant 0 : i32
          %dma_wait3A_367 = arith.constant 0 : i32
          %dma_wait3A_368 = tpu.memref_slice %arg3[%dma_wait3A_366, %dma_wait3A_367] : memref<10000x128xf32, #tpu.memory_space<hbm>> -> memref<10000x128xf32, #tpu.memory_space<hbm>>
          tpu.wait_indirect_dma semaphore(%run_scoped3A_340 : memref<!tpu.dma_semaphore, #tpu.memory_space<semaphore_mem>>) src(%dma_wait3A_368 : memref<10000x128xf32, #tpu.memory_space<hbm>>) dst(%dma_wait3A_358 : memref<128x128xf32, #tpu.memory_space<vmem>>)
          tpu.yield
        }) : () -> ()
        "tpu.trace_stop"() : () -> ()
        %ne3A_245 = arith.cmpi ne, %add3A_155, %add3A_173 : i32
        %or3A_246 = arith.constant false
        %or3A_247 = arith.ori %or3A_246, %ne3A_245 : i1
        %or3A_248 = arith.ori %or3A_247, %eq3A_154 : i1
        %convert_element_type3A_249 = arith.extui %or3A_248 : i1 to i32
        %cond3A_250 = arith.constant 0 : i32
        %cond3A_251 = arith.cmpi ne, %convert_element_type3A_249, %cond3A_250 : i32
        scf.if %cond3A_251 {
        } else {
        }
        %and3A_252 = arith.constant false
        %and3A_253 = arith.andi %or3A_248, %and3A_252 : i1
        %ne3A_254 = arith.cmpi ne, %add3A_155, %add3A_173 : i32
        %or3A_255 = arith.constant false
        %or3A_256 = arith.ori %or3A_255, %ne3A_254 : i1
        %or3A_257 = arith.constant false
        %or3A_258 = arith.ori %or3A_256, %or3A_257 : i1
        %or3A_259 = arith.ori %or3A_258, %eq3A_154 : i1
        %convert_element_type3A_260 = arith.extui %or3A_259 : i1 to i32
        %cond3A_261 = arith.constant 0 : i32
        %cond3A_262 = arith.cmpi ne, %convert_element_type3A_260, %cond3A_261 : i32
        scf.if %cond3A_262 {
          "tpu.trace_start"() <{level = 10 : i32, message = "ep_copy_out"}> : () -> ()
          %rem3A_340 = arith.constant 2 : i32
          %rem3A_341 = arith.remui %scan3A_146, %rem3A_340 : i32
          %mul3A_342 = arith.constant 128 : i32
          %mul3A_343 = arith.muli %mul3A_342, %add3A_155 : i32
          %dma_start3A_344 = arith.constant 0 : i32
          %dma_start3A_345 = arith.constant 0 : i32
          %dma_start3A_346 = tpu.memref_slice %run_scoped3A_8[%rem3A_341, %dma_start3A_344, %dma_start3A_345] : memref<2x128x128xf32, #tpu.memory_space<vmem>> -> memref<1x128x128xf32, #tpu.memory_space<vmem>>
          %dma_start3A_347 = tpu.memref_squeeze %dma_start3A_346 : memref<1x128x128xf32, #tpu.memory_space<vmem>> -> memref<128x128xf32, #tpu.memory_space<vmem>>
          %dma_start3A_348 = arith.constant 0 : i32
          %dma_start3A_349 = tpu.memref_slice %arg5[%mul3A_343, %dma_start3A_348] : memref<16384x128xf32, #tpu.memory_space<hbm>> -> memref<128x128xf32, #tpu.memory_space<hbm>>
          %dma_start3A_350 = tpu.memref_slice %run_scoped3A_9[%rem3A_341] : memref<2x!tpu.dma_semaphore, #tpu.memory_space<semaphore_mem>> -> memref<1x!tpu.dma_semaphore, #tpu.memory_space<semaphore_mem>>
          %dma_start3A_351 = tpu.memref_squeeze %dma_start3A_350 : memref<1x!tpu.dma_semaphore, #tpu.memory_space<semaphore_mem>> -> memref<!tpu.dma_semaphore, #tpu.memory_space<semaphore_mem>>
          %dma_start3A_352 = arith.constant 0 : i32
          %dma_start3A_353 = tpu.memref_slice %arg5[%mul3A_343, %dma_start3A_352] : memref<16384x128xf32, #tpu.memory_space<hbm>> -> memref<128x128xf32, #tpu.memory_space<hbm>>
          %dma_start3A_354 = arith.constant 0 : i32
          %dma_start3A_355 = arith.constant 0 : i32
          %dma_start3A_356 = tpu.memref_slice %run_scoped3A_8[%rem3A_341, %dma_start3A_354, %dma_start3A_355] : memref<2x128x128xf32, #tpu.memory_space<vmem>> -> memref<1x128x128xf32, #tpu.memory_space<vmem>>
          %dma_start3A_357 = tpu.memref_squeeze %dma_start3A_356 : memref<1x128x128xf32, #tpu.memory_space<vmem>> -> memref<128x128xf32, #tpu.memory_space<vmem>>
          tpu.enqueue_dma source(%dma_start3A_357 : memref<128x128xf32, #tpu.memory_space<vmem>>) target(%dma_start3A_353 : memref<128x128xf32, #tpu.memory_space<hbm>>) target_semaphore(%dma_start3A_351 : memref<!tpu.dma_semaphore, #tpu.memory_space<semaphore_mem>>)
          "tpu.trace_stop"() : () -> ()
        } else {
        }
        %and3A_263 = arith.constant true
        %and3A_264 = arith.andi %or3A_259, %and3A_263 : i1
        %add3A_265 = arith.constant 1 : i32
        %add3A_266 = arith.addi %scan3A_146, %add3A_265 : i32
        %select_n3A_267 = arith.select %and3A_264, %add3A_266, %scan3A_146 : i32
        %ne3A_268 = arith.cmpi ne, %add3A_155, %add3A_173 : i32
        %or3A_269 = arith.constant false
        %or3A_270 = arith.ori %or3A_269, %ne3A_268 : i1
        %or3A_271 = arith.constant false
        %or3A_272 = arith.ori %or3A_270, %or3A_271 : i1
        %or3A_273 = arith.ori %or3A_272, %eq3A_154 : i1
        %convert_element_type3A_274 = arith.extui %or3A_273 : i1 to i32
        %cond3A_275 = arith.constant 0 : i32
        %cond3A_276 = arith.cmpi ne, %convert_element_type3A_274, %cond3A_275 : i32
        scf.if %cond3A_276 {
          "tpu.trace_start"() <{level = 10 : i32, message = "ep_copy_out"}> : () -> ()
          %rem3A_340 = arith.constant 2 : i32
          %rem3A_341 = arith.remui %scan3A_148, %rem3A_340 : i32
          %mul3A_342 = arith.constant 128 : i32
          %mul3A_343 = arith.muli %mul3A_342, %add3A_155 : i32
          %dma_start3A_344 = arith.constant 0 : i32
          %dma_start3A_345 = arith.constant 0 : i32
          %dma_start3A_346 = tpu.memref_slice %run_scoped3A_10[%rem3A_341, %dma_start3A_344, %dma_start3A_345] : memref<2x128x128xf32, #tpu.memory_space<vmem>> -> memref<1x128x128xf32, #tpu.memory_space<vmem>>
          %dma_start3A_347 = tpu.memref_squeeze %dma_start3A_346 : memref<1x128x128xf32, #tpu.memory_space<vmem>> -> memref<128x128xf32, #tpu.memory_space<vmem>>
          %dma_start3A_348 = arith.constant 0 : i32
          %dma_start3A_349 = tpu.memref_slice %arg6[%mul3A_343, %dma_start3A_348] : memref<16384x128xf32, #tpu.memory_space<hbm>> -> memref<128x128xf32, #tpu.memory_space<hbm>>
          %dma_start3A_350 = tpu.memref_slice %run_scoped3A_11[%rem3A_341] : memref<2x!tpu.dma_semaphore, #tpu.memory_space<semaphore_mem>> -> memref<1x!tpu.dma_semaphore, #tpu.memory_space<semaphore_mem>>
          %dma_start3A_351 = tpu.memref_squeeze %dma_start3A_350 : memref<1x!tpu.dma_semaphore, #tpu.memory_space<semaphore_mem>> -> memref<!tpu.dma_semaphore, #tpu.memory_space<semaphore_mem>>
          %dma_start3A_352 = arith.constant 0 : i32
          %dma_start3A_353 = tpu.memref_slice %arg6[%mul3A_343, %dma_start3A_352] : memref<16384x128xf32, #tpu.memory_space<hbm>> -> memref<128x128xf32, #tpu.memory_space<hbm>>
          %dma_start3A_354 = arith.constant 0 : i32
          %dma_start3A_355 = arith.constant 0 : i32
          %dma_start3A_356 = tpu.memref_slice %run_scoped3A_10[%rem3A_341, %dma_start3A_354, %dma_start3A_355] : memref<2x128x128xf32, #tpu.memory_space<vmem>> -> memref<1x128x128xf32, #tpu.memory_space<vmem>>
          %dma_start3A_357 = tpu.memref_squeeze %dma_start3A_356 : memref<1x128x128xf32, #tpu.memory_space<vmem>> -> memref<128x128xf32, #tpu.memory_space<vmem>>
          tpu.enqueue_dma source(%dma_start3A_357 : memref<128x128xf32, #tpu.memory_space<vmem>>) target(%dma_start3A_353 : memref<128x128xf32, #tpu.memory_space<hbm>>) target_semaphore(%dma_start3A_351 : memref<!tpu.dma_semaphore, #tpu.memory_space<semaphore_mem>>)
          "tpu.trace_stop"() : () -> ()
        } else {
        }
        %and3A_277 = arith.constant true
        %and3A_278 = arith.andi %or3A_273, %and3A_277 : i1
        %add3A_279 = arith.constant 1 : i32
        %add3A_280 = arith.addi %scan3A_148, %add3A_279 : i32
        %select_n3A_281 = arith.select %and3A_278, %add3A_280, %scan3A_148 : i32
        %ne3A_282 = arith.cmpi ne, %add3A_155, %add3A_164 : i32
        %or3A_283 = arith.constant false
        %or3A_284 = arith.ori %or3A_283, %ne3A_282 : i1
        %not3A_285 = arith.constant true
        %not3A_286 = arith.xori %eq3A_152, %not3A_285 : i1
        %and3A_287 = arith.andi %or3A_284, %not3A_286 : i1
        %convert_element_type3A_288 = arith.extui %and3A_287 : i1 to i32
        %cond3A_289 = arith.constant 0 : i32
        %cond3A_290 = arith.cmpi ne, %convert_element_type3A_288, %cond3A_289 : i32
        scf.if %cond3A_290 {
        } else {
        }
        %and3A_291 = arith.constant false
        %and3A_292 = arith.andi %and3A_287, %and3A_291 : i1
        %ne3A_293 = arith.cmpi ne, %add3A_155, %add3A_164 : i32
        %or3A_294 = arith.constant false
        %or3A_295 = arith.ori %or3A_294, %ne3A_293 : i1
        %or3A_296 = arith.constant false
        %or3A_297 = arith.ori %or3A_295, %or3A_296 : i1
        %not3A_298 = arith.constant true
        %not3A_299 = arith.xori %eq3A_152, %not3A_298 : i1
        %and3A_300 = arith.andi %or3A_297, %not3A_299 : i1
        %convert_element_type3A_301 = arith.extui %and3A_300 : i1 to i32
        %cond3A_302 = arith.constant 0 : i32
        %cond3A_303 = arith.cmpi ne, %convert_element_type3A_301, %cond3A_302 : i32
        scf.if %cond3A_303 {
          "tpu.trace_start"() <{level = 10 : i32, message = "ep_wait_out"}> : () -> ()
          %rem3A_340 = arith.constant 2 : i32
          %rem3A_341 = arith.remui %scan3A_147, %rem3A_340 : i32
          %mul3A_342 = arith.constant 128 : i32
          %mul3A_343 = arith.muli %mul3A_342, %add3A_164 : i32
          %dma_wait3A_344 = arith.constant 0 : i32
          %dma_wait3A_345 = arith.constant 0 : i32
          %dma_wait3A_346 = tpu.memref_slice %run_scoped3A_8[%rem3A_341, %dma_wait3A_344, %dma_wait3A_345] : memref<2x128x128xf32, #tpu.memory_space<vmem>> -> memref<1x128x128xf32, #tpu.memory_space<vmem>>
          %dma_wait3A_347 = tpu.memref_squeeze %dma_wait3A_346 : memref<1x128x128xf32, #tpu.memory_space<vmem>> -> memref<128x128xf32, #tpu.memory_space<vmem>>
          %dma_wait3A_348 = arith.constant 0 : i32
          %dma_wait3A_349 = tpu.memref_slice %arg5[%mul3A_343, %dma_wait3A_348] : memref<16384x128xf32, #tpu.memory_space<hbm>> -> memref<128x128xf32, #tpu.memory_space<hbm>>
          %dma_wait3A_350 = tpu.memref_slice %run_scoped3A_9[%rem3A_341] : memref<2x!tpu.dma_semaphore, #tpu.memory_space<semaphore_mem>> -> memref<1x!tpu.dma_semaphore, #tpu.memory_space<semaphore_mem>>
          %dma_wait3A_351 = tpu.memref_squeeze %dma_wait3A_350 : memref<1x!tpu.dma_semaphore, #tpu.memory_space<semaphore_mem>> -> memref<!tpu.dma_semaphore, #tpu.memory_space<semaphore_mem>>
          %dma_wait3A_352 = arith.constant 0 : i32
          %dma_wait3A_353 = tpu.memref_slice %arg5[%mul3A_343, %dma_wait3A_352] : memref<16384x128xf32, #tpu.memory_space<hbm>> -> memref<128x128xf32, #tpu.memory_space<hbm>>
          %dma_wait3A_354 = arith.constant 0 : i32
          %dma_wait3A_355 = arith.constant 0 : i32
          %dma_wait3A_356 = tpu.memref_slice %run_scoped3A_8[%rem3A_341, %dma_wait3A_354, %dma_wait3A_355] : memref<2x128x128xf32, #tpu.memory_space<vmem>> -> memref<1x128x128xf32, #tpu.memory_space<vmem>>
          %dma_wait3A_357 = tpu.memref_squeeze %dma_wait3A_356 : memref<1x128x128xf32, #tpu.memory_space<vmem>> -> memref<128x128xf32, #tpu.memory_space<vmem>>
          tpu.wait_dma2 semaphore(%dma_wait3A_351 : memref<!tpu.dma_semaphore, #tpu.memory_space<semaphore_mem>>) src(%dma_wait3A_357 : memref<128x128xf32, #tpu.memory_space<vmem>>) dst(%dma_wait3A_353 : memref<128x128xf32, #tpu.memory_space<hbm>>)
          "tpu.trace_stop"() : () -> ()
        } else {
        }
        %and3A_304 = arith.constant true
        %and3A_305 = arith.andi %and3A_300, %and3A_304 : i1
        %add3A_306 = arith.constant 1 : i32
        %add3A_307 = arith.addi %scan3A_147, %add3A_306 : i32
        %select_n3A_308 = arith.select %and3A_305, %add3A_307, %scan3A_147 : i32
        %ne3A_309 = arith.cmpi ne, %add3A_155, %add3A_164 : i32
        %or3A_310 = arith.constant false
        %or3A_311 = arith.ori %or3A_310, %ne3A_309 : i1
        %or3A_312 = arith.constant false
        %or3A_313 = arith.ori %or3A_311, %or3A_312 : i1
        %not3A_314 = arith.constant true
        %not3A_315 = arith.xori %eq3A_152, %not3A_314 : i1
        %and3A_316 = arith.andi %or3A_313, %not3A_315 : i1
        %convert_element_type3A_317 = arith.extui %and3A_316 : i1 to i32
        %cond3A_318 = arith.constant 0 : i32
        %cond3A_319 = arith.cmpi ne, %convert_element_type3A_317, %cond3A_318 : i32
        scf.if %cond3A_319 {
          "tpu.trace_start"() <{level = 10 : i32, message = "ep_wait_out"}> : () -> ()
          %rem3A_340 = arith.constant 2 : i32
          %rem3A_341 = arith.remui %scan3A_149, %rem3A_340 : i32
          %mul3A_342 = arith.constant 128 : i32
          %mul3A_343 = arith.muli %mul3A_342, %add3A_164 : i32
          %dma_wait3A_344 = arith.constant 0 : i32
          %dma_wait3A_345 = arith.constant 0 : i32
          %dma_wait3A_346 = tpu.memref_slice %run_scoped3A_10[%rem3A_341, %dma_wait3A_344, %dma_wait3A_345] : memref<2x128x128xf32, #tpu.memory_space<vmem>> -> memref<1x128x128xf32, #tpu.memory_space<vmem>>
          %dma_wait3A_347 = tpu.memref_squeeze %dma_wait3A_346 : memref<1x128x128xf32, #tpu.memory_space<vmem>> -> memref<128x128xf32, #tpu.memory_space<vmem>>
          %dma_wait3A_348 = arith.constant 0 : i32
          %dma_wait3A_349 = tpu.memref_slice %arg6[%mul3A_343, %dma_wait3A_348] : memref<16384x128xf32, #tpu.memory_space<hbm>> -> memref<128x128xf32, #tpu.memory_space<hbm>>
          %dma_wait3A_350 = tpu.memref_slice %run_scoped3A_11[%rem3A_341] : memref<2x!tpu.dma_semaphore, #tpu.memory_space<semaphore_mem>> -> memref<1x!tpu.dma_semaphore, #tpu.memory_space<semaphore_mem>>
          %dma_wait3A_351 = tpu.memref_squeeze %dma_wait3A_350 : memref<1x!tpu.dma_semaphore, #tpu.memory_space<semaphore_mem>> -> memref<!tpu.dma_semaphore, #tpu.memory_space<semaphore_mem>>
          %dma_wait3A_352 = arith.constant 0 : i32
          %dma_wait3A_353 = tpu.memref_slice %arg6[%mul3A_343, %dma_wait3A_352] : memref<16384x128xf32, #tpu.memory_space<hbm>> -> memref<128x128xf32, #tpu.memory_space<hbm>>
          %dma_wait3A_354 = arith.constant 0 : i32
          %dma_wait3A_355 = arith.constant 0 : i32
          %dma_wait3A_356 = tpu.memref_slice %run_scoped3A_10[%rem3A_341, %dma_wait3A_354, %dma_wait3A_355] : memref<2x128x128xf32, #tpu.memory_space<vmem>> -> memref<1x128x128xf32, #tpu.memory_space<vmem>>
          %dma_wait3A_357 = tpu.memref_squeeze %dma_wait3A_356 : memref<1x128x128xf32, #tpu.memory_space<vmem>> -> memref<128x128xf32, #tpu.memory_space<vmem>>
          tpu.wait_dma2 semaphore(%dma_wait3A_351 : memref<!tpu.dma_semaphore, #tpu.memory_space<semaphore_mem>>) src(%dma_wait3A_357 : memref<128x128xf32, #tpu.memory_space<vmem>>) dst(%dma_wait3A_353 : memref<128x128xf32, #tpu.memory_space<hbm>>)
          "tpu.trace_stop"() : () -> ()
        } else {
        }
        %and3A_320 = arith.constant true
        %and3A_321 = arith.andi %and3A_316, %and3A_320 : i1
        %add3A_322 = arith.constant 1 : i32
        %add3A_323 = arith.addi %scan3A_149, %add3A_322 : i32
        %select_n3A_324 = arith.select %and3A_321, %add3A_323, %scan3A_149 : i32
        %ne3A_325 = arith.cmpi ne, %add3A_155, %add3A_173 : i32
        %or3A_326 = arith.constant false
        %or3A_327 = arith.ori %or3A_326, %ne3A_325 : i1
        %or3A_328 = arith.ori %or3A_327, %eq3A_154 : i1
        %add3A_329 = arith.constant 1 : i32
        %add3A_330 = arith.addi %scan3A_145, %add3A_329 : i32
        %select_n3A_331 = arith.select %or3A_328, %add3A_330, %scan3A_145 : i32
        %add3A_332 = arith.constant 1 : i32
        %add3A_333 = arith.addi %scan3A_150, %add3A_332 : i32
        %select_n3A_334 = arith.constant true
        %select_n3A_335 = arith.select %select_n3A_334, %add3A_333, %scan3A_150 : i32
        %eq3A_336 = arith.constant 4 : i32
        %eq3A_337 = arith.cmpi eq, %select_n3A_335, %eq3A_336 : i32
        %select_n3A_338 = arith.constant 0 : i32
        %select_n3A_339 = arith.select %eq3A_337, %select_n3A_338, %select_n3A_335 : i32
        scf.yield %select_n3A_191, %select_n3A_331, %select_n3A_267, %select_n3A_308, %select_n3A_281, %select_n3A_324, %select_n3A_339 : i32, i32, i32, i32, i32, i32, i32
      }
      %scan3A_72 = arith.constant 4 : i32
      %sub3A = arith.constant 1 : i32
      %sub3A_73 = arith.subi %scan3A_71#6, %sub3A : i32
      %select_n3A_74 = arith.constant true
      %select_n3A_75 = arith.select %select_n3A_74, %sub3A_73, %scan3A_71#6 : i32
      %eq3A_76 = arith.constant -1 : i32
      %eq3A_77 = arith.cmpi eq, %select_n3A_75, %eq3A_76 : i32
      %select_n3A_78 = arith.constant 3 : i32
      %select_n3A_79 = arith.select %eq3A_77, %select_n3A_78, %select_n3A_75 : i32
      %add3A_80 = arith.addi %select_n3A_79, %mul3A_6 : i32
      %sub3A_81 = arith.constant 1 : i32
      %sub3A_82 = arith.subi %select_n3A_79, %sub3A_81 : i32
      %select_n3A_83 = arith.constant true
      %select_n3A_84 = arith.select %select_n3A_83, %sub3A_82, %select_n3A_79 : i32
      %eq3A_85 = arith.constant -1 : i32
      %eq3A_86 = arith.cmpi eq, %select_n3A_84, %eq3A_85 : i32
      %select_n3A_87 = arith.constant 3 : i32
      %select_n3A_88 = arith.select %eq3A_86, %select_n3A_87, %select_n3A_84 : i32
      %add3A_89 = arith.addi %select_n3A_88, %mul3A_6 : i32
      %add3A_90 = arith.constant 1 : i32
      %add3A_91 = arith.addi %select_n3A_79, %add3A_90 : i32
      %select_n3A_92 = arith.constant true
      %select_n3A_93 = arith.select %select_n3A_92, %add3A_91, %select_n3A_79 : i32
      %eq3A_94 = arith.constant 4 : i32
      %eq3A_95 = arith.cmpi eq, %select_n3A_93, %eq3A_94 : i32
      %select_n3A_96 = arith.constant 0 : i32
      %select_n3A_97 = arith.select %eq3A_95, %select_n3A_96, %select_n3A_93 : i32
      %add3A_98 = arith.addi %select_n3A_97, %mul3A_6 : i32
      %add3A_99 = arith.constant 1 : i32
      %add3A_100 = arith.addi %select_n3A_97, %add3A_99 : i32
      %select_n3A_101 = arith.constant true
      %select_n3A_102 = arith.select %select_n3A_101, %add3A_100, %select_n3A_97 : i32
      %eq3A_103 = arith.constant 4 : i32
      %eq3A_104 = arith.cmpi eq, %select_n3A_102, %eq3A_103 : i32
      %select_n3A_105 = arith.constant 0 : i32
      %select_n3A_106 = arith.select %eq3A_104, %select_n3A_105, %select_n3A_102 : i32
      %add3A_107 = arith.addi %select_n3A_106, %mul3A_6 : i32
      "tpu.trace_start"() <{level = 10 : i32, message = "ep_finalize"}> : () -> ()
      %rem3A_108 = arith.constant 2 : i32
      %rem3A_109 = arith.remui %scan3A_71#3, %rem3A_108 : i32
      %mul3A_110 = arith.constant 128 : i32
      %mul3A_111 = arith.muli %mul3A_110, %add3A_80 : i32
      %dma_wait3A = arith.constant 0 : i32
      %dma_wait3A_112 = arith.constant 0 : i32
      %dma_wait3A_113 = tpu.memref_slice %run_scoped3A_8[%rem3A_109, %dma_wait3A, %dma_wait3A_112] : memref<2x128x128xf32, #tpu.memory_space<vmem>> -> memref<1x128x128xf32, #tpu.memory_space<vmem>>
      %dma_wait3A_114 = tpu.memref_squeeze %dma_wait3A_113 : memref<1x128x128xf32, #tpu.memory_space<vmem>> -> memref<128x128xf32, #tpu.memory_space<vmem>>
      %dma_wait3A_115 = arith.constant 0 : i32
      %dma_wait3A_116 = tpu.memref_slice %arg5[%mul3A_111, %dma_wait3A_115] : memref<16384x128xf32, #tpu.memory_space<hbm>> -> memref<128x128xf32, #tpu.memory_space<hbm>>
      %dma_wait3A_117 = tpu.memref_slice %run_scoped3A_9[%rem3A_109] : memref<2x!tpu.dma_semaphore, #tpu.memory_space<semaphore_mem>> -> memref<1x!tpu.dma_semaphore, #tpu.memory_space<semaphore_mem>>
      %dma_wait3A_118 = tpu.memref_squeeze %dma_wait3A_117 : memref<1x!tpu.dma_semaphore, #tpu.memory_space<semaphore_mem>> -> memref<!tpu.dma_semaphore, #tpu.memory_space<semaphore_mem>>
      %dma_wait3A_119 = arith.constant 0 : i32
      %dma_wait3A_120 = tpu.memref_slice %arg5[%mul3A_111, %dma_wait3A_119] : memref<16384x128xf32, #tpu.memory_space<hbm>> -> memref<128x128xf32, #tpu.memory_space<hbm>>
      %dma_wait3A_121 = arith.constant 0 : i32
      %dma_wait3A_122 = arith.constant 0 : i32
      %dma_wait3A_123 = tpu.memref_slice %run_scoped3A_8[%rem3A_109, %dma_wait3A_121, %dma_wait3A_122] : memref<2x128x128xf32, #tpu.memory_space<vmem>> -> memref<1x128x128xf32, #tpu.memory_space<vmem>>
      %dma_wait3A_124 = tpu.memref_squeeze %dma_wait3A_123 : memref<1x128x128xf32, #tpu.memory_space<vmem>> -> memref<128x128xf32, #tpu.memory_space<vmem>>
      tpu.wait_dma2 semaphore(%dma_wait3A_118 : memref<!tpu.dma_semaphore, #tpu.memory_space<semaphore_mem>>) src(%dma_wait3A_124 : memref<128x128xf32, #tpu.memory_space<vmem>>) dst(%dma_wait3A_120 : memref<128x128xf32, #tpu.memory_space<hbm>>)
      %rem3A_125 = arith.constant 2 : i32
      %rem3A_126 = arith.remui %scan3A_71#5, %rem3A_125 : i32
      %mul3A_127 = arith.constant 128 : i32
      %mul3A_128 = arith.muli %mul3A_127, %add3A_80 : i32
      %dma_wait3A_129 = arith.constant 0 : i32
      %dma_wait3A_130 = arith.constant 0 : i32
      %dma_wait3A_131 = tpu.memref_slice %run_scoped3A_10[%rem3A_126, %dma_wait3A_129, %dma_wait3A_130] : memref<2x128x128xf32, #tpu.memory_space<vmem>> -> memref<1x128x128xf32, #tpu.memory_space<vmem>>
      %dma_wait3A_132 = tpu.memref_squeeze %dma_wait3A_131 : memref<1x128x128xf32, #tpu.memory_space<vmem>> -> memref<128x128xf32, #tpu.memory_space<vmem>>
      %dma_wait3A_133 = arith.constant 0 : i32
      %dma_wait3A_134 = tpu.memref_slice %arg6[%mul3A_128, %dma_wait3A_133] : memref<16384x128xf32, #tpu.memory_space<hbm>> -> memref<128x128xf32, #tpu.memory_space<hbm>>
      %dma_wait3A_135 = tpu.memref_slice %run_scoped3A_11[%rem3A_126] : memref<2x!tpu.dma_semaphore, #tpu.memory_space<semaphore_mem>> -> memref<1x!tpu.dma_semaphore, #tpu.memory_space<semaphore_mem>>
      %dma_wait3A_136 = tpu.memref_squeeze %dma_wait3A_135 : memref<1x!tpu.dma_semaphore, #tpu.memory_space<semaphore_mem>> -> memref<!tpu.dma_semaphore, #tpu.memory_space<semaphore_mem>>
      %dma_wait3A_137 = arith.constant 0 : i32
      %dma_wait3A_138 = tpu.memref_slice %arg6[%mul3A_128, %dma_wait3A_137] : memref<16384x128xf32, #tpu.memory_space<hbm>> -> memref<128x128xf32, #tpu.memory_space<hbm>>
      %dma_wait3A_139 = arith.constant 0 : i32
      %dma_wait3A_140 = arith.constant 0 : i32
      %dma_wait3A_141 = tpu.memref_slice %run_scoped3A_10[%rem3A_126, %dma_wait3A_139, %dma_wait3A_140] : memref<2x128x128xf32, #tpu.memory_space<vmem>> -> memref<1x128x128xf32, #tpu.memory_space<vmem>>
      %dma_wait3A_142 = tpu.memref_squeeze %dma_wait3A_141 : memref<1x128x128xf32, #tpu.memory_space<vmem>> -> memref<128x128xf32, #tpu.memory_space<vmem>>
      tpu.wait_dma2 semaphore(%dma_wait3A_136 : memref<!tpu.dma_semaphore, #tpu.memory_space<semaphore_mem>>) src(%dma_wait3A_142 : memref<128x128xf32, #tpu.memory_space<vmem>>) dst(%dma_wait3A_138 : memref<128x128xf32, #tpu.memory_space<hbm>>)
      "tpu.trace_stop"() : () -> ()
      tpu.yield
    }) : () -> ()
    return
  }
}

module attributes {stable_mosaic.version = 14 : i64} {
  func.func @_topk_body(%arg0: i32, %arg1: memref<128x3xf32, #tpu.memory_space<vmem>>, %arg2: memref<1x3x10240xf32, #tpu.memory_space<vmem>>, %arg3: memref<1x128x16xi32, #tpu.memory_space<vmem>>, %arg4: memref<1x128x16xf32, #tpu.memory_space<vmem>>, %arg5: memref<128x10240xf32, #tpu.memory_space<vmem>>) attributes {dimension_semantics = [#tpu.dimension_semantics<arbitrary>], iteration_bounds = array<i64: 8>, scalar_prefetch = 0 : i64, scratch_operands = 1 : i64, tpu.core_type = #tpu.core_type<tc>, window_params = [{transform_indices = @transform_0, window_bounds = array<i64: 128, 3>}, {pipeline_mode = #tpu.pipeline_mode<synchronous>, transform_indices = @transform_1, window_bounds = array<i64: 1, 3, 10240>}, {transform_indices = @transform_2, window_bounds = array<i64: 1, 128, 16>}, {transform_indices = @transform_3, window_bounds = array<i64: 1, 128, 16>}]} {
    %get3A = arith.constant 0 : index
    %get3A_0 = arith.constant 0 : index
    %get3A_1 = vector.load %arg1[%get3A, %get3A_0] : memref<128x3xf32, #tpu.memory_space<vmem>>, vector<128x1xf32>
    %get3A_2 = arith.constant 0 : index
    %get3A_3 = arith.constant 1 : index
    %get3A_4 = vector.load %arg1[%get3A_2, %get3A_3] : memref<128x3xf32, #tpu.memory_space<vmem>>, vector<128x1xf32>
    %get3A_5 = arith.constant 0 : index
    %get3A_6 = arith.constant 2 : index
    %get3A_7 = vector.load %arg1[%get3A_5, %get3A_6] : memref<128x3xf32, #tpu.memory_space<vmem>>, vector<128x1xf32>
    %iota3A = tpu.iota {dimensions = array<i32: 1>} : vector<128x128xi32>
    %iota3A_8 = tpu.iota {dimensions = array<i32: 1>} : vector<128x16xi32>
    %get3A_9 = arith.constant 0 : index
    %get3A_10 = arith.constant 0 : index
    %get3A_11 = arith.constant 0 : index
    %get3A_12 = vector.load %arg2[%get3A_9, %get3A_10, %get3A_11] : memref<1x3x10240xf32, #tpu.memory_space<vmem>>, vector<1x1x128xf32>
    %get3A_13 = vector.shape_cast %get3A_12 : vector<1x1x128xf32> to vector<1x128xf32>
    %sub3A = vector.broadcast %get3A_1 : vector<128x1xf32> to vector<128x128xf32>
    %sub3A_14 = vector.broadcast %get3A_13 : vector<1x128xf32> to vector<128x128xf32>
    %sub3A_15 = arith.subf %sub3A, %sub3A_14 : vector<128x128xf32>
    %get3A_16 = arith.constant 0 : index
    %get3A_17 = arith.constant 1 : index
    %get3A_18 = arith.constant 0 : index
    %get3A_19 = vector.load %arg2[%get3A_16, %get3A_17, %get3A_18] : memref<1x3x10240xf32, #tpu.memory_space<vmem>>, vector<1x1x128xf32>
    %get3A_20 = vector.shape_cast %get3A_19 : vector<1x1x128xf32> to vector<1x128xf32>
    %sub3A_21 = vector.broadcast %get3A_4 : vector<128x1xf32> to vector<128x128xf32>
    %sub3A_22 = vector.broadcast %get3A_20 : vector<1x128xf32> to vector<128x128xf32>
    %sub3A_23 = arith.subf %sub3A_21, %sub3A_22 : vector<128x128xf32>
    %get3A_24 = arith.constant 0 : index
    %get3A_25 = arith.constant 2 : index
    %get3A_26 = arith.constant 0 : index
    %get3A_27 = vector.load %arg2[%get3A_24, %get3A_25, %get3A_26] : memref<1x3x10240xf32, #tpu.memory_space<vmem>>, vector<1x1x128xf32>
    %get3A_28 = vector.shape_cast %get3A_27 : vector<1x1x128xf32> to vector<1x128xf32>
    %sub3A_29 = vector.broadcast %get3A_7 : vector<128x1xf32> to vector<128x128xf32>
    %sub3A_30 = vector.broadcast %get3A_28 : vector<1x128xf32> to vector<128x128xf32>
    %sub3A_31 = arith.subf %sub3A_29, %sub3A_30 : vector<128x128xf32>
    %mul3A = arith.mulf %sub3A_15, %sub3A_15 : vector<128x128xf32>
    %mul3A_32 = arith.mulf %sub3A_23, %sub3A_23 : vector<128x128xf32>
    %add3A = arith.addf %mul3A, %mul3A_32 : vector<128x128xf32>
    %mul3A_33 = arith.mulf %sub3A_31, %sub3A_31 : vector<128x128xf32>
    %add3A_34 = arith.addf %add3A, %mul3A_33 : vector<128x128xf32>
    %swap3A = arith.constant 0 : index
    %swap3A_35 = arith.constant 0 : index
    %swap3A_36 = vector.load %arg5[%swap3A, %swap3A_35] : memref<128x10240xf32, #tpu.memory_space<vmem>>, vector<128x128xf32>
    tpu.vector_store %arg5[%swap3A, %swap3A_35], %add3A_34 {strides = array<i32>} : memref<128x10240xf32, #tpu.memory_space<vmem>>, vector<128x128xf32>,
    %get3A_37 = arith.constant 0 : index
    %get3A_38 = arith.constant 0 : index
    %get3A_39 = arith.constant 128 : index
    %get3A_40 = vector.load %arg2[%get3A_37, %get3A_38, %get3A_39] : memref<1x3x10240xf32, #tpu.memory_space<vmem>>, vector<1x1x128xf32>
    %get3A_41 = vector.shape_cast %get3A_40 : vector<1x1x128xf32> to vector<1x128xf32>
    %sub3A_42 = vector.broadcast %get3A_1 : vector<128x1xf32> to vector<128x128xf32>
    %sub3A_43 = vector.broadcast %get3A_41 : vector<1x128xf32> to vector<128x128xf32>
    %sub3A_44 = arith.subf %sub3A_42, %sub3A_43 : vector<128x128xf32>
    %get3A_45 = arith.constant 0 : index
    %get3A_46 = arith.constant 1 : index
    %get3A_47 = arith.constant 128 : index
    %get3A_48 = vector.load %arg2[%get3A_45, %get3A_46, %get3A_47] : memref<1x3x10240xf32, #tpu.memory_space<vmem>>, vector<1x1x128xf32>
    %get3A_49 = vector.shape_cast %get3A_48 : vector<1x1x128xf32> to vector<1x128xf32>
    %sub3A_50 = vector.broadcast %get3A_4 : vector<128x1xf32> to vector<128x128xf32>
    %sub3A_51 = vector.broadcast %get3A_49 : vector<1x128xf32> to vector<128x128xf32>
    %sub3A_52 = arith.subf %sub3A_50, %sub3A_51 : vector<128x128xf32>
    %get3A_53 = arith.constant 0 : index
    %get3A_54 = arith.constant 2 : index
    %get3A_55 = arith.constant 128 : index
    %get3A_56 = vector.load %arg2[%get3A_53, %get3A_54, %get3A_55] : memref<1x3x10240xf32, #tpu.memory_space<vmem>>, vector<1x1x128xf32>
    %get3A_57 = vector.shape_cast %get3A_56 : vector<1x1x128xf32> to vector<1x128xf32>
    %sub3A_58 = vector.broadcast %get3A_7 : vector<128x1xf32> to vector<128x128xf32>
    %sub3A_59 = vector.broadcast %get3A_57 : vector<1x128xf32> to vector<128x128xf32>
    %sub3A_60 = arith.subf %sub3A_58, %sub3A_59 : vector<128x128xf32>
    %mul3A_61 = arith.mulf %sub3A_44, %sub3A_44 : vector<128x128xf32>
    %mul3A_62 = arith.mulf %sub3A_52, %sub3A_52 : vector<128x128xf32>
    %add3A_63 = arith.addf %mul3A_61, %mul3A_62 : vector<128x128xf32>
    %mul3A_64 = arith.mulf %sub3A_60, %sub3A_60 : vector<128x128xf32>
    %add3A_65 = arith.addf %add3A_63, %mul3A_64 : vector<128x128xf32>
    %swap3A_66 = arith.constant 0 : index
    %swap3A_67 = arith.constant 128 : index
    %swap3A_68 = vector.load %arg5[%swap3A_66, %swap3A_67] : memref<128x10240xf32, #tpu.memory_space<vmem>>, vector<128x128xf32>
    tpu.vector_store %arg5[%swap3A_66, %swap3A_67], %add3A_65 {strides = array<i32>} : memref<128x10240xf32, #tpu.memory_space<vmem>>, vector<128x128xf32>,
    %get3A_69 = arith.constant 0 : index
    %get3A_70 = arith.constant 0 : index
    %get3A_71 = arith.constant 256 : index
    %get3A_72 = vector.load %arg2[%get3A_69, %get3A_70, %get3A_71] : memref<1x3x10240xf32, #tpu.memory_space<vmem>>, vector<1x1x128xf32>
    %get3A_73 = vector.shape_cast %get3A_72 : vector<1x1x128xf32> to vector<1x128xf32>
    %sub3A_74 = vector.broadcast %get3A_1 : vector<128x1xf32> to vector<128x128xf32>
    %sub3A_75 = vector.broadcast %get3A_73 : vector<1x128xf32> to vector<128x128xf32>
    %sub3A_76 = arith.subf %sub3A_74, %sub3A_75 : vector<128x128xf32>
    %get3A_77 = arith.constant 0 : index
    %get3A_78 = arith.constant 1 : index
    %get3A_79 = arith.constant 256 : index
    %get3A_80 = vector.load %arg2[%get3A_77, %get3A_78, %get3A_79] : memref<1x3x10240xf32, #tpu.memory_space<vmem>>, vector<1x1x128xf32>
    %get3A_81 = vector.shape_cast %get3A_80 : vector<1x1x128xf32> to vector<1x128xf32>
    %sub3A_82 = vector.broadcast %get3A_4 : vector<128x1xf32> to vector<128x128xf32>
    %sub3A_83 = vector.broadcast %get3A_81 : vector<1x128xf32> to vector<128x128xf32>
    %sub3A_84 = arith.subf %sub3A_82, %sub3A_83 : vector<128x128xf32>
    %get3A_85 = arith.constant 0 : index
    %get3A_86 = arith.constant 2 : index
    %get3A_87 = arith.constant 256 : index
    %get3A_88 = vector.load %arg2[%get3A_85, %get3A_86, %get3A_87] : memref<1x3x10240xf32, #tpu.memory_space<vmem>>, vector<1x1x128xf32>
    %get3A_89 = vector.shape_cast %get3A_88 : vector<1x1x128xf32> to vector<1x128xf32>
    %sub3A_90 = vector.broadcast %get3A_7 : vector<128x1xf32> to vector<128x128xf32>
    %sub3A_91 = vector.broadcast %get3A_89 : vector<1x128xf32> to vector<128x128xf32>
    %sub3A_92 = arith.subf %sub3A_90, %sub3A_91 : vector<128x128xf32>
    %mul3A_93 = arith.mulf %sub3A_76, %sub3A_76 : vector<128x128xf32>
    %mul3A_94 = arith.mulf %sub3A_84, %sub3A_84 : vector<128x128xf32>
    %add3A_95 = arith.addf %mul3A_93, %mul3A_94 : vector<128x128xf32>
    %mul3A_96 = arith.mulf %sub3A_92, %sub3A_92 : vector<128x128xf32>
    %add3A_97 = arith.addf %add3A_95, %mul3A_96 : vector<128x128xf32>
    %swap3A_98 = arith.constant 0 : index
    %swap3A_99 = arith.constant 256 : index
    %swap3A_100 = vector.load %arg5[%swap3A_98, %swap3A_99] : memref<128x10240xf32, #tpu.memory_space<vmem>>, vector<128x128xf32>
    tpu.vector_store %arg5[%swap3A_98, %swap3A_99], %add3A_97 {strides = array<i32>} : memref<128x10240xf32, #tpu.memory_space<vmem>>, vector<128x128xf32>,
    %get3A_101 = arith.constant 0 : index
    %get3A_102 = arith.constant 0 : index
    %get3A_103 = arith.constant 384 : index
    %get3A_104 = vector.load %arg2[%get3A_101, %get3A_102, %get3A_103] : memref<1x3x10240xf32, #tpu.memory_space<vmem>>, vector<1x1x128xf32>
    %get3A_105 = vector.shape_cast %get3A_104 : vector<1x1x128xf32> to vector<1x128xf32>
    %sub3A_106 = vector.broadcast %get3A_1 : vector<128x1xf32> to vector<128x128xf32>
    %sub3A_107 = vector.broadcast %get3A_105 : vector<1x128xf32> to vector<128x128xf32>
    %sub3A_108 = arith.subf %sub3A_106, %sub3A_107 : vector<128x128xf32>
    %get3A_109 = arith.constant 0 : index
    %get3A_110 = arith.constant 1 : index
    %get3A_111 = arith.constant 384 : index
    %get3A_112 = vector.load %arg2[%get3A_109, %get3A_110, %get3A_111] : memref<1x3x10240xf32, #tpu.memory_space<vmem>>, vector<1x1x128xf32>
    %get3A_113 = vector.shape_cast %get3A_112 : vector<1x1x128xf32> to vector<1x128xf32>
    %sub3A_114 = vector.broadcast %get3A_4 : vector<128x1xf32> to vector<128x128xf32>
    %sub3A_115 = vector.broadcast %get3A_113 : vector<1x128xf32> to vector<128x128xf32>
    %sub3A_116 = arith.subf %sub3A_114, %sub3A_115 : vector<128x128xf32>
    %get3A_117 = arith.constant 0 : index
    %get3A_118 = arith.constant 2 : index
    %get3A_119 = arith.constant 384 : index
    %get3A_120 = vector.load %arg2[%get3A_117, %get3A_118, %get3A_119] : memref<1x3x10240xf32, #tpu.memory_space<vmem>>, vector<1x1x128xf32>
    %get3A_121 = vector.shape_cast %get3A_120 : vector<1x1x128xf32> to vector<1x128xf32>
    %sub3A_122 = vector.broadcast %get3A_7 : vector<128x1xf32> to vector<128x128xf32>
    %sub3A_123 = vector.broadcast %get3A_121 : vector<1x128xf32> to vector<128x128xf32>
    %sub3A_124 = arith.subf %sub3A_122, %sub3A_123 : vector<128x128xf32>
    %mul3A_125 = arith.mulf %sub3A_108, %sub3A_108 : vector<128x128xf32>
    %mul3A_126 = arith.mulf %sub3A_116, %sub3A_116 : vector<128x128xf32>
    %add3A_127 = arith.addf %mul3A_125, %mul3A_126 : vector<128x128xf32>
    %mul3A_128 = arith.mulf %sub3A_124, %sub3A_124 : vector<128x128xf32>
    %add3A_129 = arith.addf %add3A_127, %mul3A_128 : vector<128x128xf32>
    %swap3A_130 = arith.constant 0 : index
    %swap3A_131 = arith.constant 384 : index
    %swap3A_132 = vector.load %arg5[%swap3A_130, %swap3A_131] : memref<128x10240xf32, #tpu.memory_space<vmem>>, vector<128x128xf32>
    tpu.vector_store %arg5[%swap3A_130, %swap3A_131], %add3A_129 {strides = array<i32>} : memref<128x10240xf32, #tpu.memory_space<vmem>>, vector<128x128xf32>,
    %broadcast_in_dim3A = arith.constant 0 : i32
    %broadcast_in_dim3A_133 = vector.broadcast %broadcast_in_dim3A : i32 to vector<128x128xi32>
    %broadcast_in_dim3A_134 = arith.constant 1 : i32
    %broadcast_in_dim3A_135 = vector.broadcast %broadcast_in_dim3A_134 : i32 to vector<128x128xi32>
    %broadcast_in_dim3A_136 = arith.constant 2 : i32
    %broadcast_in_dim3A_137 = vector.broadcast %broadcast_in_dim3A_136 : i32 to vector<128x128xi32>
    %broadcast_in_dim3A_138 = arith.constant 3 : i32
    %broadcast_in_dim3A_139 = vector.broadcast %broadcast_in_dim3A_138 : i32 to vector<128x128xi32>
    %lt3A = arith.cmpf olt, %add3A_34, %add3A_65 : vector<128x128xf32>
    %min3A = arith.minimumf %add3A_34, %add3A_65 : vector<128x128xf32>
    %select_n3A = arith.select %lt3A, %broadcast_in_dim3A_133, %broadcast_in_dim3A_135 : vector<128x128xi1>, vector<128x128xi32>
    %max3A = arith.maximumf %add3A_34, %add3A_65 : vector<128x128xf32>
    %select_n3A_140 = arith.select %lt3A, %broadcast_in_dim3A_135, %broadcast_in_dim3A_133 : vector<128x128xi1>, vector<128x128xi32>
    %lt3A_141 = arith.cmpf olt, %add3A_97, %add3A_129 : vector<128x128xf32>
    %min3A_142 = arith.minimumf %add3A_97, %add3A_129 : vector<128x128xf32>
    %select_n3A_143 = arith.select %lt3A_141, %broadcast_in_dim3A_137, %broadcast_in_dim3A_139 : vector<128x128xi1>, vector<128x128xi32>
    %max3A_144 = arith.maximumf %add3A_97, %add3A_129 : vector<128x128xf32>
    %select_n3A_145 = arith.select %lt3A_141, %broadcast_in_dim3A_139, %broadcast_in_dim3A_137 : vector<128x128xi1>, vector<128x128xi32>
    %lt3A_146 = arith.cmpf olt, %min3A, %min3A_142 : vector<128x128xf32>
    %min3A_147 = arith.minimumf %min3A, %min3A_142 : vector<128x128xf32>
    %select_n3A_148 = arith.select %lt3A_146, %select_n3A, %select_n3A_143 : vector<128x128xi1>, vector<128x128xi32>
    %max3A_149 = arith.maximumf %min3A, %min3A_142 : vector<128x128xf32>
    %select_n3A_150 = arith.select %lt3A_146, %select_n3A_143, %select_n3A : vector<128x128xi1>, vector<128x128xi32>
    %lt3A_151 = arith.cmpf olt, %max3A, %max3A_144 : vector<128x128xf32>
    %min3A_152 = arith.minimumf %max3A, %max3A_144 : vector<128x128xf32>
    %select_n3A_153 = arith.select %lt3A_151, %select_n3A_140, %select_n3A_145 : vector<128x128xi1>, vector<128x128xi32>
    %max3A_154 = arith.maximumf %max3A, %max3A_144 : vector<128x128xf32>
    %select_n3A_155 = arith.select %lt3A_151, %select_n3A_145, %select_n3A_140 : vector<128x128xi1>, vector<128x128xi32>
    %lt3A_156 = arith.cmpf olt, %max3A_149, %min3A_152 : vector<128x128xf32>
    %min3A_157 = arith.minimumf %max3A_149, %min3A_152 : vector<128x128xf32>
    %select_n3A_158 = arith.select %lt3A_156, %select_n3A_150, %select_n3A_153 : vector<128x128xi1>, vector<128x128xi32>
    %max3A_159 = arith.maximumf %max3A_149, %min3A_152 : vector<128x128xf32>
    %select_n3A_160 = arith.select %lt3A_156, %select_n3A_153, %select_n3A_150 : vector<128x128xi1>, vector<128x128xi32>
    %get3A_161 = arith.constant 0 : index
    %get3A_162 = arith.constant 0 : index
    %get3A_163 = arith.constant 512 : index
    %get3A_164 = vector.load %arg2[%get3A_161, %get3A_162, %get3A_163] : memref<1x3x10240xf32, #tpu.memory_space<vmem>>, vector<1x1x128xf32>
    %get3A_165 = vector.shape_cast %get3A_164 : vector<1x1x128xf32> to vector<1x128xf32>
    %sub3A_166 = vector.broadcast %get3A_1 : vector<128x1xf32> to vector<128x128xf32>
    %sub3A_167 = vector.broadcast %get3A_165 : vector<1x128xf32> to vector<128x128xf32>
    %sub3A_168 = arith.subf %sub3A_166, %sub3A_167 : vector<128x128xf32>
    %get3A_169 = arith.constant 0 : index
    %get3A_170 = arith.constant 1 : index
    %get3A_171 = arith.constant 512 : index
    %get3A_172 = vector.load %arg2[%get3A_169, %get3A_170, %get3A_171] : memref<1x3x10240xf32, #tpu.memory_space<vmem>>, vector<1x1x128xf32>
    %get3A_173 = vector.shape_cast %get3A_172 : vector<1x1x128xf32> to vector<1x128xf32>
    %sub3A_174 = vector.broadcast %get3A_4 : vector<128x1xf32> to vector<128x128xf32>
    %sub3A_175 = vector.broadcast %get3A_173 : vector<1x128xf32> to vector<128x128xf32>
    %sub3A_176 = arith.subf %sub3A_174, %sub3A_175 : vector<128x128xf32>
    %get3A_177 = arith.constant 0 : index
    %get3A_178 = arith.constant 2 : index
    %get3A_179 = arith.constant 512 : index
    %get3A_180 = vector.load %arg2[%get3A_177, %get3A_178, %get3A_179] : memref<1x3x10240xf32, #tpu.memory_space<vmem>>, vector<1x1x128xf32>
    %get3A_181 = vector.shape_cast %get3A_180 : vector<1x1x128xf32> to vector<1x128xf32>
    %sub3A_182 = vector.broadcast %get3A_7 : vector<128x1xf32> to vector<128x128xf32>
    %sub3A_183 = vector.broadcast %get3A_181 : vector<1x128xf32> to vector<128x128xf32>
    %sub3A_184 = arith.subf %sub3A_182, %sub3A_183 : vector<128x128xf32>
    %mul3A_185 = arith.mulf %sub3A_168, %sub3A_168 : vector<128x128xf32>
    %mul3A_186 = arith.mulf %sub3A_176, %sub3A_176 : vector<128x128xf32>
    %add3A_187 = arith.addf %mul3A_185, %mul3A_186 : vector<128x128xf32>
    %mul3A_188 = arith.mulf %sub3A_184, %sub3A_184 : vector<128x128xf32>
    %add3A_189 = arith.addf %add3A_187, %mul3A_188 : vector<128x128xf32>
    %swap3A_190 = arith.constant 0 : index
    %swap3A_191 = arith.constant 512 : index
    %swap3A_192 = vector.load %arg5[%swap3A_190, %swap3A_191] : memref<128x10240xf32, #tpu.memory_space<vmem>>, vector<128x128xf32>
    tpu.vector_store %arg5[%swap3A_190, %swap3A_191], %add3A_189 {strides = array<i32>} : memref<128x10240xf32, #tpu.memory_space<vmem>>, vector<128x128xf32>,
    %get3A_193 = arith.constant 0 : index
    %get3A_194 = arith.constant 0 : index
    %get3A_195 = arith.constant 640 : index
    %get3A_196 = vector.load %arg2[%get3A_193, %get3A_194, %get3A_195] : memref<1x3x10240xf32, #tpu.memory_space<vmem>>, vector<1x1x128xf32>
    %get3A_197 = vector.shape_cast %get3A_196 : vector<1x1x128xf32> to vector<1x128xf32>
    %sub3A_198 = vector.broadcast %get3A_1 : vector<128x1xf32> to vector<128x128xf32>
    %sub3A_199 = vector.broadcast %get3A_197 : vector<1x128xf32> to vector<128x128xf32>
    %sub3A_200 = arith.subf %sub3A_198, %sub3A_199 : vector<128x128xf32>
    %get3A_201 = arith.constant 0 : index
    %get3A_202 = arith.constant 1 : index
    %get3A_203 = arith.constant 640 : index
    %get3A_204 = vector.load %arg2[%get3A_201, %get3A_202, %get3A_203] : memref<1x3x10240xf32, #tpu.memory_space<vmem>>, vector<1x1x128xf32>
    %get3A_205 = vector.shape_cast %get3A_204 : vector<1x1x128xf32> to vector<1x128xf32>
    %sub3A_206 = vector.broadcast %get3A_4 : vector<128x1xf32> to vector<128x128xf32>
    %sub3A_207 = vector.broadcast %get3A_205 : vector<1x128xf32> to vector<128x128xf32>
    %sub3A_208 = arith.subf %sub3A_206, %sub3A_207 : vector<128x128xf32>
    %get3A_209 = arith.constant 0 : index
    %get3A_210 = arith.constant 2 : index
    %get3A_211 = arith.constant 640 : index
    %get3A_212 = vector.load %arg2[%get3A_209, %get3A_210, %get3A_211] : memref<1x3x10240xf32, #tpu.memory_space<vmem>>, vector<1x1x128xf32>
    %get3A_213 = vector.shape_cast %get3A_212 : vector<1x1x128xf32> to vector<1x128xf32>
    %sub3A_214 = vector.broadcast %get3A_7 : vector<128x1xf32> to vector<128x128xf32>
    %sub3A_215 = vector.broadcast %get3A_213 : vector<1x128xf32> to vector<128x128xf32>
    %sub3A_216 = arith.subf %sub3A_214, %sub3A_215 : vector<128x128xf32>
    %mul3A_217 = arith.mulf %sub3A_200, %sub3A_200 : vector<128x128xf32>
    %mul3A_218 = arith.mulf %sub3A_208, %sub3A_208 : vector<128x128xf32>
    %add3A_219 = arith.addf %mul3A_217, %mul3A_218 : vector<128x128xf32>
    %mul3A_220 = arith.mulf %sub3A_216, %sub3A_216 : vector<128x128xf32>
    %add3A_221 = arith.addf %add3A_219, %mul3A_220 : vector<128x128xf32>
    %swap3A_222 = arith.constant 0 : index
    %swap3A_223 = arith.constant 640 : index
    %swap3A_224 = vector.load %arg5[%swap3A_222, %swap3A_223] : memref<128x10240xf32, #tpu.memory_space<vmem>>, vector<128x128xf32>
    tpu.vector_store %arg5[%swap3A_222, %swap3A_223], %add3A_221 {strides = array<i32>} : memref<128x10240xf32, #tpu.memory_space<vmem>>, vector<128x128xf32>,
    %get3A_225 = arith.constant 0 : index
    %get3A_226 = arith.constant 0 : index
    %get3A_227 = arith.constant 768 : index
    %get3A_228 = vector.load %arg2[%get3A_225, %get3A_226, %get3A_227] : memref<1x3x10240xf32, #tpu.memory_space<vmem>>, vector<1x1x128xf32>
    %get3A_229 = vector.shape_cast %get3A_228 : vector<1x1x128xf32> to vector<1x128xf32>
    %sub3A_230 = vector.broadcast %get3A_1 : vector<128x1xf32> to vector<128x128xf32>
    %sub3A_231 = vector.broadcast %get3A_229 : vector<1x128xf32> to vector<128x128xf32>
    %sub3A_232 = arith.subf %sub3A_230, %sub3A_231 : vector<128x128xf32>
    %get3A_233 = arith.constant 0 : index
    %get3A_234 = arith.constant 1 : index
    %get3A_235 = arith.constant 768 : index
    %get3A_236 = vector.load %arg2[%get3A_233, %get3A_234, %get3A_235] : memref<1x3x10240xf32, #tpu.memory_space<vmem>>, vector<1x1x128xf32>
    %get3A_237 = vector.shape_cast %get3A_236 : vector<1x1x128xf32> to vector<1x128xf32>
    %sub3A_238 = vector.broadcast %get3A_4 : vector<128x1xf32> to vector<128x128xf32>
    %sub3A_239 = vector.broadcast %get3A_237 : vector<1x128xf32> to vector<128x128xf32>
    %sub3A_240 = arith.subf %sub3A_238, %sub3A_239 : vector<128x128xf32>
    %get3A_241 = arith.constant 0 : index
    %get3A_242 = arith.constant 2 : index
    %get3A_243 = arith.constant 768 : index
    %get3A_244 = vector.load %arg2[%get3A_241, %get3A_242, %get3A_243] : memref<1x3x10240xf32, #tpu.memory_space<vmem>>, vector<1x1x128xf32>
    %get3A_245 = vector.shape_cast %get3A_244 : vector<1x1x128xf32> to vector<1x128xf32>
    %sub3A_246 = vector.broadcast %get3A_7 : vector<128x1xf32> to vector<128x128xf32>
    %sub3A_247 = vector.broadcast %get3A_245 : vector<1x128xf32> to vector<128x128xf32>
    %sub3A_248 = arith.subf %sub3A_246, %sub3A_247 : vector<128x128xf32>
    %mul3A_249 = arith.mulf %sub3A_232, %sub3A_232 : vector<128x128xf32>
    %mul3A_250 = arith.mulf %sub3A_240, %sub3A_240 : vector<128x128xf32>
    %add3A_251 = arith.addf %mul3A_249, %mul3A_250 : vector<128x128xf32>
    %mul3A_252 = arith.mulf %sub3A_248, %sub3A_248 : vector<128x128xf32>
    %add3A_253 = arith.addf %add3A_251, %mul3A_252 : vector<128x128xf32>
    %swap3A_254 = arith.constant 0 : index
    %swap3A_255 = arith.constant 768 : index
    %swap3A_256 = vector.load %arg5[%swap3A_254, %swap3A_255] : memref<128x10240xf32, #tpu.memory_space<vmem>>, vector<128x128xf32>
    tpu.vector_store %arg5[%swap3A_254, %swap3A_255], %add3A_253 {strides = array<i32>} : memref<128x10240xf32, #tpu.memory_space<vmem>>, vector<128x128xf32>,
    %get3A_257 = arith.constant 0 : index
    %get3A_258 = arith.constant 0 : index
    %get3A_259 = arith.constant 896 : index
    %get3A_260 = vector.load %arg2[%get3A_257, %get3A_258, %get3A_259] : memref<1x3x10240xf32, #tpu.memory_space<vmem>>, vector<1x1x128xf32>
    %get3A_261 = vector.shape_cast %get3A_260 : vector<1x1x128xf32> to vector<1x128xf32>
    %sub3A_262 = vector.broadcast %get3A_1 : vector<128x1xf32> to vector<128x128xf32>
    %sub3A_263 = vector.broadcast %get3A_261 : vector<1x128xf32> to vector<128x128xf32>
    %sub3A_264 = arith.subf %sub3A_262, %sub3A_263 : vector<128x128xf32>
    %get3A_265 = arith.constant 0 : index
    %get3A_266 = arith.constant 1 : index
    %get3A_267 = arith.constant 896 : index
    %get3A_268 = vector.load %arg2[%get3A_265, %get3A_266, %get3A_267] : memref<1x3x10240xf32, #tpu.memory_space<vmem>>, vector<1x1x128xf32>
    %get3A_269 = vector.shape_cast %get3A_268 : vector<1x1x128xf32> to vector<1x128xf32>
    %sub3A_270 = vector.broadcast %get3A_4 : vector<128x1xf32> to vector<128x128xf32>
    %sub3A_271 = vector.broadcast %get3A_269 : vector<1x128xf32> to vector<128x128xf32>
    %sub3A_272 = arith.subf %sub3A_270, %sub3A_271 : vector<128x128xf32>
    %get3A_273 = arith.constant 0 : index
    %get3A_274 = arith.constant 2 : index
    %get3A_275 = arith.constant 896 : index
    %get3A_276 = vector.load %arg2[%get3A_273, %get3A_274, %get3A_275] : memref<1x3x10240xf32, #tpu.memory_space<vmem>>, vector<1x1x128xf32>
    %get3A_277 = vector.shape_cast %get3A_276 : vector<1x1x128xf32> to vector<1x128xf32>
    %sub3A_278 = vector.broadcast %get3A_7 : vector<128x1xf32> to vector<128x128xf32>
    %sub3A_279 = vector.broadcast %get3A_277 : vector<1x128xf32> to vector<128x128xf32>
    %sub3A_280 = arith.subf %sub3A_278, %sub3A_279 : vector<128x128xf32>
    %mul3A_281 = arith.mulf %sub3A_264, %sub3A_264 : vector<128x128xf32>
    %mul3A_282 = arith.mulf %sub3A_272, %sub3A_272 : vector<128x128xf32>
    %add3A_283 = arith.addf %mul3A_281, %mul3A_282 : vector<128x128xf32>
    %mul3A_284 = arith.mulf %sub3A_280, %sub3A_280 : vector<128x128xf32>
    %add3A_285 = arith.addf %add3A_283, %mul3A_284 : vector<128x128xf32>
    %swap3A_286 = arith.constant 0 : index
    %swap3A_287 = arith.constant 896 : index
    %swap3A_288 = vector.load %arg5[%swap3A_286, %swap3A_287] : memref<128x10240xf32, #tpu.memory_space<vmem>>, vector<128x128xf32>
    tpu.vector_store %arg5[%swap3A_286, %swap3A_287], %add3A_285 {strides = array<i32>} : memref<128x10240xf32, #tpu.memory_space<vmem>>, vector<128x128xf32>,
    %broadcast_in_dim3A_289 = arith.constant 4 : i32
    %broadcast_in_dim3A_290 = vector.broadcast %broadcast_in_dim3A_289 : i32 to vector<128x128xi32>
    %broadcast_in_dim3A_291 = arith.constant 5 : i32
    %broadcast_in_dim3A_292 = vector.broadcast %broadcast_in_dim3A_291 : i32 to vector<128x128xi32>
    %broadcast_in_dim3A_293 = arith.constant 6 : i32
    %broadcast_in_dim3A_294 = vector.broadcast %broadcast_in_dim3A_293 : i32 to vector<128x128xi32>
    %broadcast_in_dim3A_295 = arith.constant 7 : i32
    %broadcast_in_dim3A_296 = vector.broadcast %broadcast_in_dim3A_295 : i32 to vector<128x128xi32>
    %lt3A_297 = arith.cmpf olt, %add3A_189, %add3A_221 : vector<128x128xf32>
    %min3A_298 = arith.minimumf %add3A_189, %add3A_221 : vector<128x128xf32>
    %select_n3A_299 = arith.select %lt3A_297, %broadcast_in_dim3A_290, %broadcast_in_dim3A_292 : vector<128x128xi1>, vector<128x128xi32>
    %max3A_300 = arith.maximumf %add3A_189, %add3A_221 : vector<128x128xf32>
    %select_n3A_301 = arith.select %lt3A_297, %broadcast_in_dim3A_292, %broadcast_in_dim3A_290 : vector<128x128xi1>, vector<128x128xi32>
    %lt3A_302 = arith.cmpf olt, %add3A_253, %add3A_285 : vector<128x128xf32>
    %min3A_303 = arith.minimumf %add3A_253, %add3A_285 : vector<128x128xf32>
    %select_n3A_304 = arith.select %lt3A_302, %broadcast_in_dim3A_294, %broadcast_in_dim3A_296 : vector<128x128xi1>, vector<128x128xi32>
    %max3A_305 = arith.maximumf %add3A_253, %add3A_285 : vector<128x128xf32>
    %select_n3A_306 = arith.select %lt3A_302, %broadcast_in_dim3A_296, %broadcast_in_dim3A_294 : vector<128x128xi1>, vector<128x128xi32>
    %lt3A_307 = arith.cmpf olt, %min3A_298, %min3A_303 : vector<128x128xf32>
    %min3A_308 = arith.minimumf %min3A_298, %min3A_303 : vector<128x128xf32>
    %select_n3A_309 = arith.select %lt3A_307, %select_n3A_299, %select_n3A_304 : vector<128x128xi1>, vector<128x128xi32>
    %max3A_310 = arith.maximumf %min3A_298, %min3A_303 : vector<128x128xf32>
    %select_n3A_311 = arith.select %lt3A_307, %select_n3A_304, %select_n3A_299 : vector<128x128xi1>, vector<128x128xi32>
    %lt3A_312 = arith.cmpf olt, %max3A_300, %max3A_305 : vector<128x128xf32>
    %min3A_313 = arith.minimumf %max3A_300, %max3A_305 : vector<128x128xf32>
    %select_n3A_314 = arith.select %lt3A_312, %select_n3A_301, %select_n3A_306 : vector<128x128xi1>, vector<128x128xi32>
    %max3A_315 = arith.maximumf %max3A_300, %max3A_305 : vector<128x128xf32>
    %select_n3A_316 = arith.select %lt3A_312, %select_n3A_306, %select_n3A_301 : vector<128x128xi1>, vector<128x128xi32>
    %lt3A_317 = arith.cmpf olt, %max3A_310, %min3A_313 : vector<128x128xf32>
    %min3A_318 = arith.minimumf %max3A_310, %min3A_313 : vector<128x128xf32>
    %select_n3A_319 = arith.select %lt3A_317, %select_n3A_311, %select_n3A_314 : vector<128x128xi1>, vector<128x128xi32>
    %max3A_320 = arith.maximumf %max3A_310, %min3A_313 : vector<128x128xf32>
    %select_n3A_321 = arith.select %lt3A_317, %select_n3A_314, %select_n3A_311 : vector<128x128xi1>, vector<128x128xi32>
    %get3A_322 = arith.constant 0 : index
    %get3A_323 = arith.constant 0 : index
    %get3A_324 = arith.constant 1024 : index
    %get3A_325 = vector.load %arg2[%get3A_322, %get3A_323, %get3A_324] : memref<1x3x10240xf32, #tpu.memory_space<vmem>>, vector<1x1x128xf32>
    %get3A_326 = vector.shape_cast %get3A_325 : vector<1x1x128xf32> to vector<1x128xf32>
    %sub3A_327 = vector.broadcast %get3A_1 : vector<128x1xf32> to vector<128x128xf32>
    %sub3A_328 = vector.broadcast %get3A_326 : vector<1x128xf32> to vector<128x128xf32>
    %sub3A_329 = arith.subf %sub3A_327, %sub3A_328 : vector<128x128xf32>
    %get3A_330 = arith.constant 0 : index
    %get3A_331 = arith.constant 1 : index
    %get3A_332 = arith.constant 1024 : index
    %get3A_333 = vector.load %arg2[%get3A_330, %get3A_331, %get3A_332] : memref<1x3x10240xf32, #tpu.memory_space<vmem>>, vector<1x1x128xf32>
    %get3A_334 = vector.shape_cast %get3A_333 : vector<1x1x128xf32> to vector<1x128xf32>
    %sub3A_335 = vector.broadcast %get3A_4 : vector<128x1xf32> to vector<128x128xf32>
    %sub3A_336 = vector.broadcast %get3A_334 : vector<1x128xf32> to vector<128x128xf32>
    %sub3A_337 = arith.subf %sub3A_335, %sub3A_336 : vector<128x128xf32>
    %get3A_338 = arith.constant 0 : index
    %get3A_339 = arith.constant 2 : index
    %get3A_340 = arith.constant 1024 : index
    %get3A_341 = vector.load %arg2[%get3A_338, %get3A_339, %get3A_340] : memref<1x3x10240xf32, #tpu.memory_space<vmem>>, vector<1x1x128xf32>
    %get3A_342 = vector.shape_cast %get3A_341 : vector<1x1x128xf32> to vector<1x128xf32>
    %sub3A_343 = vector.broadcast %get3A_7 : vector<128x1xf32> to vector<128x128xf32>
    %sub3A_344 = vector.broadcast %get3A_342 : vector<1x128xf32> to vector<128x128xf32>
    %sub3A_345 = arith.subf %sub3A_343, %sub3A_344 : vector<128x128xf32>
    %mul3A_346 = arith.mulf %sub3A_329, %sub3A_329 : vector<128x128xf32>
    %mul3A_347 = arith.mulf %sub3A_337, %sub3A_337 : vector<128x128xf32>
    %add3A_348 = arith.addf %mul3A_346, %mul3A_347 : vector<128x128xf32>
    %mul3A_349 = arith.mulf %sub3A_345, %sub3A_345 : vector<128x128xf32>
    %add3A_350 = arith.addf %add3A_348, %mul3A_349 : vector<128x128xf32>
    %swap3A_351 = arith.constant 0 : index
    %swap3A_352 = arith.constant 1024 : index
    %swap3A_353 = vector.load %arg5[%swap3A_351, %swap3A_352] : memref<128x10240xf32, #tpu.memory_space<vmem>>, vector<128x128xf32>
    tpu.vector_store %arg5[%swap3A_351, %swap3A_352], %add3A_350 {strides = array<i32>} : memref<128x10240xf32, #tpu.memory_space<vmem>>, vector<128x128xf32>,
    %get3A_354 = arith.constant 0 : index
    %get3A_355 = arith.constant 0 : index
    %get3A_356 = arith.constant 1152 : index
    %get3A_357 = vector.load %arg2[%get3A_354, %get3A_355, %get3A_356] : memref<1x3x10240xf32, #tpu.memory_space<vmem>>, vector<1x1x128xf32>
    %get3A_358 = vector.shape_cast %get3A_357 : vector<1x1x128xf32> to vector<1x128xf32>
    %sub3A_359 = vector.broadcast %get3A_1 : vector<128x1xf32> to vector<128x128xf32>
    %sub3A_360 = vector.broadcast %get3A_358 : vector<1x128xf32> to vector<128x128xf32>
    %sub3A_361 = arith.subf %sub3A_359, %sub3A_360 : vector<128x128xf32>
    %get3A_362 = arith.constant 0 : index
    %get3A_363 = arith.constant 1 : index
    %get3A_364 = arith.constant 1152 : index
    %get3A_365 = vector.load %arg2[%get3A_362, %get3A_363, %get3A_364] : memref<1x3x10240xf32, #tpu.memory_space<vmem>>, vector<1x1x128xf32>
    %get3A_366 = vector.shape_cast %get3A_365 : vector<1x1x128xf32> to vector<1x128xf32>
    %sub3A_367 = vector.broadcast %get3A_4 : vector<128x1xf32> to vector<128x128xf32>
    %sub3A_368 = vector.broadcast %get3A_366 : vector<1x128xf32> to vector<128x128xf32>
    %sub3A_369 = arith.subf %sub3A_367, %sub3A_368 : vector<128x128xf32>
    %get3A_370 = arith.constant 0 : index
    %get3A_371 = arith.constant 2 : index
    %get3A_372 = arith.constant 1152 : index
    %get3A_373 = vector.load %arg2[%get3A_370, %get3A_371, %get3A_372] : memref<1x3x10240xf32, #tpu.memory_space<vmem>>, vector<1x1x128xf32>
    %get3A_374 = vector.shape_cast %get3A_373 : vector<1x1x128xf32> to vector<1x128xf32>
    %sub3A_375 = vector.broadcast %get3A_7 : vector<128x1xf32> to vector<128x128xf32>
    %sub3A_376 = vector.broadcast %get3A_374 : vector<1x128xf32> to vector<128x128xf32>
    %sub3A_377 = arith.subf %sub3A_375, %sub3A_376 : vector<128x128xf32>
    %mul3A_378 = arith.mulf %sub3A_361, %sub3A_361 : vector<128x128xf32>
    %mul3A_379 = arith.mulf %sub3A_369, %sub3A_369 : vector<128x128xf32>
    %add3A_380 = arith.addf %mul3A_378, %mul3A_379 : vector<128x128xf32>
    %mul3A_381 = arith.mulf %sub3A_377, %sub3A_377 : vector<128x128xf32>
    %add3A_382 = arith.addf %add3A_380, %mul3A_381 : vector<128x128xf32>
    %swap3A_383 = arith.constant 0 : index
    %swap3A_384 = arith.constant 1152 : index
    %swap3A_385 = vector.load %arg5[%swap3A_383, %swap3A_384] : memref<128x10240xf32, #tpu.memory_space<vmem>>, vector<128x128xf32>
    tpu.vector_store %arg5[%swap3A_383, %swap3A_384], %add3A_382 {strides = array<i32>} : memref<128x10240xf32, #tpu.memory_space<vmem>>, vector<128x128xf32>,
    %get3A_386 = arith.constant 0 : index
    %get3A_387 = arith.constant 0 : index
    %get3A_388 = arith.constant 1280 : index
    %get3A_389 = vector.load %arg2[%get3A_386, %get3A_387, %get3A_388] : memref<1x3x10240xf32, #tpu.memory_space<vmem>>, vector<1x1x128xf32>
    %get3A_390 = vector.shape_cast %get3A_389 : vector<1x1x128xf32> to vector<1x128xf32>
    %sub3A_391 = vector.broadcast %get3A_1 : vector<128x1xf32> to vector<128x128xf32>
    %sub3A_392 = vector.broadcast %get3A_390 : vector<1x128xf32> to vector<128x128xf32>
    %sub3A_393 = arith.subf %sub3A_391, %sub3A_392 : vector<128x128xf32>
    %get3A_394 = arith.constant 0 : index
    %get3A_395 = arith.constant 1 : index
    %get3A_396 = arith.constant 1280 : index
    %get3A_397 = vector.load %arg2[%get3A_394, %get3A_395, %get3A_396] : memref<1x3x10240xf32, #tpu.memory_space<vmem>>, vector<1x1x128xf32>
    %get3A_398 = vector.shape_cast %get3A_397 : vector<1x1x128xf32> to vector<1x128xf32>
    %sub3A_399 = vector.broadcast %get3A_4 : vector<128x1xf32> to vector<128x128xf32>
    %sub3A_400 = vector.broadcast %get3A_398 : vector<1x128xf32> to vector<128x128xf32>
    %sub3A_401 = arith.subf %sub3A_399, %sub3A_400 : vector<128x128xf32>
    %get3A_402 = arith.constant 0 : index
    %get3A_403 = arith.constant 2 : index
    %get3A_404 = arith.constant 1280 : index
    %get3A_405 = vector.load %arg2[%get3A_402, %get3A_403, %get3A_404] : memref<1x3x10240xf32, #tpu.memory_space<vmem>>, vector<1x1x128xf32>
    %get3A_406 = vector.shape_cast %get3A_405 : vector<1x1x128xf32> to vector<1x128xf32>
    %sub3A_407 = vector.broadcast %get3A_7 : vector<128x1xf32> to vector<128x128xf32>
    %sub3A_408 = vector.broadcast %get3A_406 : vector<1x128xf32> to vector<128x128xf32>
    %sub3A_409 = arith.subf %sub3A_407, %sub3A_408 : vector<128x128xf32>
    %mul3A_410 = arith.mulf %sub3A_393, %sub3A_393 : vector<128x128xf32>
    %mul3A_411 = arith.mulf %sub3A_401, %sub3A_401 : vector<128x128xf32>
    %add3A_412 = arith.addf %mul3A_410, %mul3A_411 : vector<128x128xf32>
    %mul3A_413 = arith.mulf %sub3A_409, %sub3A_409 : vector<128x128xf32>
    %add3A_414 = arith.addf %add3A_412, %mul3A_413 : vector<128x128xf32>
    %swap3A_415 = arith.constant 0 : index
    %swap3A_416 = arith.constant 1280 : index
    %swap3A_417 = vector.load %arg5[%swap3A_415, %swap3A_416] : memref<128x10240xf32, #tpu.memory_space<vmem>>, vector<128x128xf32>
    tpu.vector_store %arg5[%swap3A_415, %swap3A_416], %add3A_414 {strides = array<i32>} : memref<128x10240xf32, #tpu.memory_space<vmem>>, vector<128x128xf32>,
    %get3A_418 = arith.constant 0 : index
    %get3A_419 = arith.constant 0 : index
    %get3A_420 = arith.constant 1408 : index
    %get3A_421 = vector.load %arg2[%get3A_418, %get3A_419, %get3A_420] : memref<1x3x10240xf32, #tpu.memory_space<vmem>>, vector<1x1x128xf32>
    %get3A_422 = vector.shape_cast %get3A_421 : vector<1x1x128xf32> to vector<1x128xf32>
    %sub3A_423 = vector.broadcast %get3A_1 : vector<128x1xf32> to vector<128x128xf32>
    %sub3A_424 = vector.broadcast %get3A_422 : vector<1x128xf32> to vector<128x128xf32>
    %sub3A_425 = arith.subf %sub3A_423, %sub3A_424 : vector<128x128xf32>
    %get3A_426 = arith.constant 0 : index
    %get3A_427 = arith.constant 1 : index
    %get3A_428 = arith.constant 1408 : index
    %get3A_429 = vector.load %arg2[%get3A_426, %get3A_427, %get3A_428] : memref<1x3x10240xf32, #tpu.memory_space<vmem>>, vector<1x1x128xf32>
    %get3A_430 = vector.shape_cast %get3A_429 : vector<1x1x128xf32> to vector<1x128xf32>
    %sub3A_431 = vector.broadcast %get3A_4 : vector<128x1xf32> to vector<128x128xf32>
    %sub3A_432 = vector.broadcast %get3A_430 : vector<1x128xf32> to vector<128x128xf32>
    %sub3A_433 = arith.subf %sub3A_431, %sub3A_432 : vector<128x128xf32>
    %get3A_434 = arith.constant 0 : index
    %get3A_435 = arith.constant 2 : index
    %get3A_436 = arith.constant 1408 : index
    %get3A_437 = vector.load %arg2[%get3A_434, %get3A_435, %get3A_436] : memref<1x3x10240xf32, #tpu.memory_space<vmem>>, vector<1x1x128xf32>
    %get3A_438 = vector.shape_cast %get3A_437 : vector<1x1x128xf32> to vector<1x128xf32>
    %sub3A_439 = vector.broadcast %get3A_7 : vector<128x1xf32> to vector<128x128xf32>
    %sub3A_440 = vector.broadcast %get3A_438 : vector<1x128xf32> to vector<128x128xf32>
    %sub3A_441 = arith.subf %sub3A_439, %sub3A_440 : vector<128x128xf32>
    %mul3A_442 = arith.mulf %sub3A_425, %sub3A_425 : vector<128x128xf32>
    %mul3A_443 = arith.mulf %sub3A_433, %sub3A_433 : vector<128x128xf32>
    %add3A_444 = arith.addf %mul3A_442, %mul3A_443 : vector<128x128xf32>
    %mul3A_445 = arith.mulf %sub3A_441, %sub3A_441 : vector<128x128xf32>
    %add3A_446 = arith.addf %add3A_444, %mul3A_445 : vector<128x128xf32>
    %swap3A_447 = arith.constant 0 : index
    %swap3A_448 = arith.constant 1408 : index
    %swap3A_449 = vector.load %arg5[%swap3A_447, %swap3A_448] : memref<128x10240xf32, #tpu.memory_space<vmem>>, vector<128x128xf32>
    tpu.vector_store %arg5[%swap3A_447, %swap3A_448], %add3A_446 {strides = array<i32>} : memref<128x10240xf32, #tpu.memory_space<vmem>>, vector<128x128xf32>,
    %broadcast_in_dim3A_450 = arith.constant 8 : i32
    %broadcast_in_dim3A_451 = vector.broadcast %broadcast_in_dim3A_450 : i32 to vector<128x128xi32>
    %broadcast_in_dim3A_452 = arith.constant 9 : i32
    %broadcast_in_dim3A_453 = vector.broadcast %broadcast_in_dim3A_452 : i32 to vector<128x128xi32>
    %broadcast_in_dim3A_454 = arith.constant 10 : i32
    %broadcast_in_dim3A_455 = vector.broadcast %broadcast_in_dim3A_454 : i32 to vector<128x128xi32>
    %broadcast_in_dim3A_456 = arith.constant 11 : i32
    %broadcast_in_dim3A_457 = vector.broadcast %broadcast_in_dim3A_456 : i32 to vector<128x128xi32>
    %lt3A_458 = arith.cmpf olt, %add3A_350, %add3A_382 : vector<128x128xf32>
    %min3A_459 = arith.minimumf %add3A_350, %add3A_382 : vector<128x128xf32>
    %select_n3A_460 = arith.select %lt3A_458, %broadcast_in_dim3A_451, %broadcast_in_dim3A_453 : vector<128x128xi1>, vector<128x128xi32>
    %max3A_461 = arith.maximumf %add3A_350, %add3A_382 : vector<128x128xf32>
    %select_n3A_462 = arith.select %lt3A_458, %broadcast_in_dim3A_453, %broadcast_in_dim3A_451 : vector<128x128xi1>, vector<128x128xi32>
    %lt3A_463 = arith.cmpf olt, %add3A_414, %add3A_446 : vector<128x128xf32>
    %min3A_464 = arith.minimumf %add3A_414, %add3A_446 : vector<128x128xf32>
    %select_n3A_465 = arith.select %lt3A_463, %broadcast_in_dim3A_455, %broadcast_in_dim3A_457 : vector<128x128xi1>, vector<128x128xi32>
    %max3A_466 = arith.maximumf %add3A_414, %add3A_446 : vector<128x128xf32>
    %select_n3A_467 = arith.select %lt3A_463, %broadcast_in_dim3A_457, %broadcast_in_dim3A_455 : vector<128x128xi1>, vector<128x128xi32>
    %lt3A_468 = arith.cmpf olt, %min3A_459, %min3A_464 : vector<128x128xf32>
    %min3A_469 = arith.minimumf %min3A_459, %min3A_464 : vector<128x128xf32>
    %select_n3A_470 = arith.select %lt3A_468, %select_n3A_460, %select_n3A_465 : vector<128x128xi1>, vector<128x128xi32>
    %max3A_471 = arith.maximumf %min3A_459, %min3A_464 : vector<128x128xf32>
    %select_n3A_472 = arith.select %lt3A_468, %select_n3A_465, %select_n3A_460 : vector<128x128xi1>, vector<128x128xi32>
    %lt3A_473 = arith.cmpf olt, %max3A_461, %max3A_466 : vector<128x128xf32>
    %min3A_474 = arith.minimumf %max3A_461, %max3A_466 : vector<128x128xf32>
    %select_n3A_475 = arith.select %lt3A_473, %select_n3A_462, %select_n3A_467 : vector<128x128xi1>, vector<128x128xi32>
    %max3A_476 = arith.maximumf %max3A_461, %max3A_466 : vector<128x128xf32>
    %select_n3A_477 = arith.select %lt3A_473, %select_n3A_467, %select_n3A_462 : vector<128x128xi1>, vector<128x128xi32>
    %lt3A_478 = arith.cmpf olt, %max3A_471, %min3A_474 : vector<128x128xf32>
    %min3A_479 = arith.minimumf %max3A_471, %min3A_474 : vector<128x128xf32>
    %select_n3A_480 = arith.select %lt3A_478, %select_n3A_472, %select_n3A_475 : vector<128x128xi1>, vector<128x128xi32>
    %max3A_481 = arith.maximumf %max3A_471, %min3A_474 : vector<128x128xf32>
    %select_n3A_482 = arith.select %lt3A_478, %select_n3A_475, %select_n3A_472 : vector<128x128xi1>, vector<128x128xi32>
    %get3A_483 = arith.constant 0 : index
    %get3A_484 = arith.constant 0 : index
    %get3A_485 = arith.constant 1536 : index
    %get3A_486 = vector.load %arg2[%get3A_483, %get3A_484, %get3A_485] : memref<1x3x10240xf32, #tpu.memory_space<vmem>>, vector<1x1x128xf32>
    %get3A_487 = vector.shape_cast %get3A_486 : vector<1x1x128xf32> to vector<1x128xf32>
    %sub3A_488 = vector.broadcast %get3A_1 : vector<128x1xf32> to vector<128x128xf32>
    %sub3A_489 = vector.broadcast %get3A_487 : vector<1x128xf32> to vector<128x128xf32>
    %sub3A_490 = arith.subf %sub3A_488, %sub3A_489 : vector<128x128xf32>
    %get3A_491 = arith.constant 0 : index
    %get3A_492 = arith.constant 1 : index
    %get3A_493 = arith.constant 1536 : index
    %get3A_494 = vector.load %arg2[%get3A_491, %get3A_492, %get3A_493] : memref<1x3x10240xf32, #tpu.memory_space<vmem>>, vector<1x1x128xf32>
    %get3A_495 = vector.shape_cast %get3A_494 : vector<1x1x128xf32> to vector<1x128xf32>
    %sub3A_496 = vector.broadcast %get3A_4 : vector<128x1xf32> to vector<128x128xf32>
    %sub3A_497 = vector.broadcast %get3A_495 : vector<1x128xf32> to vector<128x128xf32>
    %sub3A_498 = arith.subf %sub3A_496, %sub3A_497 : vector<128x128xf32>
    %get3A_499 = arith.constant 0 : index
    %get3A_500 = arith.constant 2 : index
    %get3A_501 = arith.constant 1536 : index
    %get3A_502 = vector.load %arg2[%get3A_499, %get3A_500, %get3A_501] : memref<1x3x10240xf32, #tpu.memory_space<vmem>>, vector<1x1x128xf32>
    %get3A_503 = vector.shape_cast %get3A_502 : vector<1x1x128xf32> to vector<1x128xf32>
    %sub3A_504 = vector.broadcast %get3A_7 : vector<128x1xf32> to vector<128x128xf32>
    %sub3A_505 = vector.broadcast %get3A_503 : vector<1x128xf32> to vector<128x128xf32>
    %sub3A_506 = arith.subf %sub3A_504, %sub3A_505 : vector<128x128xf32>
    %mul3A_507 = arith.mulf %sub3A_490, %sub3A_490 : vector<128x128xf32>
    %mul3A_508 = arith.mulf %sub3A_498, %sub3A_498 : vector<128x128xf32>
    %add3A_509 = arith.addf %mul3A_507, %mul3A_508 : vector<128x128xf32>
    %mul3A_510 = arith.mulf %sub3A_506, %sub3A_506 : vector<128x128xf32>
    %add3A_511 = arith.addf %add3A_509, %mul3A_510 : vector<128x128xf32>
    %swap3A_512 = arith.constant 0 : index
    %swap3A_513 = arith.constant 1536 : index
    %swap3A_514 = vector.load %arg5[%swap3A_512, %swap3A_513] : memref<128x10240xf32, #tpu.memory_space<vmem>>, vector<128x128xf32>
    tpu.vector_store %arg5[%swap3A_512, %swap3A_513], %add3A_511 {strides = array<i32>} : memref<128x10240xf32, #tpu.memory_space<vmem>>, vector<128x128xf32>,
    %get3A_515 = arith.constant 0 : index
    %get3A_516 = arith.constant 0 : index
    %get3A_517 = arith.constant 1664 : index
    %get3A_518 = vector.load %arg2[%get3A_515, %get3A_516, %get3A_517] : memref<1x3x10240xf32, #tpu.memory_space<vmem>>, vector<1x1x128xf32>
    %get3A_519 = vector.shape_cast %get3A_518 : vector<1x1x128xf32> to vector<1x128xf32>
    %sub3A_520 = vector.broadcast %get3A_1 : vector<128x1xf32> to vector<128x128xf32>
    %sub3A_521 = vector.broadcast %get3A_519 : vector<1x128xf32> to vector<128x128xf32>
    %sub3A_522 = arith.subf %sub3A_520, %sub3A_521 : vector<128x128xf32>
    %get3A_523 = arith.constant 0 : index
    %get3A_524 = arith.constant 1 : index
    %get3A_525 = arith.constant 1664 : index
    %get3A_526 = vector.load %arg2[%get3A_523, %get3A_524, %get3A_525] : memref<1x3x10240xf32, #tpu.memory_space<vmem>>, vector<1x1x128xf32>
    %get3A_527 = vector.shape_cast %get3A_526 : vector<1x1x128xf32> to vector<1x128xf32>
    %sub3A_528 = vector.broadcast %get3A_4 : vector<128x1xf32> to vector<128x128xf32>
    %sub3A_529 = vector.broadcast %get3A_527 : vector<1x128xf32> to vector<128x128xf32>
    %sub3A_530 = arith.subf %sub3A_528, %sub3A_529 : vector<128x128xf32>
    %get3A_531 = arith.constant 0 : index
    %get3A_532 = arith.constant 2 : index
    %get3A_533 = arith.constant 1664 : index
    %get3A_534 = vector.load %arg2[%get3A_531, %get3A_532, %get3A_533] : memref<1x3x10240xf32, #tpu.memory_space<vmem>>, vector<1x1x128xf32>
    %get3A_535 = vector.shape_cast %get3A_534 : vector<1x1x128xf32> to vector<1x128xf32>
    %sub3A_536 = vector.broadcast %get3A_7 : vector<128x1xf32> to vector<128x128xf32>
    %sub3A_537 = vector.broadcast %get3A_535 : vector<1x128xf32> to vector<128x128xf32>
    %sub3A_538 = arith.subf %sub3A_536, %sub3A_537 : vector<128x128xf32>
    %mul3A_539 = arith.mulf %sub3A_522, %sub3A_522 : vector<128x128xf32>
    %mul3A_540 = arith.mulf %sub3A_530, %sub3A_530 : vector<128x128xf32>
    %add3A_541 = arith.addf %mul3A_539, %mul3A_540 : vector<128x128xf32>
    %mul3A_542 = arith.mulf %sub3A_538, %sub3A_538 : vector<128x128xf32>
    %add3A_543 = arith.addf %add3A_541, %mul3A_542 : vector<128x128xf32>
    %swap3A_544 = arith.constant 0 : index
    %swap3A_545 = arith.constant 1664 : index
    %swap3A_546 = vector.load %arg5[%swap3A_544, %swap3A_545] : memref<128x10240xf32, #tpu.memory_space<vmem>>, vector<128x128xf32>
    tpu.vector_store %arg5[%swap3A_544, %swap3A_545], %add3A_543 {strides = array<i32>} : memref<128x10240xf32, #tpu.memory_space<vmem>>, vector<128x128xf32>,
    %get3A_547 = arith.constant 0 : index
    %get3A_548 = arith.constant 0 : index
    %get3A_549 = arith.constant 1792 : index
    %get3A_550 = vector.load %arg2[%get3A_547, %get3A_548, %get3A_549] : memref<1x3x10240xf32, #tpu.memory_space<vmem>>, vector<1x1x128xf32>
    %get3A_551 = vector.shape_cast %get3A_550 : vector<1x1x128xf32> to vector<1x128xf32>
    %sub3A_552 = vector.broadcast %get3A_1 : vector<128x1xf32> to vector<128x128xf32>
    %sub3A_553 = vector.broadcast %get3A_551 : vector<1x128xf32> to vector<128x128xf32>
    %sub3A_554 = arith.subf %sub3A_552, %sub3A_553 : vector<128x128xf32>
    %get3A_555 = arith.constant 0 : index
    %get3A_556 = arith.constant 1 : index
    %get3A_557 = arith.constant 1792 : index
    %get3A_558 = vector.load %arg2[%get3A_555, %get3A_556, %get3A_557] : memref<1x3x10240xf32, #tpu.memory_space<vmem>>, vector<1x1x128xf32>
    %get3A_559 = vector.shape_cast %get3A_558 : vector<1x1x128xf32> to vector<1x128xf32>
    %sub3A_560 = vector.broadcast %get3A_4 : vector<128x1xf32> to vector<128x128xf32>
    %sub3A_561 = vector.broadcast %get3A_559 : vector<1x128xf32> to vector<128x128xf32>
    %sub3A_562 = arith.subf %sub3A_560, %sub3A_561 : vector<128x128xf32>
    %get3A_563 = arith.constant 0 : index
    %get3A_564 = arith.constant 2 : index
    %get3A_565 = arith.constant 1792 : index
    %get3A_566 = vector.load %arg2[%get3A_563, %get3A_564, %get3A_565] : memref<1x3x10240xf32, #tpu.memory_space<vmem>>, vector<1x1x128xf32>
    %get3A_567 = vector.shape_cast %get3A_566 : vector<1x1x128xf32> to vector<1x128xf32>
    %sub3A_568 = vector.broadcast %get3A_7 : vector<128x1xf32> to vector<128x128xf32>
    %sub3A_569 = vector.broadcast %get3A_567 : vector<1x128xf32> to vector<128x128xf32>
    %sub3A_570 = arith.subf %sub3A_568, %sub3A_569 : vector<128x128xf32>
    %mul3A_571 = arith.mulf %sub3A_554, %sub3A_554 : vector<128x128xf32>
    %mul3A_572 = arith.mulf %sub3A_562, %sub3A_562 : vector<128x128xf32>
    %add3A_573 = arith.addf %mul3A_571, %mul3A_572 : vector<128x128xf32>
    %mul3A_574 = arith.mulf %sub3A_570, %sub3A_570 : vector<128x128xf32>
    %add3A_575 = arith.addf %add3A_573, %mul3A_574 : vector<128x128xf32>
    %swap3A_576 = arith.constant 0 : index
    %swap3A_577 = arith.constant 1792 : index
    %swap3A_578 = vector.load %arg5[%swap3A_576, %swap3A_577] : memref<128x10240xf32, #tpu.memory_space<vmem>>, vector<128x128xf32>
    tpu.vector_store %arg5[%swap3A_576, %swap3A_577], %add3A_575 {strides = array<i32>} : memref<128x10240xf32, #tpu.memory_space<vmem>>, vector<128x128xf32>,
    %get3A_579 = arith.constant 0 : index
    %get3A_580 = arith.constant 0 : index
    %get3A_581 = arith.constant 1920 : index
    %get3A_582 = vector.load %arg2[%get3A_579, %get3A_580, %get3A_581] : memref<1x3x10240xf32, #tpu.memory_space<vmem>>, vector<1x1x128xf32>
    %get3A_583 = vector.shape_cast %get3A_582 : vector<1x1x128xf32> to vector<1x128xf32>
    %sub3A_584 = vector.broadcast %get3A_1 : vector<128x1xf32> to vector<128x128xf32>
    %sub3A_585 = vector.broadcast %get3A_583 : vector<1x128xf32> to vector<128x128xf32>
    %sub3A_586 = arith.subf %sub3A_584, %sub3A_585 : vector<128x128xf32>
    %get3A_587 = arith.constant 0 : index
    %get3A_588 = arith.constant 1 : index
    %get3A_589 = arith.constant 1920 : index
    %get3A_590 = vector.load %arg2[%get3A_587, %get3A_588, %get3A_589] : memref<1x3x10240xf32, #tpu.memory_space<vmem>>, vector<1x1x128xf32>
    %get3A_591 = vector.shape_cast %get3A_590 : vector<1x1x128xf32> to vector<1x128xf32>
    %sub3A_592 = vector.broadcast %get3A_4 : vector<128x1xf32> to vector<128x128xf32>
    %sub3A_593 = vector.broadcast %get3A_591 : vector<1x128xf32> to vector<128x128xf32>
    %sub3A_594 = arith.subf %sub3A_592, %sub3A_593 : vector<128x128xf32>
    %get3A_595 = arith.constant 0 : index
    %get3A_596 = arith.constant 2 : index
    %get3A_597 = arith.constant 1920 : index
    %get3A_598 = vector.load %arg2[%get3A_595, %get3A_596, %get3A_597] : memref<1x3x10240xf32, #tpu.memory_space<vmem>>, vector<1x1x128xf32>
    %get3A_599 = vector.shape_cast %get3A_598 : vector<1x1x128xf32> to vector<1x128xf32>
    %sub3A_600 = vector.broadcast %get3A_7 : vector<128x1xf32> to vector<128x128xf32>
    %sub3A_601 = vector.broadcast %get3A_599 : vector<1x128xf32> to vector<128x128xf32>
    %sub3A_602 = arith.subf %sub3A_600, %sub3A_601 : vector<128x128xf32>
    %mul3A_603 = arith.mulf %sub3A_586, %sub3A_586 : vector<128x128xf32>
    %mul3A_604 = arith.mulf %sub3A_594, %sub3A_594 : vector<128x128xf32>
    %add3A_605 = arith.addf %mul3A_603, %mul3A_604 : vector<128x128xf32>
    %mul3A_606 = arith.mulf %sub3A_602, %sub3A_602 : vector<128x128xf32>
    %add3A_607 = arith.addf %add3A_605, %mul3A_606 : vector<128x128xf32>
    %swap3A_608 = arith.constant 0 : index
    %swap3A_609 = arith.constant 1920 : index
    %swap3A_610 = vector.load %arg5[%swap3A_608, %swap3A_609] : memref<128x10240xf32, #tpu.memory_space<vmem>>, vector<128x128xf32>
    tpu.vector_store %arg5[%swap3A_608, %swap3A_609], %add3A_607 {strides = array<i32>} : memref<128x10240xf32, #tpu.memory_space<vmem>>, vector<128x128xf32>,
    %broadcast_in_dim3A_611 = arith.constant 12 : i32
    %broadcast_in_dim3A_612 = vector.broadcast %broadcast_in_dim3A_611 : i32 to vector<128x128xi32>
    %broadcast_in_dim3A_613 = arith.constant 13 : i32
    %broadcast_in_dim3A_614 = vector.broadcast %broadcast_in_dim3A_613 : i32 to vector<128x128xi32>
    %broadcast_in_dim3A_615 = arith.constant 14 : i32
    %broadcast_in_dim3A_616 = vector.broadcast %broadcast_in_dim3A_615 : i32 to vector<128x128xi32>
    %broadcast_in_dim3A_617 = arith.constant 15 : i32
    %broadcast_in_dim3A_618 = vector.broadcast %broadcast_in_dim3A_617 : i32 to vector<128x128xi32>
    %lt3A_619 = arith.cmpf olt, %add3A_511, %add3A_543 : vector<128x128xf32>
    %min3A_620 = arith.minimumf %add3A_511, %add3A_543 : vector<128x128xf32>
    %select_n3A_621 = arith.select %lt3A_619, %broadcast_in_dim3A_612, %broadcast_in_dim3A_614 : vector<128x128xi1>, vector<128x128xi32>
    %max3A_622 = arith.maximumf %add3A_511, %add3A_543 : vector<128x128xf32>
    %select_n3A_623 = arith.select %lt3A_619, %broadcast_in_dim3A_614, %broadcast_in_dim3A_612 : vector<128x128xi1>, vector<128x128xi32>
    %lt3A_624 = arith.cmpf olt, %add3A_575, %add3A_607 : vector<128x128xf32>
    %min3A_625 = arith.minimumf %add3A_575, %add3A_607 : vector<128x128xf32>
    %select_n3A_626 = arith.select %lt3A_624, %broadcast_in_dim3A_616, %broadcast_in_dim3A_618 : vector<128x128xi1>, vector<128x128xi32>
    %max3A_627 = arith.maximumf %add3A_575, %add3A_607 : vector<128x128xf32>
    %select_n3A_628 = arith.select %lt3A_624, %broadcast_in_dim3A_618, %broadcast_in_dim3A_616 : vector<128x128xi1>, vector<128x128xi32>
    %lt3A_629 = arith.cmpf olt, %min3A_620, %min3A_625 : vector<128x128xf32>
    %min3A_630 = arith.minimumf %min3A_620, %min3A_625 : vector<128x128xf32>
    %select_n3A_631 = arith.select %lt3A_629, %select_n3A_621, %select_n3A_626 : vector<128x128xi1>, vector<128x128xi32>
    %max3A_632 = arith.maximumf %min3A_620, %min3A_625 : vector<128x128xf32>
    %select_n3A_633 = arith.select %lt3A_629, %select_n3A_626, %select_n3A_621 : vector<128x128xi1>, vector<128x128xi32>
    %lt3A_634 = arith.cmpf olt, %max3A_622, %max3A_627 : vector<128x128xf32>
    %min3A_635 = arith.minimumf %max3A_622, %max3A_627 : vector<128x128xf32>
    %select_n3A_636 = arith.select %lt3A_634, %select_n3A_623, %select_n3A_628 : vector<128x128xi1>, vector<128x128xi32>
    %max3A_637 = arith.maximumf %max3A_622, %max3A_627 : vector<128x128xf32>
    %select_n3A_638 = arith.select %lt3A_634, %select_n3A_628, %select_n3A_623 : vector<128x128xi1>, vector<128x128xi32>
    %lt3A_639 = arith.cmpf olt, %max3A_632, %min3A_635 : vector<128x128xf32>
    %min3A_640 = arith.minimumf %max3A_632, %min3A_635 : vector<128x128xf32>
    %select_n3A_641 = arith.select %lt3A_639, %select_n3A_633, %select_n3A_636 : vector<128x128xi1>, vector<128x128xi32>
    %max3A_642 = arith.maximumf %max3A_632, %min3A_635 : vector<128x128xf32>
    %select_n3A_643 = arith.select %lt3A_639, %select_n3A_636, %select_n3A_633 : vector<128x128xi1>, vector<128x128xi32>
    %get3A_644 = arith.constant 0 : index
    %get3A_645 = arith.constant 0 : index
    %get3A_646 = arith.constant 2048 : index
    %get3A_647 = vector.load %arg2[%get3A_644, %get3A_645, %get3A_646] : memref<1x3x10240xf32, #tpu.memory_space<vmem>>, vector<1x1x128xf32>
    %get3A_648 = vector.shape_cast %get3A_647 : vector<1x1x128xf32> to vector<1x128xf32>
    %sub3A_649 = vector.broadcast %get3A_1 : vector<128x1xf32> to vector<128x128xf32>
    %sub3A_650 = vector.broadcast %get3A_648 : vector<1x128xf32> to vector<128x128xf32>
    %sub3A_651 = arith.subf %sub3A_649, %sub3A_650 : vector<128x128xf32>
    %get3A_652 = arith.constant 0 : index
    %get3A_653 = arith.constant 1 : index
    %get3A_654 = arith.constant 2048 : index
    %get3A_655 = vector.load %arg2[%get3A_652, %get3A_653, %get3A_654] : memref<1x3x10240xf32, #tpu.memory_space<vmem>>, vector<1x1x128xf32>
    %get3A_656 = vector.shape_cast %get3A_655 : vector<1x1x128xf32> to vector<1x128xf32>
    %sub3A_657 = vector.broadcast %get3A_4 : vector<128x1xf32> to vector<128x128xf32>
    %sub3A_658 = vector.broadcast %get3A_656 : vector<1x128xf32> to vector<128x128xf32>
    %sub3A_659 = arith.subf %sub3A_657, %sub3A_658 : vector<128x128xf32>
    %get3A_660 = arith.constant 0 : index
    %get3A_661 = arith.constant 2 : index
    %get3A_662 = arith.constant 2048 : index
    %get3A_663 = vector.load %arg2[%get3A_660, %get3A_661, %get3A_662] : memref<1x3x10240xf32, #tpu.memory_space<vmem>>, vector<1x1x128xf32>
    %get3A_664 = vector.shape_cast %get3A_663 : vector<1x1x128xf32> to vector<1x128xf32>
    %sub3A_665 = vector.broadcast %get3A_7 : vector<128x1xf32> to vector<128x128xf32>
    %sub3A_666 = vector.broadcast %get3A_664 : vector<1x128xf32> to vector<128x128xf32>
    %sub3A_667 = arith.subf %sub3A_665, %sub3A_666 : vector<128x128xf32>
    %mul3A_668 = arith.mulf %sub3A_651, %sub3A_651 : vector<128x128xf32>
    %mul3A_669 = arith.mulf %sub3A_659, %sub3A_659 : vector<128x128xf32>
    %add3A_670 = arith.addf %mul3A_668, %mul3A_669 : vector<128x128xf32>
    %mul3A_671 = arith.mulf %sub3A_667, %sub3A_667 : vector<128x128xf32>
    %add3A_672 = arith.addf %add3A_670, %mul3A_671 : vector<128x128xf32>
    %swap3A_673 = arith.constant 0 : index
    %swap3A_674 = arith.constant 2048 : index
    %swap3A_675 = vector.load %arg5[%swap3A_673, %swap3A_674] : memref<128x10240xf32, #tpu.memory_space<vmem>>, vector<128x128xf32>
    tpu.vector_store %arg5[%swap3A_673, %swap3A_674], %add3A_672 {strides = array<i32>} : memref<128x10240xf32, #tpu.memory_space<vmem>>, vector<128x128xf32>,
    %get3A_676 = arith.constant 0 : index
    %get3A_677 = arith.constant 0 : index
    %get3A_678 = arith.constant 2176 : index
    %get3A_679 = vector.load %arg2[%get3A_676, %get3A_677, %get3A_678] : memref<1x3x10240xf32, #tpu.memory_space<vmem>>, vector<1x1x128xf32>
    %get3A_680 = vector.shape_cast %get3A_679 : vector<1x1x128xf32> to vector<1x128xf32>
    %sub3A_681 = vector.broadcast %get3A_1 : vector<128x1xf32> to vector<128x128xf32>
    %sub3A_682 = vector.broadcast %get3A_680 : vector<1x128xf32> to vector<128x128xf32>
    %sub3A_683 = arith.subf %sub3A_681, %sub3A_682 : vector<128x128xf32>
    %get3A_684 = arith.constant 0 : index
    %get3A_685 = arith.constant 1 : index
    %get3A_686 = arith.constant 2176 : index
    %get3A_687 = vector.load %arg2[%get3A_684, %get3A_685, %get3A_686] : memref<1x3x10240xf32, #tpu.memory_space<vmem>>, vector<1x1x128xf32>
    %get3A_688 = vector.shape_cast %get3A_687 : vector<1x1x128xf32> to vector<1x128xf32>
    %sub3A_689 = vector.broadcast %get3A_4 : vector<128x1xf32> to vector<128x128xf32>
    %sub3A_690 = vector.broadcast %get3A_688 : vector<1x128xf32> to vector<128x128xf32>
    %sub3A_691 = arith.subf %sub3A_689, %sub3A_690 : vector<128x128xf32>
    %get3A_692 = arith.constant 0 : index
    %get3A_693 = arith.constant 2 : index
    %get3A_694 = arith.constant 2176 : index
    %get3A_695 = vector.load %arg2[%get3A_692, %get3A_693, %get3A_694] : memref<1x3x10240xf32, #tpu.memory_space<vmem>>, vector<1x1x128xf32>
    %get3A_696 = vector.shape_cast %get3A_695 : vector<1x1x128xf32> to vector<1x128xf32>
    %sub3A_697 = vector.broadcast %get3A_7 : vector<128x1xf32> to vector<128x128xf32>
    %sub3A_698 = vector.broadcast %get3A_696 : vector<1x128xf32> to vector<128x128xf32>
    %sub3A_699 = arith.subf %sub3A_697, %sub3A_698 : vector<128x128xf32>
    %mul3A_700 = arith.mulf %sub3A_683, %sub3A_683 : vector<128x128xf32>
    %mul3A_701 = arith.mulf %sub3A_691, %sub3A_691 : vector<128x128xf32>
    %add3A_702 = arith.addf %mul3A_700, %mul3A_701 : vector<128x128xf32>
    %mul3A_703 = arith.mulf %sub3A_699, %sub3A_699 : vector<128x128xf32>
    %add3A_704 = arith.addf %add3A_702, %mul3A_703 : vector<128x128xf32>
    %swap3A_705 = arith.constant 0 : index
    %swap3A_706 = arith.constant 2176 : index
    %swap3A_707 = vector.load %arg5[%swap3A_705, %swap3A_706] : memref<128x10240xf32, #tpu.memory_space<vmem>>, vector<128x128xf32>
    tpu.vector_store %arg5[%swap3A_705, %swap3A_706], %add3A_704 {strides = array<i32>} : memref<128x10240xf32, #tpu.memory_space<vmem>>, vector<128x128xf32>,
    %get3A_708 = arith.constant 0 : index
    %get3A_709 = arith.constant 0 : index
    %get3A_710 = arith.constant 2304 : index
    %get3A_711 = vector.load %arg2[%get3A_708, %get3A_709, %get3A_710] : memref<1x3x10240xf32, #tpu.memory_space<vmem>>, vector<1x1x128xf32>
    %get3A_712 = vector.shape_cast %get3A_711 : vector<1x1x128xf32> to vector<1x128xf32>
    %sub3A_713 = vector.broadcast %get3A_1 : vector<128x1xf32> to vector<128x128xf32>
    %sub3A_714 = vector.broadcast %get3A_712 : vector<1x128xf32> to vector<128x128xf32>
    %sub3A_715 = arith.subf %sub3A_713, %sub3A_714 : vector<128x128xf32>
    %get3A_716 = arith.constant 0 : index
    %get3A_717 = arith.constant 1 : index
    %get3A_718 = arith.constant 2304 : index
    %get3A_719 = vector.load %arg2[%get3A_716, %get3A_717, %get3A_718] : memref<1x3x10240xf32, #tpu.memory_space<vmem>>, vector<1x1x128xf32>
    %get3A_720 = vector.shape_cast %get3A_719 : vector<1x1x128xf32> to vector<1x128xf32>
    %sub3A_721 = vector.broadcast %get3A_4 : vector<128x1xf32> to vector<128x128xf32>
    %sub3A_722 = vector.broadcast %get3A_720 : vector<1x128xf32> to vector<128x128xf32>
    %sub3A_723 = arith.subf %sub3A_721, %sub3A_722 : vector<128x128xf32>
    %get3A_724 = arith.constant 0 : index
    %get3A_725 = arith.constant 2 : index
    %get3A_726 = arith.constant 2304 : index
    %get3A_727 = vector.load %arg2[%get3A_724, %get3A_725, %get3A_726] : memref<1x3x10240xf32, #tpu.memory_space<vmem>>, vector<1x1x128xf32>
    %get3A_728 = vector.shape_cast %get3A_727 : vector<1x1x128xf32> to vector<1x128xf32>
    %sub3A_729 = vector.broadcast %get3A_7 : vector<128x1xf32> to vector<128x128xf32>
    %sub3A_730 = vector.broadcast %get3A_728 : vector<1x128xf32> to vector<128x128xf32>
    %sub3A_731 = arith.subf %sub3A_729, %sub3A_730 : vector<128x128xf32>
    %mul3A_732 = arith.mulf %sub3A_715, %sub3A_715 : vector<128x128xf32>
    %mul3A_733 = arith.mulf %sub3A_723, %sub3A_723 : vector<128x128xf32>
    %add3A_734 = arith.addf %mul3A_732, %mul3A_733 : vector<128x128xf32>
    %mul3A_735 = arith.mulf %sub3A_731, %sub3A_731 : vector<128x128xf32>
    %add3A_736 = arith.addf %add3A_734, %mul3A_735 : vector<128x128xf32>
    %swap3A_737 = arith.constant 0 : index
    %swap3A_738 = arith.constant 2304 : index
    %swap3A_739 = vector.load %arg5[%swap3A_737, %swap3A_738] : memref<128x10240xf32, #tpu.memory_space<vmem>>, vector<128x128xf32>
    tpu.vector_store %arg5[%swap3A_737, %swap3A_738], %add3A_736 {strides = array<i32>} : memref<128x10240xf32, #tpu.memory_space<vmem>>, vector<128x128xf32>,
    %get3A_740 = arith.constant 0 : index
    %get3A_741 = arith.constant 0 : index
    %get3A_742 = arith.constant 2432 : index
    %get3A_743 = vector.load %arg2[%get3A_740, %get3A_741, %get3A_742] : memref<1x3x10240xf32, #tpu.memory_space<vmem>>, vector<1x1x128xf32>
    %get3A_744 = vector.shape_cast %get3A_743 : vector<1x1x128xf32> to vector<1x128xf32>
    %sub3A_745 = vector.broadcast %get3A_1 : vector<128x1xf32> to vector<128x128xf32>
    %sub3A_746 = vector.broadcast %get3A_744 : vector<1x128xf32> to vector<128x128xf32>
    %sub3A_747 = arith.subf %sub3A_745, %sub3A_746 : vector<128x128xf32>
    %get3A_748 = arith.constant 0 : index
    %get3A_749 = arith.constant 1 : index
    %get3A_750 = arith.constant 2432 : index
    %get3A_751 = vector.load %arg2[%get3A_748, %get3A_749, %get3A_750] : memref<1x3x10240xf32, #tpu.memory_space<vmem>>, vector<1x1x128xf32>
    %get3A_752 = vector.shape_cast %get3A_751 : vector<1x1x128xf32> to vector<1x128xf32>
    %sub3A_753 = vector.broadcast %get3A_4 : vector<128x1xf32> to vector<128x128xf32>
    %sub3A_754 = vector.broadcast %get3A_752 : vector<1x128xf32> to vector<128x128xf32>
    %sub3A_755 = arith.subf %sub3A_753, %sub3A_754 : vector<128x128xf32>
    %get3A_756 = arith.constant 0 : index
    %get3A_757 = arith.constant 2 : index
    %get3A_758 = arith.constant 2432 : index
    %get3A_759 = vector.load %arg2[%get3A_756, %get3A_757, %get3A_758] : memref<1x3x10240xf32, #tpu.memory_space<vmem>>, vector<1x1x128xf32>
    %get3A_760 = vector.shape_cast %get3A_759 : vector<1x1x128xf32> to vector<1x128xf32>
    %sub3A_761 = vector.broadcast %get3A_7 : vector<128x1xf32> to vector<128x128xf32>
    %sub3A_762 = vector.broadcast %get3A_760 : vector<1x128xf32> to vector<128x128xf32>
    %sub3A_763 = arith.subf %sub3A_761, %sub3A_762 : vector<128x128xf32>
    %mul3A_764 = arith.mulf %sub3A_747, %sub3A_747 : vector<128x128xf32>
    %mul3A_765 = arith.mulf %sub3A_755, %sub3A_755 : vector<128x128xf32>
    %add3A_766 = arith.addf %mul3A_764, %mul3A_765 : vector<128x128xf32>
    %mul3A_767 = arith.mulf %sub3A_763, %sub3A_763 : vector<128x128xf32>
    %add3A_768 = arith.addf %add3A_766, %mul3A_767 : vector<128x128xf32>
    %swap3A_769 = arith.constant 0 : index
    %swap3A_770 = arith.constant 2432 : index
    %swap3A_771 = vector.load %arg5[%swap3A_769, %swap3A_770] : memref<128x10240xf32, #tpu.memory_space<vmem>>, vector<128x128xf32>
    tpu.vector_store %arg5[%swap3A_769, %swap3A_770], %add3A_768 {strides = array<i32>} : memref<128x10240xf32, #tpu.memory_space<vmem>>, vector<128x128xf32>,
    %broadcast_in_dim3A_772 = arith.constant 16 : i32
    %broadcast_in_dim3A_773 = vector.broadcast %broadcast_in_dim3A_772 : i32 to vector<128x128xi32>
    %broadcast_in_dim3A_774 = arith.constant 17 : i32
    %broadcast_in_dim3A_775 = vector.broadcast %broadcast_in_dim3A_774 : i32 to vector<128x128xi32>
    %broadcast_in_dim3A_776 = arith.constant 18 : i32
    %broadcast_in_dim3A_777 = vector.broadcast %broadcast_in_dim3A_776 : i32 to vector<128x128xi32>
    %broadcast_in_dim3A_778 = arith.constant 19 : i32
    %broadcast_in_dim3A_779 = vector.broadcast %broadcast_in_dim3A_778 : i32 to vector<128x128xi32>
    %lt3A_780 = arith.cmpf olt, %add3A_672, %add3A_704 : vector<128x128xf32>
    %min3A_781 = arith.minimumf %add3A_672, %add3A_704 : vector<128x128xf32>
    %select_n3A_782 = arith.select %lt3A_780, %broadcast_in_dim3A_773, %broadcast_in_dim3A_775 : vector<128x128xi1>, vector<128x128xi32>
    %max3A_783 = arith.maximumf %add3A_672, %add3A_704 : vector<128x128xf32>
    %select_n3A_784 = arith.select %lt3A_780, %broadcast_in_dim3A_775, %broadcast_in_dim3A_773 : vector<128x128xi1>, vector<128x128xi32>
    %lt3A_785 = arith.cmpf olt, %add3A_736, %add3A_768 : vector<128x128xf32>
    %min3A_786 = arith.minimumf %add3A_736, %add3A_768 : vector<128x128xf32>
    %select_n3A_787 = arith.select %lt3A_785, %broadcast_in_dim3A_777, %broadcast_in_dim3A_779 : vector<128x128xi1>, vector<128x128xi32>
    %max3A_788 = arith.maximumf %add3A_736, %add3A_768 : vector<128x128xf32>
    %select_n3A_789 = arith.select %lt3A_785, %broadcast_in_dim3A_779, %broadcast_in_dim3A_777 : vector<128x128xi1>, vector<128x128xi32>
    %lt3A_790 = arith.cmpf olt, %min3A_781, %min3A_786 : vector<128x128xf32>
    %min3A_791 = arith.minimumf %min3A_781, %min3A_786 : vector<128x128xf32>
    %select_n3A_792 = arith.select %lt3A_790, %select_n3A_782, %select_n3A_787 : vector<128x128xi1>, vector<128x128xi32>
    %max3A_793 = arith.maximumf %min3A_781, %min3A_786 : vector<128x128xf32>
    %select_n3A_794 = arith.select %lt3A_790, %select_n3A_787, %select_n3A_782 : vector<128x128xi1>, vector<128x128xi32>
    %lt3A_795 = arith.cmpf olt, %max3A_783, %max3A_788 : vector<128x128xf32>
    %min3A_796 = arith.minimumf %max3A_783, %max3A_788 : vector<128x128xf32>
    %select_n3A_797 = arith.select %lt3A_795, %select_n3A_784, %select_n3A_789 : vector<128x128xi1>, vector<128x128xi32>
    %max3A_798 = arith.maximumf %max3A_783, %max3A_788 : vector<128x128xf32>
    %select_n3A_799 = arith.select %lt3A_795, %select_n3A_789, %select_n3A_784 : vector<128x128xi1>, vector<128x128xi32>
    %lt3A_800 = arith.cmpf olt, %max3A_793, %min3A_796 : vector<128x128xf32>
    %min3A_801 = arith.minimumf %max3A_793, %min3A_796 : vector<128x128xf32>
    %select_n3A_802 = arith.select %lt3A_800, %select_n3A_794, %select_n3A_797 : vector<128x128xi1>, vector<128x128xi32>
    %max3A_803 = arith.maximumf %max3A_793, %min3A_796 : vector<128x128xf32>
    %select_n3A_804 = arith.select %lt3A_800, %select_n3A_797, %select_n3A_794 : vector<128x128xi1>, vector<128x128xi32>
    %get3A_805 = arith.constant 0 : index
    %get3A_806 = arith.constant 0 : index
    %get3A_807 = arith.constant 2560 : index
    %get3A_808 = vector.load %arg2[%get3A_805, %get3A_806, %get3A_807] : memref<1x3x10240xf32, #tpu.memory_space<vmem>>, vector<1x1x128xf32>
    %get3A_809 = vector.shape_cast %get3A_808 : vector<1x1x128xf32> to vector<1x128xf32>
    %sub3A_810 = vector.broadcast %get3A_1 : vector<128x1xf32> to vector<128x128xf32>
    %sub3A_811 = vector.broadcast %get3A_809 : vector<1x128xf32> to vector<128x128xf32>
    %sub3A_812 = arith.subf %sub3A_810, %sub3A_811 : vector<128x128xf32>
    %get3A_813 = arith.constant 0 : index
    %get3A_814 = arith.constant 1 : index
    %get3A_815 = arith.constant 2560 : index
    %get3A_816 = vector.load %arg2[%get3A_813, %get3A_814, %get3A_815] : memref<1x3x10240xf32, #tpu.memory_space<vmem>>, vector<1x1x128xf32>
    %get3A_817 = vector.shape_cast %get3A_816 : vector<1x1x128xf32> to vector<1x128xf32>
    %sub3A_818 = vector.broadcast %get3A_4 : vector<128x1xf32> to vector<128x128xf32>
    %sub3A_819 = vector.broadcast %get3A_817 : vector<1x128xf32> to vector<128x128xf32>
    %sub3A_820 = arith.subf %sub3A_818, %sub3A_819 : vector<128x128xf32>
    %get3A_821 = arith.constant 0 : index
    %get3A_822 = arith.constant 2 : index
    %get3A_823 = arith.constant 2560 : index
    %get3A_824 = vector.load %arg2[%get3A_821, %get3A_822, %get3A_823] : memref<1x3x10240xf32, #tpu.memory_space<vmem>>, vector<1x1x128xf32>
    %get3A_825 = vector.shape_cast %get3A_824 : vector<1x1x128xf32> to vector<1x128xf32>
    %sub3A_826 = vector.broadcast %get3A_7 : vector<128x1xf32> to vector<128x128xf32>
    %sub3A_827 = vector.broadcast %get3A_825 : vector<1x128xf32> to vector<128x128xf32>
    %sub3A_828 = arith.subf %sub3A_826, %sub3A_827 : vector<128x128xf32>
    %mul3A_829 = arith.mulf %sub3A_812, %sub3A_812 : vector<128x128xf32>
    %mul3A_830 = arith.mulf %sub3A_820, %sub3A_820 : vector<128x128xf32>
    %add3A_831 = arith.addf %mul3A_829, %mul3A_830 : vector<128x128xf32>
    %mul3A_832 = arith.mulf %sub3A_828, %sub3A_828 : vector<128x128xf32>
    %add3A_833 = arith.addf %add3A_831, %mul3A_832 : vector<128x128xf32>
    %swap3A_834 = arith.constant 0 : index
    %swap3A_835 = arith.constant 2560 : index
    %swap3A_836 = vector.load %arg5[%swap3A_834, %swap3A_835] : memref<128x10240xf32, #tpu.memory_space<vmem>>, vector<128x128xf32>
    tpu.vector_store %arg5[%swap3A_834, %swap3A_835], %add3A_833 {strides = array<i32>} : memref<128x10240xf32, #tpu.memory_space<vmem>>, vector<128x128xf32>,
    %get3A_837 = arith.constant 0 : index
    %get3A_838 = arith.constant 0 : index
    %get3A_839 = arith.constant 2688 : index
    %get3A_840 = vector.load %arg2[%get3A_837, %get3A_838, %get3A_839] : memref<1x3x10240xf32, #tpu.memory_space<vmem>>, vector<1x1x128xf32>
    %get3A_841 = vector.shape_cast %get3A_840 : vector<1x1x128xf32> to vector<1x128xf32>
    %sub3A_842 = vector.broadcast %get3A_1 : vector<128x1xf32> to vector<128x128xf32>
    %sub3A_843 = vector.broadcast %get3A_841 : vector<1x128xf32> to vector<128x128xf32>
    %sub3A_844 = arith.subf %sub3A_842, %sub3A_843 : vector<128x128xf32>
    %get3A_845 = arith.constant 0 : index
    %get3A_846 = arith.constant 1 : index
    %get3A_847 = arith.constant 2688 : index
    %get3A_848 = vector.load %arg2[%get3A_845, %get3A_846, %get3A_847] : memref<1x3x10240xf32, #tpu.memory_space<vmem>>, vector<1x1x128xf32>
    %get3A_849 = vector.shape_cast %get3A_848 : vector<1x1x128xf32> to vector<1x128xf32>
    %sub3A_850 = vector.broadcast %get3A_4 : vector<128x1xf32> to vector<128x128xf32>
    %sub3A_851 = vector.broadcast %get3A_849 : vector<1x128xf32> to vector<128x128xf32>
    %sub3A_852 = arith.subf %sub3A_850, %sub3A_851 : vector<128x128xf32>
    %get3A_853 = arith.constant 0 : index
    %get3A_854 = arith.constant 2 : index
    %get3A_855 = arith.constant 2688 : index
    %get3A_856 = vector.load %arg2[%get3A_853, %get3A_854, %get3A_855] : memref<1x3x10240xf32, #tpu.memory_space<vmem>>, vector<1x1x128xf32>
    %get3A_857 = vector.shape_cast %get3A_856 : vector<1x1x128xf32> to vector<1x128xf32>
    %sub3A_858 = vector.broadcast %get3A_7 : vector<128x1xf32> to vector<128x128xf32>
    %sub3A_859 = vector.broadcast %get3A_857 : vector<1x128xf32> to vector<128x128xf32>
    %sub3A_860 = arith.subf %sub3A_858, %sub3A_859 : vector<128x128xf32>
    %mul3A_861 = arith.mulf %sub3A_844, %sub3A_844 : vector<128x128xf32>
    %mul3A_862 = arith.mulf %sub3A_852, %sub3A_852 : vector<128x128xf32>
    %add3A_863 = arith.addf %mul3A_861, %mul3A_862 : vector<128x128xf32>
    %mul3A_864 = arith.mulf %sub3A_860, %sub3A_860 : vector<128x128xf32>
    %add3A_865 = arith.addf %add3A_863, %mul3A_864 : vector<128x128xf32>
    %swap3A_866 = arith.constant 0 : index
    %swap3A_867 = arith.constant 2688 : index
    %swap3A_868 = vector.load %arg5[%swap3A_866, %swap3A_867] : memref<128x10240xf32, #tpu.memory_space<vmem>>, vector<128x128xf32>
    tpu.vector_store %arg5[%swap3A_866, %swap3A_867], %add3A_865 {strides = array<i32>} : memref<128x10240xf32, #tpu.memory_space<vmem>>, vector<128x128xf32>,
    %get3A_869 = arith.constant 0 : index
    %get3A_870 = arith.constant 0 : index
    %get3A_871 = arith.constant 2816 : index
    %get3A_872 = vector.load %arg2[%get3A_869, %get3A_870, %get3A_871] : memref<1x3x10240xf32, #tpu.memory_space<vmem>>, vector<1x1x128xf32>
    %get3A_873 = vector.shape_cast %get3A_872 : vector<1x1x128xf32> to vector<1x128xf32>
    %sub3A_874 = vector.broadcast %get3A_1 : vector<128x1xf32> to vector<128x128xf32>
    %sub3A_875 = vector.broadcast %get3A_873 : vector<1x128xf32> to vector<128x128xf32>
    %sub3A_876 = arith.subf %sub3A_874, %sub3A_875 : vector<128x128xf32>
    %get3A_877 = arith.constant 0 : index
    %get3A_878 = arith.constant 1 : index
    %get3A_879 = arith.constant 2816 : index
    %get3A_880 = vector.load %arg2[%get3A_877, %get3A_878, %get3A_879] : memref<1x3x10240xf32, #tpu.memory_space<vmem>>, vector<1x1x128xf32>
    %get3A_881 = vector.shape_cast %get3A_880 : vector<1x1x128xf32> to vector<1x128xf32>
    %sub3A_882 = vector.broadcast %get3A_4 : vector<128x1xf32> to vector<128x128xf32>
    %sub3A_883 = vector.broadcast %get3A_881 : vector<1x128xf32> to vector<128x128xf32>
    %sub3A_884 = arith.subf %sub3A_882, %sub3A_883 : vector<128x128xf32>
    %get3A_885 = arith.constant 0 : index
    %get3A_886 = arith.constant 2 : index
    %get3A_887 = arith.constant 2816 : index
    %get3A_888 = vector.load %arg2[%get3A_885, %get3A_886, %get3A_887] : memref<1x3x10240xf32, #tpu.memory_space<vmem>>, vector<1x1x128xf32>
    %get3A_889 = vector.shape_cast %get3A_888 : vector<1x1x128xf32> to vector<1x128xf32>
    %sub3A_890 = vector.broadcast %get3A_7 : vector<128x1xf32> to vector<128x128xf32>
    %sub3A_891 = vector.broadcast %get3A_889 : vector<1x128xf32> to vector<128x128xf32>
    %sub3A_892 = arith.subf %sub3A_890, %sub3A_891 : vector<128x128xf32>
    %mul3A_893 = arith.mulf %sub3A_876, %sub3A_876 : vector<128x128xf32>
    %mul3A_894 = arith.mulf %sub3A_884, %sub3A_884 : vector<128x128xf32>
    %add3A_895 = arith.addf %mul3A_893, %mul3A_894 : vector<128x128xf32>
    %mul3A_896 = arith.mulf %sub3A_892, %sub3A_892 : vector<128x128xf32>
    %add3A_897 = arith.addf %add3A_895, %mul3A_896 : vector<128x128xf32>
    %swap3A_898 = arith.constant 0 : index
    %swap3A_899 = arith.constant 2816 : index
    %swap3A_900 = vector.load %arg5[%swap3A_898, %swap3A_899] : memref<128x10240xf32, #tpu.memory_space<vmem>>, vector<128x128xf32>
    tpu.vector_store %arg5[%swap3A_898, %swap3A_899], %add3A_897 {strides = array<i32>} : memref<128x10240xf32, #tpu.memory_space<vmem>>, vector<128x128xf32>,
    %get3A_901 = arith.constant 0 : index
    %get3A_902 = arith.constant 0 : index
    %get3A_903 = arith.constant 2944 : index
    %get3A_904 = vector.load %arg2[%get3A_901, %get3A_902, %get3A_903] : memref<1x3x10240xf32, #tpu.memory_space<vmem>>, vector<1x1x128xf32>
    %get3A_905 = vector.shape_cast %get3A_904 : vector<1x1x128xf32> to vector<1x128xf32>
    %sub3A_906 = vector.broadcast %get3A_1 : vector<128x1xf32> to vector<128x128xf32>
    %sub3A_907 = vector.broadcast %get3A_905 : vector<1x128xf32> to vector<128x128xf32>
    %sub3A_908 = arith.subf %sub3A_906, %sub3A_907 : vector<128x128xf32>
    %get3A_909 = arith.constant 0 : index
    %get3A_910 = arith.constant 1 : index
    %get3A_911 = arith.constant 2944 : index
    %get3A_912 = vector.load %arg2[%get3A_909, %get3A_910, %get3A_911] : memref<1x3x10240xf32, #tpu.memory_space<vmem>>, vector<1x1x128xf32>
    %get3A_913 = vector.shape_cast %get3A_912 : vector<1x1x128xf32> to vector<1x128xf32>
    %sub3A_914 = vector.broadcast %get3A_4 : vector<128x1xf32> to vector<128x128xf32>
    %sub3A_915 = vector.broadcast %get3A_913 : vector<1x128xf32> to vector<128x128xf32>
    %sub3A_916 = arith.subf %sub3A_914, %sub3A_915 : vector<128x128xf32>
    %get3A_917 = arith.constant 0 : index
    %get3A_918 = arith.constant 2 : index
    %get3A_919 = arith.constant 2944 : index
    %get3A_920 = vector.load %arg2[%get3A_917, %get3A_918, %get3A_919] : memref<1x3x10240xf32, #tpu.memory_space<vmem>>, vector<1x1x128xf32>
    %get3A_921 = vector.shape_cast %get3A_920 : vector<1x1x128xf32> to vector<1x128xf32>
    %sub3A_922 = vector.broadcast %get3A_7 : vector<128x1xf32> to vector<128x128xf32>
    %sub3A_923 = vector.broadcast %get3A_921 : vector<1x128xf32> to vector<128x128xf32>
    %sub3A_924 = arith.subf %sub3A_922, %sub3A_923 : vector<128x128xf32>
    %mul3A_925 = arith.mulf %sub3A_908, %sub3A_908 : vector<128x128xf32>
    %mul3A_926 = arith.mulf %sub3A_916, %sub3A_916 : vector<128x128xf32>
    %add3A_927 = arith.addf %mul3A_925, %mul3A_926 : vector<128x128xf32>
    %mul3A_928 = arith.mulf %sub3A_924, %sub3A_924 : vector<128x128xf32>
    %add3A_929 = arith.addf %add3A_927, %mul3A_928 : vector<128x128xf32>
    %swap3A_930 = arith.constant 0 : index
    %swap3A_931 = arith.constant 2944 : index
    %swap3A_932 = vector.load %arg5[%swap3A_930, %swap3A_931] : memref<128x10240xf32, #tpu.memory_space<vmem>>, vector<128x128xf32>
    tpu.vector_store %arg5[%swap3A_930, %swap3A_931], %add3A_929 {strides = array<i32>} : memref<128x10240xf32, #tpu.memory_space<vmem>>, vector<128x128xf32>,
    %broadcast_in_dim3A_933 = arith.constant 20 : i32
    %broadcast_in_dim3A_934 = vector.broadcast %broadcast_in_dim3A_933 : i32 to vector<128x128xi32>
    %broadcast_in_dim3A_935 = arith.constant 21 : i32
    %broadcast_in_dim3A_936 = vector.broadcast %broadcast_in_dim3A_935 : i32 to vector<128x128xi32>
    %broadcast_in_dim3A_937 = arith.constant 22 : i32
    %broadcast_in_dim3A_938 = vector.broadcast %broadcast_in_dim3A_937 : i32 to vector<128x128xi32>
    %broadcast_in_dim3A_939 = arith.constant 23 : i32
    %broadcast_in_dim3A_940 = vector.broadcast %broadcast_in_dim3A_939 : i32 to vector<128x128xi32>
    %lt3A_941 = arith.cmpf olt, %add3A_833, %add3A_865 : vector<128x128xf32>
    %min3A_942 = arith.minimumf %add3A_833, %add3A_865 : vector<128x128xf32>
    %select_n3A_943 = arith.select %lt3A_941, %broadcast_in_dim3A_934, %broadcast_in_dim3A_936 : vector<128x128xi1>, vector<128x128xi32>
    %max3A_944 = arith.maximumf %add3A_833, %add3A_865 : vector<128x128xf32>
    %select_n3A_945 = arith.select %lt3A_941, %broadcast_in_dim3A_936, %broadcast_in_dim3A_934 : vector<128x128xi1>, vector<128x128xi32>
    %lt3A_946 = arith.cmpf olt, %add3A_897, %add3A_929 : vector<128x128xf32>
    %min3A_947 = arith.minimumf %add3A_897, %add3A_929 : vector<128x128xf32>
    %select_n3A_948 = arith.select %lt3A_946, %broadcast_in_dim3A_938, %broadcast_in_dim3A_940 : vector<128x128xi1>, vector<128x128xi32>
    %max3A_949 = arith.maximumf %add3A_897, %add3A_929 : vector<128x128xf32>
    %select_n3A_950 = arith.select %lt3A_946, %broadcast_in_dim3A_940, %broadcast_in_dim3A_938 : vector<128x128xi1>, vector<128x128xi32>
    %lt3A_951 = arith.cmpf olt, %min3A_942, %min3A_947 : vector<128x128xf32>
    %min3A_952 = arith.minimumf %min3A_942, %min3A_947 : vector<128x128xf32>
    %select_n3A_953 = arith.select %lt3A_951, %select_n3A_943, %select_n3A_948 : vector<128x128xi1>, vector<128x128xi32>
    %max3A_954 = arith.maximumf %min3A_942, %min3A_947 : vector<128x128xf32>
    %select_n3A_955 = arith.select %lt3A_951, %select_n3A_948, %select_n3A_943 : vector<128x128xi1>, vector<128x128xi32>
    %lt3A_956 = arith.cmpf olt, %max3A_944, %max3A_949 : vector<128x128xf32>
    %min3A_957 = arith.minimumf %max3A_944, %max3A_949 : vector<128x128xf32>
    %select_n3A_958 = arith.select %lt3A_956, %select_n3A_945, %select_n3A_950 : vector<128x128xi1>, vector<128x128xi32>
    %max3A_959 = arith.maximumf %max3A_944, %max3A_949 : vector<128x128xf32>
    %select_n3A_960 = arith.select %lt3A_956, %select_n3A_950, %select_n3A_945 : vector<128x128xi1>, vector<128x128xi32>
    %lt3A_961 = arith.cmpf olt, %max3A_954, %min3A_957 : vector<128x128xf32>
    %min3A_962 = arith.minimumf %max3A_954, %min3A_957 : vector<128x128xf32>
    %select_n3A_963 = arith.select %lt3A_961, %select_n3A_955, %select_n3A_958 : vector<128x128xi1>, vector<128x128xi32>
    %max3A_964 = arith.maximumf %max3A_954, %min3A_957 : vector<128x128xf32>
    %select_n3A_965 = arith.select %lt3A_961, %select_n3A_958, %select_n3A_955 : vector<128x128xi1>, vector<128x128xi32>
    %get3A_966 = arith.constant 0 : index
    %get3A_967 = arith.constant 0 : index
    %get3A_968 = arith.constant 3072 : index
    %get3A_969 = vector.load %arg2[%get3A_966, %get3A_967, %get3A_968] : memref<1x3x10240xf32, #tpu.memory_space<vmem>>, vector<1x1x128xf32>
    %get3A_970 = vector.shape_cast %get3A_969 : vector<1x1x128xf32> to vector<1x128xf32>
    %sub3A_971 = vector.broadcast %get3A_1 : vector<128x1xf32> to vector<128x128xf32>
    %sub3A_972 = vector.broadcast %get3A_970 : vector<1x128xf32> to vector<128x128xf32>
    %sub3A_973 = arith.subf %sub3A_971, %sub3A_972 : vector<128x128xf32>
    %get3A_974 = arith.constant 0 : index
    %get3A_975 = arith.constant 1 : index
    %get3A_976 = arith.constant 3072 : index
    %get3A_977 = vector.load %arg2[%get3A_974, %get3A_975, %get3A_976] : memref<1x3x10240xf32, #tpu.memory_space<vmem>>, vector<1x1x128xf32>
    %get3A_978 = vector.shape_cast %get3A_977 : vector<1x1x128xf32> to vector<1x128xf32>
    %sub3A_979 = vector.broadcast %get3A_4 : vector<128x1xf32> to vector<128x128xf32>
    %sub3A_980 = vector.broadcast %get3A_978 : vector<1x128xf32> to vector<128x128xf32>
    %sub3A_981 = arith.subf %sub3A_979, %sub3A_980 : vector<128x128xf32>
    %get3A_982 = arith.constant 0 : index
    %get3A_983 = arith.constant 2 : index
    %get3A_984 = arith.constant 3072 : index
    %get3A_985 = vector.load %arg2[%get3A_982, %get3A_983, %get3A_984] : memref<1x3x10240xf32, #tpu.memory_space<vmem>>, vector<1x1x128xf32>
    %get3A_986 = vector.shape_cast %get3A_985 : vector<1x1x128xf32> to vector<1x128xf32>
    %sub3A_987 = vector.broadcast %get3A_7 : vector<128x1xf32> to vector<128x128xf32>
    %sub3A_988 = vector.broadcast %get3A_986 : vector<1x128xf32> to vector<128x128xf32>
    %sub3A_989 = arith.subf %sub3A_987, %sub3A_988 : vector<128x128xf32>
    %mul3A_990 = arith.mulf %sub3A_973, %sub3A_973 : vector<128x128xf32>
    %mul3A_991 = arith.mulf %sub3A_981, %sub3A_981 : vector<128x128xf32>
    %add3A_992 = arith.addf %mul3A_990, %mul3A_991 : vector<128x128xf32>
    %mul3A_993 = arith.mulf %sub3A_989, %sub3A_989 : vector<128x128xf32>
    %add3A_994 = arith.addf %add3A_992, %mul3A_993 : vector<128x128xf32>
    %swap3A_995 = arith.constant 0 : index
    %swap3A_996 = arith.constant 3072 : index
    %swap3A_997 = vector.load %arg5[%swap3A_995, %swap3A_996] : memref<128x10240xf32, #tpu.memory_space<vmem>>, vector<128x128xf32>
    tpu.vector_store %arg5[%swap3A_995, %swap3A_996], %add3A_994 {strides = array<i32>} : memref<128x10240xf32, #tpu.memory_space<vmem>>, vector<128x128xf32>,
    %get3A_998 = arith.constant 0 : index
    %get3A_999 = arith.constant 0 : index
    %get3A_1000 = arith.constant 3200 : index
    %get3A_1001 = vector.load %arg2[%get3A_998, %get3A_999, %get3A_1000] : memref<1x3x10240xf32, #tpu.memory_space<vmem>>, vector<1x1x128xf32>
    %get3A_1002 = vector.shape_cast %get3A_1001 : vector<1x1x128xf32> to vector<1x128xf32>
    %sub3A_1003 = vector.broadcast %get3A_1 : vector<128x1xf32> to vector<128x128xf32>
    %sub3A_1004 = vector.broadcast %get3A_1002 : vector<1x128xf32> to vector<128x128xf32>
    %sub3A_1005 = arith.subf %sub3A_1003, %sub3A_1004 : vector<128x128xf32>
    %get3A_1006 = arith.constant 0 : index
    %get3A_1007 = arith.constant 1 : index
    %get3A_1008 = arith.constant 3200 : index
    %get3A_1009 = vector.load %arg2[%get3A_1006, %get3A_1007, %get3A_1008] : memref<1x3x10240xf32, #tpu.memory_space<vmem>>, vector<1x1x128xf32>
    %get3A_1010 = vector.shape_cast %get3A_1009 : vector<1x1x128xf32> to vector<1x128xf32>
    %sub3A_1011 = vector.broadcast %get3A_4 : vector<128x1xf32> to vector<128x128xf32>
    %sub3A_1012 = vector.broadcast %get3A_1010 : vector<1x128xf32> to vector<128x128xf32>
    %sub3A_1013 = arith.subf %sub3A_1011, %sub3A_1012 : vector<128x128xf32>
    %get3A_1014 = arith.constant 0 : index
    %get3A_1015 = arith.constant 2 : index
    %get3A_1016 = arith.constant 3200 : index
    %get3A_1017 = vector.load %arg2[%get3A_1014, %get3A_1015, %get3A_1016] : memref<1x3x10240xf32, #tpu.memory_space<vmem>>, vector<1x1x128xf32>
    %get3A_1018 = vector.shape_cast %get3A_1017 : vector<1x1x128xf32> to vector<1x128xf32>
    %sub3A_1019 = vector.broadcast %get3A_7 : vector<128x1xf32> to vector<128x128xf32>
    %sub3A_1020 = vector.broadcast %get3A_1018 : vector<1x128xf32> to vector<128x128xf32>
    %sub3A_1021 = arith.subf %sub3A_1019, %sub3A_1020 : vector<128x128xf32>
    %mul3A_1022 = arith.mulf %sub3A_1005, %sub3A_1005 : vector<128x128xf32>
    %mul3A_1023 = arith.mulf %sub3A_1013, %sub3A_1013 : vector<128x128xf32>
    %add3A_1024 = arith.addf %mul3A_1022, %mul3A_1023 : vector<128x128xf32>
    %mul3A_1025 = arith.mulf %sub3A_1021, %sub3A_1021 : vector<128x128xf32>
    %add3A_1026 = arith.addf %add3A_1024, %mul3A_1025 : vector<128x128xf32>
    %swap3A_1027 = arith.constant 0 : index
    %swap3A_1028 = arith.constant 3200 : index
    %swap3A_1029 = vector.load %arg5[%swap3A_1027, %swap3A_1028] : memref<128x10240xf32, #tpu.memory_space<vmem>>, vector<128x128xf32>
    tpu.vector_store %arg5[%swap3A_1027, %swap3A_1028], %add3A_1026 {strides = array<i32>} : memref<128x10240xf32, #tpu.memory_space<vmem>>, vector<128x128xf32>,
    %get3A_1030 = arith.constant 0 : index
    %get3A_1031 = arith.constant 0 : index
    %get3A_1032 = arith.constant 3328 : index
    %get3A_1033 = vector.load %arg2[%get3A_1030, %get3A_1031, %get3A_1032] : memref<1x3x10240xf32, #tpu.memory_space<vmem>>, vector<1x1x128xf32>
    %get3A_1034 = vector.shape_cast %get3A_1033 : vector<1x1x128xf32> to vector<1x128xf32>
    %sub3A_1035 = vector.broadcast %get3A_1 : vector<128x1xf32> to vector<128x128xf32>
    %sub3A_1036 = vector.broadcast %get3A_1034 : vector<1x128xf32> to vector<128x128xf32>
    %sub3A_1037 = arith.subf %sub3A_1035, %sub3A_1036 : vector<128x128xf32>
    %get3A_1038 = arith.constant 0 : index
    %get3A_1039 = arith.constant 1 : index
    %get3A_1040 = arith.constant 3328 : index
    %get3A_1041 = vector.load %arg2[%get3A_1038, %get3A_1039, %get3A_1040] : memref<1x3x10240xf32, #tpu.memory_space<vmem>>, vector<1x1x128xf32>
    %get3A_1042 = vector.shape_cast %get3A_1041 : vector<1x1x128xf32> to vector<1x128xf32>
    %sub3A_1043 = vector.broadcast %get3A_4 : vector<128x1xf32> to vector<128x128xf32>
    %sub3A_1044 = vector.broadcast %get3A_1042 : vector<1x128xf32> to vector<128x128xf32>
    %sub3A_1045 = arith.subf %sub3A_1043, %sub3A_1044 : vector<128x128xf32>
    %get3A_1046 = arith.constant 0 : index
    %get3A_1047 = arith.constant 2 : index
    %get3A_1048 = arith.constant 3328 : index
    %get3A_1049 = vector.load %arg2[%get3A_1046, %get3A_1047, %get3A_1048] : memref<1x3x10240xf32, #tpu.memory_space<vmem>>, vector<1x1x128xf32>
    %get3A_1050 = vector.shape_cast %get3A_1049 : vector<1x1x128xf32> to vector<1x128xf32>
    %sub3A_1051 = vector.broadcast %get3A_7 : vector<128x1xf32> to vector<128x128xf32>
    %sub3A_1052 = vector.broadcast %get3A_1050 : vector<1x128xf32> to vector<128x128xf32>
    %sub3A_1053 = arith.subf %sub3A_1051, %sub3A_1052 : vector<128x128xf32>
    %mul3A_1054 = arith.mulf %sub3A_1037, %sub3A_1037 : vector<128x128xf32>
    %mul3A_1055 = arith.mulf %sub3A_1045, %sub3A_1045 : vector<128x128xf32>
    %add3A_1056 = arith.addf %mul3A_1054, %mul3A_1055 : vector<128x128xf32>
    %mul3A_1057 = arith.mulf %sub3A_1053, %sub3A_1053 : vector<128x128xf32>
    %add3A_1058 = arith.addf %add3A_1056, %mul3A_1057 : vector<128x128xf32>
    %swap3A_1059 = arith.constant 0 : index
    %swap3A_1060 = arith.constant 3328 : index
    %swap3A_1061 = vector.load %arg5[%swap3A_1059, %swap3A_1060] : memref<128x10240xf32, #tpu.memory_space<vmem>>, vector<128x128xf32>
    tpu.vector_store %arg5[%swap3A_1059, %swap3A_1060], %add3A_1058 {strides = array<i32>} : memref<128x10240xf32, #tpu.memory_space<vmem>>, vector<128x128xf32>,
    %get3A_1062 = arith.constant 0 : index
    %get3A_1063 = arith.constant 0 : index
    %get3A_1064 = arith.constant 3456 : index
    %get3A_1065 = vector.load %arg2[%get3A_1062, %get3A_1063, %get3A_1064] : memref<1x3x10240xf32, #tpu.memory_space<vmem>>, vector<1x1x128xf32>
    %get3A_1066 = vector.shape_cast %get3A_1065 : vector<1x1x128xf32> to vector<1x128xf32>
    %sub3A_1067 = vector.broadcast %get3A_1 : vector<128x1xf32> to vector<128x128xf32>
    %sub3A_1068 = vector.broadcast %get3A_1066 : vector<1x128xf32> to vector<128x128xf32>
    %sub3A_1069 = arith.subf %sub3A_1067, %sub3A_1068 : vector<128x128xf32>
    %get3A_1070 = arith.constant 0 : index
    %get3A_1071 = arith.constant 1 : index
    %get3A_1072 = arith.constant 3456 : index
    %get3A_1073 = vector.load %arg2[%get3A_1070, %get3A_1071, %get3A_1072] : memref<1x3x10240xf32, #tpu.memory_space<vmem>>, vector<1x1x128xf32>
    %get3A_1074 = vector.shape_cast %get3A_1073 : vector<1x1x128xf32> to vector<1x128xf32>
    %sub3A_1075 = vector.broadcast %get3A_4 : vector<128x1xf32> to vector<128x128xf32>
    %sub3A_1076 = vector.broadcast %get3A_1074 : vector<1x128xf32> to vector<128x128xf32>
    %sub3A_1077 = arith.subf %sub3A_1075, %sub3A_1076 : vector<128x128xf32>
    %get3A_1078 = arith.constant 0 : index
    %get3A_1079 = arith.constant 2 : index
    %get3A_1080 = arith.constant 3456 : index
    %get3A_1081 = vector.load %arg2[%get3A_1078, %get3A_1079, %get3A_1080] : memref<1x3x10240xf32, #tpu.memory_space<vmem>>, vector<1x1x128xf32>
    %get3A_1082 = vector.shape_cast %get3A_1081 : vector<1x1x128xf32> to vector<1x128xf32>
    %sub3A_1083 = vector.broadcast %get3A_7 : vector<128x1xf32> to vector<128x128xf32>
    %sub3A_1084 = vector.broadcast %get3A_1082 : vector<1x128xf32> to vector<128x128xf32>
    %sub3A_1085 = arith.subf %sub3A_1083, %sub3A_1084 : vector<128x128xf32>
    %mul3A_1086 = arith.mulf %sub3A_1069, %sub3A_1069 : vector<128x128xf32>
    %mul3A_1087 = arith.mulf %sub3A_1077, %sub3A_1077 : vector<128x128xf32>
    %add3A_1088 = arith.addf %mul3A_1086, %mul3A_1087 : vector<128x128xf32>
    %mul3A_1089 = arith.mulf %sub3A_1085, %sub3A_1085 : vector<128x128xf32>
    %add3A_1090 = arith.addf %add3A_1088, %mul3A_1089 : vector<128x128xf32>
    %swap3A_1091 = arith.constant 0 : index
    %swap3A_1092 = arith.constant 3456 : index
    %swap3A_1093 = vector.load %arg5[%swap3A_1091, %swap3A_1092] : memref<128x10240xf32, #tpu.memory_space<vmem>>, vector<128x128xf32>
    tpu.vector_store %arg5[%swap3A_1091, %swap3A_1092], %add3A_1090 {strides = array<i32>} : memref<128x10240xf32, #tpu.memory_space<vmem>>, vector<128x128xf32>,
    %broadcast_in_dim3A_1094 = arith.constant 24 : i32
    %broadcast_in_dim3A_1095 = vector.broadcast %broadcast_in_dim3A_1094 : i32 to vector<128x128xi32>
    %broadcast_in_dim3A_1096 = arith.constant 25 : i32
    %broadcast_in_dim3A_1097 = vector.broadcast %broadcast_in_dim3A_1096 : i32 to vector<128x128xi32>
    %broadcast_in_dim3A_1098 = arith.constant 26 : i32
    %broadcast_in_dim3A_1099 = vector.broadcast %broadcast_in_dim3A_1098 : i32 to vector<128x128xi32>
    %broadcast_in_dim3A_1100 = arith.constant 27 : i32
    %broadcast_in_dim3A_1101 = vector.broadcast %broadcast_in_dim3A_1100 : i32 to vector<128x128xi32>
    %lt3A_1102 = arith.cmpf olt, %add3A_994, %add3A_1026 : vector<128x128xf32>
    %min3A_1103 = arith.minimumf %add3A_994, %add3A_1026 : vector<128x128xf32>
    %select_n3A_1104 = arith.select %lt3A_1102, %broadcast_in_dim3A_1095, %broadcast_in_dim3A_1097 : vector<128x128xi1>, vector<128x128xi32>
    %max3A_1105 = arith.maximumf %add3A_994, %add3A_1026 : vector<128x128xf32>
    %select_n3A_1106 = arith.select %lt3A_1102, %broadcast_in_dim3A_1097, %broadcast_in_dim3A_1095 : vector<128x128xi1>, vector<128x128xi32>
    %lt3A_1107 = arith.cmpf olt, %add3A_1058, %add3A_1090 : vector<128x128xf32>
    %min3A_1108 = arith.minimumf %add3A_1058, %add3A_1090 : vector<128x128xf32>
    %select_n3A_1109 = arith.select %lt3A_1107, %broadcast_in_dim3A_1099, %broadcast_in_dim3A_1101 : vector<128x128xi1>, vector<128x128xi32>
    %max3A_1110 = arith.maximumf %add3A_1058, %add3A_1090 : vector<128x128xf32>
    %select_n3A_1111 = arith.select %lt3A_1107, %broadcast_in_dim3A_1101, %broadcast_in_dim3A_1099 : vector<128x128xi1>, vector<128x128xi32>
    %lt3A_1112 = arith.cmpf olt, %min3A_1103, %min3A_1108 : vector<128x128xf32>
    %min3A_1113 = arith.minimumf %min3A_1103, %min3A_1108 : vector<128x128xf32>
    %select_n3A_1114 = arith.select %lt3A_1112, %select_n3A_1104, %select_n3A_1109 : vector<128x128xi1>, vector<128x128xi32>
    %max3A_1115 = arith.maximumf %min3A_1103, %min3A_1108 : vector<128x128xf32>
    %select_n3A_1116 = arith.select %lt3A_1112, %select_n3A_1109, %select_n3A_1104 : vector<128x128xi1>, vector<128x128xi32>
    %lt3A_1117 = arith.cmpf olt, %max3A_1105, %max3A_1110 : vector<128x128xf32>
    %min3A_1118 = arith.minimumf %max3A_1105, %max3A_1110 : vector<128x128xf32>
    %select_n3A_1119 = arith.select %lt3A_1117, %select_n3A_1106, %select_n3A_1111 : vector<128x128xi1>, vector<128x128xi32>
    %max3A_1120 = arith.maximumf %max3A_1105, %max3A_1110 : vector<128x128xf32>
    %select_n3A_1121 = arith.select %lt3A_1117, %select_n3A_1111, %select_n3A_1106 : vector<128x128xi1>, vector<128x128xi32>
    %lt3A_1122 = arith.cmpf olt, %max3A_1115, %min3A_1118 : vector<128x128xf32>
    %min3A_1123 = arith.minimumf %max3A_1115, %min3A_1118 : vector<128x128xf32>
    %select_n3A_1124 = arith.select %lt3A_1122, %select_n3A_1116, %select_n3A_1119 : vector<128x128xi1>, vector<128x128xi32>
    %max3A_1125 = arith.maximumf %max3A_1115, %min3A_1118 : vector<128x128xf32>
    %select_n3A_1126 = arith.select %lt3A_1122, %select_n3A_1119, %select_n3A_1116 : vector<128x128xi1>, vector<128x128xi32>
    %get3A_1127 = arith.constant 0 : index
    %get3A_1128 = arith.constant 0 : index
    %get3A_1129 = arith.constant 3584 : index
    %get3A_1130 = vector.load %arg2[%get3A_1127, %get3A_1128, %get3A_1129] : memref<1x3x10240xf32, #tpu.memory_space<vmem>>, vector<1x1x128xf32>
    %get3A_1131 = vector.shape_cast %get3A_1130 : vector<1x1x128xf32> to vector<1x128xf32>
    %sub3A_1132 = vector.broadcast %get3A_1 : vector<128x1xf32> to vector<128x128xf32>
    %sub3A_1133 = vector.broadcast %get3A_1131 : vector<1x128xf32> to vector<128x128xf32>
    %sub3A_1134 = arith.subf %sub3A_1132, %sub3A_1133 : vector<128x128xf32>
    %get3A_1135 = arith.constant 0 : index
    %get3A_1136 = arith.constant 1 : index
    %get3A_1137 = arith.constant 3584 : index
    %get3A_1138 = vector.load %arg2[%get3A_1135, %get3A_1136, %get3A_1137] : memref<1x3x10240xf32, #tpu.memory_space<vmem>>, vector<1x1x128xf32>
    %get3A_1139 = vector.shape_cast %get3A_1138 : vector<1x1x128xf32> to vector<1x128xf32>
    %sub3A_1140 = vector.broadcast %get3A_4 : vector<128x1xf32> to vector<128x128xf32>
    %sub3A_1141 = vector.broadcast %get3A_1139 : vector<1x128xf32> to vector<128x128xf32>
    %sub3A_1142 = arith.subf %sub3A_1140, %sub3A_1141 : vector<128x128xf32>
    %get3A_1143 = arith.constant 0 : index
    %get3A_1144 = arith.constant 2 : index
    %get3A_1145 = arith.constant 3584 : index
    %get3A_1146 = vector.load %arg2[%get3A_1143, %get3A_1144, %get3A_1145] : memref<1x3x10240xf32, #tpu.memory_space<vmem>>, vector<1x1x128xf32>
    %get3A_1147 = vector.shape_cast %get3A_1146 : vector<1x1x128xf32> to vector<1x128xf32>
    %sub3A_1148 = vector.broadcast %get3A_7 : vector<128x1xf32> to vector<128x128xf32>
    %sub3A_1149 = vector.broadcast %get3A_1147 : vector<1x128xf32> to vector<128x128xf32>
    %sub3A_1150 = arith.subf %sub3A_1148, %sub3A_1149 : vector<128x128xf32>
    %mul3A_1151 = arith.mulf %sub3A_1134, %sub3A_1134 : vector<128x128xf32>
    %mul3A_1152 = arith.mulf %sub3A_1142, %sub3A_1142 : vector<128x128xf32>
    %add3A_1153 = arith.addf %mul3A_1151, %mul3A_1152 : vector<128x128xf32>
    %mul3A_1154 = arith.mulf %sub3A_1150, %sub3A_1150 : vector<128x128xf32>
    %add3A_1155 = arith.addf %add3A_1153, %mul3A_1154 : vector<128x128xf32>
    %swap3A_1156 = arith.constant 0 : index
    %swap3A_1157 = arith.constant 3584 : index
    %swap3A_1158 = vector.load %arg5[%swap3A_1156, %swap3A_1157] : memref<128x10240xf32, #tpu.memory_space<vmem>>, vector<128x128xf32>
    tpu.vector_store %arg5[%swap3A_1156, %swap3A_1157], %add3A_1155 {strides = array<i32>} : memref<128x10240xf32, #tpu.memory_space<vmem>>, vector<128x128xf32>,
    %get3A_1159 = arith.constant 0 : index
    %get3A_1160 = arith.constant 0 : index
    %get3A_1161 = arith.constant 3712 : index
    %get3A_1162 = vector.load %arg2[%get3A_1159, %get3A_1160, %get3A_1161] : memref<1x3x10240xf32, #tpu.memory_space<vmem>>, vector<1x1x128xf32>
    %get3A_1163 = vector.shape_cast %get3A_1162 : vector<1x1x128xf32> to vector<1x128xf32>
    %sub3A_1164 = vector.broadcast %get3A_1 : vector<128x1xf32> to vector<128x128xf32>
    %sub3A_1165 = vector.broadcast %get3A_1163 : vector<1x128xf32> to vector<128x128xf32>
    %sub3A_1166 = arith.subf %sub3A_1164, %sub3A_1165 : vector<128x128xf32>
    %get3A_1167 = arith.constant 0 : index
    %get3A_1168 = arith.constant 1 : index
    %get3A_1169 = arith.constant 3712 : index
    %get3A_1170 = vector.load %arg2[%get3A_1167, %get3A_1168, %get3A_1169] : memref<1x3x10240xf32, #tpu.memory_space<vmem>>, vector<1x1x128xf32>
    %get3A_1171 = vector.shape_cast %get3A_1170 : vector<1x1x128xf32> to vector<1x128xf32>
    %sub3A_1172 = vector.broadcast %get3A_4 : vector<128x1xf32> to vector<128x128xf32>
    %sub3A_1173 = vector.broadcast %get3A_1171 : vector<1x128xf32> to vector<128x128xf32>
    %sub3A_1174 = arith.subf %sub3A_1172, %sub3A_1173 : vector<128x128xf32>
    %get3A_1175 = arith.constant 0 : index
    %get3A_1176 = arith.constant 2 : index
    %get3A_1177 = arith.constant 3712 : index
    %get3A_1178 = vector.load %arg2[%get3A_1175, %get3A_1176, %get3A_1177] : memref<1x3x10240xf32, #tpu.memory_space<vmem>>, vector<1x1x128xf32>
    %get3A_1179 = vector.shape_cast %get3A_1178 : vector<1x1x128xf32> to vector<1x128xf32>
    %sub3A_1180 = vector.broadcast %get3A_7 : vector<128x1xf32> to vector<128x128xf32>
    %sub3A_1181 = vector.broadcast %get3A_1179 : vector<1x128xf32> to vector<128x128xf32>
    %sub3A_1182 = arith.subf %sub3A_1180, %sub3A_1181 : vector<128x128xf32>
    %mul3A_1183 = arith.mulf %sub3A_1166, %sub3A_1166 : vector<128x128xf32>
    %mul3A_1184 = arith.mulf %sub3A_1174, %sub3A_1174 : vector<128x128xf32>
    %add3A_1185 = arith.addf %mul3A_1183, %mul3A_1184 : vector<128x128xf32>
    %mul3A_1186 = arith.mulf %sub3A_1182, %sub3A_1182 : vector<128x128xf32>
    %add3A_1187 = arith.addf %add3A_1185, %mul3A_1186 : vector<128x128xf32>
    %swap3A_1188 = arith.constant 0 : index
    %swap3A_1189 = arith.constant 3712 : index
    %swap3A_1190 = vector.load %arg5[%swap3A_1188, %swap3A_1189] : memref<128x10240xf32, #tpu.memory_space<vmem>>, vector<128x128xf32>
    tpu.vector_store %arg5[%swap3A_1188, %swap3A_1189], %add3A_1187 {strides = array<i32>} : memref<128x10240xf32, #tpu.memory_space<vmem>>, vector<128x128xf32>,
    %get3A_1191 = arith.constant 0 : index
    %get3A_1192 = arith.constant 0 : index
    %get3A_1193 = arith.constant 3840 : index
    %get3A_1194 = vector.load %arg2[%get3A_1191, %get3A_1192, %get3A_1193] : memref<1x3x10240xf32, #tpu.memory_space<vmem>>, vector<1x1x128xf32>
    %get3A_1195 = vector.shape_cast %get3A_1194 : vector<1x1x128xf32> to vector<1x128xf32>
    %sub3A_1196 = vector.broadcast %get3A_1 : vector<128x1xf32> to vector<128x128xf32>
    %sub3A_1197 = vector.broadcast %get3A_1195 : vector<1x128xf32> to vector<128x128xf32>
    %sub3A_1198 = arith.subf %sub3A_1196, %sub3A_1197 : vector<128x128xf32>
    %get3A_1199 = arith.constant 0 : index
    %get3A_1200 = arith.constant 1 : index
    %get3A_1201 = arith.constant 3840 : index
    %get3A_1202 = vector.load %arg2[%get3A_1199, %get3A_1200, %get3A_1201] : memref<1x3x10240xf32, #tpu.memory_space<vmem>>, vector<1x1x128xf32>
    %get3A_1203 = vector.shape_cast %get3A_1202 : vector<1x1x128xf32> to vector<1x128xf32>
    %sub3A_1204 = vector.broadcast %get3A_4 : vector<128x1xf32> to vector<128x128xf32>
    %sub3A_1205 = vector.broadcast %get3A_1203 : vector<1x128xf32> to vector<128x128xf32>
    %sub3A_1206 = arith.subf %sub3A_1204, %sub3A_1205 : vector<128x128xf32>
    %get3A_1207 = arith.constant 0 : index
    %get3A_1208 = arith.constant 2 : index
    %get3A_1209 = arith.constant 3840 : index
    %get3A_1210 = vector.load %arg2[%get3A_1207, %get3A_1208, %get3A_1209] : memref<1x3x10240xf32, #tpu.memory_space<vmem>>, vector<1x1x128xf32>
    %get3A_1211 = vector.shape_cast %get3A_1210 : vector<1x1x128xf32> to vector<1x128xf32>
    %sub3A_1212 = vector.broadcast %get3A_7 : vector<128x1xf32> to vector<128x128xf32>
    %sub3A_1213 = vector.broadcast %get3A_1211 : vector<1x128xf32> to vector<128x128xf32>
    %sub3A_1214 = arith.subf %sub3A_1212, %sub3A_1213 : vector<128x128xf32>
    %mul3A_1215 = arith.mulf %sub3A_1198, %sub3A_1198 : vector<128x128xf32>
    %mul3A_1216 = arith.mulf %sub3A_1206, %sub3A_1206 : vector<128x128xf32>
    %add3A_1217 = arith.addf %mul3A_1215, %mul3A_1216 : vector<128x128xf32>
    %mul3A_1218 = arith.mulf %sub3A_1214, %sub3A_1214 : vector<128x128xf32>
    %add3A_1219 = arith.addf %add3A_1217, %mul3A_1218 : vector<128x128xf32>
    %swap3A_1220 = arith.constant 0 : index
    %swap3A_1221 = arith.constant 3840 : index
    %swap3A_1222 = vector.load %arg5[%swap3A_1220, %swap3A_1221] : memref<128x10240xf32, #tpu.memory_space<vmem>>, vector<128x128xf32>
    tpu.vector_store %arg5[%swap3A_1220, %swap3A_1221], %add3A_1219 {strides = array<i32>} : memref<128x10240xf32, #tpu.memory_space<vmem>>, vector<128x128xf32>,
    %get3A_1223 = arith.constant 0 : index
    %get3A_1224 = arith.constant 0 : index
    %get3A_1225 = arith.constant 3968 : index
    %get3A_1226 = vector.load %arg2[%get3A_1223, %get3A_1224, %get3A_1225] : memref<1x3x10240xf32, #tpu.memory_space<vmem>>, vector<1x1x128xf32>
    %get3A_1227 = vector.shape_cast %get3A_1226 : vector<1x1x128xf32> to vector<1x128xf32>
    %sub3A_1228 = vector.broadcast %get3A_1 : vector<128x1xf32> to vector<128x128xf32>
    %sub3A_1229 = vector.broadcast %get3A_1227 : vector<1x128xf32> to vector<128x128xf32>
    %sub3A_1230 = arith.subf %sub3A_1228, %sub3A_1229 : vector<128x128xf32>
    %get3A_1231 = arith.constant 0 : index
    %get3A_1232 = arith.constant 1 : index
    %get3A_1233 = arith.constant 3968 : index
    %get3A_1234 = vector.load %arg2[%get3A_1231, %get3A_1232, %get3A_1233] : memref<1x3x10240xf32, #tpu.memory_space<vmem>>, vector<1x1x128xf32>
    %get3A_1235 = vector.shape_cast %get3A_1234 : vector<1x1x128xf32> to vector<1x128xf32>
    %sub3A_1236 = vector.broadcast %get3A_4 : vector<128x1xf32> to vector<128x128xf32>
    %sub3A_1237 = vector.broadcast %get3A_1235 : vector<1x128xf32> to vector<128x128xf32>
    %sub3A_1238 = arith.subf %sub3A_1236, %sub3A_1237 : vector<128x128xf32>
    %get3A_1239 = arith.constant 0 : index
    %get3A_1240 = arith.constant 2 : index
    %get3A_1241 = arith.constant 3968 : index
    %get3A_1242 = vector.load %arg2[%get3A_1239, %get3A_1240, %get3A_1241] : memref<1x3x10240xf32, #tpu.memory_space<vmem>>, vector<1x1x128xf32>
    %get3A_1243 = vector.shape_cast %get3A_1242 : vector<1x1x128xf32> to vector<1x128xf32>
    %sub3A_1244 = vector.broadcast %get3A_7 : vector<128x1xf32> to vector<128x128xf32>
    %sub3A_1245 = vector.broadcast %get3A_1243 : vector<1x128xf32> to vector<128x128xf32>
    %sub3A_1246 = arith.subf %sub3A_1244, %sub3A_1245 : vector<128x128xf32>
    %mul3A_1247 = arith.mulf %sub3A_1230, %sub3A_1230 : vector<128x128xf32>
    %mul3A_1248 = arith.mulf %sub3A_1238, %sub3A_1238 : vector<128x128xf32>
    %add3A_1249 = arith.addf %mul3A_1247, %mul3A_1248 : vector<128x128xf32>
    %mul3A_1250 = arith.mulf %sub3A_1246, %sub3A_1246 : vector<128x128xf32>
    %add3A_1251 = arith.addf %add3A_1249, %mul3A_1250 : vector<128x128xf32>
    %swap3A_1252 = arith.constant 0 : index
    %swap3A_1253 = arith.constant 3968 : index
    %swap3A_1254 = vector.load %arg5[%swap3A_1252, %swap3A_1253] : memref<128x10240xf32, #tpu.memory_space<vmem>>, vector<128x128xf32>
    tpu.vector_store %arg5[%swap3A_1252, %swap3A_1253], %add3A_1251 {strides = array<i32>} : memref<128x10240xf32, #tpu.memory_space<vmem>>, vector<128x128xf32>,
    %broadcast_in_dim3A_1255 = arith.constant 28 : i32
    %broadcast_in_dim3A_1256 = vector.broadcast %broadcast_in_dim3A_1255 : i32 to vector<128x128xi32>
    %broadcast_in_dim3A_1257 = arith.constant 29 : i32
    %broadcast_in_dim3A_1258 = vector.broadcast %broadcast_in_dim3A_1257 : i32 to vector<128x128xi32>
    %broadcast_in_dim3A_1259 = arith.constant 30 : i32
    %broadcast_in_dim3A_1260 = vector.broadcast %broadcast_in_dim3A_1259 : i32 to vector<128x128xi32>
    %broadcast_in_dim3A_1261 = arith.constant 31 : i32
    %broadcast_in_dim3A_1262 = vector.broadcast %broadcast_in_dim3A_1261 : i32 to vector<128x128xi32>
    %lt3A_1263 = arith.cmpf olt, %add3A_1155, %add3A_1187 : vector<128x128xf32>
    %min3A_1264 = arith.minimumf %add3A_1155, %add3A_1187 : vector<128x128xf32>
    %select_n3A_1265 = arith.select %lt3A_1263, %broadcast_in_dim3A_1256, %broadcast_in_dim3A_1258 : vector<128x128xi1>, vector<128x128xi32>
    %max3A_1266 = arith.maximumf %add3A_1155, %add3A_1187 : vector<128x128xf32>
    %select_n3A_1267 = arith.select %lt3A_1263, %broadcast_in_dim3A_1258, %broadcast_in_dim3A_1256 : vector<128x128xi1>, vector<128x128xi32>
    %lt3A_1268 = arith.cmpf olt, %add3A_1219, %add3A_1251 : vector<128x128xf32>
    %min3A_1269 = arith.minimumf %add3A_1219, %add3A_1251 : vector<128x128xf32>
    %select_n3A_1270 = arith.select %lt3A_1268, %broadcast_in_dim3A_1260, %broadcast_in_dim3A_1262 : vector<128x128xi1>, vector<128x128xi32>
    %max3A_1271 = arith.maximumf %add3A_1219, %add3A_1251 : vector<128x128xf32>
    %select_n3A_1272 = arith.select %lt3A_1268, %broadcast_in_dim3A_1262, %broadcast_in_dim3A_1260 : vector<128x128xi1>, vector<128x128xi32>
    %lt3A_1273 = arith.cmpf olt, %min3A_1264, %min3A_1269 : vector<128x128xf32>
    %min3A_1274 = arith.minimumf %min3A_1264, %min3A_1269 : vector<128x128xf32>
    %select_n3A_1275 = arith.select %lt3A_1273, %select_n3A_1265, %select_n3A_1270 : vector<128x128xi1>, vector<128x128xi32>
    %max3A_1276 = arith.maximumf %min3A_1264, %min3A_1269 : vector<128x128xf32>
    %select_n3A_1277 = arith.select %lt3A_1273, %select_n3A_1270, %select_n3A_1265 : vector<128x128xi1>, vector<128x128xi32>
    %lt3A_1278 = arith.cmpf olt, %max3A_1266, %max3A_1271 : vector<128x128xf32>
    %min3A_1279 = arith.minimumf %max3A_1266, %max3A_1271 : vector<128x128xf32>
    %select_n3A_1280 = arith.select %lt3A_1278, %select_n3A_1267, %select_n3A_1272 : vector<128x128xi1>, vector<128x128xi32>
    %max3A_1281 = arith.maximumf %max3A_1266, %max3A_1271 : vector<128x128xf32>
    %select_n3A_1282 = arith.select %lt3A_1278, %select_n3A_1272, %select_n3A_1267 : vector<128x128xi1>, vector<128x128xi32>
    %lt3A_1283 = arith.cmpf olt, %max3A_1276, %min3A_1279 : vector<128x128xf32>
    %min3A_1284 = arith.minimumf %max3A_1276, %min3A_1279 : vector<128x128xf32>
    %select_n3A_1285 = arith.select %lt3A_1283, %select_n3A_1277, %select_n3A_1280 : vector<128x128xi1>, vector<128x128xi32>
    %max3A_1286 = arith.maximumf %max3A_1276, %min3A_1279 : vector<128x128xf32>
    %select_n3A_1287 = arith.select %lt3A_1283, %select_n3A_1280, %select_n3A_1277 : vector<128x128xi1>, vector<128x128xi32>
    %get3A_1288 = arith.constant 0 : index
    %get3A_1289 = arith.constant 0 : index
    %get3A_1290 = arith.constant 4096 : index
    %get3A_1291 = vector.load %arg2[%get3A_1288, %get3A_1289, %get3A_1290] : memref<1x3x10240xf32, #tpu.memory_space<vmem>>, vector<1x1x128xf32>
    %get3A_1292 = vector.shape_cast %get3A_1291 : vector<1x1x128xf32> to vector<1x128xf32>
    %sub3A_1293 = vector.broadcast %get3A_1 : vector<128x1xf32> to vector<128x128xf32>
    %sub3A_1294 = vector.broadcast %get3A_1292 : vector<1x128xf32> to vector<128x128xf32>
    %sub3A_1295 = arith.subf %sub3A_1293, %sub3A_1294 : vector<128x128xf32>
    %get3A_1296 = arith.constant 0 : index
    %get3A_1297 = arith.constant 1 : index
    %get3A_1298 = arith.constant 4096 : index
    %get3A_1299 = vector.load %arg2[%get3A_1296, %get3A_1297, %get3A_1298] : memref<1x3x10240xf32, #tpu.memory_space<vmem>>, vector<1x1x128xf32>
    %get3A_1300 = vector.shape_cast %get3A_1299 : vector<1x1x128xf32> to vector<1x128xf32>
    %sub3A_1301 = vector.broadcast %get3A_4 : vector<128x1xf32> to vector<128x128xf32>
    %sub3A_1302 = vector.broadcast %get3A_1300 : vector<1x128xf32> to vector<128x128xf32>
    %sub3A_1303 = arith.subf %sub3A_1301, %sub3A_1302 : vector<128x128xf32>
    %get3A_1304 = arith.constant 0 : index
    %get3A_1305 = arith.constant 2 : index
    %get3A_1306 = arith.constant 4096 : index
    %get3A_1307 = vector.load %arg2[%get3A_1304, %get3A_1305, %get3A_1306] : memref<1x3x10240xf32, #tpu.memory_space<vmem>>, vector<1x1x128xf32>
    %get3A_1308 = vector.shape_cast %get3A_1307 : vector<1x1x128xf32> to vector<1x128xf32>
    %sub3A_1309 = vector.broadcast %get3A_7 : vector<128x1xf32> to vector<128x128xf32>
    %sub3A_1310 = vector.broadcast %get3A_1308 : vector<1x128xf32> to vector<128x128xf32>
    %sub3A_1311 = arith.subf %sub3A_1309, %sub3A_1310 : vector<128x128xf32>
    %mul3A_1312 = arith.mulf %sub3A_1295, %sub3A_1295 : vector<128x128xf32>
    %mul3A_1313 = arith.mulf %sub3A_1303, %sub3A_1303 : vector<128x128xf32>
    %add3A_1314 = arith.addf %mul3A_1312, %mul3A_1313 : vector<128x128xf32>
    %mul3A_1315 = arith.mulf %sub3A_1311, %sub3A_1311 : vector<128x128xf32>
    %add3A_1316 = arith.addf %add3A_1314, %mul3A_1315 : vector<128x128xf32>
    %swap3A_1317 = arith.constant 0 : index
    %swap3A_1318 = arith.constant 4096 : index
    %swap3A_1319 = vector.load %arg5[%swap3A_1317, %swap3A_1318] : memref<128x10240xf32, #tpu.memory_space<vmem>>, vector<128x128xf32>
    tpu.vector_store %arg5[%swap3A_1317, %swap3A_1318], %add3A_1316 {strides = array<i32>} : memref<128x10240xf32, #tpu.memory_space<vmem>>, vector<128x128xf32>,
    %get3A_1320 = arith.constant 0 : index
    %get3A_1321 = arith.constant 0 : index
    %get3A_1322 = arith.constant 4224 : index
    %get3A_1323 = vector.load %arg2[%get3A_1320, %get3A_1321, %get3A_1322] : memref<1x3x10240xf32, #tpu.memory_space<vmem>>, vector<1x1x128xf32>
    %get3A_1324 = vector.shape_cast %get3A_1323 : vector<1x1x128xf32> to vector<1x128xf32>
    %sub3A_1325 = vector.broadcast %get3A_1 : vector<128x1xf32> to vector<128x128xf32>
    %sub3A_1326 = vector.broadcast %get3A_1324 : vector<1x128xf32> to vector<128x128xf32>
    %sub3A_1327 = arith.subf %sub3A_1325, %sub3A_1326 : vector<128x128xf32>
    %get3A_1328 = arith.constant 0 : index
    %get3A_1329 = arith.constant 1 : index
    %get3A_1330 = arith.constant 4224 : index
    %get3A_1331 = vector.load %arg2[%get3A_1328, %get3A_1329, %get3A_1330] : memref<1x3x10240xf32, #tpu.memory_space<vmem>>, vector<1x1x128xf32>
    %get3A_1332 = vector.shape_cast %get3A_1331 : vector<1x1x128xf32> to vector<1x128xf32>
    %sub3A_1333 = vector.broadcast %get3A_4 : vector<128x1xf32> to vector<128x128xf32>
    %sub3A_1334 = vector.broadcast %get3A_1332 : vector<1x128xf32> to vector<128x128xf32>
    %sub3A_1335 = arith.subf %sub3A_1333, %sub3A_1334 : vector<128x128xf32>
    %get3A_1336 = arith.constant 0 : index
    %get3A_1337 = arith.constant 2 : index
    %get3A_1338 = arith.constant 4224 : index
    %get3A_1339 = vector.load %arg2[%get3A_1336, %get3A_1337, %get3A_1338] : memref<1x3x10240xf32, #tpu.memory_space<vmem>>, vector<1x1x128xf32>
    %get3A_1340 = vector.shape_cast %get3A_1339 : vector<1x1x128xf32> to vector<1x128xf32>
    %sub3A_1341 = vector.broadcast %get3A_7 : vector<128x1xf32> to vector<128x128xf32>
    %sub3A_1342 = vector.broadcast %get3A_1340 : vector<1x128xf32> to vector<128x128xf32>
    %sub3A_1343 = arith.subf %sub3A_1341, %sub3A_1342 : vector<128x128xf32>
    %mul3A_1344 = arith.mulf %sub3A_1327, %sub3A_1327 : vector<128x128xf32>
    %mul3A_1345 = arith.mulf %sub3A_1335, %sub3A_1335 : vector<128x128xf32>
    %add3A_1346 = arith.addf %mul3A_1344, %mul3A_1345 : vector<128x128xf32>
    %mul3A_1347 = arith.mulf %sub3A_1343, %sub3A_1343 : vector<128x128xf32>
    %add3A_1348 = arith.addf %add3A_1346, %mul3A_1347 : vector<128x128xf32>
    %swap3A_1349 = arith.constant 0 : index
    %swap3A_1350 = arith.constant 4224 : index
    %swap3A_1351 = vector.load %arg5[%swap3A_1349, %swap3A_1350] : memref<128x10240xf32, #tpu.memory_space<vmem>>, vector<128x128xf32>
    tpu.vector_store %arg5[%swap3A_1349, %swap3A_1350], %add3A_1348 {strides = array<i32>} : memref<128x10240xf32, #tpu.memory_space<vmem>>, vector<128x128xf32>,
    %get3A_1352 = arith.constant 0 : index
    %get3A_1353 = arith.constant 0 : index
    %get3A_1354 = arith.constant 4352 : index
    %get3A_1355 = vector.load %arg2[%get3A_1352, %get3A_1353, %get3A_1354] : memref<1x3x10240xf32, #tpu.memory_space<vmem>>, vector<1x1x128xf32>
    %get3A_1356 = vector.shape_cast %get3A_1355 : vector<1x1x128xf32> to vector<1x128xf32>
    %sub3A_1357 = vector.broadcast %get3A_1 : vector<128x1xf32> to vector<128x128xf32>
    %sub3A_1358 = vector.broadcast %get3A_1356 : vector<1x128xf32> to vector<128x128xf32>
    %sub3A_1359 = arith.subf %sub3A_1357, %sub3A_1358 : vector<128x128xf32>
    %get3A_1360 = arith.constant 0 : index
    %get3A_1361 = arith.constant 1 : index
    %get3A_1362 = arith.constant 4352 : index
    %get3A_1363 = vector.load %arg2[%get3A_1360, %get3A_1361, %get3A_1362] : memref<1x3x10240xf32, #tpu.memory_space<vmem>>, vector<1x1x128xf32>
    %get3A_1364 = vector.shape_cast %get3A_1363 : vector<1x1x128xf32> to vector<1x128xf32>
    %sub3A_1365 = vector.broadcast %get3A_4 : vector<128x1xf32> to vector<128x128xf32>
    %sub3A_1366 = vector.broadcast %get3A_1364 : vector<1x128xf32> to vector<128x128xf32>
    %sub3A_1367 = arith.subf %sub3A_1365, %sub3A_1366 : vector<128x128xf32>
    %get3A_1368 = arith.constant 0 : index
    %get3A_1369 = arith.constant 2 : index
    %get3A_1370 = arith.constant 4352 : index
    %get3A_1371 = vector.load %arg2[%get3A_1368, %get3A_1369, %get3A_1370] : memref<1x3x10240xf32, #tpu.memory_space<vmem>>, vector<1x1x128xf32>
    %get3A_1372 = vector.shape_cast %get3A_1371 : vector<1x1x128xf32> to vector<1x128xf32>
    %sub3A_1373 = vector.broadcast %get3A_7 : vector<128x1xf32> to vector<128x128xf32>
    %sub3A_1374 = vector.broadcast %get3A_1372 : vector<1x128xf32> to vector<128x128xf32>
    %sub3A_1375 = arith.subf %sub3A_1373, %sub3A_1374 : vector<128x128xf32>
    %mul3A_1376 = arith.mulf %sub3A_1359, %sub3A_1359 : vector<128x128xf32>
    %mul3A_1377 = arith.mulf %sub3A_1367, %sub3A_1367 : vector<128x128xf32>
    %add3A_1378 = arith.addf %mul3A_1376, %mul3A_1377 : vector<128x128xf32>
    %mul3A_1379 = arith.mulf %sub3A_1375, %sub3A_1375 : vector<128x128xf32>
    %add3A_1380 = arith.addf %add3A_1378, %mul3A_1379 : vector<128x128xf32>
    %swap3A_1381 = arith.constant 0 : index
    %swap3A_1382 = arith.constant 4352 : index
    %swap3A_1383 = vector.load %arg5[%swap3A_1381, %swap3A_1382] : memref<128x10240xf32, #tpu.memory_space<vmem>>, vector<128x128xf32>
    tpu.vector_store %arg5[%swap3A_1381, %swap3A_1382], %add3A_1380 {strides = array<i32>} : memref<128x10240xf32, #tpu.memory_space<vmem>>, vector<128x128xf32>,
    %get3A_1384 = arith.constant 0 : index
    %get3A_1385 = arith.constant 0 : index
    %get3A_1386 = arith.constant 4480 : index
    %get3A_1387 = vector.load %arg2[%get3A_1384, %get3A_1385, %get3A_1386] : memref<1x3x10240xf32, #tpu.memory_space<vmem>>, vector<1x1x128xf32>
    %get3A_1388 = vector.shape_cast %get3A_1387 : vector<1x1x128xf32> to vector<1x128xf32>
    %sub3A_1389 = vector.broadcast %get3A_1 : vector<128x1xf32> to vector<128x128xf32>
    %sub3A_1390 = vector.broadcast %get3A_1388 : vector<1x128xf32> to vector<128x128xf32>
    %sub3A_1391 = arith.subf %sub3A_1389, %sub3A_1390 : vector<128x128xf32>
    %get3A_1392 = arith.constant 0 : index
    %get3A_1393 = arith.constant 1 : index
    %get3A_1394 = arith.constant 4480 : index
    %get3A_1395 = vector.load %arg2[%get3A_1392, %get3A_1393, %get3A_1394] : memref<1x3x10240xf32, #tpu.memory_space<vmem>>, vector<1x1x128xf32>
    %get3A_1396 = vector.shape_cast %get3A_1395 : vector<1x1x128xf32> to vector<1x128xf32>
    %sub3A_1397 = vector.broadcast %get3A_4 : vector<128x1xf32> to vector<128x128xf32>
    %sub3A_1398 = vector.broadcast %get3A_1396 : vector<1x128xf32> to vector<128x128xf32>
    %sub3A_1399 = arith.subf %sub3A_1397, %sub3A_1398 : vector<128x128xf32>
    %get3A_1400 = arith.constant 0 : index
    %get3A_1401 = arith.constant 2 : index
    %get3A_1402 = arith.constant 4480 : index
    %get3A_1403 = vector.load %arg2[%get3A_1400, %get3A_1401, %get3A_1402] : memref<1x3x10240xf32, #tpu.memory_space<vmem>>, vector<1x1x128xf32>
    %get3A_1404 = vector.shape_cast %get3A_1403 : vector<1x1x128xf32> to vector<1x128xf32>
    %sub3A_1405 = vector.broadcast %get3A_7 : vector<128x1xf32> to vector<128x128xf32>
    %sub3A_1406 = vector.broadcast %get3A_1404 : vector<1x128xf32> to vector<128x128xf32>
    %sub3A_1407 = arith.subf %sub3A_1405, %sub3A_1406 : vector<128x128xf32>
    %mul3A_1408 = arith.mulf %sub3A_1391, %sub3A_1391 : vector<128x128xf32>
    %mul3A_1409 = arith.mulf %sub3A_1399, %sub3A_1399 : vector<128x128xf32>
    %add3A_1410 = arith.addf %mul3A_1408, %mul3A_1409 : vector<128x128xf32>
    %mul3A_1411 = arith.mulf %sub3A_1407, %sub3A_1407 : vector<128x128xf32>
    %add3A_1412 = arith.addf %add3A_1410, %mul3A_1411 : vector<128x128xf32>
    %swap3A_1413 = arith.constant 0 : index
    %swap3A_1414 = arith.constant 4480 : index
    %swap3A_1415 = vector.load %arg5[%swap3A_1413, %swap3A_1414] : memref<128x10240xf32, #tpu.memory_space<vmem>>, vector<128x128xf32>
    tpu.vector_store %arg5[%swap3A_1413, %swap3A_1414], %add3A_1412 {strides = array<i32>} : memref<128x10240xf32, #tpu.memory_space<vmem>>, vector<128x128xf32>,
    %broadcast_in_dim3A_1416 = arith.constant 32 : i32
    %broadcast_in_dim3A_1417 = vector.broadcast %broadcast_in_dim3A_1416 : i32 to vector<128x128xi32>
    %broadcast_in_dim3A_1418 = arith.constant 33 : i32
    %broadcast_in_dim3A_1419 = vector.broadcast %broadcast_in_dim3A_1418 : i32 to vector<128x128xi32>
    %broadcast_in_dim3A_1420 = arith.constant 34 : i32
    %broadcast_in_dim3A_1421 = vector.broadcast %broadcast_in_dim3A_1420 : i32 to vector<128x128xi32>
    %broadcast_in_dim3A_1422 = arith.constant 35 : i32
    %broadcast_in_dim3A_1423 = vector.broadcast %broadcast_in_dim3A_1422 : i32 to vector<128x128xi32>
    %lt3A_1424 = arith.cmpf olt, %add3A_1316, %add3A_1348 : vector<128x128xf32>
    %min3A_1425 = arith.minimumf %add3A_1316, %add3A_1348 : vector<128x128xf32>
    %select_n3A_1426 = arith.select %lt3A_1424, %broadcast_in_dim3A_1417, %broadcast_in_dim3A_1419 : vector<128x128xi1>, vector<128x128xi32>
    %max3A_1427 = arith.maximumf %add3A_1316, %add3A_1348 : vector<128x128xf32>
    %select_n3A_1428 = arith.select %lt3A_1424, %broadcast_in_dim3A_1419, %broadcast_in_dim3A_1417 : vector<128x128xi1>, vector<128x128xi32>
    %lt3A_1429 = arith.cmpf olt, %add3A_1380, %add3A_1412 : vector<128x128xf32>
    %min3A_1430 = arith.minimumf %add3A_1380, %add3A_1412 : vector<128x128xf32>
    %select_n3A_1431 = arith.select %lt3A_1429, %broadcast_in_dim3A_1421, %broadcast_in_dim3A_1423 : vector<128x128xi1>, vector<128x128xi32>
    %max3A_1432 = arith.maximumf %add3A_1380, %add3A_1412 : vector<128x128xf32>
    %select_n3A_1433 = arith.select %lt3A_1429, %broadcast_in_dim3A_1423, %broadcast_in_dim3A_1421 : vector<128x128xi1>, vector<128x128xi32>
    %lt3A_1434 = arith.cmpf olt, %min3A_1425, %min3A_1430 : vector<128x128xf32>
    %min3A_1435 = arith.minimumf %min3A_1425, %min3A_1430 : vector<128x128xf32>
    %select_n3A_1436 = arith.select %lt3A_1434, %select_n3A_1426, %select_n3A_1431 : vector<128x128xi1>, vector<128x128xi32>
    %max3A_1437 = arith.maximumf %min3A_1425, %min3A_1430 : vector<128x128xf32>
    %select_n3A_1438 = arith.select %lt3A_1434, %select_n3A_1431, %select_n3A_1426 : vector<128x128xi1>, vector<128x128xi32>
    %lt3A_1439 = arith.cmpf olt, %max3A_1427, %max3A_1432 : vector<128x128xf32>
    %min3A_1440 = arith.minimumf %max3A_1427, %max3A_1432 : vector<128x128xf32>
    %select_n3A_1441 = arith.select %lt3A_1439, %select_n3A_1428, %select_n3A_1433 : vector<128x128xi1>, vector<128x128xi32>
    %max3A_1442 = arith.maximumf %max3A_1427, %max3A_1432 : vector<128x128xf32>
    %select_n3A_1443 = arith.select %lt3A_1439, %select_n3A_1433, %select_n3A_1428 : vector<128x128xi1>, vector<128x128xi32>
    %lt3A_1444 = arith.cmpf olt, %max3A_1437, %min3A_1440 : vector<128x128xf32>
    %min3A_1445 = arith.minimumf %max3A_1437, %min3A_1440 : vector<128x128xf32>
    %select_n3A_1446 = arith.select %lt3A_1444, %select_n3A_1438, %select_n3A_1441 : vector<128x128xi1>, vector<128x128xi32>
    %max3A_1447 = arith.maximumf %max3A_1437, %min3A_1440 : vector<128x128xf32>
    %select_n3A_1448 = arith.select %lt3A_1444, %select_n3A_1441, %select_n3A_1438 : vector<128x128xi1>, vector<128x128xi32>
    %get3A_1449 = arith.constant 0 : index
    %get3A_1450 = arith.constant 0 : index
    %get3A_1451 = arith.constant 4608 : index
    %get3A_1452 = vector.load %arg2[%get3A_1449, %get3A_1450, %get3A_1451] : memref<1x3x10240xf32, #tpu.memory_space<vmem>>, vector<1x1x128xf32>
    %get3A_1453 = vector.shape_cast %get3A_1452 : vector<1x1x128xf32> to vector<1x128xf32>
    %sub3A_1454 = vector.broadcast %get3A_1 : vector<128x1xf32> to vector<128x128xf32>
    %sub3A_1455 = vector.broadcast %get3A_1453 : vector<1x128xf32> to vector<128x128xf32>
    %sub3A_1456 = arith.subf %sub3A_1454, %sub3A_1455 : vector<128x128xf32>
    %get3A_1457 = arith.constant 0 : index
    %get3A_1458 = arith.constant 1 : index
    %get3A_1459 = arith.constant 4608 : index
    %get3A_1460 = vector.load %arg2[%get3A_1457, %get3A_1458, %get3A_1459] : memref<1x3x10240xf32, #tpu.memory_space<vmem>>, vector<1x1x128xf32>
    %get3A_1461 = vector.shape_cast %get3A_1460 : vector<1x1x128xf32> to vector<1x128xf32>
    %sub3A_1462 = vector.broadcast %get3A_4 : vector<128x1xf32> to vector<128x128xf32>
    %sub3A_1463 = vector.broadcast %get3A_1461 : vector<1x128xf32> to vector<128x128xf32>
    %sub3A_1464 = arith.subf %sub3A_1462, %sub3A_1463 : vector<128x128xf32>
    %get3A_1465 = arith.constant 0 : index
    %get3A_1466 = arith.constant 2 : index
    %get3A_1467 = arith.constant 4608 : index
    %get3A_1468 = vector.load %arg2[%get3A_1465, %get3A_1466, %get3A_1467] : memref<1x3x10240xf32, #tpu.memory_space<vmem>>, vector<1x1x128xf32>
    %get3A_1469 = vector.shape_cast %get3A_1468 : vector<1x1x128xf32> to vector<1x128xf32>
    %sub3A_1470 = vector.broadcast %get3A_7 : vector<128x1xf32> to vector<128x128xf32>
    %sub3A_1471 = vector.broadcast %get3A_1469 : vector<1x128xf32> to vector<128x128xf32>
    %sub3A_1472 = arith.subf %sub3A_1470, %sub3A_1471 : vector<128x128xf32>
    %mul3A_1473 = arith.mulf %sub3A_1456, %sub3A_1456 : vector<128x128xf32>
    %mul3A_1474 = arith.mulf %sub3A_1464, %sub3A_1464 : vector<128x128xf32>
    %add3A_1475 = arith.addf %mul3A_1473, %mul3A_1474 : vector<128x128xf32>
    %mul3A_1476 = arith.mulf %sub3A_1472, %sub3A_1472 : vector<128x128xf32>
    %add3A_1477 = arith.addf %add3A_1475, %mul3A_1476 : vector<128x128xf32>
    %swap3A_1478 = arith.constant 0 : index
    %swap3A_1479 = arith.constant 4608 : index
    %swap3A_1480 = vector.load %arg5[%swap3A_1478, %swap3A_1479] : memref<128x10240xf32, #tpu.memory_space<vmem>>, vector<128x128xf32>
    tpu.vector_store %arg5[%swap3A_1478, %swap3A_1479], %add3A_1477 {strides = array<i32>} : memref<128x10240xf32, #tpu.memory_space<vmem>>, vector<128x128xf32>,
    %get3A_1481 = arith.constant 0 : index
    %get3A_1482 = arith.constant 0 : index
    %get3A_1483 = arith.constant 4736 : index
    %get3A_1484 = vector.load %arg2[%get3A_1481, %get3A_1482, %get3A_1483] : memref<1x3x10240xf32, #tpu.memory_space<vmem>>, vector<1x1x128xf32>
    %get3A_1485 = vector.shape_cast %get3A_1484 : vector<1x1x128xf32> to vector<1x128xf32>
    %sub3A_1486 = vector.broadcast %get3A_1 : vector<128x1xf32> to vector<128x128xf32>
    %sub3A_1487 = vector.broadcast %get3A_1485 : vector<1x128xf32> to vector<128x128xf32>
    %sub3A_1488 = arith.subf %sub3A_1486, %sub3A_1487 : vector<128x128xf32>
    %get3A_1489 = arith.constant 0 : index
    %get3A_1490 = arith.constant 1 : index
    %get3A_1491 = arith.constant 4736 : index
    %get3A_1492 = vector.load %arg2[%get3A_1489, %get3A_1490, %get3A_1491] : memref<1x3x10240xf32, #tpu.memory_space<vmem>>, vector<1x1x128xf32>
    %get3A_1493 = vector.shape_cast %get3A_1492 : vector<1x1x128xf32> to vector<1x128xf32>
    %sub3A_1494 = vector.broadcast %get3A_4 : vector<128x1xf32> to vector<128x128xf32>
    %sub3A_1495 = vector.broadcast %get3A_1493 : vector<1x128xf32> to vector<128x128xf32>
    %sub3A_1496 = arith.subf %sub3A_1494, %sub3A_1495 : vector<128x128xf32>
    %get3A_1497 = arith.constant 0 : index
    %get3A_1498 = arith.constant 2 : index
    %get3A_1499 = arith.constant 4736 : index
    %get3A_1500 = vector.load %arg2[%get3A_1497, %get3A_1498, %get3A_1499] : memref<1x3x10240xf32, #tpu.memory_space<vmem>>, vector<1x1x128xf32>
    %get3A_1501 = vector.shape_cast %get3A_1500 : vector<1x1x128xf32> to vector<1x128xf32>
    %sub3A_1502 = vector.broadcast %get3A_7 : vector<128x1xf32> to vector<128x128xf32>
    %sub3A_1503 = vector.broadcast %get3A_1501 : vector<1x128xf32> to vector<128x128xf32>
    %sub3A_1504 = arith.subf %sub3A_1502, %sub3A_1503 : vector<128x128xf32>
    %mul3A_1505 = arith.mulf %sub3A_1488, %sub3A_1488 : vector<128x128xf32>
    %mul3A_1506 = arith.mulf %sub3A_1496, %sub3A_1496 : vector<128x128xf32>
    %add3A_1507 = arith.addf %mul3A_1505, %mul3A_1506 : vector<128x128xf32>
    %mul3A_1508 = arith.mulf %sub3A_1504, %sub3A_1504 : vector<128x128xf32>
    %add3A_1509 = arith.addf %add3A_1507, %mul3A_1508 : vector<128x128xf32>
    %swap3A_1510 = arith.constant 0 : index
    %swap3A_1511 = arith.constant 4736 : index
    %swap3A_1512 = vector.load %arg5[%swap3A_1510, %swap3A_1511] : memref<128x10240xf32, #tpu.memory_space<vmem>>, vector<128x128xf32>
    tpu.vector_store %arg5[%swap3A_1510, %swap3A_1511], %add3A_1509 {strides = array<i32>} : memref<128x10240xf32, #tpu.memory_space<vmem>>, vector<128x128xf32>,
    %get3A_1513 = arith.constant 0 : index
    %get3A_1514 = arith.constant 0 : index
    %get3A_1515 = arith.constant 4864 : index
    %get3A_1516 = vector.load %arg2[%get3A_1513, %get3A_1514, %get3A_1515] : memref<1x3x10240xf32, #tpu.memory_space<vmem>>, vector<1x1x128xf32>
    %get3A_1517 = vector.shape_cast %get3A_1516 : vector<1x1x128xf32> to vector<1x128xf32>
    %sub3A_1518 = vector.broadcast %get3A_1 : vector<128x1xf32> to vector<128x128xf32>
    %sub3A_1519 = vector.broadcast %get3A_1517 : vector<1x128xf32> to vector<128x128xf32>
    %sub3A_1520 = arith.subf %sub3A_1518, %sub3A_1519 : vector<128x128xf32>
    %get3A_1521 = arith.constant 0 : index
    %get3A_1522 = arith.constant 1 : index
    %get3A_1523 = arith.constant 4864 : index
    %get3A_1524 = vector.load %arg2[%get3A_1521, %get3A_1522, %get3A_1523] : memref<1x3x10240xf32, #tpu.memory_space<vmem>>, vector<1x1x128xf32>
    %get3A_1525 = vector.shape_cast %get3A_1524 : vector<1x1x128xf32> to vector<1x128xf32>
    %sub3A_1526 = vector.broadcast %get3A_4 : vector<128x1xf32> to vector<128x128xf32>
    %sub3A_1527 = vector.broadcast %get3A_1525 : vector<1x128xf32> to vector<128x128xf32>
    %sub3A_1528 = arith.subf %sub3A_1526, %sub3A_1527 : vector<128x128xf32>
    %get3A_1529 = arith.constant 0 : index
    %get3A_1530 = arith.constant 2 : index
    %get3A_1531 = arith.constant 4864 : index
    %get3A_1532 = vector.load %arg2[%get3A_1529, %get3A_1530, %get3A_1531] : memref<1x3x10240xf32, #tpu.memory_space<vmem>>, vector<1x1x128xf32>
    %get3A_1533 = vector.shape_cast %get3A_1532 : vector<1x1x128xf32> to vector<1x128xf32>
    %sub3A_1534 = vector.broadcast %get3A_7 : vector<128x1xf32> to vector<128x128xf32>
    %sub3A_1535 = vector.broadcast %get3A_1533 : vector<1x128xf32> to vector<128x128xf32>
    %sub3A_1536 = arith.subf %sub3A_1534, %sub3A_1535 : vector<128x128xf32>
    %mul3A_1537 = arith.mulf %sub3A_1520, %sub3A_1520 : vector<128x128xf32>
    %mul3A_1538 = arith.mulf %sub3A_1528, %sub3A_1528 : vector<128x128xf32>
    %add3A_1539 = arith.addf %mul3A_1537, %mul3A_1538 : vector<128x128xf32>
    %mul3A_1540 = arith.mulf %sub3A_1536, %sub3A_1536 : vector<128x128xf32>
    %add3A_1541 = arith.addf %add3A_1539, %mul3A_1540 : vector<128x128xf32>
    %swap3A_1542 = arith.constant 0 : index
    %swap3A_1543 = arith.constant 4864 : index
    %swap3A_1544 = vector.load %arg5[%swap3A_1542, %swap3A_1543] : memref<128x10240xf32, #tpu.memory_space<vmem>>, vector<128x128xf32>
    tpu.vector_store %arg5[%swap3A_1542, %swap3A_1543], %add3A_1541 {strides = array<i32>} : memref<128x10240xf32, #tpu.memory_space<vmem>>, vector<128x128xf32>,
    %get3A_1545 = arith.constant 0 : index
    %get3A_1546 = arith.constant 0 : index
    %get3A_1547 = arith.constant 4992 : index
    %get3A_1548 = vector.load %arg2[%get3A_1545, %get3A_1546, %get3A_1547] : memref<1x3x10240xf32, #tpu.memory_space<vmem>>, vector<1x1x128xf32>
    %get3A_1549 = vector.shape_cast %get3A_1548 : vector<1x1x128xf32> to vector<1x128xf32>
    %sub3A_1550 = vector.broadcast %get3A_1 : vector<128x1xf32> to vector<128x128xf32>
    %sub3A_1551 = vector.broadcast %get3A_1549 : vector<1x128xf32> to vector<128x128xf32>
    %sub3A_1552 = arith.subf %sub3A_1550, %sub3A_1551 : vector<128x128xf32>
    %get3A_1553 = arith.constant 0 : index
    %get3A_1554 = arith.constant 1 : index
    %get3A_1555 = arith.constant 4992 : index
    %get3A_1556 = vector.load %arg2[%get3A_1553, %get3A_1554, %get3A_1555] : memref<1x3x10240xf32, #tpu.memory_space<vmem>>, vector<1x1x128xf32>
    %get3A_1557 = vector.shape_cast %get3A_1556 : vector<1x1x128xf32> to vector<1x128xf32>
    %sub3A_1558 = vector.broadcast %get3A_4 : vector<128x1xf32> to vector<128x128xf32>
    %sub3A_1559 = vector.broadcast %get3A_1557 : vector<1x128xf32> to vector<128x128xf32>
    %sub3A_1560 = arith.subf %sub3A_1558, %sub3A_1559 : vector<128x128xf32>
    %get3A_1561 = arith.constant 0 : index
    %get3A_1562 = arith.constant 2 : index
    %get3A_1563 = arith.constant 4992 : index
    %get3A_1564 = vector.load %arg2[%get3A_1561, %get3A_1562, %get3A_1563] : memref<1x3x10240xf32, #tpu.memory_space<vmem>>, vector<1x1x128xf32>
    %get3A_1565 = vector.shape_cast %get3A_1564 : vector<1x1x128xf32> to vector<1x128xf32>
    %sub3A_1566 = vector.broadcast %get3A_7 : vector<128x1xf32> to vector<128x128xf32>
    %sub3A_1567 = vector.broadcast %get3A_1565 : vector<1x128xf32> to vector<128x128xf32>
    %sub3A_1568 = arith.subf %sub3A_1566, %sub3A_1567 : vector<128x128xf32>
    %mul3A_1569 = arith.mulf %sub3A_1552, %sub3A_1552 : vector<128x128xf32>
    %mul3A_1570 = arith.mulf %sub3A_1560, %sub3A_1560 : vector<128x128xf32>
    %add3A_1571 = arith.addf %mul3A_1569, %mul3A_1570 : vector<128x128xf32>
    %mul3A_1572 = arith.mulf %sub3A_1568, %sub3A_1568 : vector<128x128xf32>
    %add3A_1573 = arith.addf %add3A_1571, %mul3A_1572 : vector<128x128xf32>
    %swap3A_1574 = arith.constant 0 : index
    %swap3A_1575 = arith.constant 4992 : index
    %swap3A_1576 = vector.load %arg5[%swap3A_1574, %swap3A_1575] : memref<128x10240xf32, #tpu.memory_space<vmem>>, vector<128x128xf32>
    tpu.vector_store %arg5[%swap3A_1574, %swap3A_1575], %add3A_1573 {strides = array<i32>} : memref<128x10240xf32, #tpu.memory_space<vmem>>, vector<128x128xf32>,
    %broadcast_in_dim3A_1577 = arith.constant 36 : i32
    %broadcast_in_dim3A_1578 = vector.broadcast %broadcast_in_dim3A_1577 : i32 to vector<128x128xi32>
    %broadcast_in_dim3A_1579 = arith.constant 37 : i32
    %broadcast_in_dim3A_1580 = vector.broadcast %broadcast_in_dim3A_1579 : i32 to vector<128x128xi32>
    %broadcast_in_dim3A_1581 = arith.constant 38 : i32
    %broadcast_in_dim3A_1582 = vector.broadcast %broadcast_in_dim3A_1581 : i32 to vector<128x128xi32>
    %broadcast_in_dim3A_1583 = arith.constant 39 : i32
    %broadcast_in_dim3A_1584 = vector.broadcast %broadcast_in_dim3A_1583 : i32 to vector<128x128xi32>
    %lt3A_1585 = arith.cmpf olt, %add3A_1477, %add3A_1509 : vector<128x128xf32>
    %min3A_1586 = arith.minimumf %add3A_1477, %add3A_1509 : vector<128x128xf32>
    %select_n3A_1587 = arith.select %lt3A_1585, %broadcast_in_dim3A_1578, %broadcast_in_dim3A_1580 : vector<128x128xi1>, vector<128x128xi32>
    %max3A_1588 = arith.maximumf %add3A_1477, %add3A_1509 : vector<128x128xf32>
    %select_n3A_1589 = arith.select %lt3A_1585, %broadcast_in_dim3A_1580, %broadcast_in_dim3A_1578 : vector<128x128xi1>, vector<128x128xi32>
    %lt3A_1590 = arith.cmpf olt, %add3A_1541, %add3A_1573 : vector<128x128xf32>
    %min3A_1591 = arith.minimumf %add3A_1541, %add3A_1573 : vector<128x128xf32>
    %select_n3A_1592 = arith.select %lt3A_1590, %broadcast_in_dim3A_1582, %broadcast_in_dim3A_1584 : vector<128x128xi1>, vector<128x128xi32>
    %max3A_1593 = arith.maximumf %add3A_1541, %add3A_1573 : vector<128x128xf32>
    %select_n3A_1594 = arith.select %lt3A_1590, %broadcast_in_dim3A_1584, %broadcast_in_dim3A_1582 : vector<128x128xi1>, vector<128x128xi32>
    %lt3A_1595 = arith.cmpf olt, %min3A_1586, %min3A_1591 : vector<128x128xf32>
    %min3A_1596 = arith.minimumf %min3A_1586, %min3A_1591 : vector<128x128xf32>
    %select_n3A_1597 = arith.select %lt3A_1595, %select_n3A_1587, %select_n3A_1592 : vector<128x128xi1>, vector<128x128xi32>
    %max3A_1598 = arith.maximumf %min3A_1586, %min3A_1591 : vector<128x128xf32>
    %select_n3A_1599 = arith.select %lt3A_1595, %select_n3A_1592, %select_n3A_1587 : vector<128x128xi1>, vector<128x128xi32>
    %lt3A_1600 = arith.cmpf olt, %max3A_1588, %max3A_1593 : vector<128x128xf32>
    %min3A_1601 = arith.minimumf %max3A_1588, %max3A_1593 : vector<128x128xf32>
    %select_n3A_1602 = arith.select %lt3A_1600, %select_n3A_1589, %select_n3A_1594 : vector<128x128xi1>, vector<128x128xi32>
    %max3A_1603 = arith.maximumf %max3A_1588, %max3A_1593 : vector<128x128xf32>
    %select_n3A_1604 = arith.select %lt3A_1600, %select_n3A_1594, %select_n3A_1589 : vector<128x128xi1>, vector<128x128xi32>
    %lt3A_1605 = arith.cmpf olt, %max3A_1598, %min3A_1601 : vector<128x128xf32>
    %min3A_1606 = arith.minimumf %max3A_1598, %min3A_1601 : vector<128x128xf32>
    %select_n3A_1607 = arith.select %lt3A_1605, %select_n3A_1599, %select_n3A_1602 : vector<128x128xi1>, vector<128x128xi32>
    %max3A_1608 = arith.maximumf %max3A_1598, %min3A_1601 : vector<128x128xf32>
    %select_n3A_1609 = arith.select %lt3A_1605, %select_n3A_1602, %select_n3A_1599 : vector<128x128xi1>, vector<128x128xi32>
    %get3A_1610 = arith.constant 0 : index
    %get3A_1611 = arith.constant 0 : index
    %get3A_1612 = arith.constant 5120 : index
    %get3A_1613 = vector.load %arg2[%get3A_1610, %get3A_1611, %get3A_1612] : memref<1x3x10240xf32, #tpu.memory_space<vmem>>, vector<1x1x128xf32>
    %get3A_1614 = vector.shape_cast %get3A_1613 : vector<1x1x128xf32> to vector<1x128xf32>
    %sub3A_1615 = vector.broadcast %get3A_1 : vector<128x1xf32> to vector<128x128xf32>
    %sub3A_1616 = vector.broadcast %get3A_1614 : vector<1x128xf32> to vector<128x128xf32>
    %sub3A_1617 = arith.subf %sub3A_1615, %sub3A_1616 : vector<128x128xf32>
    %get3A_1618 = arith.constant 0 : index
    %get3A_1619 = arith.constant 1 : index
    %get3A_1620 = arith.constant 5120 : index
    %get3A_1621 = vector.load %arg2[%get3A_1618, %get3A_1619, %get3A_1620] : memref<1x3x10240xf32, #tpu.memory_space<vmem>>, vector<1x1x128xf32>
    %get3A_1622 = vector.shape_cast %get3A_1621 : vector<1x1x128xf32> to vector<1x128xf32>
    %sub3A_1623 = vector.broadcast %get3A_4 : vector<128x1xf32> to vector<128x128xf32>
    %sub3A_1624 = vector.broadcast %get3A_1622 : vector<1x128xf32> to vector<128x128xf32>
    %sub3A_1625 = arith.subf %sub3A_1623, %sub3A_1624 : vector<128x128xf32>
    %get3A_1626 = arith.constant 0 : index
    %get3A_1627 = arith.constant 2 : index
    %get3A_1628 = arith.constant 5120 : index
    %get3A_1629 = vector.load %arg2[%get3A_1626, %get3A_1627, %get3A_1628] : memref<1x3x10240xf32, #tpu.memory_space<vmem>>, vector<1x1x128xf32>
    %get3A_1630 = vector.shape_cast %get3A_1629 : vector<1x1x128xf32> to vector<1x128xf32>
    %sub3A_1631 = vector.broadcast %get3A_7 : vector<128x1xf32> to vector<128x128xf32>
    %sub3A_1632 = vector.broadcast %get3A_1630 : vector<1x128xf32> to vector<128x128xf32>
    %sub3A_1633 = arith.subf %sub3A_1631, %sub3A_1632 : vector<128x128xf32>
    %mul3A_1634 = arith.mulf %sub3A_1617, %sub3A_1617 : vector<128x128xf32>
    %mul3A_1635 = arith.mulf %sub3A_1625, %sub3A_1625 : vector<128x128xf32>
    %add3A_1636 = arith.addf %mul3A_1634, %mul3A_1635 : vector<128x128xf32>
    %mul3A_1637 = arith.mulf %sub3A_1633, %sub3A_1633 : vector<128x128xf32>
    %add3A_1638 = arith.addf %add3A_1636, %mul3A_1637 : vector<128x128xf32>
    %swap3A_1639 = arith.constant 0 : index
    %swap3A_1640 = arith.constant 5120 : index
    %swap3A_1641 = vector.load %arg5[%swap3A_1639, %swap3A_1640] : memref<128x10240xf32, #tpu.memory_space<vmem>>, vector<128x128xf32>
    tpu.vector_store %arg5[%swap3A_1639, %swap3A_1640], %add3A_1638 {strides = array<i32>} : memref<128x10240xf32, #tpu.memory_space<vmem>>, vector<128x128xf32>,
    %get3A_1642 = arith.constant 0 : index
    %get3A_1643 = arith.constant 0 : index
    %get3A_1644 = arith.constant 5248 : index
    %get3A_1645 = vector.load %arg2[%get3A_1642, %get3A_1643, %get3A_1644] : memref<1x3x10240xf32, #tpu.memory_space<vmem>>, vector<1x1x128xf32>
    %get3A_1646 = vector.shape_cast %get3A_1645 : vector<1x1x128xf32> to vector<1x128xf32>
    %sub3A_1647 = vector.broadcast %get3A_1 : vector<128x1xf32> to vector<128x128xf32>
    %sub3A_1648 = vector.broadcast %get3A_1646 : vector<1x128xf32> to vector<128x128xf32>
    %sub3A_1649 = arith.subf %sub3A_1647, %sub3A_1648 : vector<128x128xf32>
    %get3A_1650 = arith.constant 0 : index
    %get3A_1651 = arith.constant 1 : index
    %get3A_1652 = arith.constant 5248 : index
    %get3A_1653 = vector.load %arg2[%get3A_1650, %get3A_1651, %get3A_1652] : memref<1x3x10240xf32, #tpu.memory_space<vmem>>, vector<1x1x128xf32>
    %get3A_1654 = vector.shape_cast %get3A_1653 : vector<1x1x128xf32> to vector<1x128xf32>
    %sub3A_1655 = vector.broadcast %get3A_4 : vector<128x1xf32> to vector<128x128xf32>
    %sub3A_1656 = vector.broadcast %get3A_1654 : vector<1x128xf32> to vector<128x128xf32>
    %sub3A_1657 = arith.subf %sub3A_1655, %sub3A_1656 : vector<128x128xf32>
    %get3A_1658 = arith.constant 0 : index
    %get3A_1659 = arith.constant 2 : index
    %get3A_1660 = arith.constant 5248 : index
    %get3A_1661 = vector.load %arg2[%get3A_1658, %get3A_1659, %get3A_1660] : memref<1x3x10240xf32, #tpu.memory_space<vmem>>, vector<1x1x128xf32>
    %get3A_1662 = vector.shape_cast %get3A_1661 : vector<1x1x128xf32> to vector<1x128xf32>
    %sub3A_1663 = vector.broadcast %get3A_7 : vector<128x1xf32> to vector<128x128xf32>
    %sub3A_1664 = vector.broadcast %get3A_1662 : vector<1x128xf32> to vector<128x128xf32>
    %sub3A_1665 = arith.subf %sub3A_1663, %sub3A_1664 : vector<128x128xf32>
    %mul3A_1666 = arith.mulf %sub3A_1649, %sub3A_1649 : vector<128x128xf32>
    %mul3A_1667 = arith.mulf %sub3A_1657, %sub3A_1657 : vector<128x128xf32>
    %add3A_1668 = arith.addf %mul3A_1666, %mul3A_1667 : vector<128x128xf32>
    %mul3A_1669 = arith.mulf %sub3A_1665, %sub3A_1665 : vector<128x128xf32>
    %add3A_1670 = arith.addf %add3A_1668, %mul3A_1669 : vector<128x128xf32>
    %swap3A_1671 = arith.constant 0 : index
    %swap3A_1672 = arith.constant 5248 : index
    %swap3A_1673 = vector.load %arg5[%swap3A_1671, %swap3A_1672] : memref<128x10240xf32, #tpu.memory_space<vmem>>, vector<128x128xf32>
    tpu.vector_store %arg5[%swap3A_1671, %swap3A_1672], %add3A_1670 {strides = array<i32>} : memref<128x10240xf32, #tpu.memory_space<vmem>>, vector<128x128xf32>,
    %get3A_1674 = arith.constant 0 : index
    %get3A_1675 = arith.constant 0 : index
    %get3A_1676 = arith.constant 5376 : index
    %get3A_1677 = vector.load %arg2[%get3A_1674, %get3A_1675, %get3A_1676] : memref<1x3x10240xf32, #tpu.memory_space<vmem>>, vector<1x1x128xf32>
    %get3A_1678 = vector.shape_cast %get3A_1677 : vector<1x1x128xf32> to vector<1x128xf32>
    %sub3A_1679 = vector.broadcast %get3A_1 : vector<128x1xf32> to vector<128x128xf32>
    %sub3A_1680 = vector.broadcast %get3A_1678 : vector<1x128xf32> to vector<128x128xf32>
    %sub3A_1681 = arith.subf %sub3A_1679, %sub3A_1680 : vector<128x128xf32>
    %get3A_1682 = arith.constant 0 : index
    %get3A_1683 = arith.constant 1 : index
    %get3A_1684 = arith.constant 5376 : index
    %get3A_1685 = vector.load %arg2[%get3A_1682, %get3A_1683, %get3A_1684] : memref<1x3x10240xf32, #tpu.memory_space<vmem>>, vector<1x1x128xf32>
    %get3A_1686 = vector.shape_cast %get3A_1685 : vector<1x1x128xf32> to vector<1x128xf32>
    %sub3A_1687 = vector.broadcast %get3A_4 : vector<128x1xf32> to vector<128x128xf32>
    %sub3A_1688 = vector.broadcast %get3A_1686 : vector<1x128xf32> to vector<128x128xf32>
    %sub3A_1689 = arith.subf %sub3A_1687, %sub3A_1688 : vector<128x128xf32>
    %get3A_1690 = arith.constant 0 : index
    %get3A_1691 = arith.constant 2 : index
    %get3A_1692 = arith.constant 5376 : index
    %get3A_1693 = vector.load %arg2[%get3A_1690, %get3A_1691, %get3A_1692] : memref<1x3x10240xf32, #tpu.memory_space<vmem>>, vector<1x1x128xf32>
    %get3A_1694 = vector.shape_cast %get3A_1693 : vector<1x1x128xf32> to vector<1x128xf32>
    %sub3A_1695 = vector.broadcast %get3A_7 : vector<128x1xf32> to vector<128x128xf32>
    %sub3A_1696 = vector.broadcast %get3A_1694 : vector<1x128xf32> to vector<128x128xf32>
    %sub3A_1697 = arith.subf %sub3A_1695, %sub3A_1696 : vector<128x128xf32>
    %mul3A_1698 = arith.mulf %sub3A_1681, %sub3A_1681 : vector<128x128xf32>
    %mul3A_1699 = arith.mulf %sub3A_1689, %sub3A_1689 : vector<128x128xf32>
    %add3A_1700 = arith.addf %mul3A_1698, %mul3A_1699 : vector<128x128xf32>
    %mul3A_1701 = arith.mulf %sub3A_1697, %sub3A_1697 : vector<128x128xf32>
    %add3A_1702 = arith.addf %add3A_1700, %mul3A_1701 : vector<128x128xf32>
    %swap3A_1703 = arith.constant 0 : index
    %swap3A_1704 = arith.constant 5376 : index
    %swap3A_1705 = vector.load %arg5[%swap3A_1703, %swap3A_1704] : memref<128x10240xf32, #tpu.memory_space<vmem>>, vector<128x128xf32>
    tpu.vector_store %arg5[%swap3A_1703, %swap3A_1704], %add3A_1702 {strides = array<i32>} : memref<128x10240xf32, #tpu.memory_space<vmem>>, vector<128x128xf32>,
    %get3A_1706 = arith.constant 0 : index
    %get3A_1707 = arith.constant 0 : index
    %get3A_1708 = arith.constant 5504 : index
    %get3A_1709 = vector.load %arg2[%get3A_1706, %get3A_1707, %get3A_1708] : memref<1x3x10240xf32, #tpu.memory_space<vmem>>, vector<1x1x128xf32>
    %get3A_1710 = vector.shape_cast %get3A_1709 : vector<1x1x128xf32> to vector<1x128xf32>
    %sub3A_1711 = vector.broadcast %get3A_1 : vector<128x1xf32> to vector<128x128xf32>
    %sub3A_1712 = vector.broadcast %get3A_1710 : vector<1x128xf32> to vector<128x128xf32>
    %sub3A_1713 = arith.subf %sub3A_1711, %sub3A_1712 : vector<128x128xf32>
    %get3A_1714 = arith.constant 0 : index
    %get3A_1715 = arith.constant 1 : index
    %get3A_1716 = arith.constant 5504 : index
    %get3A_1717 = vector.load %arg2[%get3A_1714, %get3A_1715, %get3A_1716] : memref<1x3x10240xf32, #tpu.memory_space<vmem>>, vector<1x1x128xf32>
    %get3A_1718 = vector.shape_cast %get3A_1717 : vector<1x1x128xf32> to vector<1x128xf32>
    %sub3A_1719 = vector.broadcast %get3A_4 : vector<128x1xf32> to vector<128x128xf32>
    %sub3A_1720 = vector.broadcast %get3A_1718 : vector<1x128xf32> to vector<128x128xf32>
    %sub3A_1721 = arith.subf %sub3A_1719, %sub3A_1720 : vector<128x128xf32>
    %get3A_1722 = arith.constant 0 : index
    %get3A_1723 = arith.constant 2 : index
    %get3A_1724 = arith.constant 5504 : index
    %get3A_1725 = vector.load %arg2[%get3A_1722, %get3A_1723, %get3A_1724] : memref<1x3x10240xf32, #tpu.memory_space<vmem>>, vector<1x1x128xf32>
    %get3A_1726 = vector.shape_cast %get3A_1725 : vector<1x1x128xf32> to vector<1x128xf32>
    %sub3A_1727 = vector.broadcast %get3A_7 : vector<128x1xf32> to vector<128x128xf32>
    %sub3A_1728 = vector.broadcast %get3A_1726 : vector<1x128xf32> to vector<128x128xf32>
    %sub3A_1729 = arith.subf %sub3A_1727, %sub3A_1728 : vector<128x128xf32>
    %mul3A_1730 = arith.mulf %sub3A_1713, %sub3A_1713 : vector<128x128xf32>
    %mul3A_1731 = arith.mulf %sub3A_1721, %sub3A_1721 : vector<128x128xf32>
    %add3A_1732 = arith.addf %mul3A_1730, %mul3A_1731 : vector<128x128xf32>
    %mul3A_1733 = arith.mulf %sub3A_1729, %sub3A_1729 : vector<128x128xf32>
    %add3A_1734 = arith.addf %add3A_1732, %mul3A_1733 : vector<128x128xf32>
    %swap3A_1735 = arith.constant 0 : index
    %swap3A_1736 = arith.constant 5504 : index
    %swap3A_1737 = vector.load %arg5[%swap3A_1735, %swap3A_1736] : memref<128x10240xf32, #tpu.memory_space<vmem>>, vector<128x128xf32>
    tpu.vector_store %arg5[%swap3A_1735, %swap3A_1736], %add3A_1734 {strides = array<i32>} : memref<128x10240xf32, #tpu.memory_space<vmem>>, vector<128x128xf32>,
    %broadcast_in_dim3A_1738 = arith.constant 40 : i32
    %broadcast_in_dim3A_1739 = vector.broadcast %broadcast_in_dim3A_1738 : i32 to vector<128x128xi32>
    %broadcast_in_dim3A_1740 = arith.constant 41 : i32
    %broadcast_in_dim3A_1741 = vector.broadcast %broadcast_in_dim3A_1740 : i32 to vector<128x128xi32>
    %broadcast_in_dim3A_1742 = arith.constant 42 : i32
    %broadcast_in_dim3A_1743 = vector.broadcast %broadcast_in_dim3A_1742 : i32 to vector<128x128xi32>
    %broadcast_in_dim3A_1744 = arith.constant 43 : i32
    %broadcast_in_dim3A_1745 = vector.broadcast %broadcast_in_dim3A_1744 : i32 to vector<128x128xi32>
    %lt3A_1746 = arith.cmpf olt, %add3A_1638, %add3A_1670 : vector<128x128xf32>
    %min3A_1747 = arith.minimumf %add3A_1638, %add3A_1670 : vector<128x128xf32>
    %select_n3A_1748 = arith.select %lt3A_1746, %broadcast_in_dim3A_1739, %broadcast_in_dim3A_1741 : vector<128x128xi1>, vector<128x128xi32>
    %max3A_1749 = arith.maximumf %add3A_1638, %add3A_1670 : vector<128x128xf32>
    %select_n3A_1750 = arith.select %lt3A_1746, %broadcast_in_dim3A_1741, %broadcast_in_dim3A_1739 : vector<128x128xi1>, vector<128x128xi32>
    %lt3A_1751 = arith.cmpf olt, %add3A_1702, %add3A_1734 : vector<128x128xf32>
    %min3A_1752 = arith.minimumf %add3A_1702, %add3A_1734 : vector<128x128xf32>
    %select_n3A_1753 = arith.select %lt3A_1751, %broadcast_in_dim3A_1743, %broadcast_in_dim3A_1745 : vector<128x128xi1>, vector<128x128xi32>
    %max3A_1754 = arith.maximumf %add3A_1702, %add3A_1734 : vector<128x128xf32>
    %select_n3A_1755 = arith.select %lt3A_1751, %broadcast_in_dim3A_1745, %broadcast_in_dim3A_1743 : vector<128x128xi1>, vector<128x128xi32>
    %lt3A_1756 = arith.cmpf olt, %min3A_1747, %min3A_1752 : vector<128x128xf32>
    %min3A_1757 = arith.minimumf %min3A_1747, %min3A_1752 : vector<128x128xf32>
    %select_n3A_1758 = arith.select %lt3A_1756, %select_n3A_1748, %select_n3A_1753 : vector<128x128xi1>, vector<128x128xi32>
    %max3A_1759 = arith.maximumf %min3A_1747, %min3A_1752 : vector<128x128xf32>
    %select_n3A_1760 = arith.select %lt3A_1756, %select_n3A_1753, %select_n3A_1748 : vector<128x128xi1>, vector<128x128xi32>
    %lt3A_1761 = arith.cmpf olt, %max3A_1749, %max3A_1754 : vector<128x128xf32>
    %min3A_1762 = arith.minimumf %max3A_1749, %max3A_1754 : vector<128x128xf32>
    %select_n3A_1763 = arith.select %lt3A_1761, %select_n3A_1750, %select_n3A_1755 : vector<128x128xi1>, vector<128x128xi32>
    %max3A_1764 = arith.maximumf %max3A_1749, %max3A_1754 : vector<128x128xf32>
    %select_n3A_1765 = arith.select %lt3A_1761, %select_n3A_1755, %select_n3A_1750 : vector<128x128xi1>, vector<128x128xi32>
    %lt3A_1766 = arith.cmpf olt, %max3A_1759, %min3A_1762 : vector<128x128xf32>
    %min3A_1767 = arith.minimumf %max3A_1759, %min3A_1762 : vector<128x128xf32>
    %select_n3A_1768 = arith.select %lt3A_1766, %select_n3A_1760, %select_n3A_1763 : vector<128x128xi1>, vector<128x128xi32>
    %max3A_1769 = arith.maximumf %max3A_1759, %min3A_1762 : vector<128x128xf32>
    %select_n3A_1770 = arith.select %lt3A_1766, %select_n3A_1763, %select_n3A_1760 : vector<128x128xi1>, vector<128x128xi32>
    %get3A_1771 = arith.constant 0 : index
    %get3A_1772 = arith.constant 0 : index
    %get3A_1773 = arith.constant 5632 : index
    %get3A_1774 = vector.load %arg2[%get3A_1771, %get3A_1772, %get3A_1773] : memref<1x3x10240xf32, #tpu.memory_space<vmem>>, vector<1x1x128xf32>
    %get3A_1775 = vector.shape_cast %get3A_1774 : vector<1x1x128xf32> to vector<1x128xf32>
    %sub3A_1776 = vector.broadcast %get3A_1 : vector<128x1xf32> to vector<128x128xf32>
    %sub3A_1777 = vector.broadcast %get3A_1775 : vector<1x128xf32> to vector<128x128xf32>
    %sub3A_1778 = arith.subf %sub3A_1776, %sub3A_1777 : vector<128x128xf32>
    %get3A_1779 = arith.constant 0 : index
    %get3A_1780 = arith.constant 1 : index
    %get3A_1781 = arith.constant 5632 : index
    %get3A_1782 = vector.load %arg2[%get3A_1779, %get3A_1780, %get3A_1781] : memref<1x3x10240xf32, #tpu.memory_space<vmem>>, vector<1x1x128xf32>
    %get3A_1783 = vector.shape_cast %get3A_1782 : vector<1x1x128xf32> to vector<1x128xf32>
    %sub3A_1784 = vector.broadcast %get3A_4 : vector<128x1xf32> to vector<128x128xf32>
    %sub3A_1785 = vector.broadcast %get3A_1783 : vector<1x128xf32> to vector<128x128xf32>
    %sub3A_1786 = arith.subf %sub3A_1784, %sub3A_1785 : vector<128x128xf32>
    %get3A_1787 = arith.constant 0 : index
    %get3A_1788 = arith.constant 2 : index
    %get3A_1789 = arith.constant 5632 : index
    %get3A_1790 = vector.load %arg2[%get3A_1787, %get3A_1788, %get3A_1789] : memref<1x3x10240xf32, #tpu.memory_space<vmem>>, vector<1x1x128xf32>
    %get3A_1791 = vector.shape_cast %get3A_1790 : vector<1x1x128xf32> to vector<1x128xf32>
    %sub3A_1792 = vector.broadcast %get3A_7 : vector<128x1xf32> to vector<128x128xf32>
    %sub3A_1793 = vector.broadcast %get3A_1791 : vector<1x128xf32> to vector<128x128xf32>
    %sub3A_1794 = arith.subf %sub3A_1792, %sub3A_1793 : vector<128x128xf32>
    %mul3A_1795 = arith.mulf %sub3A_1778, %sub3A_1778 : vector<128x128xf32>
    %mul3A_1796 = arith.mulf %sub3A_1786, %sub3A_1786 : vector<128x128xf32>
    %add3A_1797 = arith.addf %mul3A_1795, %mul3A_1796 : vector<128x128xf32>
    %mul3A_1798 = arith.mulf %sub3A_1794, %sub3A_1794 : vector<128x128xf32>
    %add3A_1799 = arith.addf %add3A_1797, %mul3A_1798 : vector<128x128xf32>
    %swap3A_1800 = arith.constant 0 : index
    %swap3A_1801 = arith.constant 5632 : index
    %swap3A_1802 = vector.load %arg5[%swap3A_1800, %swap3A_1801] : memref<128x10240xf32, #tpu.memory_space<vmem>>, vector<128x128xf32>
    tpu.vector_store %arg5[%swap3A_1800, %swap3A_1801], %add3A_1799 {strides = array<i32>} : memref<128x10240xf32, #tpu.memory_space<vmem>>, vector<128x128xf32>,
    %get3A_1803 = arith.constant 0 : index
    %get3A_1804 = arith.constant 0 : index
    %get3A_1805 = arith.constant 5760 : index
    %get3A_1806 = vector.load %arg2[%get3A_1803, %get3A_1804, %get3A_1805] : memref<1x3x10240xf32, #tpu.memory_space<vmem>>, vector<1x1x128xf32>
    %get3A_1807 = vector.shape_cast %get3A_1806 : vector<1x1x128xf32> to vector<1x128xf32>
    %sub3A_1808 = vector.broadcast %get3A_1 : vector<128x1xf32> to vector<128x128xf32>
    %sub3A_1809 = vector.broadcast %get3A_1807 : vector<1x128xf32> to vector<128x128xf32>
    %sub3A_1810 = arith.subf %sub3A_1808, %sub3A_1809 : vector<128x128xf32>
    %get3A_1811 = arith.constant 0 : index
    %get3A_1812 = arith.constant 1 : index
    %get3A_1813 = arith.constant 5760 : index
    %get3A_1814 = vector.load %arg2[%get3A_1811, %get3A_1812, %get3A_1813] : memref<1x3x10240xf32, #tpu.memory_space<vmem>>, vector<1x1x128xf32>
    %get3A_1815 = vector.shape_cast %get3A_1814 : vector<1x1x128xf32> to vector<1x128xf32>
    %sub3A_1816 = vector.broadcast %get3A_4 : vector<128x1xf32> to vector<128x128xf32>
    %sub3A_1817 = vector.broadcast %get3A_1815 : vector<1x128xf32> to vector<128x128xf32>
    %sub3A_1818 = arith.subf %sub3A_1816, %sub3A_1817 : vector<128x128xf32>
    %get3A_1819 = arith.constant 0 : index
    %get3A_1820 = arith.constant 2 : index
    %get3A_1821 = arith.constant 5760 : index
    %get3A_1822 = vector.load %arg2[%get3A_1819, %get3A_1820, %get3A_1821] : memref<1x3x10240xf32, #tpu.memory_space<vmem>>, vector<1x1x128xf32>
    %get3A_1823 = vector.shape_cast %get3A_1822 : vector<1x1x128xf32> to vector<1x128xf32>
    %sub3A_1824 = vector.broadcast %get3A_7 : vector<128x1xf32> to vector<128x128xf32>
    %sub3A_1825 = vector.broadcast %get3A_1823 : vector<1x128xf32> to vector<128x128xf32>
    %sub3A_1826 = arith.subf %sub3A_1824, %sub3A_1825 : vector<128x128xf32>
    %mul3A_1827 = arith.mulf %sub3A_1810, %sub3A_1810 : vector<128x128xf32>
    %mul3A_1828 = arith.mulf %sub3A_1818, %sub3A_1818 : vector<128x128xf32>
    %add3A_1829 = arith.addf %mul3A_1827, %mul3A_1828 : vector<128x128xf32>
    %mul3A_1830 = arith.mulf %sub3A_1826, %sub3A_1826 : vector<128x128xf32>
    %add3A_1831 = arith.addf %add3A_1829, %mul3A_1830 : vector<128x128xf32>
    %swap3A_1832 = arith.constant 0 : index
    %swap3A_1833 = arith.constant 5760 : index
    %swap3A_1834 = vector.load %arg5[%swap3A_1832, %swap3A_1833] : memref<128x10240xf32, #tpu.memory_space<vmem>>, vector<128x128xf32>
    tpu.vector_store %arg5[%swap3A_1832, %swap3A_1833], %add3A_1831 {strides = array<i32>} : memref<128x10240xf32, #tpu.memory_space<vmem>>, vector<128x128xf32>,
    %get3A_1835 = arith.constant 0 : index
    %get3A_1836 = arith.constant 0 : index
    %get3A_1837 = arith.constant 5888 : index
    %get3A_1838 = vector.load %arg2[%get3A_1835, %get3A_1836, %get3A_1837] : memref<1x3x10240xf32, #tpu.memory_space<vmem>>, vector<1x1x128xf32>
    %get3A_1839 = vector.shape_cast %get3A_1838 : vector<1x1x128xf32> to vector<1x128xf32>
    %sub3A_1840 = vector.broadcast %get3A_1 : vector<128x1xf32> to vector<128x128xf32>
    %sub3A_1841 = vector.broadcast %get3A_1839 : vector<1x128xf32> to vector<128x128xf32>
    %sub3A_1842 = arith.subf %sub3A_1840, %sub3A_1841 : vector<128x128xf32>
    %get3A_1843 = arith.constant 0 : index
    %get3A_1844 = arith.constant 1 : index
    %get3A_1845 = arith.constant 5888 : index
    %get3A_1846 = vector.load %arg2[%get3A_1843, %get3A_1844, %get3A_1845] : memref<1x3x10240xf32, #tpu.memory_space<vmem>>, vector<1x1x128xf32>
    %get3A_1847 = vector.shape_cast %get3A_1846 : vector<1x1x128xf32> to vector<1x128xf32>
    %sub3A_1848 = vector.broadcast %get3A_4 : vector<128x1xf32> to vector<128x128xf32>
    %sub3A_1849 = vector.broadcast %get3A_1847 : vector<1x128xf32> to vector<128x128xf32>
    %sub3A_1850 = arith.subf %sub3A_1848, %sub3A_1849 : vector<128x128xf32>
    %get3A_1851 = arith.constant 0 : index
    %get3A_1852 = arith.constant 2 : index
    %get3A_1853 = arith.constant 5888 : index
    %get3A_1854 = vector.load %arg2[%get3A_1851, %get3A_1852, %get3A_1853] : memref<1x3x10240xf32, #tpu.memory_space<vmem>>, vector<1x1x128xf32>
    %get3A_1855 = vector.shape_cast %get3A_1854 : vector<1x1x128xf32> to vector<1x128xf32>
    %sub3A_1856 = vector.broadcast %get3A_7 : vector<128x1xf32> to vector<128x128xf32>
    %sub3A_1857 = vector.broadcast %get3A_1855 : vector<1x128xf32> to vector<128x128xf32>
    %sub3A_1858 = arith.subf %sub3A_1856, %sub3A_1857 : vector<128x128xf32>
    %mul3A_1859 = arith.mulf %sub3A_1842, %sub3A_1842 : vector<128x128xf32>
    %mul3A_1860 = arith.mulf %sub3A_1850, %sub3A_1850 : vector<128x128xf32>
    %add3A_1861 = arith.addf %mul3A_1859, %mul3A_1860 : vector<128x128xf32>
    %mul3A_1862 = arith.mulf %sub3A_1858, %sub3A_1858 : vector<128x128xf32>
    %add3A_1863 = arith.addf %add3A_1861, %mul3A_1862 : vector<128x128xf32>
    %swap3A_1864 = arith.constant 0 : index
    %swap3A_1865 = arith.constant 5888 : index
    %swap3A_1866 = vector.load %arg5[%swap3A_1864, %swap3A_1865] : memref<128x10240xf32, #tpu.memory_space<vmem>>, vector<128x128xf32>
    tpu.vector_store %arg5[%swap3A_1864, %swap3A_1865], %add3A_1863 {strides = array<i32>} : memref<128x10240xf32, #tpu.memory_space<vmem>>, vector<128x128xf32>,
    %get3A_1867 = arith.constant 0 : index
    %get3A_1868 = arith.constant 0 : index
    %get3A_1869 = arith.constant 6016 : index
    %get3A_1870 = vector.load %arg2[%get3A_1867, %get3A_1868, %get3A_1869] : memref<1x3x10240xf32, #tpu.memory_space<vmem>>, vector<1x1x128xf32>
    %get3A_1871 = vector.shape_cast %get3A_1870 : vector<1x1x128xf32> to vector<1x128xf32>
    %sub3A_1872 = vector.broadcast %get3A_1 : vector<128x1xf32> to vector<128x128xf32>
    %sub3A_1873 = vector.broadcast %get3A_1871 : vector<1x128xf32> to vector<128x128xf32>
    %sub3A_1874 = arith.subf %sub3A_1872, %sub3A_1873 : vector<128x128xf32>
    %get3A_1875 = arith.constant 0 : index
    %get3A_1876 = arith.constant 1 : index
    %get3A_1877 = arith.constant 6016 : index
    %get3A_1878 = vector.load %arg2[%get3A_1875, %get3A_1876, %get3A_1877] : memref<1x3x10240xf32, #tpu.memory_space<vmem>>, vector<1x1x128xf32>
    %get3A_1879 = vector.shape_cast %get3A_1878 : vector<1x1x128xf32> to vector<1x128xf32>
    %sub3A_1880 = vector.broadcast %get3A_4 : vector<128x1xf32> to vector<128x128xf32>
    %sub3A_1881 = vector.broadcast %get3A_1879 : vector<1x128xf32> to vector<128x128xf32>
    %sub3A_1882 = arith.subf %sub3A_1880, %sub3A_1881 : vector<128x128xf32>
    %get3A_1883 = arith.constant 0 : index
    %get3A_1884 = arith.constant 2 : index
    %get3A_1885 = arith.constant 6016 : index
    %get3A_1886 = vector.load %arg2[%get3A_1883, %get3A_1884, %get3A_1885] : memref<1x3x10240xf32, #tpu.memory_space<vmem>>, vector<1x1x128xf32>
    %get3A_1887 = vector.shape_cast %get3A_1886 : vector<1x1x128xf32> to vector<1x128xf32>
    %sub3A_1888 = vector.broadcast %get3A_7 : vector<128x1xf32> to vector<128x128xf32>
    %sub3A_1889 = vector.broadcast %get3A_1887 : vector<1x128xf32> to vector<128x128xf32>
    %sub3A_1890 = arith.subf %sub3A_1888, %sub3A_1889 : vector<128x128xf32>
    %mul3A_1891 = arith.mulf %sub3A_1874, %sub3A_1874 : vector<128x128xf32>
    %mul3A_1892 = arith.mulf %sub3A_1882, %sub3A_1882 : vector<128x128xf32>
    %add3A_1893 = arith.addf %mul3A_1891, %mul3A_1892 : vector<128x128xf32>
    %mul3A_1894 = arith.mulf %sub3A_1890, %sub3A_1890 : vector<128x128xf32>
    %add3A_1895 = arith.addf %add3A_1893, %mul3A_1894 : vector<128x128xf32>
    %swap3A_1896 = arith.constant 0 : index
    %swap3A_1897 = arith.constant 6016 : index
    %swap3A_1898 = vector.load %arg5[%swap3A_1896, %swap3A_1897] : memref<128x10240xf32, #tpu.memory_space<vmem>>, vector<128x128xf32>
    tpu.vector_store %arg5[%swap3A_1896, %swap3A_1897], %add3A_1895 {strides = array<i32>} : memref<128x10240xf32, #tpu.memory_space<vmem>>, vector<128x128xf32>,
    %broadcast_in_dim3A_1899 = arith.constant 44 : i32
    %broadcast_in_dim3A_1900 = vector.broadcast %broadcast_in_dim3A_1899 : i32 to vector<128x128xi32>
    %broadcast_in_dim3A_1901 = arith.constant 45 : i32
    %broadcast_in_dim3A_1902 = vector.broadcast %broadcast_in_dim3A_1901 : i32 to vector<128x128xi32>
    %broadcast_in_dim3A_1903 = arith.constant 46 : i32
    %broadcast_in_dim3A_1904 = vector.broadcast %broadcast_in_dim3A_1903 : i32 to vector<128x128xi32>
    %broadcast_in_dim3A_1905 = arith.constant 47 : i32
    %broadcast_in_dim3A_1906 = vector.broadcast %broadcast_in_dim3A_1905 : i32 to vector<128x128xi32>
    %lt3A_1907 = arith.cmpf olt, %add3A_1799, %add3A_1831 : vector<128x128xf32>
    %min3A_1908 = arith.minimumf %add3A_1799, %add3A_1831 : vector<128x128xf32>
    %select_n3A_1909 = arith.select %lt3A_1907, %broadcast_in_dim3A_1900, %broadcast_in_dim3A_1902 : vector<128x128xi1>, vector<128x128xi32>
    %max3A_1910 = arith.maximumf %add3A_1799, %add3A_1831 : vector<128x128xf32>
    %select_n3A_1911 = arith.select %lt3A_1907, %broadcast_in_dim3A_1902, %broadcast_in_dim3A_1900 : vector<128x128xi1>, vector<128x128xi32>
    %lt3A_1912 = arith.cmpf olt, %add3A_1863, %add3A_1895 : vector<128x128xf32>
    %min3A_1913 = arith.minimumf %add3A_1863, %add3A_1895 : vector<128x128xf32>
    %select_n3A_1914 = arith.select %lt3A_1912, %broadcast_in_dim3A_1904, %broadcast_in_dim3A_1906 : vector<128x128xi1>, vector<128x128xi32>
    %max3A_1915 = arith.maximumf %add3A_1863, %add3A_1895 : vector<128x128xf32>
    %select_n3A_1916 = arith.select %lt3A_1912, %broadcast_in_dim3A_1906, %broadcast_in_dim3A_1904 : vector<128x128xi1>, vector<128x128xi32>
    %lt3A_1917 = arith.cmpf olt, %min3A_1908, %min3A_1913 : vector<128x128xf32>
    %min3A_1918 = arith.minimumf %min3A_1908, %min3A_1913 : vector<128x128xf32>
    %select_n3A_1919 = arith.select %lt3A_1917, %select_n3A_1909, %select_n3A_1914 : vector<128x128xi1>, vector<128x128xi32>
    %max3A_1920 = arith.maximumf %min3A_1908, %min3A_1913 : vector<128x128xf32>
    %select_n3A_1921 = arith.select %lt3A_1917, %select_n3A_1914, %select_n3A_1909 : vector<128x128xi1>, vector<128x128xi32>
    %lt3A_1922 = arith.cmpf olt, %max3A_1910, %max3A_1915 : vector<128x128xf32>
    %min3A_1923 = arith.minimumf %max3A_1910, %max3A_1915 : vector<128x128xf32>
    %select_n3A_1924 = arith.select %lt3A_1922, %select_n3A_1911, %select_n3A_1916 : vector<128x128xi1>, vector<128x128xi32>
    %max3A_1925 = arith.maximumf %max3A_1910, %max3A_1915 : vector<128x128xf32>
    %select_n3A_1926 = arith.select %lt3A_1922, %select_n3A_1916, %select_n3A_1911 : vector<128x128xi1>, vector<128x128xi32>
    %lt3A_1927 = arith.cmpf olt, %max3A_1920, %min3A_1923 : vector<128x128xf32>
    %min3A_1928 = arith.minimumf %max3A_1920, %min3A_1923 : vector<128x128xf32>
    %select_n3A_1929 = arith.select %lt3A_1927, %select_n3A_1921, %select_n3A_1924 : vector<128x128xi1>, vector<128x128xi32>
    %max3A_1930 = arith.maximumf %max3A_1920, %min3A_1923 : vector<128x128xf32>
    %select_n3A_1931 = arith.select %lt3A_1927, %select_n3A_1924, %select_n3A_1921 : vector<128x128xi1>, vector<128x128xi32>
    %get3A_1932 = arith.constant 0 : index
    %get3A_1933 = arith.constant 0 : index
    %get3A_1934 = arith.constant 6144 : index
    %get3A_1935 = vector.load %arg2[%get3A_1932, %get3A_1933, %get3A_1934] : memref<1x3x10240xf32, #tpu.memory_space<vmem>>, vector<1x1x128xf32>
    %get3A_1936 = vector.shape_cast %get3A_1935 : vector<1x1x128xf32> to vector<1x128xf32>
    %sub3A_1937 = vector.broadcast %get3A_1 : vector<128x1xf32> to vector<128x128xf32>
    %sub3A_1938 = vector.broadcast %get3A_1936 : vector<1x128xf32> to vector<128x128xf32>
    %sub3A_1939 = arith.subf %sub3A_1937, %sub3A_1938 : vector<128x128xf32>
    %get3A_1940 = arith.constant 0 : index
    %get3A_1941 = arith.constant 1 : index
    %get3A_1942 = arith.constant 6144 : index
    %get3A_1943 = vector.load %arg2[%get3A_1940, %get3A_1941, %get3A_1942] : memref<1x3x10240xf32, #tpu.memory_space<vmem>>, vector<1x1x128xf32>
    %get3A_1944 = vector.shape_cast %get3A_1943 : vector<1x1x128xf32> to vector<1x128xf32>
    %sub3A_1945 = vector.broadcast %get3A_4 : vector<128x1xf32> to vector<128x128xf32>
    %sub3A_1946 = vector.broadcast %get3A_1944 : vector<1x128xf32> to vector<128x128xf32>
    %sub3A_1947 = arith.subf %sub3A_1945, %sub3A_1946 : vector<128x128xf32>
    %get3A_1948 = arith.constant 0 : index
    %get3A_1949 = arith.constant 2 : index
    %get3A_1950 = arith.constant 6144 : index
    %get3A_1951 = vector.load %arg2[%get3A_1948, %get3A_1949, %get3A_1950] : memref<1x3x10240xf32, #tpu.memory_space<vmem>>, vector<1x1x128xf32>
    %get3A_1952 = vector.shape_cast %get3A_1951 : vector<1x1x128xf32> to vector<1x128xf32>
    %sub3A_1953 = vector.broadcast %get3A_7 : vector<128x1xf32> to vector<128x128xf32>
    %sub3A_1954 = vector.broadcast %get3A_1952 : vector<1x128xf32> to vector<128x128xf32>
    %sub3A_1955 = arith.subf %sub3A_1953, %sub3A_1954 : vector<128x128xf32>
    %mul3A_1956 = arith.mulf %sub3A_1939, %sub3A_1939 : vector<128x128xf32>
    %mul3A_1957 = arith.mulf %sub3A_1947, %sub3A_1947 : vector<128x128xf32>
    %add3A_1958 = arith.addf %mul3A_1956, %mul3A_1957 : vector<128x128xf32>
    %mul3A_1959 = arith.mulf %sub3A_1955, %sub3A_1955 : vector<128x128xf32>
    %add3A_1960 = arith.addf %add3A_1958, %mul3A_1959 : vector<128x128xf32>
    %swap3A_1961 = arith.constant 0 : index
    %swap3A_1962 = arith.constant 6144 : index
    %swap3A_1963 = vector.load %arg5[%swap3A_1961, %swap3A_1962] : memref<128x10240xf32, #tpu.memory_space<vmem>>, vector<128x128xf32>
    tpu.vector_store %arg5[%swap3A_1961, %swap3A_1962], %add3A_1960 {strides = array<i32>} : memref<128x10240xf32, #tpu.memory_space<vmem>>, vector<128x128xf32>,
    %get3A_1964 = arith.constant 0 : index
    %get3A_1965 = arith.constant 0 : index
    %get3A_1966 = arith.constant 6272 : index
    %get3A_1967 = vector.load %arg2[%get3A_1964, %get3A_1965, %get3A_1966] : memref<1x3x10240xf32, #tpu.memory_space<vmem>>, vector<1x1x128xf32>
    %get3A_1968 = vector.shape_cast %get3A_1967 : vector<1x1x128xf32> to vector<1x128xf32>
    %sub3A_1969 = vector.broadcast %get3A_1 : vector<128x1xf32> to vector<128x128xf32>
    %sub3A_1970 = vector.broadcast %get3A_1968 : vector<1x128xf32> to vector<128x128xf32>
    %sub3A_1971 = arith.subf %sub3A_1969, %sub3A_1970 : vector<128x128xf32>
    %get3A_1972 = arith.constant 0 : index
    %get3A_1973 = arith.constant 1 : index
    %get3A_1974 = arith.constant 6272 : index
    %get3A_1975 = vector.load %arg2[%get3A_1972, %get3A_1973, %get3A_1974] : memref<1x3x10240xf32, #tpu.memory_space<vmem>>, vector<1x1x128xf32>
    %get3A_1976 = vector.shape_cast %get3A_1975 : vector<1x1x128xf32> to vector<1x128xf32>
    %sub3A_1977 = vector.broadcast %get3A_4 : vector<128x1xf32> to vector<128x128xf32>
    %sub3A_1978 = vector.broadcast %get3A_1976 : vector<1x128xf32> to vector<128x128xf32>
    %sub3A_1979 = arith.subf %sub3A_1977, %sub3A_1978 : vector<128x128xf32>
    %get3A_1980 = arith.constant 0 : index
    %get3A_1981 = arith.constant 2 : index
    %get3A_1982 = arith.constant 6272 : index
    %get3A_1983 = vector.load %arg2[%get3A_1980, %get3A_1981, %get3A_1982] : memref<1x3x10240xf32, #tpu.memory_space<vmem>>, vector<1x1x128xf32>
    %get3A_1984 = vector.shape_cast %get3A_1983 : vector<1x1x128xf32> to vector<1x128xf32>
    %sub3A_1985 = vector.broadcast %get3A_7 : vector<128x1xf32> to vector<128x128xf32>
    %sub3A_1986 = vector.broadcast %get3A_1984 : vector<1x128xf32> to vector<128x128xf32>
    %sub3A_1987 = arith.subf %sub3A_1985, %sub3A_1986 : vector<128x128xf32>
    %mul3A_1988 = arith.mulf %sub3A_1971, %sub3A_1971 : vector<128x128xf32>
    %mul3A_1989 = arith.mulf %sub3A_1979, %sub3A_1979 : vector<128x128xf32>
    %add3A_1990 = arith.addf %mul3A_1988, %mul3A_1989 : vector<128x128xf32>
    %mul3A_1991 = arith.mulf %sub3A_1987, %sub3A_1987 : vector<128x128xf32>
    %add3A_1992 = arith.addf %add3A_1990, %mul3A_1991 : vector<128x128xf32>
    %swap3A_1993 = arith.constant 0 : index
    %swap3A_1994 = arith.constant 6272 : index
    %swap3A_1995 = vector.load %arg5[%swap3A_1993, %swap3A_1994] : memref<128x10240xf32, #tpu.memory_space<vmem>>, vector<128x128xf32>
    tpu.vector_store %arg5[%swap3A_1993, %swap3A_1994], %add3A_1992 {strides = array<i32>} : memref<128x10240xf32, #tpu.memory_space<vmem>>, vector<128x128xf32>,
    %get3A_1996 = arith.constant 0 : index
    %get3A_1997 = arith.constant 0 : index
    %get3A_1998 = arith.constant 6400 : index
    %get3A_1999 = vector.load %arg2[%get3A_1996, %get3A_1997, %get3A_1998] : memref<1x3x10240xf32, #tpu.memory_space<vmem>>, vector<1x1x128xf32>
    %get3A_2000 = vector.shape_cast %get3A_1999 : vector<1x1x128xf32> to vector<1x128xf32>
    %sub3A_2001 = vector.broadcast %get3A_1 : vector<128x1xf32> to vector<128x128xf32>
    %sub3A_2002 = vector.broadcast %get3A_2000 : vector<1x128xf32> to vector<128x128xf32>
    %sub3A_2003 = arith.subf %sub3A_2001, %sub3A_2002 : vector<128x128xf32>
    %get3A_2004 = arith.constant 0 : index
    %get3A_2005 = arith.constant 1 : index
    %get3A_2006 = arith.constant 6400 : index
    %get3A_2007 = vector.load %arg2[%get3A_2004, %get3A_2005, %get3A_2006] : memref<1x3x10240xf32, #tpu.memory_space<vmem>>, vector<1x1x128xf32>
    %get3A_2008 = vector.shape_cast %get3A_2007 : vector<1x1x128xf32> to vector<1x128xf32>
    %sub3A_2009 = vector.broadcast %get3A_4 : vector<128x1xf32> to vector<128x128xf32>
    %sub3A_2010 = vector.broadcast %get3A_2008 : vector<1x128xf32> to vector<128x128xf32>
    %sub3A_2011 = arith.subf %sub3A_2009, %sub3A_2010 : vector<128x128xf32>
    %get3A_2012 = arith.constant 0 : index
    %get3A_2013 = arith.constant 2 : index
    %get3A_2014 = arith.constant 6400 : index
    %get3A_2015 = vector.load %arg2[%get3A_2012, %get3A_2013, %get3A_2014] : memref<1x3x10240xf32, #tpu.memory_space<vmem>>, vector<1x1x128xf32>
    %get3A_2016 = vector.shape_cast %get3A_2015 : vector<1x1x128xf32> to vector<1x128xf32>
    %sub3A_2017 = vector.broadcast %get3A_7 : vector<128x1xf32> to vector<128x128xf32>
    %sub3A_2018 = vector.broadcast %get3A_2016 : vector<1x128xf32> to vector<128x128xf32>
    %sub3A_2019 = arith.subf %sub3A_2017, %sub3A_2018 : vector<128x128xf32>
    %mul3A_2020 = arith.mulf %sub3A_2003, %sub3A_2003 : vector<128x128xf32>
    %mul3A_2021 = arith.mulf %sub3A_2011, %sub3A_2011 : vector<128x128xf32>
    %add3A_2022 = arith.addf %mul3A_2020, %mul3A_2021 : vector<128x128xf32>
    %mul3A_2023 = arith.mulf %sub3A_2019, %sub3A_2019 : vector<128x128xf32>
    %add3A_2024 = arith.addf %add3A_2022, %mul3A_2023 : vector<128x128xf32>
    %swap3A_2025 = arith.constant 0 : index
    %swap3A_2026 = arith.constant 6400 : index
    %swap3A_2027 = vector.load %arg5[%swap3A_2025, %swap3A_2026] : memref<128x10240xf32, #tpu.memory_space<vmem>>, vector<128x128xf32>
    tpu.vector_store %arg5[%swap3A_2025, %swap3A_2026], %add3A_2024 {strides = array<i32>} : memref<128x10240xf32, #tpu.memory_space<vmem>>, vector<128x128xf32>,
    %get3A_2028 = arith.constant 0 : index
    %get3A_2029 = arith.constant 0 : index
    %get3A_2030 = arith.constant 6528 : index
    %get3A_2031 = vector.load %arg2[%get3A_2028, %get3A_2029, %get3A_2030] : memref<1x3x10240xf32, #tpu.memory_space<vmem>>, vector<1x1x128xf32>
    %get3A_2032 = vector.shape_cast %get3A_2031 : vector<1x1x128xf32> to vector<1x128xf32>
    %sub3A_2033 = vector.broadcast %get3A_1 : vector<128x1xf32> to vector<128x128xf32>
    %sub3A_2034 = vector.broadcast %get3A_2032 : vector<1x128xf32> to vector<128x128xf32>
    %sub3A_2035 = arith.subf %sub3A_2033, %sub3A_2034 : vector<128x128xf32>
    %get3A_2036 = arith.constant 0 : index
    %get3A_2037 = arith.constant 1 : index
    %get3A_2038 = arith.constant 6528 : index
    %get3A_2039 = vector.load %arg2[%get3A_2036, %get3A_2037, %get3A_2038] : memref<1x3x10240xf32, #tpu.memory_space<vmem>>, vector<1x1x128xf32>
    %get3A_2040 = vector.shape_cast %get3A_2039 : vector<1x1x128xf32> to vector<1x128xf32>
    %sub3A_2041 = vector.broadcast %get3A_4 : vector<128x1xf32> to vector<128x128xf32>
    %sub3A_2042 = vector.broadcast %get3A_2040 : vector<1x128xf32> to vector<128x128xf32>
    %sub3A_2043 = arith.subf %sub3A_2041, %sub3A_2042 : vector<128x128xf32>
    %get3A_2044 = arith.constant 0 : index
    %get3A_2045 = arith.constant 2 : index
    %get3A_2046 = arith.constant 6528 : index
    %get3A_2047 = vector.load %arg2[%get3A_2044, %get3A_2045, %get3A_2046] : memref<1x3x10240xf32, #tpu.memory_space<vmem>>, vector<1x1x128xf32>
    %get3A_2048 = vector.shape_cast %get3A_2047 : vector<1x1x128xf32> to vector<1x128xf32>
    %sub3A_2049 = vector.broadcast %get3A_7 : vector<128x1xf32> to vector<128x128xf32>
    %sub3A_2050 = vector.broadcast %get3A_2048 : vector<1x128xf32> to vector<128x128xf32>
    %sub3A_2051 = arith.subf %sub3A_2049, %sub3A_2050 : vector<128x128xf32>
    %mul3A_2052 = arith.mulf %sub3A_2035, %sub3A_2035 : vector<128x128xf32>
    %mul3A_2053 = arith.mulf %sub3A_2043, %sub3A_2043 : vector<128x128xf32>
    %add3A_2054 = arith.addf %mul3A_2052, %mul3A_2053 : vector<128x128xf32>
    %mul3A_2055 = arith.mulf %sub3A_2051, %sub3A_2051 : vector<128x128xf32>
    %add3A_2056 = arith.addf %add3A_2054, %mul3A_2055 : vector<128x128xf32>
    %swap3A_2057 = arith.constant 0 : index
    %swap3A_2058 = arith.constant 6528 : index
    %swap3A_2059 = vector.load %arg5[%swap3A_2057, %swap3A_2058] : memref<128x10240xf32, #tpu.memory_space<vmem>>, vector<128x128xf32>
    tpu.vector_store %arg5[%swap3A_2057, %swap3A_2058], %add3A_2056 {strides = array<i32>} : memref<128x10240xf32, #tpu.memory_space<vmem>>, vector<128x128xf32>,
    %broadcast_in_dim3A_2060 = arith.constant 48 : i32
    %broadcast_in_dim3A_2061 = vector.broadcast %broadcast_in_dim3A_2060 : i32 to vector<128x128xi32>
    %broadcast_in_dim3A_2062 = arith.constant 49 : i32
    %broadcast_in_dim3A_2063 = vector.broadcast %broadcast_in_dim3A_2062 : i32 to vector<128x128xi32>
    %broadcast_in_dim3A_2064 = arith.constant 50 : i32
    %broadcast_in_dim3A_2065 = vector.broadcast %broadcast_in_dim3A_2064 : i32 to vector<128x128xi32>
    %broadcast_in_dim3A_2066 = arith.constant 51 : i32
    %broadcast_in_dim3A_2067 = vector.broadcast %broadcast_in_dim3A_2066 : i32 to vector<128x128xi32>
    %lt3A_2068 = arith.cmpf olt, %add3A_1960, %add3A_1992 : vector<128x128xf32>
    %min3A_2069 = arith.minimumf %add3A_1960, %add3A_1992 : vector<128x128xf32>
    %select_n3A_2070 = arith.select %lt3A_2068, %broadcast_in_dim3A_2061, %broadcast_in_dim3A_2063 : vector<128x128xi1>, vector<128x128xi32>
    %max3A_2071 = arith.maximumf %add3A_1960, %add3A_1992 : vector<128x128xf32>
    %select_n3A_2072 = arith.select %lt3A_2068, %broadcast_in_dim3A_2063, %broadcast_in_dim3A_2061 : vector<128x128xi1>, vector<128x128xi32>
    %lt3A_2073 = arith.cmpf olt, %add3A_2024, %add3A_2056 : vector<128x128xf32>
    %min3A_2074 = arith.minimumf %add3A_2024, %add3A_2056 : vector<128x128xf32>
    %select_n3A_2075 = arith.select %lt3A_2073, %broadcast_in_dim3A_2065, %broadcast_in_dim3A_2067 : vector<128x128xi1>, vector<128x128xi32>
    %max3A_2076 = arith.maximumf %add3A_2024, %add3A_2056 : vector<128x128xf32>
    %select_n3A_2077 = arith.select %lt3A_2073, %broadcast_in_dim3A_2067, %broadcast_in_dim3A_2065 : vector<128x128xi1>, vector<128x128xi32>
    %lt3A_2078 = arith.cmpf olt, %min3A_2069, %min3A_2074 : vector<128x128xf32>
    %min3A_2079 = arith.minimumf %min3A_2069, %min3A_2074 : vector<128x128xf32>
    %select_n3A_2080 = arith.select %lt3A_2078, %select_n3A_2070, %select_n3A_2075 : vector<128x128xi1>, vector<128x128xi32>
    %max3A_2081 = arith.maximumf %min3A_2069, %min3A_2074 : vector<128x128xf32>
    %select_n3A_2082 = arith.select %lt3A_2078, %select_n3A_2075, %select_n3A_2070 : vector<128x128xi1>, vector<128x128xi32>
    %lt3A_2083 = arith.cmpf olt, %max3A_2071, %max3A_2076 : vector<128x128xf32>
    %min3A_2084 = arith.minimumf %max3A_2071, %max3A_2076 : vector<128x128xf32>
    %select_n3A_2085 = arith.select %lt3A_2083, %select_n3A_2072, %select_n3A_2077 : vector<128x128xi1>, vector<128x128xi32>
    %max3A_2086 = arith.maximumf %max3A_2071, %max3A_2076 : vector<128x128xf32>
    %select_n3A_2087 = arith.select %lt3A_2083, %select_n3A_2077, %select_n3A_2072 : vector<128x128xi1>, vector<128x128xi32>
    %lt3A_2088 = arith.cmpf olt, %max3A_2081, %min3A_2084 : vector<128x128xf32>
    %min3A_2089 = arith.minimumf %max3A_2081, %min3A_2084 : vector<128x128xf32>
    %select_n3A_2090 = arith.select %lt3A_2088, %select_n3A_2082, %select_n3A_2085 : vector<128x128xi1>, vector<128x128xi32>
    %max3A_2091 = arith.maximumf %max3A_2081, %min3A_2084 : vector<128x128xf32>
    %select_n3A_2092 = arith.select %lt3A_2088, %select_n3A_2085, %select_n3A_2082 : vector<128x128xi1>, vector<128x128xi32>
    %get3A_2093 = arith.constant 0 : index
    %get3A_2094 = arith.constant 0 : index
    %get3A_2095 = arith.constant 6656 : index
    %get3A_2096 = vector.load %arg2[%get3A_2093, %get3A_2094, %get3A_2095] : memref<1x3x10240xf32, #tpu.memory_space<vmem>>, vector<1x1x128xf32>
    %get3A_2097 = vector.shape_cast %get3A_2096 : vector<1x1x128xf32> to vector<1x128xf32>
    %sub3A_2098 = vector.broadcast %get3A_1 : vector<128x1xf32> to vector<128x128xf32>
    %sub3A_2099 = vector.broadcast %get3A_2097 : vector<1x128xf32> to vector<128x128xf32>
    %sub3A_2100 = arith.subf %sub3A_2098, %sub3A_2099 : vector<128x128xf32>
    %get3A_2101 = arith.constant 0 : index
    %get3A_2102 = arith.constant 1 : index
    %get3A_2103 = arith.constant 6656 : index
    %get3A_2104 = vector.load %arg2[%get3A_2101, %get3A_2102, %get3A_2103] : memref<1x3x10240xf32, #tpu.memory_space<vmem>>, vector<1x1x128xf32>
    %get3A_2105 = vector.shape_cast %get3A_2104 : vector<1x1x128xf32> to vector<1x128xf32>
    %sub3A_2106 = vector.broadcast %get3A_4 : vector<128x1xf32> to vector<128x128xf32>
    %sub3A_2107 = vector.broadcast %get3A_2105 : vector<1x128xf32> to vector<128x128xf32>
    %sub3A_2108 = arith.subf %sub3A_2106, %sub3A_2107 : vector<128x128xf32>
    %get3A_2109 = arith.constant 0 : index
    %get3A_2110 = arith.constant 2 : index
    %get3A_2111 = arith.constant 6656 : index
    %get3A_2112 = vector.load %arg2[%get3A_2109, %get3A_2110, %get3A_2111] : memref<1x3x10240xf32, #tpu.memory_space<vmem>>, vector<1x1x128xf32>
    %get3A_2113 = vector.shape_cast %get3A_2112 : vector<1x1x128xf32> to vector<1x128xf32>
    %sub3A_2114 = vector.broadcast %get3A_7 : vector<128x1xf32> to vector<128x128xf32>
    %sub3A_2115 = vector.broadcast %get3A_2113 : vector<1x128xf32> to vector<128x128xf32>
    %sub3A_2116 = arith.subf %sub3A_2114, %sub3A_2115 : vector<128x128xf32>
    %mul3A_2117 = arith.mulf %sub3A_2100, %sub3A_2100 : vector<128x128xf32>
    %mul3A_2118 = arith.mulf %sub3A_2108, %sub3A_2108 : vector<128x128xf32>
    %add3A_2119 = arith.addf %mul3A_2117, %mul3A_2118 : vector<128x128xf32>
    %mul3A_2120 = arith.mulf %sub3A_2116, %sub3A_2116 : vector<128x128xf32>
    %add3A_2121 = arith.addf %add3A_2119, %mul3A_2120 : vector<128x128xf32>
    %swap3A_2122 = arith.constant 0 : index
    %swap3A_2123 = arith.constant 6656 : index
    %swap3A_2124 = vector.load %arg5[%swap3A_2122, %swap3A_2123] : memref<128x10240xf32, #tpu.memory_space<vmem>>, vector<128x128xf32>
    tpu.vector_store %arg5[%swap3A_2122, %swap3A_2123], %add3A_2121 {strides = array<i32>} : memref<128x10240xf32, #tpu.memory_space<vmem>>, vector<128x128xf32>,
    %get3A_2125 = arith.constant 0 : index
    %get3A_2126 = arith.constant 0 : index
    %get3A_2127 = arith.constant 6784 : index
    %get3A_2128 = vector.load %arg2[%get3A_2125, %get3A_2126, %get3A_2127] : memref<1x3x10240xf32, #tpu.memory_space<vmem>>, vector<1x1x128xf32>
    %get3A_2129 = vector.shape_cast %get3A_2128 : vector<1x1x128xf32> to vector<1x128xf32>
    %sub3A_2130 = vector.broadcast %get3A_1 : vector<128x1xf32> to vector<128x128xf32>
    %sub3A_2131 = vector.broadcast %get3A_2129 : vector<1x128xf32> to vector<128x128xf32>
    %sub3A_2132 = arith.subf %sub3A_2130, %sub3A_2131 : vector<128x128xf32>
    %get3A_2133 = arith.constant 0 : index
    %get3A_2134 = arith.constant 1 : index
    %get3A_2135 = arith.constant 6784 : index
    %get3A_2136 = vector.load %arg2[%get3A_2133, %get3A_2134, %get3A_2135] : memref<1x3x10240xf32, #tpu.memory_space<vmem>>, vector<1x1x128xf32>
    %get3A_2137 = vector.shape_cast %get3A_2136 : vector<1x1x128xf32> to vector<1x128xf32>
    %sub3A_2138 = vector.broadcast %get3A_4 : vector<128x1xf32> to vector<128x128xf32>
    %sub3A_2139 = vector.broadcast %get3A_2137 : vector<1x128xf32> to vector<128x128xf32>
    %sub3A_2140 = arith.subf %sub3A_2138, %sub3A_2139 : vector<128x128xf32>
    %get3A_2141 = arith.constant 0 : index
    %get3A_2142 = arith.constant 2 : index
    %get3A_2143 = arith.constant 6784 : index
    %get3A_2144 = vector.load %arg2[%get3A_2141, %get3A_2142, %get3A_2143] : memref<1x3x10240xf32, #tpu.memory_space<vmem>>, vector<1x1x128xf32>
    %get3A_2145 = vector.shape_cast %get3A_2144 : vector<1x1x128xf32> to vector<1x128xf32>
    %sub3A_2146 = vector.broadcast %get3A_7 : vector<128x1xf32> to vector<128x128xf32>
    %sub3A_2147 = vector.broadcast %get3A_2145 : vector<1x128xf32> to vector<128x128xf32>
    %sub3A_2148 = arith.subf %sub3A_2146, %sub3A_2147 : vector<128x128xf32>
    %mul3A_2149 = arith.mulf %sub3A_2132, %sub3A_2132 : vector<128x128xf32>
    %mul3A_2150 = arith.mulf %sub3A_2140, %sub3A_2140 : vector<128x128xf32>
    %add3A_2151 = arith.addf %mul3A_2149, %mul3A_2150 : vector<128x128xf32>
    %mul3A_2152 = arith.mulf %sub3A_2148, %sub3A_2148 : vector<128x128xf32>
    %add3A_2153 = arith.addf %add3A_2151, %mul3A_2152 : vector<128x128xf32>
    %swap3A_2154 = arith.constant 0 : index
    %swap3A_2155 = arith.constant 6784 : index
    %swap3A_2156 = vector.load %arg5[%swap3A_2154, %swap3A_2155] : memref<128x10240xf32, #tpu.memory_space<vmem>>, vector<128x128xf32>
    tpu.vector_store %arg5[%swap3A_2154, %swap3A_2155], %add3A_2153 {strides = array<i32>} : memref<128x10240xf32, #tpu.memory_space<vmem>>, vector<128x128xf32>,
    %get3A_2157 = arith.constant 0 : index
    %get3A_2158 = arith.constant 0 : index
    %get3A_2159 = arith.constant 6912 : index
    %get3A_2160 = vector.load %arg2[%get3A_2157, %get3A_2158, %get3A_2159] : memref<1x3x10240xf32, #tpu.memory_space<vmem>>, vector<1x1x128xf32>
    %get3A_2161 = vector.shape_cast %get3A_2160 : vector<1x1x128xf32> to vector<1x128xf32>
    %sub3A_2162 = vector.broadcast %get3A_1 : vector<128x1xf32> to vector<128x128xf32>
    %sub3A_2163 = vector.broadcast %get3A_2161 : vector<1x128xf32> to vector<128x128xf32>
    %sub3A_2164 = arith.subf %sub3A_2162, %sub3A_2163 : vector<128x128xf32>
    %get3A_2165 = arith.constant 0 : index
    %get3A_2166 = arith.constant 1 : index
    %get3A_2167 = arith.constant 6912 : index
    %get3A_2168 = vector.load %arg2[%get3A_2165, %get3A_2166, %get3A_2167] : memref<1x3x10240xf32, #tpu.memory_space<vmem>>, vector<1x1x128xf32>
    %get3A_2169 = vector.shape_cast %get3A_2168 : vector<1x1x128xf32> to vector<1x128xf32>
    %sub3A_2170 = vector.broadcast %get3A_4 : vector<128x1xf32> to vector<128x128xf32>
    %sub3A_2171 = vector.broadcast %get3A_2169 : vector<1x128xf32> to vector<128x128xf32>
    %sub3A_2172 = arith.subf %sub3A_2170, %sub3A_2171 : vector<128x128xf32>
    %get3A_2173 = arith.constant 0 : index
    %get3A_2174 = arith.constant 2 : index
    %get3A_2175 = arith.constant 6912 : index
    %get3A_2176 = vector.load %arg2[%get3A_2173, %get3A_2174, %get3A_2175] : memref<1x3x10240xf32, #tpu.memory_space<vmem>>, vector<1x1x128xf32>
    %get3A_2177 = vector.shape_cast %get3A_2176 : vector<1x1x128xf32> to vector<1x128xf32>
    %sub3A_2178 = vector.broadcast %get3A_7 : vector<128x1xf32> to vector<128x128xf32>
    %sub3A_2179 = vector.broadcast %get3A_2177 : vector<1x128xf32> to vector<128x128xf32>
    %sub3A_2180 = arith.subf %sub3A_2178, %sub3A_2179 : vector<128x128xf32>
    %mul3A_2181 = arith.mulf %sub3A_2164, %sub3A_2164 : vector<128x128xf32>
    %mul3A_2182 = arith.mulf %sub3A_2172, %sub3A_2172 : vector<128x128xf32>
    %add3A_2183 = arith.addf %mul3A_2181, %mul3A_2182 : vector<128x128xf32>
    %mul3A_2184 = arith.mulf %sub3A_2180, %sub3A_2180 : vector<128x128xf32>
    %add3A_2185 = arith.addf %add3A_2183, %mul3A_2184 : vector<128x128xf32>
    %swap3A_2186 = arith.constant 0 : index
    %swap3A_2187 = arith.constant 6912 : index
    %swap3A_2188 = vector.load %arg5[%swap3A_2186, %swap3A_2187] : memref<128x10240xf32, #tpu.memory_space<vmem>>, vector<128x128xf32>
    tpu.vector_store %arg5[%swap3A_2186, %swap3A_2187], %add3A_2185 {strides = array<i32>} : memref<128x10240xf32, #tpu.memory_space<vmem>>, vector<128x128xf32>,
    %get3A_2189 = arith.constant 0 : index
    %get3A_2190 = arith.constant 0 : index
    %get3A_2191 = arith.constant 7040 : index
    %get3A_2192 = vector.load %arg2[%get3A_2189, %get3A_2190, %get3A_2191] : memref<1x3x10240xf32, #tpu.memory_space<vmem>>, vector<1x1x128xf32>
    %get3A_2193 = vector.shape_cast %get3A_2192 : vector<1x1x128xf32> to vector<1x128xf32>
    %sub3A_2194 = vector.broadcast %get3A_1 : vector<128x1xf32> to vector<128x128xf32>
    %sub3A_2195 = vector.broadcast %get3A_2193 : vector<1x128xf32> to vector<128x128xf32>
    %sub3A_2196 = arith.subf %sub3A_2194, %sub3A_2195 : vector<128x128xf32>
    %get3A_2197 = arith.constant 0 : index
    %get3A_2198 = arith.constant 1 : index
    %get3A_2199 = arith.constant 7040 : index
    %get3A_2200 = vector.load %arg2[%get3A_2197, %get3A_2198, %get3A_2199] : memref<1x3x10240xf32, #tpu.memory_space<vmem>>, vector<1x1x128xf32>
    %get3A_2201 = vector.shape_cast %get3A_2200 : vector<1x1x128xf32> to vector<1x128xf32>
    %sub3A_2202 = vector.broadcast %get3A_4 : vector<128x1xf32> to vector<128x128xf32>
    %sub3A_2203 = vector.broadcast %get3A_2201 : vector<1x128xf32> to vector<128x128xf32>
    %sub3A_2204 = arith.subf %sub3A_2202, %sub3A_2203 : vector<128x128xf32>
    %get3A_2205 = arith.constant 0 : index
    %get3A_2206 = arith.constant 2 : index
    %get3A_2207 = arith.constant 7040 : index
    %get3A_2208 = vector.load %arg2[%get3A_2205, %get3A_2206, %get3A_2207] : memref<1x3x10240xf32, #tpu.memory_space<vmem>>, vector<1x1x128xf32>
    %get3A_2209 = vector.shape_cast %get3A_2208 : vector<1x1x128xf32> to vector<1x128xf32>
    %sub3A_2210 = vector.broadcast %get3A_7 : vector<128x1xf32> to vector<128x128xf32>
    %sub3A_2211 = vector.broadcast %get3A_2209 : vector<1x128xf32> to vector<128x128xf32>
    %sub3A_2212 = arith.subf %sub3A_2210, %sub3A_2211 : vector<128x128xf32>
    %mul3A_2213 = arith.mulf %sub3A_2196, %sub3A_2196 : vector<128x128xf32>
    %mul3A_2214 = arith.mulf %sub3A_2204, %sub3A_2204 : vector<128x128xf32>
    %add3A_2215 = arith.addf %mul3A_2213, %mul3A_2214 : vector<128x128xf32>
    %mul3A_2216 = arith.mulf %sub3A_2212, %sub3A_2212 : vector<128x128xf32>
    %add3A_2217 = arith.addf %add3A_2215, %mul3A_2216 : vector<128x128xf32>
    %swap3A_2218 = arith.constant 0 : index
    %swap3A_2219 = arith.constant 7040 : index
    %swap3A_2220 = vector.load %arg5[%swap3A_2218, %swap3A_2219] : memref<128x10240xf32, #tpu.memory_space<vmem>>, vector<128x128xf32>
    tpu.vector_store %arg5[%swap3A_2218, %swap3A_2219], %add3A_2217 {strides = array<i32>} : memref<128x10240xf32, #tpu.memory_space<vmem>>, vector<128x128xf32>,
    %broadcast_in_dim3A_2221 = arith.constant 52 : i32
    %broadcast_in_dim3A_2222 = vector.broadcast %broadcast_in_dim3A_2221 : i32 to vector<128x128xi32>
    %broadcast_in_dim3A_2223 = arith.constant 53 : i32
    %broadcast_in_dim3A_2224 = vector.broadcast %broadcast_in_dim3A_2223 : i32 to vector<128x128xi32>
    %broadcast_in_dim3A_2225 = arith.constant 54 : i32
    %broadcast_in_dim3A_2226 = vector.broadcast %broadcast_in_dim3A_2225 : i32 to vector<128x128xi32>
    %broadcast_in_dim3A_2227 = arith.constant 55 : i32
    %broadcast_in_dim3A_2228 = vector.broadcast %broadcast_in_dim3A_2227 : i32 to vector<128x128xi32>
    %lt3A_2229 = arith.cmpf olt, %add3A_2121, %add3A_2153 : vector<128x128xf32>
    %min3A_2230 = arith.minimumf %add3A_2121, %add3A_2153 : vector<128x128xf32>
    %select_n3A_2231 = arith.select %lt3A_2229, %broadcast_in_dim3A_2222, %broadcast_in_dim3A_2224 : vector<128x128xi1>, vector<128x128xi32>
    %max3A_2232 = arith.maximumf %add3A_2121, %add3A_2153 : vector<128x128xf32>
    %select_n3A_2233 = arith.select %lt3A_2229, %broadcast_in_dim3A_2224, %broadcast_in_dim3A_2222 : vector<128x128xi1>, vector<128x128xi32>
    %lt3A_2234 = arith.cmpf olt, %add3A_2185, %add3A_2217 : vector<128x128xf32>
    %min3A_2235 = arith.minimumf %add3A_2185, %add3A_2217 : vector<128x128xf32>
    %select_n3A_2236 = arith.select %lt3A_2234, %broadcast_in_dim3A_2226, %broadcast_in_dim3A_2228 : vector<128x128xi1>, vector<128x128xi32>
    %max3A_2237 = arith.maximumf %add3A_2185, %add3A_2217 : vector<128x128xf32>
    %select_n3A_2238 = arith.select %lt3A_2234, %broadcast_in_dim3A_2228, %broadcast_in_dim3A_2226 : vector<128x128xi1>, vector<128x128xi32>
    %lt3A_2239 = arith.cmpf olt, %min3A_2230, %min3A_2235 : vector<128x128xf32>
    %min3A_2240 = arith.minimumf %min3A_2230, %min3A_2235 : vector<128x128xf32>
    %select_n3A_2241 = arith.select %lt3A_2239, %select_n3A_2231, %select_n3A_2236 : vector<128x128xi1>, vector<128x128xi32>
    %max3A_2242 = arith.maximumf %min3A_2230, %min3A_2235 : vector<128x128xf32>
    %select_n3A_2243 = arith.select %lt3A_2239, %select_n3A_2236, %select_n3A_2231 : vector<128x128xi1>, vector<128x128xi32>
    %lt3A_2244 = arith.cmpf olt, %max3A_2232, %max3A_2237 : vector<128x128xf32>
    %min3A_2245 = arith.minimumf %max3A_2232, %max3A_2237 : vector<128x128xf32>
    %select_n3A_2246 = arith.select %lt3A_2244, %select_n3A_2233, %select_n3A_2238 : vector<128x128xi1>, vector<128x128xi32>
    %max3A_2247 = arith.maximumf %max3A_2232, %max3A_2237 : vector<128x128xf32>
    %select_n3A_2248 = arith.select %lt3A_2244, %select_n3A_2238, %select_n3A_2233 : vector<128x128xi1>, vector<128x128xi32>
    %lt3A_2249 = arith.cmpf olt, %max3A_2242, %min3A_2245 : vector<128x128xf32>
    %min3A_2250 = arith.minimumf %max3A_2242, %min3A_2245 : vector<128x128xf32>
    %select_n3A_2251 = arith.select %lt3A_2249, %select_n3A_2243, %select_n3A_2246 : vector<128x128xi1>, vector<128x128xi32>
    %max3A_2252 = arith.maximumf %max3A_2242, %min3A_2245 : vector<128x128xf32>
    %select_n3A_2253 = arith.select %lt3A_2249, %select_n3A_2246, %select_n3A_2243 : vector<128x128xi1>, vector<128x128xi32>
    %get3A_2254 = arith.constant 0 : index
    %get3A_2255 = arith.constant 0 : index
    %get3A_2256 = arith.constant 7168 : index
    %get3A_2257 = vector.load %arg2[%get3A_2254, %get3A_2255, %get3A_2256] : memref<1x3x10240xf32, #tpu.memory_space<vmem>>, vector<1x1x128xf32>
    %get3A_2258 = vector.shape_cast %get3A_2257 : vector<1x1x128xf32> to vector<1x128xf32>
    %sub3A_2259 = vector.broadcast %get3A_1 : vector<128x1xf32> to vector<128x128xf32>
    %sub3A_2260 = vector.broadcast %get3A_2258 : vector<1x128xf32> to vector<128x128xf32>
    %sub3A_2261 = arith.subf %sub3A_2259, %sub3A_2260 : vector<128x128xf32>
    %get3A_2262 = arith.constant 0 : index
    %get3A_2263 = arith.constant 1 : index
    %get3A_2264 = arith.constant 7168 : index
    %get3A_2265 = vector.load %arg2[%get3A_2262, %get3A_2263, %get3A_2264] : memref<1x3x10240xf32, #tpu.memory_space<vmem>>, vector<1x1x128xf32>
    %get3A_2266 = vector.shape_cast %get3A_2265 : vector<1x1x128xf32> to vector<1x128xf32>
    %sub3A_2267 = vector.broadcast %get3A_4 : vector<128x1xf32> to vector<128x128xf32>
    %sub3A_2268 = vector.broadcast %get3A_2266 : vector<1x128xf32> to vector<128x128xf32>
    %sub3A_2269 = arith.subf %sub3A_2267, %sub3A_2268 : vector<128x128xf32>
    %get3A_2270 = arith.constant 0 : index
    %get3A_2271 = arith.constant 2 : index
    %get3A_2272 = arith.constant 7168 : index
    %get3A_2273 = vector.load %arg2[%get3A_2270, %get3A_2271, %get3A_2272] : memref<1x3x10240xf32, #tpu.memory_space<vmem>>, vector<1x1x128xf32>
    %get3A_2274 = vector.shape_cast %get3A_2273 : vector<1x1x128xf32> to vector<1x128xf32>
    %sub3A_2275 = vector.broadcast %get3A_7 : vector<128x1xf32> to vector<128x128xf32>
    %sub3A_2276 = vector.broadcast %get3A_2274 : vector<1x128xf32> to vector<128x128xf32>
    %sub3A_2277 = arith.subf %sub3A_2275, %sub3A_2276 : vector<128x128xf32>
    %mul3A_2278 = arith.mulf %sub3A_2261, %sub3A_2261 : vector<128x128xf32>
    %mul3A_2279 = arith.mulf %sub3A_2269, %sub3A_2269 : vector<128x128xf32>
    %add3A_2280 = arith.addf %mul3A_2278, %mul3A_2279 : vector<128x128xf32>
    %mul3A_2281 = arith.mulf %sub3A_2277, %sub3A_2277 : vector<128x128xf32>
    %add3A_2282 = arith.addf %add3A_2280, %mul3A_2281 : vector<128x128xf32>
    %swap3A_2283 = arith.constant 0 : index
    %swap3A_2284 = arith.constant 7168 : index
    %swap3A_2285 = vector.load %arg5[%swap3A_2283, %swap3A_2284] : memref<128x10240xf32, #tpu.memory_space<vmem>>, vector<128x128xf32>
    tpu.vector_store %arg5[%swap3A_2283, %swap3A_2284], %add3A_2282 {strides = array<i32>} : memref<128x10240xf32, #tpu.memory_space<vmem>>, vector<128x128xf32>,
    %get3A_2286 = arith.constant 0 : index
    %get3A_2287 = arith.constant 0 : index
    %get3A_2288 = arith.constant 7296 : index
    %get3A_2289 = vector.load %arg2[%get3A_2286, %get3A_2287, %get3A_2288] : memref<1x3x10240xf32, #tpu.memory_space<vmem>>, vector<1x1x128xf32>
    %get3A_2290 = vector.shape_cast %get3A_2289 : vector<1x1x128xf32> to vector<1x128xf32>
    %sub3A_2291 = vector.broadcast %get3A_1 : vector<128x1xf32> to vector<128x128xf32>
    %sub3A_2292 = vector.broadcast %get3A_2290 : vector<1x128xf32> to vector<128x128xf32>
    %sub3A_2293 = arith.subf %sub3A_2291, %sub3A_2292 : vector<128x128xf32>
    %get3A_2294 = arith.constant 0 : index
    %get3A_2295 = arith.constant 1 : index
    %get3A_2296 = arith.constant 7296 : index
    %get3A_2297 = vector.load %arg2[%get3A_2294, %get3A_2295, %get3A_2296] : memref<1x3x10240xf32, #tpu.memory_space<vmem>>, vector<1x1x128xf32>
    %get3A_2298 = vector.shape_cast %get3A_2297 : vector<1x1x128xf32> to vector<1x128xf32>
    %sub3A_2299 = vector.broadcast %get3A_4 : vector<128x1xf32> to vector<128x128xf32>
    %sub3A_2300 = vector.broadcast %get3A_2298 : vector<1x128xf32> to vector<128x128xf32>
    %sub3A_2301 = arith.subf %sub3A_2299, %sub3A_2300 : vector<128x128xf32>
    %get3A_2302 = arith.constant 0 : index
    %get3A_2303 = arith.constant 2 : index
    %get3A_2304 = arith.constant 7296 : index
    %get3A_2305 = vector.load %arg2[%get3A_2302, %get3A_2303, %get3A_2304] : memref<1x3x10240xf32, #tpu.memory_space<vmem>>, vector<1x1x128xf32>
    %get3A_2306 = vector.shape_cast %get3A_2305 : vector<1x1x128xf32> to vector<1x128xf32>
    %sub3A_2307 = vector.broadcast %get3A_7 : vector<128x1xf32> to vector<128x128xf32>
    %sub3A_2308 = vector.broadcast %get3A_2306 : vector<1x128xf32> to vector<128x128xf32>
    %sub3A_2309 = arith.subf %sub3A_2307, %sub3A_2308 : vector<128x128xf32>
    %mul3A_2310 = arith.mulf %sub3A_2293, %sub3A_2293 : vector<128x128xf32>
    %mul3A_2311 = arith.mulf %sub3A_2301, %sub3A_2301 : vector<128x128xf32>
    %add3A_2312 = arith.addf %mul3A_2310, %mul3A_2311 : vector<128x128xf32>
    %mul3A_2313 = arith.mulf %sub3A_2309, %sub3A_2309 : vector<128x128xf32>
    %add3A_2314 = arith.addf %add3A_2312, %mul3A_2313 : vector<128x128xf32>
    %swap3A_2315 = arith.constant 0 : index
    %swap3A_2316 = arith.constant 7296 : index
    %swap3A_2317 = vector.load %arg5[%swap3A_2315, %swap3A_2316] : memref<128x10240xf32, #tpu.memory_space<vmem>>, vector<128x128xf32>
    tpu.vector_store %arg5[%swap3A_2315, %swap3A_2316], %add3A_2314 {strides = array<i32>} : memref<128x10240xf32, #tpu.memory_space<vmem>>, vector<128x128xf32>,
    %get3A_2318 = arith.constant 0 : index
    %get3A_2319 = arith.constant 0 : index
    %get3A_2320 = arith.constant 7424 : index
    %get3A_2321 = vector.load %arg2[%get3A_2318, %get3A_2319, %get3A_2320] : memref<1x3x10240xf32, #tpu.memory_space<vmem>>, vector<1x1x128xf32>
    %get3A_2322 = vector.shape_cast %get3A_2321 : vector<1x1x128xf32> to vector<1x128xf32>
    %sub3A_2323 = vector.broadcast %get3A_1 : vector<128x1xf32> to vector<128x128xf32>
    %sub3A_2324 = vector.broadcast %get3A_2322 : vector<1x128xf32> to vector<128x128xf32>
    %sub3A_2325 = arith.subf %sub3A_2323, %sub3A_2324 : vector<128x128xf32>
    %get3A_2326 = arith.constant 0 : index
    %get3A_2327 = arith.constant 1 : index
    %get3A_2328 = arith.constant 7424 : index
    %get3A_2329 = vector.load %arg2[%get3A_2326, %get3A_2327, %get3A_2328] : memref<1x3x10240xf32, #tpu.memory_space<vmem>>, vector<1x1x128xf32>
    %get3A_2330 = vector.shape_cast %get3A_2329 : vector<1x1x128xf32> to vector<1x128xf32>
    %sub3A_2331 = vector.broadcast %get3A_4 : vector<128x1xf32> to vector<128x128xf32>
    %sub3A_2332 = vector.broadcast %get3A_2330 : vector<1x128xf32> to vector<128x128xf32>
    %sub3A_2333 = arith.subf %sub3A_2331, %sub3A_2332 : vector<128x128xf32>
    %get3A_2334 = arith.constant 0 : index
    %get3A_2335 = arith.constant 2 : index
    %get3A_2336 = arith.constant 7424 : index
    %get3A_2337 = vector.load %arg2[%get3A_2334, %get3A_2335, %get3A_2336] : memref<1x3x10240xf32, #tpu.memory_space<vmem>>, vector<1x1x128xf32>
    %get3A_2338 = vector.shape_cast %get3A_2337 : vector<1x1x128xf32> to vector<1x128xf32>
    %sub3A_2339 = vector.broadcast %get3A_7 : vector<128x1xf32> to vector<128x128xf32>
    %sub3A_2340 = vector.broadcast %get3A_2338 : vector<1x128xf32> to vector<128x128xf32>
    %sub3A_2341 = arith.subf %sub3A_2339, %sub3A_2340 : vector<128x128xf32>
    %mul3A_2342 = arith.mulf %sub3A_2325, %sub3A_2325 : vector<128x128xf32>
    %mul3A_2343 = arith.mulf %sub3A_2333, %sub3A_2333 : vector<128x128xf32>
    %add3A_2344 = arith.addf %mul3A_2342, %mul3A_2343 : vector<128x128xf32>
    %mul3A_2345 = arith.mulf %sub3A_2341, %sub3A_2341 : vector<128x128xf32>
    %add3A_2346 = arith.addf %add3A_2344, %mul3A_2345 : vector<128x128xf32>
    %swap3A_2347 = arith.constant 0 : index
    %swap3A_2348 = arith.constant 7424 : index
    %swap3A_2349 = vector.load %arg5[%swap3A_2347, %swap3A_2348] : memref<128x10240xf32, #tpu.memory_space<vmem>>, vector<128x128xf32>
    tpu.vector_store %arg5[%swap3A_2347, %swap3A_2348], %add3A_2346 {strides = array<i32>} : memref<128x10240xf32, #tpu.memory_space<vmem>>, vector<128x128xf32>,
    %get3A_2350 = arith.constant 0 : index
    %get3A_2351 = arith.constant 0 : index
    %get3A_2352 = arith.constant 7552 : index
    %get3A_2353 = vector.load %arg2[%get3A_2350, %get3A_2351, %get3A_2352] : memref<1x3x10240xf32, #tpu.memory_space<vmem>>, vector<1x1x128xf32>
    %get3A_2354 = vector.shape_cast %get3A_2353 : vector<1x1x128xf32> to vector<1x128xf32>
    %sub3A_2355 = vector.broadcast %get3A_1 : vector<128x1xf32> to vector<128x128xf32>
    %sub3A_2356 = vector.broadcast %get3A_2354 : vector<1x128xf32> to vector<128x128xf32>
    %sub3A_2357 = arith.subf %sub3A_2355, %sub3A_2356 : vector<128x128xf32>
    %get3A_2358 = arith.constant 0 : index
    %get3A_2359 = arith.constant 1 : index
    %get3A_2360 = arith.constant 7552 : index
    %get3A_2361 = vector.load %arg2[%get3A_2358, %get3A_2359, %get3A_2360] : memref<1x3x10240xf32, #tpu.memory_space<vmem>>, vector<1x1x128xf32>
    %get3A_2362 = vector.shape_cast %get3A_2361 : vector<1x1x128xf32> to vector<1x128xf32>
    %sub3A_2363 = vector.broadcast %get3A_4 : vector<128x1xf32> to vector<128x128xf32>
    %sub3A_2364 = vector.broadcast %get3A_2362 : vector<1x128xf32> to vector<128x128xf32>
    %sub3A_2365 = arith.subf %sub3A_2363, %sub3A_2364 : vector<128x128xf32>
    %get3A_2366 = arith.constant 0 : index
    %get3A_2367 = arith.constant 2 : index
    %get3A_2368 = arith.constant 7552 : index
    %get3A_2369 = vector.load %arg2[%get3A_2366, %get3A_2367, %get3A_2368] : memref<1x3x10240xf32, #tpu.memory_space<vmem>>, vector<1x1x128xf32>
    %get3A_2370 = vector.shape_cast %get3A_2369 : vector<1x1x128xf32> to vector<1x128xf32>
    %sub3A_2371 = vector.broadcast %get3A_7 : vector<128x1xf32> to vector<128x128xf32>
    %sub3A_2372 = vector.broadcast %get3A_2370 : vector<1x128xf32> to vector<128x128xf32>
    %sub3A_2373 = arith.subf %sub3A_2371, %sub3A_2372 : vector<128x128xf32>
    %mul3A_2374 = arith.mulf %sub3A_2357, %sub3A_2357 : vector<128x128xf32>
    %mul3A_2375 = arith.mulf %sub3A_2365, %sub3A_2365 : vector<128x128xf32>
    %add3A_2376 = arith.addf %mul3A_2374, %mul3A_2375 : vector<128x128xf32>
    %mul3A_2377 = arith.mulf %sub3A_2373, %sub3A_2373 : vector<128x128xf32>
    %add3A_2378 = arith.addf %add3A_2376, %mul3A_2377 : vector<128x128xf32>
    %swap3A_2379 = arith.constant 0 : index
    %swap3A_2380 = arith.constant 7552 : index
    %swap3A_2381 = vector.load %arg5[%swap3A_2379, %swap3A_2380] : memref<128x10240xf32, #tpu.memory_space<vmem>>, vector<128x128xf32>
    tpu.vector_store %arg5[%swap3A_2379, %swap3A_2380], %add3A_2378 {strides = array<i32>} : memref<128x10240xf32, #tpu.memory_space<vmem>>, vector<128x128xf32>,
    %broadcast_in_dim3A_2382 = arith.constant 56 : i32
    %broadcast_in_dim3A_2383 = vector.broadcast %broadcast_in_dim3A_2382 : i32 to vector<128x128xi32>
    %broadcast_in_dim3A_2384 = arith.constant 57 : i32
    %broadcast_in_dim3A_2385 = vector.broadcast %broadcast_in_dim3A_2384 : i32 to vector<128x128xi32>
    %broadcast_in_dim3A_2386 = arith.constant 58 : i32
    %broadcast_in_dim3A_2387 = vector.broadcast %broadcast_in_dim3A_2386 : i32 to vector<128x128xi32>
    %broadcast_in_dim3A_2388 = arith.constant 59 : i32
    %broadcast_in_dim3A_2389 = vector.broadcast %broadcast_in_dim3A_2388 : i32 to vector<128x128xi32>
    %lt3A_2390 = arith.cmpf olt, %add3A_2282, %add3A_2314 : vector<128x128xf32>
    %min3A_2391 = arith.minimumf %add3A_2282, %add3A_2314 : vector<128x128xf32>
    %select_n3A_2392 = arith.select %lt3A_2390, %broadcast_in_dim3A_2383, %broadcast_in_dim3A_2385 : vector<128x128xi1>, vector<128x128xi32>
    %max3A_2393 = arith.maximumf %add3A_2282, %add3A_2314 : vector<128x128xf32>
    %select_n3A_2394 = arith.select %lt3A_2390, %broadcast_in_dim3A_2385, %broadcast_in_dim3A_2383 : vector<128x128xi1>, vector<128x128xi32>
    %lt3A_2395 = arith.cmpf olt, %add3A_2346, %add3A_2378 : vector<128x128xf32>
    %min3A_2396 = arith.minimumf %add3A_2346, %add3A_2378 : vector<128x128xf32>
    %select_n3A_2397 = arith.select %lt3A_2395, %broadcast_in_dim3A_2387, %broadcast_in_dim3A_2389 : vector<128x128xi1>, vector<128x128xi32>
    %max3A_2398 = arith.maximumf %add3A_2346, %add3A_2378 : vector<128x128xf32>
    %select_n3A_2399 = arith.select %lt3A_2395, %broadcast_in_dim3A_2389, %broadcast_in_dim3A_2387 : vector<128x128xi1>, vector<128x128xi32>
    %lt3A_2400 = arith.cmpf olt, %min3A_2391, %min3A_2396 : vector<128x128xf32>
    %min3A_2401 = arith.minimumf %min3A_2391, %min3A_2396 : vector<128x128xf32>
    %select_n3A_2402 = arith.select %lt3A_2400, %select_n3A_2392, %select_n3A_2397 : vector<128x128xi1>, vector<128x128xi32>
    %max3A_2403 = arith.maximumf %min3A_2391, %min3A_2396 : vector<128x128xf32>
    %select_n3A_2404 = arith.select %lt3A_2400, %select_n3A_2397, %select_n3A_2392 : vector<128x128xi1>, vector<128x128xi32>
    %lt3A_2405 = arith.cmpf olt, %max3A_2393, %max3A_2398 : vector<128x128xf32>
    %min3A_2406 = arith.minimumf %max3A_2393, %max3A_2398 : vector<128x128xf32>
    %select_n3A_2407 = arith.select %lt3A_2405, %select_n3A_2394, %select_n3A_2399 : vector<128x128xi1>, vector<128x128xi32>
    %max3A_2408 = arith.maximumf %max3A_2393, %max3A_2398 : vector<128x128xf32>
    %select_n3A_2409 = arith.select %lt3A_2405, %select_n3A_2399, %select_n3A_2394 : vector<128x128xi1>, vector<128x128xi32>
    %lt3A_2410 = arith.cmpf olt, %max3A_2403, %min3A_2406 : vector<128x128xf32>
    %min3A_2411 = arith.minimumf %max3A_2403, %min3A_2406 : vector<128x128xf32>
    %select_n3A_2412 = arith.select %lt3A_2410, %select_n3A_2404, %select_n3A_2407 : vector<128x128xi1>, vector<128x128xi32>
    %max3A_2413 = arith.maximumf %max3A_2403, %min3A_2406 : vector<128x128xf32>
    %select_n3A_2414 = arith.select %lt3A_2410, %select_n3A_2407, %select_n3A_2404 : vector<128x128xi1>, vector<128x128xi32>
    %get3A_2415 = arith.constant 0 : index
    %get3A_2416 = arith.constant 0 : index
    %get3A_2417 = arith.constant 7680 : index
    %get3A_2418 = vector.load %arg2[%get3A_2415, %get3A_2416, %get3A_2417] : memref<1x3x10240xf32, #tpu.memory_space<vmem>>, vector<1x1x128xf32>
    %get3A_2419 = vector.shape_cast %get3A_2418 : vector<1x1x128xf32> to vector<1x128xf32>
    %sub3A_2420 = vector.broadcast %get3A_1 : vector<128x1xf32> to vector<128x128xf32>
    %sub3A_2421 = vector.broadcast %get3A_2419 : vector<1x128xf32> to vector<128x128xf32>
    %sub3A_2422 = arith.subf %sub3A_2420, %sub3A_2421 : vector<128x128xf32>
    %get3A_2423 = arith.constant 0 : index
    %get3A_2424 = arith.constant 1 : index
    %get3A_2425 = arith.constant 7680 : index
    %get3A_2426 = vector.load %arg2[%get3A_2423, %get3A_2424, %get3A_2425] : memref<1x3x10240xf32, #tpu.memory_space<vmem>>, vector<1x1x128xf32>
    %get3A_2427 = vector.shape_cast %get3A_2426 : vector<1x1x128xf32> to vector<1x128xf32>
    %sub3A_2428 = vector.broadcast %get3A_4 : vector<128x1xf32> to vector<128x128xf32>
    %sub3A_2429 = vector.broadcast %get3A_2427 : vector<1x128xf32> to vector<128x128xf32>
    %sub3A_2430 = arith.subf %sub3A_2428, %sub3A_2429 : vector<128x128xf32>
    %get3A_2431 = arith.constant 0 : index
    %get3A_2432 = arith.constant 2 : index
    %get3A_2433 = arith.constant 7680 : index
    %get3A_2434 = vector.load %arg2[%get3A_2431, %get3A_2432, %get3A_2433] : memref<1x3x10240xf32, #tpu.memory_space<vmem>>, vector<1x1x128xf32>
    %get3A_2435 = vector.shape_cast %get3A_2434 : vector<1x1x128xf32> to vector<1x128xf32>
    %sub3A_2436 = vector.broadcast %get3A_7 : vector<128x1xf32> to vector<128x128xf32>
    %sub3A_2437 = vector.broadcast %get3A_2435 : vector<1x128xf32> to vector<128x128xf32>
    %sub3A_2438 = arith.subf %sub3A_2436, %sub3A_2437 : vector<128x128xf32>
    %mul3A_2439 = arith.mulf %sub3A_2422, %sub3A_2422 : vector<128x128xf32>
    %mul3A_2440 = arith.mulf %sub3A_2430, %sub3A_2430 : vector<128x128xf32>
    %add3A_2441 = arith.addf %mul3A_2439, %mul3A_2440 : vector<128x128xf32>
    %mul3A_2442 = arith.mulf %sub3A_2438, %sub3A_2438 : vector<128x128xf32>
    %add3A_2443 = arith.addf %add3A_2441, %mul3A_2442 : vector<128x128xf32>
    %swap3A_2444 = arith.constant 0 : index
    %swap3A_2445 = arith.constant 7680 : index
    %swap3A_2446 = vector.load %arg5[%swap3A_2444, %swap3A_2445] : memref<128x10240xf32, #tpu.memory_space<vmem>>, vector<128x128xf32>
    tpu.vector_store %arg5[%swap3A_2444, %swap3A_2445], %add3A_2443 {strides = array<i32>} : memref<128x10240xf32, #tpu.memory_space<vmem>>, vector<128x128xf32>,
    %get3A_2447 = arith.constant 0 : index
    %get3A_2448 = arith.constant 0 : index
    %get3A_2449 = arith.constant 7808 : index
    %get3A_2450 = vector.load %arg2[%get3A_2447, %get3A_2448, %get3A_2449] : memref<1x3x10240xf32, #tpu.memory_space<vmem>>, vector<1x1x128xf32>
    %get3A_2451 = vector.shape_cast %get3A_2450 : vector<1x1x128xf32> to vector<1x128xf32>
    %sub3A_2452 = vector.broadcast %get3A_1 : vector<128x1xf32> to vector<128x128xf32>
    %sub3A_2453 = vector.broadcast %get3A_2451 : vector<1x128xf32> to vector<128x128xf32>
    %sub3A_2454 = arith.subf %sub3A_2452, %sub3A_2453 : vector<128x128xf32>
    %get3A_2455 = arith.constant 0 : index
    %get3A_2456 = arith.constant 1 : index
    %get3A_2457 = arith.constant 7808 : index
    %get3A_2458 = vector.load %arg2[%get3A_2455, %get3A_2456, %get3A_2457] : memref<1x3x10240xf32, #tpu.memory_space<vmem>>, vector<1x1x128xf32>
    %get3A_2459 = vector.shape_cast %get3A_2458 : vector<1x1x128xf32> to vector<1x128xf32>
    %sub3A_2460 = vector.broadcast %get3A_4 : vector<128x1xf32> to vector<128x128xf32>
    %sub3A_2461 = vector.broadcast %get3A_2459 : vector<1x128xf32> to vector<128x128xf32>
    %sub3A_2462 = arith.subf %sub3A_2460, %sub3A_2461 : vector<128x128xf32>
    %get3A_2463 = arith.constant 0 : index
    %get3A_2464 = arith.constant 2 : index
    %get3A_2465 = arith.constant 7808 : index
    %get3A_2466 = vector.load %arg2[%get3A_2463, %get3A_2464, %get3A_2465] : memref<1x3x10240xf32, #tpu.memory_space<vmem>>, vector<1x1x128xf32>
    %get3A_2467 = vector.shape_cast %get3A_2466 : vector<1x1x128xf32> to vector<1x128xf32>
    %sub3A_2468 = vector.broadcast %get3A_7 : vector<128x1xf32> to vector<128x128xf32>
    %sub3A_2469 = vector.broadcast %get3A_2467 : vector<1x128xf32> to vector<128x128xf32>
    %sub3A_2470 = arith.subf %sub3A_2468, %sub3A_2469 : vector<128x128xf32>
    %mul3A_2471 = arith.mulf %sub3A_2454, %sub3A_2454 : vector<128x128xf32>
    %mul3A_2472 = arith.mulf %sub3A_2462, %sub3A_2462 : vector<128x128xf32>
    %add3A_2473 = arith.addf %mul3A_2471, %mul3A_2472 : vector<128x128xf32>
    %mul3A_2474 = arith.mulf %sub3A_2470, %sub3A_2470 : vector<128x128xf32>
    %add3A_2475 = arith.addf %add3A_2473, %mul3A_2474 : vector<128x128xf32>
    %swap3A_2476 = arith.constant 0 : index
    %swap3A_2477 = arith.constant 7808 : index
    %swap3A_2478 = vector.load %arg5[%swap3A_2476, %swap3A_2477] : memref<128x10240xf32, #tpu.memory_space<vmem>>, vector<128x128xf32>
    tpu.vector_store %arg5[%swap3A_2476, %swap3A_2477], %add3A_2475 {strides = array<i32>} : memref<128x10240xf32, #tpu.memory_space<vmem>>, vector<128x128xf32>,
    %get3A_2479 = arith.constant 0 : index
    %get3A_2480 = arith.constant 0 : index
    %get3A_2481 = arith.constant 7936 : index
    %get3A_2482 = vector.load %arg2[%get3A_2479, %get3A_2480, %get3A_2481] : memref<1x3x10240xf32, #tpu.memory_space<vmem>>, vector<1x1x128xf32>
    %get3A_2483 = vector.shape_cast %get3A_2482 : vector<1x1x128xf32> to vector<1x128xf32>
    %sub3A_2484 = vector.broadcast %get3A_1 : vector<128x1xf32> to vector<128x128xf32>
    %sub3A_2485 = vector.broadcast %get3A_2483 : vector<1x128xf32> to vector<128x128xf32>
    %sub3A_2486 = arith.subf %sub3A_2484, %sub3A_2485 : vector<128x128xf32>
    %get3A_2487 = arith.constant 0 : index
    %get3A_2488 = arith.constant 1 : index
    %get3A_2489 = arith.constant 7936 : index
    %get3A_2490 = vector.load %arg2[%get3A_2487, %get3A_2488, %get3A_2489] : memref<1x3x10240xf32, #tpu.memory_space<vmem>>, vector<1x1x128xf32>
    %get3A_2491 = vector.shape_cast %get3A_2490 : vector<1x1x128xf32> to vector<1x128xf32>
    %sub3A_2492 = vector.broadcast %get3A_4 : vector<128x1xf32> to vector<128x128xf32>
    %sub3A_2493 = vector.broadcast %get3A_2491 : vector<1x128xf32> to vector<128x128xf32>
    %sub3A_2494 = arith.subf %sub3A_2492, %sub3A_2493 : vector<128x128xf32>
    %get3A_2495 = arith.constant 0 : index
    %get3A_2496 = arith.constant 2 : index
    %get3A_2497 = arith.constant 7936 : index
    %get3A_2498 = vector.load %arg2[%get3A_2495, %get3A_2496, %get3A_2497] : memref<1x3x10240xf32, #tpu.memory_space<vmem>>, vector<1x1x128xf32>
    %get3A_2499 = vector.shape_cast %get3A_2498 : vector<1x1x128xf32> to vector<1x128xf32>
    %sub3A_2500 = vector.broadcast %get3A_7 : vector<128x1xf32> to vector<128x128xf32>
    %sub3A_2501 = vector.broadcast %get3A_2499 : vector<1x128xf32> to vector<128x128xf32>
    %sub3A_2502 = arith.subf %sub3A_2500, %sub3A_2501 : vector<128x128xf32>
    %mul3A_2503 = arith.mulf %sub3A_2486, %sub3A_2486 : vector<128x128xf32>
    %mul3A_2504 = arith.mulf %sub3A_2494, %sub3A_2494 : vector<128x128xf32>
    %add3A_2505 = arith.addf %mul3A_2503, %mul3A_2504 : vector<128x128xf32>
    %mul3A_2506 = arith.mulf %sub3A_2502, %sub3A_2502 : vector<128x128xf32>
    %add3A_2507 = arith.addf %add3A_2505, %mul3A_2506 : vector<128x128xf32>
    %swap3A_2508 = arith.constant 0 : index
    %swap3A_2509 = arith.constant 7936 : index
    %swap3A_2510 = vector.load %arg5[%swap3A_2508, %swap3A_2509] : memref<128x10240xf32, #tpu.memory_space<vmem>>, vector<128x128xf32>
    tpu.vector_store %arg5[%swap3A_2508, %swap3A_2509], %add3A_2507 {strides = array<i32>} : memref<128x10240xf32, #tpu.memory_space<vmem>>, vector<128x128xf32>,
    %get3A_2511 = arith.constant 0 : index
    %get3A_2512 = arith.constant 0 : index
    %get3A_2513 = arith.constant 8064 : index
    %get3A_2514 = vector.load %arg2[%get3A_2511, %get3A_2512, %get3A_2513] : memref<1x3x10240xf32, #tpu.memory_space<vmem>>, vector<1x1x128xf32>
    %get3A_2515 = vector.shape_cast %get3A_2514 : vector<1x1x128xf32> to vector<1x128xf32>
    %sub3A_2516 = vector.broadcast %get3A_1 : vector<128x1xf32> to vector<128x128xf32>
    %sub3A_2517 = vector.broadcast %get3A_2515 : vector<1x128xf32> to vector<128x128xf32>
    %sub3A_2518 = arith.subf %sub3A_2516, %sub3A_2517 : vector<128x128xf32>
    %get3A_2519 = arith.constant 0 : index
    %get3A_2520 = arith.constant 1 : index
    %get3A_2521 = arith.constant 8064 : index
    %get3A_2522 = vector.load %arg2[%get3A_2519, %get3A_2520, %get3A_2521] : memref<1x3x10240xf32, #tpu.memory_space<vmem>>, vector<1x1x128xf32>
    %get3A_2523 = vector.shape_cast %get3A_2522 : vector<1x1x128xf32> to vector<1x128xf32>
    %sub3A_2524 = vector.broadcast %get3A_4 : vector<128x1xf32> to vector<128x128xf32>
    %sub3A_2525 = vector.broadcast %get3A_2523 : vector<1x128xf32> to vector<128x128xf32>
    %sub3A_2526 = arith.subf %sub3A_2524, %sub3A_2525 : vector<128x128xf32>
    %get3A_2527 = arith.constant 0 : index
    %get3A_2528 = arith.constant 2 : index
    %get3A_2529 = arith.constant 8064 : index
    %get3A_2530 = vector.load %arg2[%get3A_2527, %get3A_2528, %get3A_2529] : memref<1x3x10240xf32, #tpu.memory_space<vmem>>, vector<1x1x128xf32>
    %get3A_2531 = vector.shape_cast %get3A_2530 : vector<1x1x128xf32> to vector<1x128xf32>
    %sub3A_2532 = vector.broadcast %get3A_7 : vector<128x1xf32> to vector<128x128xf32>
    %sub3A_2533 = vector.broadcast %get3A_2531 : vector<1x128xf32> to vector<128x128xf32>
    %sub3A_2534 = arith.subf %sub3A_2532, %sub3A_2533 : vector<128x128xf32>
    %mul3A_2535 = arith.mulf %sub3A_2518, %sub3A_2518 : vector<128x128xf32>
    %mul3A_2536 = arith.mulf %sub3A_2526, %sub3A_2526 : vector<128x128xf32>
    %add3A_2537 = arith.addf %mul3A_2535, %mul3A_2536 : vector<128x128xf32>
    %mul3A_2538 = arith.mulf %sub3A_2534, %sub3A_2534 : vector<128x128xf32>
    %add3A_2539 = arith.addf %add3A_2537, %mul3A_2538 : vector<128x128xf32>
    %swap3A_2540 = arith.constant 0 : index
    %swap3A_2541 = arith.constant 8064 : index
    %swap3A_2542 = vector.load %arg5[%swap3A_2540, %swap3A_2541] : memref<128x10240xf32, #tpu.memory_space<vmem>>, vector<128x128xf32>
    tpu.vector_store %arg5[%swap3A_2540, %swap3A_2541], %add3A_2539 {strides = array<i32>} : memref<128x10240xf32, #tpu.memory_space<vmem>>, vector<128x128xf32>,
    %broadcast_in_dim3A_2543 = arith.constant 60 : i32
    %broadcast_in_dim3A_2544 = vector.broadcast %broadcast_in_dim3A_2543 : i32 to vector<128x128xi32>
    %broadcast_in_dim3A_2545 = arith.constant 61 : i32
    %broadcast_in_dim3A_2546 = vector.broadcast %broadcast_in_dim3A_2545 : i32 to vector<128x128xi32>
    %broadcast_in_dim3A_2547 = arith.constant 62 : i32
    %broadcast_in_dim3A_2548 = vector.broadcast %broadcast_in_dim3A_2547 : i32 to vector<128x128xi32>
    %broadcast_in_dim3A_2549 = arith.constant 63 : i32
    %broadcast_in_dim3A_2550 = vector.broadcast %broadcast_in_dim3A_2549 : i32 to vector<128x128xi32>
    %lt3A_2551 = arith.cmpf olt, %add3A_2443, %add3A_2475 : vector<128x128xf32>
    %min3A_2552 = arith.minimumf %add3A_2443, %add3A_2475 : vector<128x128xf32>
    %select_n3A_2553 = arith.select %lt3A_2551, %broadcast_in_dim3A_2544, %broadcast_in_dim3A_2546 : vector<128x128xi1>, vector<128x128xi32>
    %max3A_2554 = arith.maximumf %add3A_2443, %add3A_2475 : vector<128x128xf32>
    %select_n3A_2555 = arith.select %lt3A_2551, %broadcast_in_dim3A_2546, %broadcast_in_dim3A_2544 : vector<128x128xi1>, vector<128x128xi32>
    %lt3A_2556 = arith.cmpf olt, %add3A_2507, %add3A_2539 : vector<128x128xf32>
    %min3A_2557 = arith.minimumf %add3A_2507, %add3A_2539 : vector<128x128xf32>
    %select_n3A_2558 = arith.select %lt3A_2556, %broadcast_in_dim3A_2548, %broadcast_in_dim3A_2550 : vector<128x128xi1>, vector<128x128xi32>
    %max3A_2559 = arith.maximumf %add3A_2507, %add3A_2539 : vector<128x128xf32>
    %select_n3A_2560 = arith.select %lt3A_2556, %broadcast_in_dim3A_2550, %broadcast_in_dim3A_2548 : vector<128x128xi1>, vector<128x128xi32>
    %lt3A_2561 = arith.cmpf olt, %min3A_2552, %min3A_2557 : vector<128x128xf32>
    %min3A_2562 = arith.minimumf %min3A_2552, %min3A_2557 : vector<128x128xf32>
    %select_n3A_2563 = arith.select %lt3A_2561, %select_n3A_2553, %select_n3A_2558 : vector<128x128xi1>, vector<128x128xi32>
    %max3A_2564 = arith.maximumf %min3A_2552, %min3A_2557 : vector<128x128xf32>
    %select_n3A_2565 = arith.select %lt3A_2561, %select_n3A_2558, %select_n3A_2553 : vector<128x128xi1>, vector<128x128xi32>
    %lt3A_2566 = arith.cmpf olt, %max3A_2554, %max3A_2559 : vector<128x128xf32>
    %min3A_2567 = arith.minimumf %max3A_2554, %max3A_2559 : vector<128x128xf32>
    %select_n3A_2568 = arith.select %lt3A_2566, %select_n3A_2555, %select_n3A_2560 : vector<128x128xi1>, vector<128x128xi32>
    %max3A_2569 = arith.maximumf %max3A_2554, %max3A_2559 : vector<128x128xf32>
    %select_n3A_2570 = arith.select %lt3A_2566, %select_n3A_2560, %select_n3A_2555 : vector<128x128xi1>, vector<128x128xi32>
    %lt3A_2571 = arith.cmpf olt, %max3A_2564, %min3A_2567 : vector<128x128xf32>
    %min3A_2572 = arith.minimumf %max3A_2564, %min3A_2567 : vector<128x128xf32>
    %select_n3A_2573 = arith.select %lt3A_2571, %select_n3A_2565, %select_n3A_2568 : vector<128x128xi1>, vector<128x128xi32>
    %max3A_2574 = arith.maximumf %max3A_2564, %min3A_2567 : vector<128x128xf32>
    %select_n3A_2575 = arith.select %lt3A_2571, %select_n3A_2568, %select_n3A_2565 : vector<128x128xi1>, vector<128x128xi32>
    %get3A_2576 = arith.constant 0 : index
    %get3A_2577 = arith.constant 0 : index
    %get3A_2578 = arith.constant 8192 : index
    %get3A_2579 = vector.load %arg2[%get3A_2576, %get3A_2577, %get3A_2578] : memref<1x3x10240xf32, #tpu.memory_space<vmem>>, vector<1x1x128xf32>
    %get3A_2580 = vector.shape_cast %get3A_2579 : vector<1x1x128xf32> to vector<1x128xf32>
    %sub3A_2581 = vector.broadcast %get3A_1 : vector<128x1xf32> to vector<128x128xf32>
    %sub3A_2582 = vector.broadcast %get3A_2580 : vector<1x128xf32> to vector<128x128xf32>
    %sub3A_2583 = arith.subf %sub3A_2581, %sub3A_2582 : vector<128x128xf32>
    %get3A_2584 = arith.constant 0 : index
    %get3A_2585 = arith.constant 1 : index
    %get3A_2586 = arith.constant 8192 : index
    %get3A_2587 = vector.load %arg2[%get3A_2584, %get3A_2585, %get3A_2586] : memref<1x3x10240xf32, #tpu.memory_space<vmem>>, vector<1x1x128xf32>
    %get3A_2588 = vector.shape_cast %get3A_2587 : vector<1x1x128xf32> to vector<1x128xf32>
    %sub3A_2589 = vector.broadcast %get3A_4 : vector<128x1xf32> to vector<128x128xf32>
    %sub3A_2590 = vector.broadcast %get3A_2588 : vector<1x128xf32> to vector<128x128xf32>
    %sub3A_2591 = arith.subf %sub3A_2589, %sub3A_2590 : vector<128x128xf32>
    %get3A_2592 = arith.constant 0 : index
    %get3A_2593 = arith.constant 2 : index
    %get3A_2594 = arith.constant 8192 : index
    %get3A_2595 = vector.load %arg2[%get3A_2592, %get3A_2593, %get3A_2594] : memref<1x3x10240xf32, #tpu.memory_space<vmem>>, vector<1x1x128xf32>
    %get3A_2596 = vector.shape_cast %get3A_2595 : vector<1x1x128xf32> to vector<1x128xf32>
    %sub3A_2597 = vector.broadcast %get3A_7 : vector<128x1xf32> to vector<128x128xf32>
    %sub3A_2598 = vector.broadcast %get3A_2596 : vector<1x128xf32> to vector<128x128xf32>
    %sub3A_2599 = arith.subf %sub3A_2597, %sub3A_2598 : vector<128x128xf32>
    %mul3A_2600 = arith.mulf %sub3A_2583, %sub3A_2583 : vector<128x128xf32>
    %mul3A_2601 = arith.mulf %sub3A_2591, %sub3A_2591 : vector<128x128xf32>
    %add3A_2602 = arith.addf %mul3A_2600, %mul3A_2601 : vector<128x128xf32>
    %mul3A_2603 = arith.mulf %sub3A_2599, %sub3A_2599 : vector<128x128xf32>
    %add3A_2604 = arith.addf %add3A_2602, %mul3A_2603 : vector<128x128xf32>
    %swap3A_2605 = arith.constant 0 : index
    %swap3A_2606 = arith.constant 8192 : index
    %swap3A_2607 = vector.load %arg5[%swap3A_2605, %swap3A_2606] : memref<128x10240xf32, #tpu.memory_space<vmem>>, vector<128x128xf32>
    tpu.vector_store %arg5[%swap3A_2605, %swap3A_2606], %add3A_2604 {strides = array<i32>} : memref<128x10240xf32, #tpu.memory_space<vmem>>, vector<128x128xf32>,
    %get3A_2608 = arith.constant 0 : index
    %get3A_2609 = arith.constant 0 : index
    %get3A_2610 = arith.constant 8320 : index
    %get3A_2611 = vector.load %arg2[%get3A_2608, %get3A_2609, %get3A_2610] : memref<1x3x10240xf32, #tpu.memory_space<vmem>>, vector<1x1x128xf32>
    %get3A_2612 = vector.shape_cast %get3A_2611 : vector<1x1x128xf32> to vector<1x128xf32>
    %sub3A_2613 = vector.broadcast %get3A_1 : vector<128x1xf32> to vector<128x128xf32>
    %sub3A_2614 = vector.broadcast %get3A_2612 : vector<1x128xf32> to vector<128x128xf32>
    %sub3A_2615 = arith.subf %sub3A_2613, %sub3A_2614 : vector<128x128xf32>
    %get3A_2616 = arith.constant 0 : index
    %get3A_2617 = arith.constant 1 : index
    %get3A_2618 = arith.constant 8320 : index
    %get3A_2619 = vector.load %arg2[%get3A_2616, %get3A_2617, %get3A_2618] : memref<1x3x10240xf32, #tpu.memory_space<vmem>>, vector<1x1x128xf32>
    %get3A_2620 = vector.shape_cast %get3A_2619 : vector<1x1x128xf32> to vector<1x128xf32>
    %sub3A_2621 = vector.broadcast %get3A_4 : vector<128x1xf32> to vector<128x128xf32>
    %sub3A_2622 = vector.broadcast %get3A_2620 : vector<1x128xf32> to vector<128x128xf32>
    %sub3A_2623 = arith.subf %sub3A_2621, %sub3A_2622 : vector<128x128xf32>
    %get3A_2624 = arith.constant 0 : index
    %get3A_2625 = arith.constant 2 : index
    %get3A_2626 = arith.constant 8320 : index
    %get3A_2627 = vector.load %arg2[%get3A_2624, %get3A_2625, %get3A_2626] : memref<1x3x10240xf32, #tpu.memory_space<vmem>>, vector<1x1x128xf32>
    %get3A_2628 = vector.shape_cast %get3A_2627 : vector<1x1x128xf32> to vector<1x128xf32>
    %sub3A_2629 = vector.broadcast %get3A_7 : vector<128x1xf32> to vector<128x128xf32>
    %sub3A_2630 = vector.broadcast %get3A_2628 : vector<1x128xf32> to vector<128x128xf32>
    %sub3A_2631 = arith.subf %sub3A_2629, %sub3A_2630 : vector<128x128xf32>
    %mul3A_2632 = arith.mulf %sub3A_2615, %sub3A_2615 : vector<128x128xf32>
    %mul3A_2633 = arith.mulf %sub3A_2623, %sub3A_2623 : vector<128x128xf32>
    %add3A_2634 = arith.addf %mul3A_2632, %mul3A_2633 : vector<128x128xf32>
    %mul3A_2635 = arith.mulf %sub3A_2631, %sub3A_2631 : vector<128x128xf32>
    %add3A_2636 = arith.addf %add3A_2634, %mul3A_2635 : vector<128x128xf32>
    %swap3A_2637 = arith.constant 0 : index
    %swap3A_2638 = arith.constant 8320 : index
    %swap3A_2639 = vector.load %arg5[%swap3A_2637, %swap3A_2638] : memref<128x10240xf32, #tpu.memory_space<vmem>>, vector<128x128xf32>
    tpu.vector_store %arg5[%swap3A_2637, %swap3A_2638], %add3A_2636 {strides = array<i32>} : memref<128x10240xf32, #tpu.memory_space<vmem>>, vector<128x128xf32>,
    %get3A_2640 = arith.constant 0 : index
    %get3A_2641 = arith.constant 0 : index
    %get3A_2642 = arith.constant 8448 : index
    %get3A_2643 = vector.load %arg2[%get3A_2640, %get3A_2641, %get3A_2642] : memref<1x3x10240xf32, #tpu.memory_space<vmem>>, vector<1x1x128xf32>
    %get3A_2644 = vector.shape_cast %get3A_2643 : vector<1x1x128xf32> to vector<1x128xf32>
    %sub3A_2645 = vector.broadcast %get3A_1 : vector<128x1xf32> to vector<128x128xf32>
    %sub3A_2646 = vector.broadcast %get3A_2644 : vector<1x128xf32> to vector<128x128xf32>
    %sub3A_2647 = arith.subf %sub3A_2645, %sub3A_2646 : vector<128x128xf32>
    %get3A_2648 = arith.constant 0 : index
    %get3A_2649 = arith.constant 1 : index
    %get3A_2650 = arith.constant 8448 : index
    %get3A_2651 = vector.load %arg2[%get3A_2648, %get3A_2649, %get3A_2650] : memref<1x3x10240xf32, #tpu.memory_space<vmem>>, vector<1x1x128xf32>
    %get3A_2652 = vector.shape_cast %get3A_2651 : vector<1x1x128xf32> to vector<1x128xf32>
    %sub3A_2653 = vector.broadcast %get3A_4 : vector<128x1xf32> to vector<128x128xf32>
    %sub3A_2654 = vector.broadcast %get3A_2652 : vector<1x128xf32> to vector<128x128xf32>
    %sub3A_2655 = arith.subf %sub3A_2653, %sub3A_2654 : vector<128x128xf32>
    %get3A_2656 = arith.constant 0 : index
    %get3A_2657 = arith.constant 2 : index
    %get3A_2658 = arith.constant 8448 : index
    %get3A_2659 = vector.load %arg2[%get3A_2656, %get3A_2657, %get3A_2658] : memref<1x3x10240xf32, #tpu.memory_space<vmem>>, vector<1x1x128xf32>
    %get3A_2660 = vector.shape_cast %get3A_2659 : vector<1x1x128xf32> to vector<1x128xf32>
    %sub3A_2661 = vector.broadcast %get3A_7 : vector<128x1xf32> to vector<128x128xf32>
    %sub3A_2662 = vector.broadcast %get3A_2660 : vector<1x128xf32> to vector<128x128xf32>
    %sub3A_2663 = arith.subf %sub3A_2661, %sub3A_2662 : vector<128x128xf32>
    %mul3A_2664 = arith.mulf %sub3A_2647, %sub3A_2647 : vector<128x128xf32>
    %mul3A_2665 = arith.mulf %sub3A_2655, %sub3A_2655 : vector<128x128xf32>
    %add3A_2666 = arith.addf %mul3A_2664, %mul3A_2665 : vector<128x128xf32>
    %mul3A_2667 = arith.mulf %sub3A_2663, %sub3A_2663 : vector<128x128xf32>
    %add3A_2668 = arith.addf %add3A_2666, %mul3A_2667 : vector<128x128xf32>
    %swap3A_2669 = arith.constant 0 : index
    %swap3A_2670 = arith.constant 8448 : index
    %swap3A_2671 = vector.load %arg5[%swap3A_2669, %swap3A_2670] : memref<128x10240xf32, #tpu.memory_space<vmem>>, vector<128x128xf32>
    tpu.vector_store %arg5[%swap3A_2669, %swap3A_2670], %add3A_2668 {strides = array<i32>} : memref<128x10240xf32, #tpu.memory_space<vmem>>, vector<128x128xf32>,
    %get3A_2672 = arith.constant 0 : index
    %get3A_2673 = arith.constant 0 : index
    %get3A_2674 = arith.constant 8576 : index
    %get3A_2675 = vector.load %arg2[%get3A_2672, %get3A_2673, %get3A_2674] : memref<1x3x10240xf32, #tpu.memory_space<vmem>>, vector<1x1x128xf32>
    %get3A_2676 = vector.shape_cast %get3A_2675 : vector<1x1x128xf32> to vector<1x128xf32>
    %sub3A_2677 = vector.broadcast %get3A_1 : vector<128x1xf32> to vector<128x128xf32>
    %sub3A_2678 = vector.broadcast %get3A_2676 : vector<1x128xf32> to vector<128x128xf32>
    %sub3A_2679 = arith.subf %sub3A_2677, %sub3A_2678 : vector<128x128xf32>
    %get3A_2680 = arith.constant 0 : index
    %get3A_2681 = arith.constant 1 : index
    %get3A_2682 = arith.constant 8576 : index
    %get3A_2683 = vector.load %arg2[%get3A_2680, %get3A_2681, %get3A_2682] : memref<1x3x10240xf32, #tpu.memory_space<vmem>>, vector<1x1x128xf32>
    %get3A_2684 = vector.shape_cast %get3A_2683 : vector<1x1x128xf32> to vector<1x128xf32>
    %sub3A_2685 = vector.broadcast %get3A_4 : vector<128x1xf32> to vector<128x128xf32>
    %sub3A_2686 = vector.broadcast %get3A_2684 : vector<1x128xf32> to vector<128x128xf32>
    %sub3A_2687 = arith.subf %sub3A_2685, %sub3A_2686 : vector<128x128xf32>
    %get3A_2688 = arith.constant 0 : index
    %get3A_2689 = arith.constant 2 : index
    %get3A_2690 = arith.constant 8576 : index
    %get3A_2691 = vector.load %arg2[%get3A_2688, %get3A_2689, %get3A_2690] : memref<1x3x10240xf32, #tpu.memory_space<vmem>>, vector<1x1x128xf32>
    %get3A_2692 = vector.shape_cast %get3A_2691 : vector<1x1x128xf32> to vector<1x128xf32>
    %sub3A_2693 = vector.broadcast %get3A_7 : vector<128x1xf32> to vector<128x128xf32>
    %sub3A_2694 = vector.broadcast %get3A_2692 : vector<1x128xf32> to vector<128x128xf32>
    %sub3A_2695 = arith.subf %sub3A_2693, %sub3A_2694 : vector<128x128xf32>
    %mul3A_2696 = arith.mulf %sub3A_2679, %sub3A_2679 : vector<128x128xf32>
    %mul3A_2697 = arith.mulf %sub3A_2687, %sub3A_2687 : vector<128x128xf32>
    %add3A_2698 = arith.addf %mul3A_2696, %mul3A_2697 : vector<128x128xf32>
    %mul3A_2699 = arith.mulf %sub3A_2695, %sub3A_2695 : vector<128x128xf32>
    %add3A_2700 = arith.addf %add3A_2698, %mul3A_2699 : vector<128x128xf32>
    %swap3A_2701 = arith.constant 0 : index
    %swap3A_2702 = arith.constant 8576 : index
    %swap3A_2703 = vector.load %arg5[%swap3A_2701, %swap3A_2702] : memref<128x10240xf32, #tpu.memory_space<vmem>>, vector<128x128xf32>
    tpu.vector_store %arg5[%swap3A_2701, %swap3A_2702], %add3A_2700 {strides = array<i32>} : memref<128x10240xf32, #tpu.memory_space<vmem>>, vector<128x128xf32>,
    %broadcast_in_dim3A_2704 = arith.constant 64 : i32
    %broadcast_in_dim3A_2705 = vector.broadcast %broadcast_in_dim3A_2704 : i32 to vector<128x128xi32>
    %broadcast_in_dim3A_2706 = arith.constant 65 : i32
    %broadcast_in_dim3A_2707 = vector.broadcast %broadcast_in_dim3A_2706 : i32 to vector<128x128xi32>
    %broadcast_in_dim3A_2708 = arith.constant 66 : i32
    %broadcast_in_dim3A_2709 = vector.broadcast %broadcast_in_dim3A_2708 : i32 to vector<128x128xi32>
    %broadcast_in_dim3A_2710 = arith.constant 67 : i32
    %broadcast_in_dim3A_2711 = vector.broadcast %broadcast_in_dim3A_2710 : i32 to vector<128x128xi32>
    %lt3A_2712 = arith.cmpf olt, %add3A_2604, %add3A_2636 : vector<128x128xf32>
    %min3A_2713 = arith.minimumf %add3A_2604, %add3A_2636 : vector<128x128xf32>
    %select_n3A_2714 = arith.select %lt3A_2712, %broadcast_in_dim3A_2705, %broadcast_in_dim3A_2707 : vector<128x128xi1>, vector<128x128xi32>
    %max3A_2715 = arith.maximumf %add3A_2604, %add3A_2636 : vector<128x128xf32>
    %select_n3A_2716 = arith.select %lt3A_2712, %broadcast_in_dim3A_2707, %broadcast_in_dim3A_2705 : vector<128x128xi1>, vector<128x128xi32>
    %lt3A_2717 = arith.cmpf olt, %add3A_2668, %add3A_2700 : vector<128x128xf32>
    %min3A_2718 = arith.minimumf %add3A_2668, %add3A_2700 : vector<128x128xf32>
    %select_n3A_2719 = arith.select %lt3A_2717, %broadcast_in_dim3A_2709, %broadcast_in_dim3A_2711 : vector<128x128xi1>, vector<128x128xi32>
    %max3A_2720 = arith.maximumf %add3A_2668, %add3A_2700 : vector<128x128xf32>
    %select_n3A_2721 = arith.select %lt3A_2717, %broadcast_in_dim3A_2711, %broadcast_in_dim3A_2709 : vector<128x128xi1>, vector<128x128xi32>
    %lt3A_2722 = arith.cmpf olt, %min3A_2713, %min3A_2718 : vector<128x128xf32>
    %min3A_2723 = arith.minimumf %min3A_2713, %min3A_2718 : vector<128x128xf32>
    %select_n3A_2724 = arith.select %lt3A_2722, %select_n3A_2714, %select_n3A_2719 : vector<128x128xi1>, vector<128x128xi32>
    %max3A_2725 = arith.maximumf %min3A_2713, %min3A_2718 : vector<128x128xf32>
    %select_n3A_2726 = arith.select %lt3A_2722, %select_n3A_2719, %select_n3A_2714 : vector<128x128xi1>, vector<128x128xi32>
    %lt3A_2727 = arith.cmpf olt, %max3A_2715, %max3A_2720 : vector<128x128xf32>
    %min3A_2728 = arith.minimumf %max3A_2715, %max3A_2720 : vector<128x128xf32>
    %select_n3A_2729 = arith.select %lt3A_2727, %select_n3A_2716, %select_n3A_2721 : vector<128x128xi1>, vector<128x128xi32>
    %max3A_2730 = arith.maximumf %max3A_2715, %max3A_2720 : vector<128x128xf32>
    %select_n3A_2731 = arith.select %lt3A_2727, %select_n3A_2721, %select_n3A_2716 : vector<128x128xi1>, vector<128x128xi32>
    %lt3A_2732 = arith.cmpf olt, %max3A_2725, %min3A_2728 : vector<128x128xf32>
    %min3A_2733 = arith.minimumf %max3A_2725, %min3A_2728 : vector<128x128xf32>
    %select_n3A_2734 = arith.select %lt3A_2732, %select_n3A_2726, %select_n3A_2729 : vector<128x128xi1>, vector<128x128xi32>
    %max3A_2735 = arith.maximumf %max3A_2725, %min3A_2728 : vector<128x128xf32>
    %select_n3A_2736 = arith.select %lt3A_2732, %select_n3A_2729, %select_n3A_2726 : vector<128x128xi1>, vector<128x128xi32>
    %get3A_2737 = arith.constant 0 : index
    %get3A_2738 = arith.constant 0 : index
    %get3A_2739 = arith.constant 8704 : index
    %get3A_2740 = vector.load %arg2[%get3A_2737, %get3A_2738, %get3A_2739] : memref<1x3x10240xf32, #tpu.memory_space<vmem>>, vector<1x1x128xf32>
    %get3A_2741 = vector.shape_cast %get3A_2740 : vector<1x1x128xf32> to vector<1x128xf32>
    %sub3A_2742 = vector.broadcast %get3A_1 : vector<128x1xf32> to vector<128x128xf32>
    %sub3A_2743 = vector.broadcast %get3A_2741 : vector<1x128xf32> to vector<128x128xf32>
    %sub3A_2744 = arith.subf %sub3A_2742, %sub3A_2743 : vector<128x128xf32>
    %get3A_2745 = arith.constant 0 : index
    %get3A_2746 = arith.constant 1 : index
    %get3A_2747 = arith.constant 8704 : index
    %get3A_2748 = vector.load %arg2[%get3A_2745, %get3A_2746, %get3A_2747] : memref<1x3x10240xf32, #tpu.memory_space<vmem>>, vector<1x1x128xf32>
    %get3A_2749 = vector.shape_cast %get3A_2748 : vector<1x1x128xf32> to vector<1x128xf32>
    %sub3A_2750 = vector.broadcast %get3A_4 : vector<128x1xf32> to vector<128x128xf32>
    %sub3A_2751 = vector.broadcast %get3A_2749 : vector<1x128xf32> to vector<128x128xf32>
    %sub3A_2752 = arith.subf %sub3A_2750, %sub3A_2751 : vector<128x128xf32>
    %get3A_2753 = arith.constant 0 : index
    %get3A_2754 = arith.constant 2 : index
    %get3A_2755 = arith.constant 8704 : index
    %get3A_2756 = vector.load %arg2[%get3A_2753, %get3A_2754, %get3A_2755] : memref<1x3x10240xf32, #tpu.memory_space<vmem>>, vector<1x1x128xf32>
    %get3A_2757 = vector.shape_cast %get3A_2756 : vector<1x1x128xf32> to vector<1x128xf32>
    %sub3A_2758 = vector.broadcast %get3A_7 : vector<128x1xf32> to vector<128x128xf32>
    %sub3A_2759 = vector.broadcast %get3A_2757 : vector<1x128xf32> to vector<128x128xf32>
    %sub3A_2760 = arith.subf %sub3A_2758, %sub3A_2759 : vector<128x128xf32>
    %mul3A_2761 = arith.mulf %sub3A_2744, %sub3A_2744 : vector<128x128xf32>
    %mul3A_2762 = arith.mulf %sub3A_2752, %sub3A_2752 : vector<128x128xf32>
    %add3A_2763 = arith.addf %mul3A_2761, %mul3A_2762 : vector<128x128xf32>
    %mul3A_2764 = arith.mulf %sub3A_2760, %sub3A_2760 : vector<128x128xf32>
    %add3A_2765 = arith.addf %add3A_2763, %mul3A_2764 : vector<128x128xf32>
    %swap3A_2766 = arith.constant 0 : index
    %swap3A_2767 = arith.constant 8704 : index
    %swap3A_2768 = vector.load %arg5[%swap3A_2766, %swap3A_2767] : memref<128x10240xf32, #tpu.memory_space<vmem>>, vector<128x128xf32>
    tpu.vector_store %arg5[%swap3A_2766, %swap3A_2767], %add3A_2765 {strides = array<i32>} : memref<128x10240xf32, #tpu.memory_space<vmem>>, vector<128x128xf32>,
    %get3A_2769 = arith.constant 0 : index
    %get3A_2770 = arith.constant 0 : index
    %get3A_2771 = arith.constant 8832 : index
    %get3A_2772 = vector.load %arg2[%get3A_2769, %get3A_2770, %get3A_2771] : memref<1x3x10240xf32, #tpu.memory_space<vmem>>, vector<1x1x128xf32>
    %get3A_2773 = vector.shape_cast %get3A_2772 : vector<1x1x128xf32> to vector<1x128xf32>
    %sub3A_2774 = vector.broadcast %get3A_1 : vector<128x1xf32> to vector<128x128xf32>
    %sub3A_2775 = vector.broadcast %get3A_2773 : vector<1x128xf32> to vector<128x128xf32>
    %sub3A_2776 = arith.subf %sub3A_2774, %sub3A_2775 : vector<128x128xf32>
    %get3A_2777 = arith.constant 0 : index
    %get3A_2778 = arith.constant 1 : index
    %get3A_2779 = arith.constant 8832 : index
    %get3A_2780 = vector.load %arg2[%get3A_2777, %get3A_2778, %get3A_2779] : memref<1x3x10240xf32, #tpu.memory_space<vmem>>, vector<1x1x128xf32>
    %get3A_2781 = vector.shape_cast %get3A_2780 : vector<1x1x128xf32> to vector<1x128xf32>
    %sub3A_2782 = vector.broadcast %get3A_4 : vector<128x1xf32> to vector<128x128xf32>
    %sub3A_2783 = vector.broadcast %get3A_2781 : vector<1x128xf32> to vector<128x128xf32>
    %sub3A_2784 = arith.subf %sub3A_2782, %sub3A_2783 : vector<128x128xf32>
    %get3A_2785 = arith.constant 0 : index
    %get3A_2786 = arith.constant 2 : index
    %get3A_2787 = arith.constant 8832 : index
    %get3A_2788 = vector.load %arg2[%get3A_2785, %get3A_2786, %get3A_2787] : memref<1x3x10240xf32, #tpu.memory_space<vmem>>, vector<1x1x128xf32>
    %get3A_2789 = vector.shape_cast %get3A_2788 : vector<1x1x128xf32> to vector<1x128xf32>
    %sub3A_2790 = vector.broadcast %get3A_7 : vector<128x1xf32> to vector<128x128xf32>
    %sub3A_2791 = vector.broadcast %get3A_2789 : vector<1x128xf32> to vector<128x128xf32>
    %sub3A_2792 = arith.subf %sub3A_2790, %sub3A_2791 : vector<128x128xf32>
    %mul3A_2793 = arith.mulf %sub3A_2776, %sub3A_2776 : vector<128x128xf32>
    %mul3A_2794 = arith.mulf %sub3A_2784, %sub3A_2784 : vector<128x128xf32>
    %add3A_2795 = arith.addf %mul3A_2793, %mul3A_2794 : vector<128x128xf32>
    %mul3A_2796 = arith.mulf %sub3A_2792, %sub3A_2792 : vector<128x128xf32>
    %add3A_2797 = arith.addf %add3A_2795, %mul3A_2796 : vector<128x128xf32>
    %swap3A_2798 = arith.constant 0 : index
    %swap3A_2799 = arith.constant 8832 : index
    %swap3A_2800 = vector.load %arg5[%swap3A_2798, %swap3A_2799] : memref<128x10240xf32, #tpu.memory_space<vmem>>, vector<128x128xf32>
    tpu.vector_store %arg5[%swap3A_2798, %swap3A_2799], %add3A_2797 {strides = array<i32>} : memref<128x10240xf32, #tpu.memory_space<vmem>>, vector<128x128xf32>,
    %get3A_2801 = arith.constant 0 : index
    %get3A_2802 = arith.constant 0 : index
    %get3A_2803 = arith.constant 8960 : index
    %get3A_2804 = vector.load %arg2[%get3A_2801, %get3A_2802, %get3A_2803] : memref<1x3x10240xf32, #tpu.memory_space<vmem>>, vector<1x1x128xf32>
    %get3A_2805 = vector.shape_cast %get3A_2804 : vector<1x1x128xf32> to vector<1x128xf32>
    %sub3A_2806 = vector.broadcast %get3A_1 : vector<128x1xf32> to vector<128x128xf32>
    %sub3A_2807 = vector.broadcast %get3A_2805 : vector<1x128xf32> to vector<128x128xf32>
    %sub3A_2808 = arith.subf %sub3A_2806, %sub3A_2807 : vector<128x128xf32>
    %get3A_2809 = arith.constant 0 : index
    %get3A_2810 = arith.constant 1 : index
    %get3A_2811 = arith.constant 8960 : index
    %get3A_2812 = vector.load %arg2[%get3A_2809, %get3A_2810, %get3A_2811] : memref<1x3x10240xf32, #tpu.memory_space<vmem>>, vector<1x1x128xf32>
    %get3A_2813 = vector.shape_cast %get3A_2812 : vector<1x1x128xf32> to vector<1x128xf32>
    %sub3A_2814 = vector.broadcast %get3A_4 : vector<128x1xf32> to vector<128x128xf32>
    %sub3A_2815 = vector.broadcast %get3A_2813 : vector<1x128xf32> to vector<128x128xf32>
    %sub3A_2816 = arith.subf %sub3A_2814, %sub3A_2815 : vector<128x128xf32>
    %get3A_2817 = arith.constant 0 : index
    %get3A_2818 = arith.constant 2 : index
    %get3A_2819 = arith.constant 8960 : index
    %get3A_2820 = vector.load %arg2[%get3A_2817, %get3A_2818, %get3A_2819] : memref<1x3x10240xf32, #tpu.memory_space<vmem>>, vector<1x1x128xf32>
    %get3A_2821 = vector.shape_cast %get3A_2820 : vector<1x1x128xf32> to vector<1x128xf32>
    %sub3A_2822 = vector.broadcast %get3A_7 : vector<128x1xf32> to vector<128x128xf32>
    %sub3A_2823 = vector.broadcast %get3A_2821 : vector<1x128xf32> to vector<128x128xf32>
    %sub3A_2824 = arith.subf %sub3A_2822, %sub3A_2823 : vector<128x128xf32>
    %mul3A_2825 = arith.mulf %sub3A_2808, %sub3A_2808 : vector<128x128xf32>
    %mul3A_2826 = arith.mulf %sub3A_2816, %sub3A_2816 : vector<128x128xf32>
    %add3A_2827 = arith.addf %mul3A_2825, %mul3A_2826 : vector<128x128xf32>
    %mul3A_2828 = arith.mulf %sub3A_2824, %sub3A_2824 : vector<128x128xf32>
    %add3A_2829 = arith.addf %add3A_2827, %mul3A_2828 : vector<128x128xf32>
    %swap3A_2830 = arith.constant 0 : index
    %swap3A_2831 = arith.constant 8960 : index
    %swap3A_2832 = vector.load %arg5[%swap3A_2830, %swap3A_2831] : memref<128x10240xf32, #tpu.memory_space<vmem>>, vector<128x128xf32>
    tpu.vector_store %arg5[%swap3A_2830, %swap3A_2831], %add3A_2829 {strides = array<i32>} : memref<128x10240xf32, #tpu.memory_space<vmem>>, vector<128x128xf32>,
    %get3A_2833 = arith.constant 0 : index
    %get3A_2834 = arith.constant 0 : index
    %get3A_2835 = arith.constant 9088 : index
    %get3A_2836 = vector.load %arg2[%get3A_2833, %get3A_2834, %get3A_2835] : memref<1x3x10240xf32, #tpu.memory_space<vmem>>, vector<1x1x128xf32>
    %get3A_2837 = vector.shape_cast %get3A_2836 : vector<1x1x128xf32> to vector<1x128xf32>
    %sub3A_2838 = vector.broadcast %get3A_1 : vector<128x1xf32> to vector<128x128xf32>
    %sub3A_2839 = vector.broadcast %get3A_2837 : vector<1x128xf32> to vector<128x128xf32>
    %sub3A_2840 = arith.subf %sub3A_2838, %sub3A_2839 : vector<128x128xf32>
    %get3A_2841 = arith.constant 0 : index
    %get3A_2842 = arith.constant 1 : index
    %get3A_2843 = arith.constant 9088 : index
    %get3A_2844 = vector.load %arg2[%get3A_2841, %get3A_2842, %get3A_2843] : memref<1x3x10240xf32, #tpu.memory_space<vmem>>, vector<1x1x128xf32>
    %get3A_2845 = vector.shape_cast %get3A_2844 : vector<1x1x128xf32> to vector<1x128xf32>
    %sub3A_2846 = vector.broadcast %get3A_4 : vector<128x1xf32> to vector<128x128xf32>
    %sub3A_2847 = vector.broadcast %get3A_2845 : vector<1x128xf32> to vector<128x128xf32>
    %sub3A_2848 = arith.subf %sub3A_2846, %sub3A_2847 : vector<128x128xf32>
    %get3A_2849 = arith.constant 0 : index
    %get3A_2850 = arith.constant 2 : index
    %get3A_2851 = arith.constant 9088 : index
    %get3A_2852 = vector.load %arg2[%get3A_2849, %get3A_2850, %get3A_2851] : memref<1x3x10240xf32, #tpu.memory_space<vmem>>, vector<1x1x128xf32>
    %get3A_2853 = vector.shape_cast %get3A_2852 : vector<1x1x128xf32> to vector<1x128xf32>
    %sub3A_2854 = vector.broadcast %get3A_7 : vector<128x1xf32> to vector<128x128xf32>
    %sub3A_2855 = vector.broadcast %get3A_2853 : vector<1x128xf32> to vector<128x128xf32>
    %sub3A_2856 = arith.subf %sub3A_2854, %sub3A_2855 : vector<128x128xf32>
    %mul3A_2857 = arith.mulf %sub3A_2840, %sub3A_2840 : vector<128x128xf32>
    %mul3A_2858 = arith.mulf %sub3A_2848, %sub3A_2848 : vector<128x128xf32>
    %add3A_2859 = arith.addf %mul3A_2857, %mul3A_2858 : vector<128x128xf32>
    %mul3A_2860 = arith.mulf %sub3A_2856, %sub3A_2856 : vector<128x128xf32>
    %add3A_2861 = arith.addf %add3A_2859, %mul3A_2860 : vector<128x128xf32>
    %swap3A_2862 = arith.constant 0 : index
    %swap3A_2863 = arith.constant 9088 : index
    %swap3A_2864 = vector.load %arg5[%swap3A_2862, %swap3A_2863] : memref<128x10240xf32, #tpu.memory_space<vmem>>, vector<128x128xf32>
    tpu.vector_store %arg5[%swap3A_2862, %swap3A_2863], %add3A_2861 {strides = array<i32>} : memref<128x10240xf32, #tpu.memory_space<vmem>>, vector<128x128xf32>,
    %broadcast_in_dim3A_2865 = arith.constant 68 : i32
    %broadcast_in_dim3A_2866 = vector.broadcast %broadcast_in_dim3A_2865 : i32 to vector<128x128xi32>
    %broadcast_in_dim3A_2867 = arith.constant 69 : i32
    %broadcast_in_dim3A_2868 = vector.broadcast %broadcast_in_dim3A_2867 : i32 to vector<128x128xi32>
    %broadcast_in_dim3A_2869 = arith.constant 70 : i32
    %broadcast_in_dim3A_2870 = vector.broadcast %broadcast_in_dim3A_2869 : i32 to vector<128x128xi32>
    %broadcast_in_dim3A_2871 = arith.constant 71 : i32
    %broadcast_in_dim3A_2872 = vector.broadcast %broadcast_in_dim3A_2871 : i32 to vector<128x128xi32>
    %lt3A_2873 = arith.cmpf olt, %add3A_2765, %add3A_2797 : vector<128x128xf32>
    %min3A_2874 = arith.minimumf %add3A_2765, %add3A_2797 : vector<128x128xf32>
    %select_n3A_2875 = arith.select %lt3A_2873, %broadcast_in_dim3A_2866, %broadcast_in_dim3A_2868 : vector<128x128xi1>, vector<128x128xi32>
    %max3A_2876 = arith.maximumf %add3A_2765, %add3A_2797 : vector<128x128xf32>
    %select_n3A_2877 = arith.select %lt3A_2873, %broadcast_in_dim3A_2868, %broadcast_in_dim3A_2866 : vector<128x128xi1>, vector<128x128xi32>
    %lt3A_2878 = arith.cmpf olt, %add3A_2829, %add3A_2861 : vector<128x128xf32>
    %min3A_2879 = arith.minimumf %add3A_2829, %add3A_2861 : vector<128x128xf32>
    %select_n3A_2880 = arith.select %lt3A_2878, %broadcast_in_dim3A_2870, %broadcast_in_dim3A_2872 : vector<128x128xi1>, vector<128x128xi32>
    %max3A_2881 = arith.maximumf %add3A_2829, %add3A_2861 : vector<128x128xf32>
    %select_n3A_2882 = arith.select %lt3A_2878, %broadcast_in_dim3A_2872, %broadcast_in_dim3A_2870 : vector<128x128xi1>, vector<128x128xi32>
    %lt3A_2883 = arith.cmpf olt, %min3A_2874, %min3A_2879 : vector<128x128xf32>
    %min3A_2884 = arith.minimumf %min3A_2874, %min3A_2879 : vector<128x128xf32>
    %select_n3A_2885 = arith.select %lt3A_2883, %select_n3A_2875, %select_n3A_2880 : vector<128x128xi1>, vector<128x128xi32>
    %max3A_2886 = arith.maximumf %min3A_2874, %min3A_2879 : vector<128x128xf32>
    %select_n3A_2887 = arith.select %lt3A_2883, %select_n3A_2880, %select_n3A_2875 : vector<128x128xi1>, vector<128x128xi32>
    %lt3A_2888 = arith.cmpf olt, %max3A_2876, %max3A_2881 : vector<128x128xf32>
    %min3A_2889 = arith.minimumf %max3A_2876, %max3A_2881 : vector<128x128xf32>
    %select_n3A_2890 = arith.select %lt3A_2888, %select_n3A_2877, %select_n3A_2882 : vector<128x128xi1>, vector<128x128xi32>
    %max3A_2891 = arith.maximumf %max3A_2876, %max3A_2881 : vector<128x128xf32>
    %select_n3A_2892 = arith.select %lt3A_2888, %select_n3A_2882, %select_n3A_2877 : vector<128x128xi1>, vector<128x128xi32>
    %lt3A_2893 = arith.cmpf olt, %max3A_2886, %min3A_2889 : vector<128x128xf32>
    %min3A_2894 = arith.minimumf %max3A_2886, %min3A_2889 : vector<128x128xf32>
    %select_n3A_2895 = arith.select %lt3A_2893, %select_n3A_2887, %select_n3A_2890 : vector<128x128xi1>, vector<128x128xi32>
    %max3A_2896 = arith.maximumf %max3A_2886, %min3A_2889 : vector<128x128xf32>
    %select_n3A_2897 = arith.select %lt3A_2893, %select_n3A_2890, %select_n3A_2887 : vector<128x128xi1>, vector<128x128xi32>
    %get3A_2898 = arith.constant 0 : index
    %get3A_2899 = arith.constant 0 : index
    %get3A_2900 = arith.constant 9216 : index
    %get3A_2901 = vector.load %arg2[%get3A_2898, %get3A_2899, %get3A_2900] : memref<1x3x10240xf32, #tpu.memory_space<vmem>>, vector<1x1x128xf32>
    %get3A_2902 = vector.shape_cast %get3A_2901 : vector<1x1x128xf32> to vector<1x128xf32>
    %sub3A_2903 = vector.broadcast %get3A_1 : vector<128x1xf32> to vector<128x128xf32>
    %sub3A_2904 = vector.broadcast %get3A_2902 : vector<1x128xf32> to vector<128x128xf32>
    %sub3A_2905 = arith.subf %sub3A_2903, %sub3A_2904 : vector<128x128xf32>
    %get3A_2906 = arith.constant 0 : index
    %get3A_2907 = arith.constant 1 : index
    %get3A_2908 = arith.constant 9216 : index
    %get3A_2909 = vector.load %arg2[%get3A_2906, %get3A_2907, %get3A_2908] : memref<1x3x10240xf32, #tpu.memory_space<vmem>>, vector<1x1x128xf32>
    %get3A_2910 = vector.shape_cast %get3A_2909 : vector<1x1x128xf32> to vector<1x128xf32>
    %sub3A_2911 = vector.broadcast %get3A_4 : vector<128x1xf32> to vector<128x128xf32>
    %sub3A_2912 = vector.broadcast %get3A_2910 : vector<1x128xf32> to vector<128x128xf32>
    %sub3A_2913 = arith.subf %sub3A_2911, %sub3A_2912 : vector<128x128xf32>
    %get3A_2914 = arith.constant 0 : index
    %get3A_2915 = arith.constant 2 : index
    %get3A_2916 = arith.constant 9216 : index
    %get3A_2917 = vector.load %arg2[%get3A_2914, %get3A_2915, %get3A_2916] : memref<1x3x10240xf32, #tpu.memory_space<vmem>>, vector<1x1x128xf32>
    %get3A_2918 = vector.shape_cast %get3A_2917 : vector<1x1x128xf32> to vector<1x128xf32>
    %sub3A_2919 = vector.broadcast %get3A_7 : vector<128x1xf32> to vector<128x128xf32>
    %sub3A_2920 = vector.broadcast %get3A_2918 : vector<1x128xf32> to vector<128x128xf32>
    %sub3A_2921 = arith.subf %sub3A_2919, %sub3A_2920 : vector<128x128xf32>
    %mul3A_2922 = arith.mulf %sub3A_2905, %sub3A_2905 : vector<128x128xf32>
    %mul3A_2923 = arith.mulf %sub3A_2913, %sub3A_2913 : vector<128x128xf32>
    %add3A_2924 = arith.addf %mul3A_2922, %mul3A_2923 : vector<128x128xf32>
    %mul3A_2925 = arith.mulf %sub3A_2921, %sub3A_2921 : vector<128x128xf32>
    %add3A_2926 = arith.addf %add3A_2924, %mul3A_2925 : vector<128x128xf32>
    %swap3A_2927 = arith.constant 0 : index
    %swap3A_2928 = arith.constant 9216 : index
    %swap3A_2929 = vector.load %arg5[%swap3A_2927, %swap3A_2928] : memref<128x10240xf32, #tpu.memory_space<vmem>>, vector<128x128xf32>
    tpu.vector_store %arg5[%swap3A_2927, %swap3A_2928], %add3A_2926 {strides = array<i32>} : memref<128x10240xf32, #tpu.memory_space<vmem>>, vector<128x128xf32>,
    %get3A_2930 = arith.constant 0 : index
    %get3A_2931 = arith.constant 0 : index
    %get3A_2932 = arith.constant 9344 : index
    %get3A_2933 = vector.load %arg2[%get3A_2930, %get3A_2931, %get3A_2932] : memref<1x3x10240xf32, #tpu.memory_space<vmem>>, vector<1x1x128xf32>
    %get3A_2934 = vector.shape_cast %get3A_2933 : vector<1x1x128xf32> to vector<1x128xf32>
    %sub3A_2935 = vector.broadcast %get3A_1 : vector<128x1xf32> to vector<128x128xf32>
    %sub3A_2936 = vector.broadcast %get3A_2934 : vector<1x128xf32> to vector<128x128xf32>
    %sub3A_2937 = arith.subf %sub3A_2935, %sub3A_2936 : vector<128x128xf32>
    %get3A_2938 = arith.constant 0 : index
    %get3A_2939 = arith.constant 1 : index
    %get3A_2940 = arith.constant 9344 : index
    %get3A_2941 = vector.load %arg2[%get3A_2938, %get3A_2939, %get3A_2940] : memref<1x3x10240xf32, #tpu.memory_space<vmem>>, vector<1x1x128xf32>
    %get3A_2942 = vector.shape_cast %get3A_2941 : vector<1x1x128xf32> to vector<1x128xf32>
    %sub3A_2943 = vector.broadcast %get3A_4 : vector<128x1xf32> to vector<128x128xf32>
    %sub3A_2944 = vector.broadcast %get3A_2942 : vector<1x128xf32> to vector<128x128xf32>
    %sub3A_2945 = arith.subf %sub3A_2943, %sub3A_2944 : vector<128x128xf32>
    %get3A_2946 = arith.constant 0 : index
    %get3A_2947 = arith.constant 2 : index
    %get3A_2948 = arith.constant 9344 : index
    %get3A_2949 = vector.load %arg2[%get3A_2946, %get3A_2947, %get3A_2948] : memref<1x3x10240xf32, #tpu.memory_space<vmem>>, vector<1x1x128xf32>
    %get3A_2950 = vector.shape_cast %get3A_2949 : vector<1x1x128xf32> to vector<1x128xf32>
    %sub3A_2951 = vector.broadcast %get3A_7 : vector<128x1xf32> to vector<128x128xf32>
    %sub3A_2952 = vector.broadcast %get3A_2950 : vector<1x128xf32> to vector<128x128xf32>
    %sub3A_2953 = arith.subf %sub3A_2951, %sub3A_2952 : vector<128x128xf32>
    %mul3A_2954 = arith.mulf %sub3A_2937, %sub3A_2937 : vector<128x128xf32>
    %mul3A_2955 = arith.mulf %sub3A_2945, %sub3A_2945 : vector<128x128xf32>
    %add3A_2956 = arith.addf %mul3A_2954, %mul3A_2955 : vector<128x128xf32>
    %mul3A_2957 = arith.mulf %sub3A_2953, %sub3A_2953 : vector<128x128xf32>
    %add3A_2958 = arith.addf %add3A_2956, %mul3A_2957 : vector<128x128xf32>
    %swap3A_2959 = arith.constant 0 : index
    %swap3A_2960 = arith.constant 9344 : index
    %swap3A_2961 = vector.load %arg5[%swap3A_2959, %swap3A_2960] : memref<128x10240xf32, #tpu.memory_space<vmem>>, vector<128x128xf32>
    tpu.vector_store %arg5[%swap3A_2959, %swap3A_2960], %add3A_2958 {strides = array<i32>} : memref<128x10240xf32, #tpu.memory_space<vmem>>, vector<128x128xf32>,
    %get3A_2962 = arith.constant 0 : index
    %get3A_2963 = arith.constant 0 : index
    %get3A_2964 = arith.constant 9472 : index
    %get3A_2965 = vector.load %arg2[%get3A_2962, %get3A_2963, %get3A_2964] : memref<1x3x10240xf32, #tpu.memory_space<vmem>>, vector<1x1x128xf32>
    %get3A_2966 = vector.shape_cast %get3A_2965 : vector<1x1x128xf32> to vector<1x128xf32>
    %sub3A_2967 = vector.broadcast %get3A_1 : vector<128x1xf32> to vector<128x128xf32>
    %sub3A_2968 = vector.broadcast %get3A_2966 : vector<1x128xf32> to vector<128x128xf32>
    %sub3A_2969 = arith.subf %sub3A_2967, %sub3A_2968 : vector<128x128xf32>
    %get3A_2970 = arith.constant 0 : index
    %get3A_2971 = arith.constant 1 : index
    %get3A_2972 = arith.constant 9472 : index
    %get3A_2973 = vector.load %arg2[%get3A_2970, %get3A_2971, %get3A_2972] : memref<1x3x10240xf32, #tpu.memory_space<vmem>>, vector<1x1x128xf32>
    %get3A_2974 = vector.shape_cast %get3A_2973 : vector<1x1x128xf32> to vector<1x128xf32>
    %sub3A_2975 = vector.broadcast %get3A_4 : vector<128x1xf32> to vector<128x128xf32>
    %sub3A_2976 = vector.broadcast %get3A_2974 : vector<1x128xf32> to vector<128x128xf32>
    %sub3A_2977 = arith.subf %sub3A_2975, %sub3A_2976 : vector<128x128xf32>
    %get3A_2978 = arith.constant 0 : index
    %get3A_2979 = arith.constant 2 : index
    %get3A_2980 = arith.constant 9472 : index
    %get3A_2981 = vector.load %arg2[%get3A_2978, %get3A_2979, %get3A_2980] : memref<1x3x10240xf32, #tpu.memory_space<vmem>>, vector<1x1x128xf32>
    %get3A_2982 = vector.shape_cast %get3A_2981 : vector<1x1x128xf32> to vector<1x128xf32>
    %sub3A_2983 = vector.broadcast %get3A_7 : vector<128x1xf32> to vector<128x128xf32>
    %sub3A_2984 = vector.broadcast %get3A_2982 : vector<1x128xf32> to vector<128x128xf32>
    %sub3A_2985 = arith.subf %sub3A_2983, %sub3A_2984 : vector<128x128xf32>
    %mul3A_2986 = arith.mulf %sub3A_2969, %sub3A_2969 : vector<128x128xf32>
    %mul3A_2987 = arith.mulf %sub3A_2977, %sub3A_2977 : vector<128x128xf32>
    %add3A_2988 = arith.addf %mul3A_2986, %mul3A_2987 : vector<128x128xf32>
    %mul3A_2989 = arith.mulf %sub3A_2985, %sub3A_2985 : vector<128x128xf32>
    %add3A_2990 = arith.addf %add3A_2988, %mul3A_2989 : vector<128x128xf32>
    %swap3A_2991 = arith.constant 0 : index
    %swap3A_2992 = arith.constant 9472 : index
    %swap3A_2993 = vector.load %arg5[%swap3A_2991, %swap3A_2992] : memref<128x10240xf32, #tpu.memory_space<vmem>>, vector<128x128xf32>
    tpu.vector_store %arg5[%swap3A_2991, %swap3A_2992], %add3A_2990 {strides = array<i32>} : memref<128x10240xf32, #tpu.memory_space<vmem>>, vector<128x128xf32>,
    %get3A_2994 = arith.constant 0 : index
    %get3A_2995 = arith.constant 0 : index
    %get3A_2996 = arith.constant 9600 : index
    %get3A_2997 = vector.load %arg2[%get3A_2994, %get3A_2995, %get3A_2996] : memref<1x3x10240xf32, #tpu.memory_space<vmem>>, vector<1x1x128xf32>
    %get3A_2998 = vector.shape_cast %get3A_2997 : vector<1x1x128xf32> to vector<1x128xf32>
    %sub3A_2999 = vector.broadcast %get3A_1 : vector<128x1xf32> to vector<128x128xf32>
    %sub3A_3000 = vector.broadcast %get3A_2998 : vector<1x128xf32> to vector<128x128xf32>
    %sub3A_3001 = arith.subf %sub3A_2999, %sub3A_3000 : vector<128x128xf32>
    %get3A_3002 = arith.constant 0 : index
    %get3A_3003 = arith.constant 1 : index
    %get3A_3004 = arith.constant 9600 : index
    %get3A_3005 = vector.load %arg2[%get3A_3002, %get3A_3003, %get3A_3004] : memref<1x3x10240xf32, #tpu.memory_space<vmem>>, vector<1x1x128xf32>
    %get3A_3006 = vector.shape_cast %get3A_3005 : vector<1x1x128xf32> to vector<1x128xf32>
    %sub3A_3007 = vector.broadcast %get3A_4 : vector<128x1xf32> to vector<128x128xf32>
    %sub3A_3008 = vector.broadcast %get3A_3006 : vector<1x128xf32> to vector<128x128xf32>
    %sub3A_3009 = arith.subf %sub3A_3007, %sub3A_3008 : vector<128x128xf32>
    %get3A_3010 = arith.constant 0 : index
    %get3A_3011 = arith.constant 2 : index
    %get3A_3012 = arith.constant 9600 : index
    %get3A_3013 = vector.load %arg2[%get3A_3010, %get3A_3011, %get3A_3012] : memref<1x3x10240xf32, #tpu.memory_space<vmem>>, vector<1x1x128xf32>
    %get3A_3014 = vector.shape_cast %get3A_3013 : vector<1x1x128xf32> to vector<1x128xf32>
    %sub3A_3015 = vector.broadcast %get3A_7 : vector<128x1xf32> to vector<128x128xf32>
    %sub3A_3016 = vector.broadcast %get3A_3014 : vector<1x128xf32> to vector<128x128xf32>
    %sub3A_3017 = arith.subf %sub3A_3015, %sub3A_3016 : vector<128x128xf32>
    %mul3A_3018 = arith.mulf %sub3A_3001, %sub3A_3001 : vector<128x128xf32>
    %mul3A_3019 = arith.mulf %sub3A_3009, %sub3A_3009 : vector<128x128xf32>
    %add3A_3020 = arith.addf %mul3A_3018, %mul3A_3019 : vector<128x128xf32>
    %mul3A_3021 = arith.mulf %sub3A_3017, %sub3A_3017 : vector<128x128xf32>
    %add3A_3022 = arith.addf %add3A_3020, %mul3A_3021 : vector<128x128xf32>
    %swap3A_3023 = arith.constant 0 : index
    %swap3A_3024 = arith.constant 9600 : index
    %swap3A_3025 = vector.load %arg5[%swap3A_3023, %swap3A_3024] : memref<128x10240xf32, #tpu.memory_space<vmem>>, vector<128x128xf32>
    tpu.vector_store %arg5[%swap3A_3023, %swap3A_3024], %add3A_3022 {strides = array<i32>} : memref<128x10240xf32, #tpu.memory_space<vmem>>, vector<128x128xf32>,
    %broadcast_in_dim3A_3026 = arith.constant 72 : i32
    %broadcast_in_dim3A_3027 = vector.broadcast %broadcast_in_dim3A_3026 : i32 to vector<128x128xi32>
    %broadcast_in_dim3A_3028 = arith.constant 73 : i32
    %broadcast_in_dim3A_3029 = vector.broadcast %broadcast_in_dim3A_3028 : i32 to vector<128x128xi32>
    %broadcast_in_dim3A_3030 = arith.constant 74 : i32
    %broadcast_in_dim3A_3031 = vector.broadcast %broadcast_in_dim3A_3030 : i32 to vector<128x128xi32>
    %broadcast_in_dim3A_3032 = arith.constant 75 : i32
    %broadcast_in_dim3A_3033 = vector.broadcast %broadcast_in_dim3A_3032 : i32 to vector<128x128xi32>
    %lt3A_3034 = arith.cmpf olt, %add3A_2926, %add3A_2958 : vector<128x128xf32>
    %min3A_3035 = arith.minimumf %add3A_2926, %add3A_2958 : vector<128x128xf32>
    %select_n3A_3036 = arith.select %lt3A_3034, %broadcast_in_dim3A_3027, %broadcast_in_dim3A_3029 : vector<128x128xi1>, vector<128x128xi32>
    %max3A_3037 = arith.maximumf %add3A_2926, %add3A_2958 : vector<128x128xf32>
    %select_n3A_3038 = arith.select %lt3A_3034, %broadcast_in_dim3A_3029, %broadcast_in_dim3A_3027 : vector<128x128xi1>, vector<128x128xi32>
    %lt3A_3039 = arith.cmpf olt, %add3A_2990, %add3A_3022 : vector<128x128xf32>
    %min3A_3040 = arith.minimumf %add3A_2990, %add3A_3022 : vector<128x128xf32>
    %select_n3A_3041 = arith.select %lt3A_3039, %broadcast_in_dim3A_3031, %broadcast_in_dim3A_3033 : vector<128x128xi1>, vector<128x128xi32>
    %max3A_3042 = arith.maximumf %add3A_2990, %add3A_3022 : vector<128x128xf32>
    %select_n3A_3043 = arith.select %lt3A_3039, %broadcast_in_dim3A_3033, %broadcast_in_dim3A_3031 : vector<128x128xi1>, vector<128x128xi32>
    %lt3A_3044 = arith.cmpf olt, %min3A_3035, %min3A_3040 : vector<128x128xf32>
    %min3A_3045 = arith.minimumf %min3A_3035, %min3A_3040 : vector<128x128xf32>
    %select_n3A_3046 = arith.select %lt3A_3044, %select_n3A_3036, %select_n3A_3041 : vector<128x128xi1>, vector<128x128xi32>
    %max3A_3047 = arith.maximumf %min3A_3035, %min3A_3040 : vector<128x128xf32>
    %select_n3A_3048 = arith.select %lt3A_3044, %select_n3A_3041, %select_n3A_3036 : vector<128x128xi1>, vector<128x128xi32>
    %lt3A_3049 = arith.cmpf olt, %max3A_3037, %max3A_3042 : vector<128x128xf32>
    %min3A_3050 = arith.minimumf %max3A_3037, %max3A_3042 : vector<128x128xf32>
    %select_n3A_3051 = arith.select %lt3A_3049, %select_n3A_3038, %select_n3A_3043 : vector<128x128xi1>, vector<128x128xi32>
    %max3A_3052 = arith.maximumf %max3A_3037, %max3A_3042 : vector<128x128xf32>
    %select_n3A_3053 = arith.select %lt3A_3049, %select_n3A_3043, %select_n3A_3038 : vector<128x128xi1>, vector<128x128xi32>
    %lt3A_3054 = arith.cmpf olt, %max3A_3047, %min3A_3050 : vector<128x128xf32>
    %min3A_3055 = arith.minimumf %max3A_3047, %min3A_3050 : vector<128x128xf32>
    %select_n3A_3056 = arith.select %lt3A_3054, %select_n3A_3048, %select_n3A_3051 : vector<128x128xi1>, vector<128x128xi32>
    %max3A_3057 = arith.maximumf %max3A_3047, %min3A_3050 : vector<128x128xf32>
    %select_n3A_3058 = arith.select %lt3A_3054, %select_n3A_3051, %select_n3A_3048 : vector<128x128xi1>, vector<128x128xi32>
    %get3A_3059 = arith.constant 0 : index
    %get3A_3060 = arith.constant 0 : index
    %get3A_3061 = arith.constant 9728 : index
    %get3A_3062 = vector.load %arg2[%get3A_3059, %get3A_3060, %get3A_3061] : memref<1x3x10240xf32, #tpu.memory_space<vmem>>, vector<1x1x128xf32>
    %get3A_3063 = vector.shape_cast %get3A_3062 : vector<1x1x128xf32> to vector<1x128xf32>
    %sub3A_3064 = vector.broadcast %get3A_1 : vector<128x1xf32> to vector<128x128xf32>
    %sub3A_3065 = vector.broadcast %get3A_3063 : vector<1x128xf32> to vector<128x128xf32>
    %sub3A_3066 = arith.subf %sub3A_3064, %sub3A_3065 : vector<128x128xf32>
    %get3A_3067 = arith.constant 0 : index
    %get3A_3068 = arith.constant 1 : index
    %get3A_3069 = arith.constant 9728 : index
    %get3A_3070 = vector.load %arg2[%get3A_3067, %get3A_3068, %get3A_3069] : memref<1x3x10240xf32, #tpu.memory_space<vmem>>, vector<1x1x128xf32>
    %get3A_3071 = vector.shape_cast %get3A_3070 : vector<1x1x128xf32> to vector<1x128xf32>
    %sub3A_3072 = vector.broadcast %get3A_4 : vector<128x1xf32> to vector<128x128xf32>
    %sub3A_3073 = vector.broadcast %get3A_3071 : vector<1x128xf32> to vector<128x128xf32>
    %sub3A_3074 = arith.subf %sub3A_3072, %sub3A_3073 : vector<128x128xf32>
    %get3A_3075 = arith.constant 0 : index
    %get3A_3076 = arith.constant 2 : index
    %get3A_3077 = arith.constant 9728 : index
    %get3A_3078 = vector.load %arg2[%get3A_3075, %get3A_3076, %get3A_3077] : memref<1x3x10240xf32, #tpu.memory_space<vmem>>, vector<1x1x128xf32>
    %get3A_3079 = vector.shape_cast %get3A_3078 : vector<1x1x128xf32> to vector<1x128xf32>
    %sub3A_3080 = vector.broadcast %get3A_7 : vector<128x1xf32> to vector<128x128xf32>
    %sub3A_3081 = vector.broadcast %get3A_3079 : vector<1x128xf32> to vector<128x128xf32>
    %sub3A_3082 = arith.subf %sub3A_3080, %sub3A_3081 : vector<128x128xf32>
    %mul3A_3083 = arith.mulf %sub3A_3066, %sub3A_3066 : vector<128x128xf32>
    %mul3A_3084 = arith.mulf %sub3A_3074, %sub3A_3074 : vector<128x128xf32>
    %add3A_3085 = arith.addf %mul3A_3083, %mul3A_3084 : vector<128x128xf32>
    %mul3A_3086 = arith.mulf %sub3A_3082, %sub3A_3082 : vector<128x128xf32>
    %add3A_3087 = arith.addf %add3A_3085, %mul3A_3086 : vector<128x128xf32>
    %swap3A_3088 = arith.constant 0 : index
    %swap3A_3089 = arith.constant 9728 : index
    %swap3A_3090 = vector.load %arg5[%swap3A_3088, %swap3A_3089] : memref<128x10240xf32, #tpu.memory_space<vmem>>, vector<128x128xf32>
    tpu.vector_store %arg5[%swap3A_3088, %swap3A_3089], %add3A_3087 {strides = array<i32>} : memref<128x10240xf32, #tpu.memory_space<vmem>>, vector<128x128xf32>,
    %get3A_3091 = arith.constant 0 : index
    %get3A_3092 = arith.constant 0 : index
    %get3A_3093 = arith.constant 9856 : index
    %get3A_3094 = vector.load %arg2[%get3A_3091, %get3A_3092, %get3A_3093] : memref<1x3x10240xf32, #tpu.memory_space<vmem>>, vector<1x1x128xf32>
    %get3A_3095 = vector.shape_cast %get3A_3094 : vector<1x1x128xf32> to vector<1x128xf32>
    %sub3A_3096 = vector.broadcast %get3A_1 : vector<128x1xf32> to vector<128x128xf32>
    %sub3A_3097 = vector.broadcast %get3A_3095 : vector<1x128xf32> to vector<128x128xf32>
    %sub3A_3098 = arith.subf %sub3A_3096, %sub3A_3097 : vector<128x128xf32>
    %get3A_3099 = arith.constant 0 : index
    %get3A_3100 = arith.constant 1 : index
    %get3A_3101 = arith.constant 9856 : index
    %get3A_3102 = vector.load %arg2[%get3A_3099, %get3A_3100, %get3A_3101] : memref<1x3x10240xf32, #tpu.memory_space<vmem>>, vector<1x1x128xf32>
    %get3A_3103 = vector.shape_cast %get3A_3102 : vector<1x1x128xf32> to vector<1x128xf32>
    %sub3A_3104 = vector.broadcast %get3A_4 : vector<128x1xf32> to vector<128x128xf32>
    %sub3A_3105 = vector.broadcast %get3A_3103 : vector<1x128xf32> to vector<128x128xf32>
    %sub3A_3106 = arith.subf %sub3A_3104, %sub3A_3105 : vector<128x128xf32>
    %get3A_3107 = arith.constant 0 : index
    %get3A_3108 = arith.constant 2 : index
    %get3A_3109 = arith.constant 9856 : index
    %get3A_3110 = vector.load %arg2[%get3A_3107, %get3A_3108, %get3A_3109] : memref<1x3x10240xf32, #tpu.memory_space<vmem>>, vector<1x1x128xf32>
    %get3A_3111 = vector.shape_cast %get3A_3110 : vector<1x1x128xf32> to vector<1x128xf32>
    %sub3A_3112 = vector.broadcast %get3A_7 : vector<128x1xf32> to vector<128x128xf32>
    %sub3A_3113 = vector.broadcast %get3A_3111 : vector<1x128xf32> to vector<128x128xf32>
    %sub3A_3114 = arith.subf %sub3A_3112, %sub3A_3113 : vector<128x128xf32>
    %mul3A_3115 = arith.mulf %sub3A_3098, %sub3A_3098 : vector<128x128xf32>
    %mul3A_3116 = arith.mulf %sub3A_3106, %sub3A_3106 : vector<128x128xf32>
    %add3A_3117 = arith.addf %mul3A_3115, %mul3A_3116 : vector<128x128xf32>
    %mul3A_3118 = arith.mulf %sub3A_3114, %sub3A_3114 : vector<128x128xf32>
    %add3A_3119 = arith.addf %add3A_3117, %mul3A_3118 : vector<128x128xf32>
    %swap3A_3120 = arith.constant 0 : index
    %swap3A_3121 = arith.constant 9856 : index
    %swap3A_3122 = vector.load %arg5[%swap3A_3120, %swap3A_3121] : memref<128x10240xf32, #tpu.memory_space<vmem>>, vector<128x128xf32>
    tpu.vector_store %arg5[%swap3A_3120, %swap3A_3121], %add3A_3119 {strides = array<i32>} : memref<128x10240xf32, #tpu.memory_space<vmem>>, vector<128x128xf32>,
    %get3A_3123 = arith.constant 0 : index
    %get3A_3124 = arith.constant 0 : index
    %get3A_3125 = arith.constant 9984 : index
    %get3A_3126 = vector.load %arg2[%get3A_3123, %get3A_3124, %get3A_3125] : memref<1x3x10240xf32, #tpu.memory_space<vmem>>, vector<1x1x128xf32>
    %get3A_3127 = vector.shape_cast %get3A_3126 : vector<1x1x128xf32> to vector<1x128xf32>
    %sub3A_3128 = vector.broadcast %get3A_1 : vector<128x1xf32> to vector<128x128xf32>
    %sub3A_3129 = vector.broadcast %get3A_3127 : vector<1x128xf32> to vector<128x128xf32>
    %sub3A_3130 = arith.subf %sub3A_3128, %sub3A_3129 : vector<128x128xf32>
    %get3A_3131 = arith.constant 0 : index
    %get3A_3132 = arith.constant 1 : index
    %get3A_3133 = arith.constant 9984 : index
    %get3A_3134 = vector.load %arg2[%get3A_3131, %get3A_3132, %get3A_3133] : memref<1x3x10240xf32, #tpu.memory_space<vmem>>, vector<1x1x128xf32>
    %get3A_3135 = vector.shape_cast %get3A_3134 : vector<1x1x128xf32> to vector<1x128xf32>
    %sub3A_3136 = vector.broadcast %get3A_4 : vector<128x1xf32> to vector<128x128xf32>
    %sub3A_3137 = vector.broadcast %get3A_3135 : vector<1x128xf32> to vector<128x128xf32>
    %sub3A_3138 = arith.subf %sub3A_3136, %sub3A_3137 : vector<128x128xf32>
    %get3A_3139 = arith.constant 0 : index
    %get3A_3140 = arith.constant 2 : index
    %get3A_3141 = arith.constant 9984 : index
    %get3A_3142 = vector.load %arg2[%get3A_3139, %get3A_3140, %get3A_3141] : memref<1x3x10240xf32, #tpu.memory_space<vmem>>, vector<1x1x128xf32>
    %get3A_3143 = vector.shape_cast %get3A_3142 : vector<1x1x128xf32> to vector<1x128xf32>
    %sub3A_3144 = vector.broadcast %get3A_7 : vector<128x1xf32> to vector<128x128xf32>
    %sub3A_3145 = vector.broadcast %get3A_3143 : vector<1x128xf32> to vector<128x128xf32>
    %sub3A_3146 = arith.subf %sub3A_3144, %sub3A_3145 : vector<128x128xf32>
    %mul3A_3147 = arith.mulf %sub3A_3130, %sub3A_3130 : vector<128x128xf32>
    %mul3A_3148 = arith.mulf %sub3A_3138, %sub3A_3138 : vector<128x128xf32>
    %add3A_3149 = arith.addf %mul3A_3147, %mul3A_3148 : vector<128x128xf32>
    %mul3A_3150 = arith.mulf %sub3A_3146, %sub3A_3146 : vector<128x128xf32>
    %add3A_3151 = arith.addf %add3A_3149, %mul3A_3150 : vector<128x128xf32>
    %swap3A_3152 = arith.constant 0 : index
    %swap3A_3153 = arith.constant 9984 : index
    %swap3A_3154 = vector.load %arg5[%swap3A_3152, %swap3A_3153] : memref<128x10240xf32, #tpu.memory_space<vmem>>, vector<128x128xf32>
    tpu.vector_store %arg5[%swap3A_3152, %swap3A_3153], %add3A_3151 {strides = array<i32>} : memref<128x10240xf32, #tpu.memory_space<vmem>>, vector<128x128xf32>,
    %get3A_3155 = arith.constant 0 : index
    %get3A_3156 = arith.constant 0 : index
    %get3A_3157 = arith.constant 10112 : index
    %get3A_3158 = vector.load %arg2[%get3A_3155, %get3A_3156, %get3A_3157] : memref<1x3x10240xf32, #tpu.memory_space<vmem>>, vector<1x1x128xf32>
    %get3A_3159 = vector.shape_cast %get3A_3158 : vector<1x1x128xf32> to vector<1x128xf32>
    %sub3A_3160 = vector.broadcast %get3A_1 : vector<128x1xf32> to vector<128x128xf32>
    %sub3A_3161 = vector.broadcast %get3A_3159 : vector<1x128xf32> to vector<128x128xf32>
    %sub3A_3162 = arith.subf %sub3A_3160, %sub3A_3161 : vector<128x128xf32>
    %get3A_3163 = arith.constant 0 : index
    %get3A_3164 = arith.constant 1 : index
    %get3A_3165 = arith.constant 10112 : index
    %get3A_3166 = vector.load %arg2[%get3A_3163, %get3A_3164, %get3A_3165] : memref<1x3x10240xf32, #tpu.memory_space<vmem>>, vector<1x1x128xf32>
    %get3A_3167 = vector.shape_cast %get3A_3166 : vector<1x1x128xf32> to vector<1x128xf32>
    %sub3A_3168 = vector.broadcast %get3A_4 : vector<128x1xf32> to vector<128x128xf32>
    %sub3A_3169 = vector.broadcast %get3A_3167 : vector<1x128xf32> to vector<128x128xf32>
    %sub3A_3170 = arith.subf %sub3A_3168, %sub3A_3169 : vector<128x128xf32>
    %get3A_3171 = arith.constant 0 : index
    %get3A_3172 = arith.constant 2 : index
    %get3A_3173 = arith.constant 10112 : index
    %get3A_3174 = vector.load %arg2[%get3A_3171, %get3A_3172, %get3A_3173] : memref<1x3x10240xf32, #tpu.memory_space<vmem>>, vector<1x1x128xf32>
    %get3A_3175 = vector.shape_cast %get3A_3174 : vector<1x1x128xf32> to vector<1x128xf32>
    %sub3A_3176 = vector.broadcast %get3A_7 : vector<128x1xf32> to vector<128x128xf32>
    %sub3A_3177 = vector.broadcast %get3A_3175 : vector<1x128xf32> to vector<128x128xf32>
    %sub3A_3178 = arith.subf %sub3A_3176, %sub3A_3177 : vector<128x128xf32>
    %mul3A_3179 = arith.mulf %sub3A_3162, %sub3A_3162 : vector<128x128xf32>
    %mul3A_3180 = arith.mulf %sub3A_3170, %sub3A_3170 : vector<128x128xf32>
    %add3A_3181 = arith.addf %mul3A_3179, %mul3A_3180 : vector<128x128xf32>
    %mul3A_3182 = arith.mulf %sub3A_3178, %sub3A_3178 : vector<128x128xf32>
    %add3A_3183 = arith.addf %add3A_3181, %mul3A_3182 : vector<128x128xf32>
    %swap3A_3184 = arith.constant 0 : index
    %swap3A_3185 = arith.constant 10112 : index
    %swap3A_3186 = vector.load %arg5[%swap3A_3184, %swap3A_3185] : memref<128x10240xf32, #tpu.memory_space<vmem>>, vector<128x128xf32>
    tpu.vector_store %arg5[%swap3A_3184, %swap3A_3185], %add3A_3183 {strides = array<i32>} : memref<128x10240xf32, #tpu.memory_space<vmem>>, vector<128x128xf32>,
    %broadcast_in_dim3A_3187 = arith.constant 76 : i32
    %broadcast_in_dim3A_3188 = vector.broadcast %broadcast_in_dim3A_3187 : i32 to vector<128x128xi32>
    %broadcast_in_dim3A_3189 = arith.constant 77 : i32
    %broadcast_in_dim3A_3190 = vector.broadcast %broadcast_in_dim3A_3189 : i32 to vector<128x128xi32>
    %broadcast_in_dim3A_3191 = arith.constant 78 : i32
    %broadcast_in_dim3A_3192 = vector.broadcast %broadcast_in_dim3A_3191 : i32 to vector<128x128xi32>
    %broadcast_in_dim3A_3193 = arith.constant 79 : i32
    %broadcast_in_dim3A_3194 = vector.broadcast %broadcast_in_dim3A_3193 : i32 to vector<128x128xi32>
    %lt3A_3195 = arith.cmpf olt, %add3A_3087, %add3A_3119 : vector<128x128xf32>
    %min3A_3196 = arith.minimumf %add3A_3087, %add3A_3119 : vector<128x128xf32>
    %select_n3A_3197 = arith.select %lt3A_3195, %broadcast_in_dim3A_3188, %broadcast_in_dim3A_3190 : vector<128x128xi1>, vector<128x128xi32>
    %max3A_3198 = arith.maximumf %add3A_3087, %add3A_3119 : vector<128x128xf32>
    %select_n3A_3199 = arith.select %lt3A_3195, %broadcast_in_dim3A_3190, %broadcast_in_dim3A_3188 : vector<128x128xi1>, vector<128x128xi32>
    %lt3A_3200 = arith.cmpf olt, %add3A_3151, %add3A_3183 : vector<128x128xf32>
    %min3A_3201 = arith.minimumf %add3A_3151, %add3A_3183 : vector<128x128xf32>
    %select_n3A_3202 = arith.select %lt3A_3200, %broadcast_in_dim3A_3192, %broadcast_in_dim3A_3194 : vector<128x128xi1>, vector<128x128xi32>
    %max3A_3203 = arith.maximumf %add3A_3151, %add3A_3183 : vector<128x128xf32>
    %select_n3A_3204 = arith.select %lt3A_3200, %broadcast_in_dim3A_3194, %broadcast_in_dim3A_3192 : vector<128x128xi1>, vector<128x128xi32>
    %lt3A_3205 = arith.cmpf olt, %min3A_3196, %min3A_3201 : vector<128x128xf32>
    %min3A_3206 = arith.minimumf %min3A_3196, %min3A_3201 : vector<128x128xf32>
    %select_n3A_3207 = arith.select %lt3A_3205, %select_n3A_3197, %select_n3A_3202 : vector<128x128xi1>, vector<128x128xi32>
    %max3A_3208 = arith.maximumf %min3A_3196, %min3A_3201 : vector<128x128xf32>
    %select_n3A_3209 = arith.select %lt3A_3205, %select_n3A_3202, %select_n3A_3197 : vector<128x128xi1>, vector<128x128xi32>
    %lt3A_3210 = arith.cmpf olt, %max3A_3198, %max3A_3203 : vector<128x128xf32>
    %min3A_3211 = arith.minimumf %max3A_3198, %max3A_3203 : vector<128x128xf32>
    %select_n3A_3212 = arith.select %lt3A_3210, %select_n3A_3199, %select_n3A_3204 : vector<128x128xi1>, vector<128x128xi32>
    %max3A_3213 = arith.maximumf %max3A_3198, %max3A_3203 : vector<128x128xf32>
    %select_n3A_3214 = arith.select %lt3A_3210, %select_n3A_3204, %select_n3A_3199 : vector<128x128xi1>, vector<128x128xi32>
    %lt3A_3215 = arith.cmpf olt, %max3A_3208, %min3A_3211 : vector<128x128xf32>
    %min3A_3216 = arith.minimumf %max3A_3208, %min3A_3211 : vector<128x128xf32>
    %select_n3A_3217 = arith.select %lt3A_3215, %select_n3A_3209, %select_n3A_3212 : vector<128x128xi1>, vector<128x128xi32>
    %max3A_3218 = arith.maximumf %max3A_3208, %min3A_3211 : vector<128x128xf32>
    %select_n3A_3219 = arith.select %lt3A_3215, %select_n3A_3212, %select_n3A_3209 : vector<128x128xi1>, vector<128x128xi32>
    %lt3A_3220 = arith.cmpf olt, %min3A_147, %max3A_315 : vector<128x128xf32>
    %min3A_3221 = arith.minimumf %min3A_147, %max3A_315 : vector<128x128xf32>
    %select_n3A_3222 = arith.select %lt3A_3220, %select_n3A_148, %select_n3A_316 : vector<128x128xi1>, vector<128x128xi32>
    %lt3A_3223 = arith.cmpf olt, %min3A_157, %max3A_320 : vector<128x128xf32>
    %min3A_3224 = arith.minimumf %min3A_157, %max3A_320 : vector<128x128xf32>
    %select_n3A_3225 = arith.select %lt3A_3223, %select_n3A_158, %select_n3A_321 : vector<128x128xi1>, vector<128x128xi32>
    %lt3A_3226 = arith.cmpf olt, %max3A_159, %min3A_318 : vector<128x128xf32>
    %min3A_3227 = arith.minimumf %max3A_159, %min3A_318 : vector<128x128xf32>
    %select_n3A_3228 = arith.select %lt3A_3226, %select_n3A_160, %select_n3A_319 : vector<128x128xi1>, vector<128x128xi32>
    %lt3A_3229 = arith.cmpf olt, %max3A_154, %min3A_308 : vector<128x128xf32>
    %min3A_3230 = arith.minimumf %max3A_154, %min3A_308 : vector<128x128xf32>
    %select_n3A_3231 = arith.select %lt3A_3229, %select_n3A_155, %select_n3A_309 : vector<128x128xi1>, vector<128x128xi32>
    %lt3A_3232 = arith.cmpf olt, %min3A_3221, %min3A_3227 : vector<128x128xf32>
    %min3A_3233 = arith.minimumf %min3A_3221, %min3A_3227 : vector<128x128xf32>
    %select_n3A_3234 = arith.select %lt3A_3232, %select_n3A_3222, %select_n3A_3228 : vector<128x128xi1>, vector<128x128xi32>
    %max3A_3235 = arith.maximumf %min3A_3221, %min3A_3227 : vector<128x128xf32>
    %select_n3A_3236 = arith.select %lt3A_3232, %select_n3A_3228, %select_n3A_3222 : vector<128x128xi1>, vector<128x128xi32>
    %lt3A_3237 = arith.cmpf olt, %min3A_3224, %min3A_3230 : vector<128x128xf32>
    %min3A_3238 = arith.minimumf %min3A_3224, %min3A_3230 : vector<128x128xf32>
    %select_n3A_3239 = arith.select %lt3A_3237, %select_n3A_3225, %select_n3A_3231 : vector<128x128xi1>, vector<128x128xi32>
    %max3A_3240 = arith.maximumf %min3A_3224, %min3A_3230 : vector<128x128xf32>
    %select_n3A_3241 = arith.select %lt3A_3237, %select_n3A_3231, %select_n3A_3225 : vector<128x128xi1>, vector<128x128xi32>
    %lt3A_3242 = arith.cmpf olt, %min3A_3233, %min3A_3238 : vector<128x128xf32>
    %min3A_3243 = arith.minimumf %min3A_3233, %min3A_3238 : vector<128x128xf32>
    %select_n3A_3244 = arith.select %lt3A_3242, %select_n3A_3234, %select_n3A_3239 : vector<128x128xi1>, vector<128x128xi32>
    %max3A_3245 = arith.maximumf %min3A_3233, %min3A_3238 : vector<128x128xf32>
    %select_n3A_3246 = arith.select %lt3A_3242, %select_n3A_3239, %select_n3A_3234 : vector<128x128xi1>, vector<128x128xi32>
    %lt3A_3247 = arith.cmpf olt, %max3A_3235, %max3A_3240 : vector<128x128xf32>
    %min3A_3248 = arith.minimumf %max3A_3235, %max3A_3240 : vector<128x128xf32>
    %select_n3A_3249 = arith.select %lt3A_3247, %select_n3A_3236, %select_n3A_3241 : vector<128x128xi1>, vector<128x128xi32>
    %max3A_3250 = arith.maximumf %max3A_3235, %max3A_3240 : vector<128x128xf32>
    %select_n3A_3251 = arith.select %lt3A_3247, %select_n3A_3241, %select_n3A_3236 : vector<128x128xi1>, vector<128x128xi32>
    %lt3A_3252 = arith.cmpf olt, %min3A_469, %max3A_637 : vector<128x128xf32>
    %min3A_3253 = arith.minimumf %min3A_469, %max3A_637 : vector<128x128xf32>
    %select_n3A_3254 = arith.select %lt3A_3252, %select_n3A_470, %select_n3A_638 : vector<128x128xi1>, vector<128x128xi32>
    %lt3A_3255 = arith.cmpf olt, %min3A_479, %max3A_642 : vector<128x128xf32>
    %min3A_3256 = arith.minimumf %min3A_479, %max3A_642 : vector<128x128xf32>
    %select_n3A_3257 = arith.select %lt3A_3255, %select_n3A_480, %select_n3A_643 : vector<128x128xi1>, vector<128x128xi32>
    %lt3A_3258 = arith.cmpf olt, %max3A_481, %min3A_640 : vector<128x128xf32>
    %min3A_3259 = arith.minimumf %max3A_481, %min3A_640 : vector<128x128xf32>
    %select_n3A_3260 = arith.select %lt3A_3258, %select_n3A_482, %select_n3A_641 : vector<128x128xi1>, vector<128x128xi32>
    %lt3A_3261 = arith.cmpf olt, %max3A_476, %min3A_630 : vector<128x128xf32>
    %min3A_3262 = arith.minimumf %max3A_476, %min3A_630 : vector<128x128xf32>
    %select_n3A_3263 = arith.select %lt3A_3261, %select_n3A_477, %select_n3A_631 : vector<128x128xi1>, vector<128x128xi32>
    %lt3A_3264 = arith.cmpf olt, %min3A_3253, %min3A_3259 : vector<128x128xf32>
    %min3A_3265 = arith.minimumf %min3A_3253, %min3A_3259 : vector<128x128xf32>
    %select_n3A_3266 = arith.select %lt3A_3264, %select_n3A_3254, %select_n3A_3260 : vector<128x128xi1>, vector<128x128xi32>
    %max3A_3267 = arith.maximumf %min3A_3253, %min3A_3259 : vector<128x128xf32>
    %select_n3A_3268 = arith.select %lt3A_3264, %select_n3A_3260, %select_n3A_3254 : vector<128x128xi1>, vector<128x128xi32>
    %lt3A_3269 = arith.cmpf olt, %min3A_3256, %min3A_3262 : vector<128x128xf32>
    %min3A_3270 = arith.minimumf %min3A_3256, %min3A_3262 : vector<128x128xf32>
    %select_n3A_3271 = arith.select %lt3A_3269, %select_n3A_3257, %select_n3A_3263 : vector<128x128xi1>, vector<128x128xi32>
    %max3A_3272 = arith.maximumf %min3A_3256, %min3A_3262 : vector<128x128xf32>
    %select_n3A_3273 = arith.select %lt3A_3269, %select_n3A_3263, %select_n3A_3257 : vector<128x128xi1>, vector<128x128xi32>
    %lt3A_3274 = arith.cmpf olt, %min3A_3265, %min3A_3270 : vector<128x128xf32>
    %min3A_3275 = arith.minimumf %min3A_3265, %min3A_3270 : vector<128x128xf32>
    %select_n3A_3276 = arith.select %lt3A_3274, %select_n3A_3266, %select_n3A_3271 : vector<128x128xi1>, vector<128x128xi32>
    %max3A_3277 = arith.maximumf %min3A_3265, %min3A_3270 : vector<128x128xf32>
    %select_n3A_3278 = arith.select %lt3A_3274, %select_n3A_3271, %select_n3A_3266 : vector<128x128xi1>, vector<128x128xi32>
    %lt3A_3279 = arith.cmpf olt, %max3A_3267, %max3A_3272 : vector<128x128xf32>
    %min3A_3280 = arith.minimumf %max3A_3267, %max3A_3272 : vector<128x128xf32>
    %select_n3A_3281 = arith.select %lt3A_3279, %select_n3A_3268, %select_n3A_3273 : vector<128x128xi1>, vector<128x128xi32>
    %max3A_3282 = arith.maximumf %max3A_3267, %max3A_3272 : vector<128x128xf32>
    %select_n3A_3283 = arith.select %lt3A_3279, %select_n3A_3273, %select_n3A_3268 : vector<128x128xi1>, vector<128x128xi32>
    %lt3A_3284 = arith.cmpf olt, %min3A_791, %max3A_959 : vector<128x128xf32>
    %min3A_3285 = arith.minimumf %min3A_791, %max3A_959 : vector<128x128xf32>
    %select_n3A_3286 = arith.select %lt3A_3284, %select_n3A_792, %select_n3A_960 : vector<128x128xi1>, vector<128x128xi32>
    %lt3A_3287 = arith.cmpf olt, %min3A_801, %max3A_964 : vector<128x128xf32>
    %min3A_3288 = arith.minimumf %min3A_801, %max3A_964 : vector<128x128xf32>
    %select_n3A_3289 = arith.select %lt3A_3287, %select_n3A_802, %select_n3A_965 : vector<128x128xi1>, vector<128x128xi32>
    %lt3A_3290 = arith.cmpf olt, %max3A_803, %min3A_962 : vector<128x128xf32>
    %min3A_3291 = arith.minimumf %max3A_803, %min3A_962 : vector<128x128xf32>
    %select_n3A_3292 = arith.select %lt3A_3290, %select_n3A_804, %select_n3A_963 : vector<128x128xi1>, vector<128x128xi32>
    %lt3A_3293 = arith.cmpf olt, %max3A_798, %min3A_952 : vector<128x128xf32>
    %min3A_3294 = arith.minimumf %max3A_798, %min3A_952 : vector<128x128xf32>
    %select_n3A_3295 = arith.select %lt3A_3293, %select_n3A_799, %select_n3A_953 : vector<128x128xi1>, vector<128x128xi32>
    %lt3A_3296 = arith.cmpf olt, %min3A_3285, %min3A_3291 : vector<128x128xf32>
    %min3A_3297 = arith.minimumf %min3A_3285, %min3A_3291 : vector<128x128xf32>
    %select_n3A_3298 = arith.select %lt3A_3296, %select_n3A_3286, %select_n3A_3292 : vector<128x128xi1>, vector<128x128xi32>
    %max3A_3299 = arith.maximumf %min3A_3285, %min3A_3291 : vector<128x128xf32>
    %select_n3A_3300 = arith.select %lt3A_3296, %select_n3A_3292, %select_n3A_3286 : vector<128x128xi1>, vector<128x128xi32>
    %lt3A_3301 = arith.cmpf olt, %min3A_3288, %min3A_3294 : vector<128x128xf32>
    %min3A_3302 = arith.minimumf %min3A_3288, %min3A_3294 : vector<128x128xf32>
    %select_n3A_3303 = arith.select %lt3A_3301, %select_n3A_3289, %select_n3A_3295 : vector<128x128xi1>, vector<128x128xi32>
    %max3A_3304 = arith.maximumf %min3A_3288, %min3A_3294 : vector<128x128xf32>
    %select_n3A_3305 = arith.select %lt3A_3301, %select_n3A_3295, %select_n3A_3289 : vector<128x128xi1>, vector<128x128xi32>
    %lt3A_3306 = arith.cmpf olt, %min3A_3297, %min3A_3302 : vector<128x128xf32>
    %min3A_3307 = arith.minimumf %min3A_3297, %min3A_3302 : vector<128x128xf32>
    %select_n3A_3308 = arith.select %lt3A_3306, %select_n3A_3298, %select_n3A_3303 : vector<128x128xi1>, vector<128x128xi32>
    %max3A_3309 = arith.maximumf %min3A_3297, %min3A_3302 : vector<128x128xf32>
    %select_n3A_3310 = arith.select %lt3A_3306, %select_n3A_3303, %select_n3A_3298 : vector<128x128xi1>, vector<128x128xi32>
    %lt3A_3311 = arith.cmpf olt, %max3A_3299, %max3A_3304 : vector<128x128xf32>
    %min3A_3312 = arith.minimumf %max3A_3299, %max3A_3304 : vector<128x128xf32>
    %select_n3A_3313 = arith.select %lt3A_3311, %select_n3A_3300, %select_n3A_3305 : vector<128x128xi1>, vector<128x128xi32>
    %max3A_3314 = arith.maximumf %max3A_3299, %max3A_3304 : vector<128x128xf32>
    %select_n3A_3315 = arith.select %lt3A_3311, %select_n3A_3305, %select_n3A_3300 : vector<128x128xi1>, vector<128x128xi32>
    %lt3A_3316 = arith.cmpf olt, %min3A_1113, %max3A_1281 : vector<128x128xf32>
    %min3A_3317 = arith.minimumf %min3A_1113, %max3A_1281 : vector<128x128xf32>
    %select_n3A_3318 = arith.select %lt3A_3316, %select_n3A_1114, %select_n3A_1282 : vector<128x128xi1>, vector<128x128xi32>
    %lt3A_3319 = arith.cmpf olt, %min3A_1123, %max3A_1286 : vector<128x128xf32>
    %min3A_3320 = arith.minimumf %min3A_1123, %max3A_1286 : vector<128x128xf32>
    %select_n3A_3321 = arith.select %lt3A_3319, %select_n3A_1124, %select_n3A_1287 : vector<128x128xi1>, vector<128x128xi32>
    %lt3A_3322 = arith.cmpf olt, %max3A_1125, %min3A_1284 : vector<128x128xf32>
    %min3A_3323 = arith.minimumf %max3A_1125, %min3A_1284 : vector<128x128xf32>
    %select_n3A_3324 = arith.select %lt3A_3322, %select_n3A_1126, %select_n3A_1285 : vector<128x128xi1>, vector<128x128xi32>
    %lt3A_3325 = arith.cmpf olt, %max3A_1120, %min3A_1274 : vector<128x128xf32>
    %min3A_3326 = arith.minimumf %max3A_1120, %min3A_1274 : vector<128x128xf32>
    %select_n3A_3327 = arith.select %lt3A_3325, %select_n3A_1121, %select_n3A_1275 : vector<128x128xi1>, vector<128x128xi32>
    %lt3A_3328 = arith.cmpf olt, %min3A_3317, %min3A_3323 : vector<128x128xf32>
    %min3A_3329 = arith.minimumf %min3A_3317, %min3A_3323 : vector<128x128xf32>
    %select_n3A_3330 = arith.select %lt3A_3328, %select_n3A_3318, %select_n3A_3324 : vector<128x128xi1>, vector<128x128xi32>
    %max3A_3331 = arith.maximumf %min3A_3317, %min3A_3323 : vector<128x128xf32>
    %select_n3A_3332 = arith.select %lt3A_3328, %select_n3A_3324, %select_n3A_3318 : vector<128x128xi1>, vector<128x128xi32>
    %lt3A_3333 = arith.cmpf olt, %min3A_3320, %min3A_3326 : vector<128x128xf32>
    %min3A_3334 = arith.minimumf %min3A_3320, %min3A_3326 : vector<128x128xf32>
    %select_n3A_3335 = arith.select %lt3A_3333, %select_n3A_3321, %select_n3A_3327 : vector<128x128xi1>, vector<128x128xi32>
    %max3A_3336 = arith.maximumf %min3A_3320, %min3A_3326 : vector<128x128xf32>
    %select_n3A_3337 = arith.select %lt3A_3333, %select_n3A_3327, %select_n3A_3321 : vector<128x128xi1>, vector<128x128xi32>
    %lt3A_3338 = arith.cmpf olt, %min3A_3329, %min3A_3334 : vector<128x128xf32>
    %min3A_3339 = arith.minimumf %min3A_3329, %min3A_3334 : vector<128x128xf32>
    %select_n3A_3340 = arith.select %lt3A_3338, %select_n3A_3330, %select_n3A_3335 : vector<128x128xi1>, vector<128x128xi32>
    %max3A_3341 = arith.maximumf %min3A_3329, %min3A_3334 : vector<128x128xf32>
    %select_n3A_3342 = arith.select %lt3A_3338, %select_n3A_3335, %select_n3A_3330 : vector<128x128xi1>, vector<128x128xi32>
    %lt3A_3343 = arith.cmpf olt, %max3A_3331, %max3A_3336 : vector<128x128xf32>
    %min3A_3344 = arith.minimumf %max3A_3331, %max3A_3336 : vector<128x128xf32>
    %select_n3A_3345 = arith.select %lt3A_3343, %select_n3A_3332, %select_n3A_3337 : vector<128x128xi1>, vector<128x128xi32>
    %max3A_3346 = arith.maximumf %max3A_3331, %max3A_3336 : vector<128x128xf32>
    %select_n3A_3347 = arith.select %lt3A_3343, %select_n3A_3337, %select_n3A_3332 : vector<128x128xi1>, vector<128x128xi32>
    %lt3A_3348 = arith.cmpf olt, %min3A_1435, %max3A_1603 : vector<128x128xf32>
    %min3A_3349 = arith.minimumf %min3A_1435, %max3A_1603 : vector<128x128xf32>
    %select_n3A_3350 = arith.select %lt3A_3348, %select_n3A_1436, %select_n3A_1604 : vector<128x128xi1>, vector<128x128xi32>
    %lt3A_3351 = arith.cmpf olt, %min3A_1445, %max3A_1608 : vector<128x128xf32>
    %min3A_3352 = arith.minimumf %min3A_1445, %max3A_1608 : vector<128x128xf32>
    %select_n3A_3353 = arith.select %lt3A_3351, %select_n3A_1446, %select_n3A_1609 : vector<128x128xi1>, vector<128x128xi32>
    %lt3A_3354 = arith.cmpf olt, %max3A_1447, %min3A_1606 : vector<128x128xf32>
    %min3A_3355 = arith.minimumf %max3A_1447, %min3A_1606 : vector<128x128xf32>
    %select_n3A_3356 = arith.select %lt3A_3354, %select_n3A_1448, %select_n3A_1607 : vector<128x128xi1>, vector<128x128xi32>
    %lt3A_3357 = arith.cmpf olt, %max3A_1442, %min3A_1596 : vector<128x128xf32>
    %min3A_3358 = arith.minimumf %max3A_1442, %min3A_1596 : vector<128x128xf32>
    %select_n3A_3359 = arith.select %lt3A_3357, %select_n3A_1443, %select_n3A_1597 : vector<128x128xi1>, vector<128x128xi32>
    %lt3A_3360 = arith.cmpf olt, %min3A_3349, %min3A_3355 : vector<128x128xf32>
    %min3A_3361 = arith.minimumf %min3A_3349, %min3A_3355 : vector<128x128xf32>
    %select_n3A_3362 = arith.select %lt3A_3360, %select_n3A_3350, %select_n3A_3356 : vector<128x128xi1>, vector<128x128xi32>
    %max3A_3363 = arith.maximumf %min3A_3349, %min3A_3355 : vector<128x128xf32>
    %select_n3A_3364 = arith.select %lt3A_3360, %select_n3A_3356, %select_n3A_3350 : vector<128x128xi1>, vector<128x128xi32>
    %lt3A_3365 = arith.cmpf olt, %min3A_3352, %min3A_3358 : vector<128x128xf32>
    %min3A_3366 = arith.minimumf %min3A_3352, %min3A_3358 : vector<128x128xf32>
    %select_n3A_3367 = arith.select %lt3A_3365, %select_n3A_3353, %select_n3A_3359 : vector<128x128xi1>, vector<128x128xi32>
    %max3A_3368 = arith.maximumf %min3A_3352, %min3A_3358 : vector<128x128xf32>
    %select_n3A_3369 = arith.select %lt3A_3365, %select_n3A_3359, %select_n3A_3353 : vector<128x128xi1>, vector<128x128xi32>
    %lt3A_3370 = arith.cmpf olt, %min3A_3361, %min3A_3366 : vector<128x128xf32>
    %min3A_3371 = arith.minimumf %min3A_3361, %min3A_3366 : vector<128x128xf32>
    %select_n3A_3372 = arith.select %lt3A_3370, %select_n3A_3362, %select_n3A_3367 : vector<128x128xi1>, vector<128x128xi32>
    %max3A_3373 = arith.maximumf %min3A_3361, %min3A_3366 : vector<128x128xf32>
    %select_n3A_3374 = arith.select %lt3A_3370, %select_n3A_3367, %select_n3A_3362 : vector<128x128xi1>, vector<128x128xi32>
    %lt3A_3375 = arith.cmpf olt, %max3A_3363, %max3A_3368 : vector<128x128xf32>
    %min3A_3376 = arith.minimumf %max3A_3363, %max3A_3368 : vector<128x128xf32>
    %select_n3A_3377 = arith.select %lt3A_3375, %select_n3A_3364, %select_n3A_3369 : vector<128x128xi1>, vector<128x128xi32>
    %max3A_3378 = arith.maximumf %max3A_3363, %max3A_3368 : vector<128x128xf32>
    %select_n3A_3379 = arith.select %lt3A_3375, %select_n3A_3369, %select_n3A_3364 : vector<128x128xi1>, vector<128x128xi32>
    %lt3A_3380 = arith.cmpf olt, %min3A_1757, %max3A_1925 : vector<128x128xf32>
    %min3A_3381 = arith.minimumf %min3A_1757, %max3A_1925 : vector<128x128xf32>
    %select_n3A_3382 = arith.select %lt3A_3380, %select_n3A_1758, %select_n3A_1926 : vector<128x128xi1>, vector<128x128xi32>
    %lt3A_3383 = arith.cmpf olt, %min3A_1767, %max3A_1930 : vector<128x128xf32>
    %min3A_3384 = arith.minimumf %min3A_1767, %max3A_1930 : vector<128x128xf32>
    %select_n3A_3385 = arith.select %lt3A_3383, %select_n3A_1768, %select_n3A_1931 : vector<128x128xi1>, vector<128x128xi32>
    %lt3A_3386 = arith.cmpf olt, %max3A_1769, %min3A_1928 : vector<128x128xf32>
    %min3A_3387 = arith.minimumf %max3A_1769, %min3A_1928 : vector<128x128xf32>
    %select_n3A_3388 = arith.select %lt3A_3386, %select_n3A_1770, %select_n3A_1929 : vector<128x128xi1>, vector<128x128xi32>
    %lt3A_3389 = arith.cmpf olt, %max3A_1764, %min3A_1918 : vector<128x128xf32>
    %min3A_3390 = arith.minimumf %max3A_1764, %min3A_1918 : vector<128x128xf32>
    %select_n3A_3391 = arith.select %lt3A_3389, %select_n3A_1765, %select_n3A_1919 : vector<128x128xi1>, vector<128x128xi32>
    %lt3A_3392 = arith.cmpf olt, %min3A_3381, %min3A_3387 : vector<128x128xf32>
    %min3A_3393 = arith.minimumf %min3A_3381, %min3A_3387 : vector<128x128xf32>
    %select_n3A_3394 = arith.select %lt3A_3392, %select_n3A_3382, %select_n3A_3388 : vector<128x128xi1>, vector<128x128xi32>
    %max3A_3395 = arith.maximumf %min3A_3381, %min3A_3387 : vector<128x128xf32>
    %select_n3A_3396 = arith.select %lt3A_3392, %select_n3A_3388, %select_n3A_3382 : vector<128x128xi1>, vector<128x128xi32>
    %lt3A_3397 = arith.cmpf olt, %min3A_3384, %min3A_3390 : vector<128x128xf32>
    %min3A_3398 = arith.minimumf %min3A_3384, %min3A_3390 : vector<128x128xf32>
    %select_n3A_3399 = arith.select %lt3A_3397, %select_n3A_3385, %select_n3A_3391 : vector<128x128xi1>, vector<128x128xi32>
    %max3A_3400 = arith.maximumf %min3A_3384, %min3A_3390 : vector<128x128xf32>
    %select_n3A_3401 = arith.select %lt3A_3397, %select_n3A_3391, %select_n3A_3385 : vector<128x128xi1>, vector<128x128xi32>
    %lt3A_3402 = arith.cmpf olt, %min3A_3393, %min3A_3398 : vector<128x128xf32>
    %min3A_3403 = arith.minimumf %min3A_3393, %min3A_3398 : vector<128x128xf32>
    %select_n3A_3404 = arith.select %lt3A_3402, %select_n3A_3394, %select_n3A_3399 : vector<128x128xi1>, vector<128x128xi32>
    %max3A_3405 = arith.maximumf %min3A_3393, %min3A_3398 : vector<128x128xf32>
    %select_n3A_3406 = arith.select %lt3A_3402, %select_n3A_3399, %select_n3A_3394 : vector<128x128xi1>, vector<128x128xi32>
    %lt3A_3407 = arith.cmpf olt, %max3A_3395, %max3A_3400 : vector<128x128xf32>
    %min3A_3408 = arith.minimumf %max3A_3395, %max3A_3400 : vector<128x128xf32>
    %select_n3A_3409 = arith.select %lt3A_3407, %select_n3A_3396, %select_n3A_3401 : vector<128x128xi1>, vector<128x128xi32>
    %max3A_3410 = arith.maximumf %max3A_3395, %max3A_3400 : vector<128x128xf32>
    %select_n3A_3411 = arith.select %lt3A_3407, %select_n3A_3401, %select_n3A_3396 : vector<128x128xi1>, vector<128x128xi32>
    %lt3A_3412 = arith.cmpf olt, %min3A_2079, %max3A_2247 : vector<128x128xf32>
    %min3A_3413 = arith.minimumf %min3A_2079, %max3A_2247 : vector<128x128xf32>
    %select_n3A_3414 = arith.select %lt3A_3412, %select_n3A_2080, %select_n3A_2248 : vector<128x128xi1>, vector<128x128xi32>
    %lt3A_3415 = arith.cmpf olt, %min3A_2089, %max3A_2252 : vector<128x128xf32>
    %min3A_3416 = arith.minimumf %min3A_2089, %max3A_2252 : vector<128x128xf32>
    %select_n3A_3417 = arith.select %lt3A_3415, %select_n3A_2090, %select_n3A_2253 : vector<128x128xi1>, vector<128x128xi32>
    %lt3A_3418 = arith.cmpf olt, %max3A_2091, %min3A_2250 : vector<128x128xf32>
    %min3A_3419 = arith.minimumf %max3A_2091, %min3A_2250 : vector<128x128xf32>
    %select_n3A_3420 = arith.select %lt3A_3418, %select_n3A_2092, %select_n3A_2251 : vector<128x128xi1>, vector<128x128xi32>
    %lt3A_3421 = arith.cmpf olt, %max3A_2086, %min3A_2240 : vector<128x128xf32>
    %min3A_3422 = arith.minimumf %max3A_2086, %min3A_2240 : vector<128x128xf32>
    %select_n3A_3423 = arith.select %lt3A_3421, %select_n3A_2087, %select_n3A_2241 : vector<128x128xi1>, vector<128x128xi32>
    %lt3A_3424 = arith.cmpf olt, %min3A_3413, %min3A_3419 : vector<128x128xf32>
    %min3A_3425 = arith.minimumf %min3A_3413, %min3A_3419 : vector<128x128xf32>
    %select_n3A_3426 = arith.select %lt3A_3424, %select_n3A_3414, %select_n3A_3420 : vector<128x128xi1>, vector<128x128xi32>
    %max3A_3427 = arith.maximumf %min3A_3413, %min3A_3419 : vector<128x128xf32>
    %select_n3A_3428 = arith.select %lt3A_3424, %select_n3A_3420, %select_n3A_3414 : vector<128x128xi1>, vector<128x128xi32>
    %lt3A_3429 = arith.cmpf olt, %min3A_3416, %min3A_3422 : vector<128x128xf32>
    %min3A_3430 = arith.minimumf %min3A_3416, %min3A_3422 : vector<128x128xf32>
    %select_n3A_3431 = arith.select %lt3A_3429, %select_n3A_3417, %select_n3A_3423 : vector<128x128xi1>, vector<128x128xi32>
    %max3A_3432 = arith.maximumf %min3A_3416, %min3A_3422 : vector<128x128xf32>
    %select_n3A_3433 = arith.select %lt3A_3429, %select_n3A_3423, %select_n3A_3417 : vector<128x128xi1>, vector<128x128xi32>
    %lt3A_3434 = arith.cmpf olt, %min3A_3425, %min3A_3430 : vector<128x128xf32>
    %min3A_3435 = arith.minimumf %min3A_3425, %min3A_3430 : vector<128x128xf32>
    %select_n3A_3436 = arith.select %lt3A_3434, %select_n3A_3426, %select_n3A_3431 : vector<128x128xi1>, vector<128x128xi32>
    %max3A_3437 = arith.maximumf %min3A_3425, %min3A_3430 : vector<128x128xf32>
    %select_n3A_3438 = arith.select %lt3A_3434, %select_n3A_3431, %select_n3A_3426 : vector<128x128xi1>, vector<128x128xi32>
    %lt3A_3439 = arith.cmpf olt, %max3A_3427, %max3A_3432 : vector<128x128xf32>
    %min3A_3440 = arith.minimumf %max3A_3427, %max3A_3432 : vector<128x128xf32>
    %select_n3A_3441 = arith.select %lt3A_3439, %select_n3A_3428, %select_n3A_3433 : vector<128x128xi1>, vector<128x128xi32>
    %max3A_3442 = arith.maximumf %max3A_3427, %max3A_3432 : vector<128x128xf32>
    %select_n3A_3443 = arith.select %lt3A_3439, %select_n3A_3433, %select_n3A_3428 : vector<128x128xi1>, vector<128x128xi32>
    %lt3A_3444 = arith.cmpf olt, %min3A_2401, %max3A_2569 : vector<128x128xf32>
    %min3A_3445 = arith.minimumf %min3A_2401, %max3A_2569 : vector<128x128xf32>
    %select_n3A_3446 = arith.select %lt3A_3444, %select_n3A_2402, %select_n3A_2570 : vector<128x128xi1>, vector<128x128xi32>
    %lt3A_3447 = arith.cmpf olt, %min3A_2411, %max3A_2574 : vector<128x128xf32>
    %min3A_3448 = arith.minimumf %min3A_2411, %max3A_2574 : vector<128x128xf32>
    %select_n3A_3449 = arith.select %lt3A_3447, %select_n3A_2412, %select_n3A_2575 : vector<128x128xi1>, vector<128x128xi32>
    %lt3A_3450 = arith.cmpf olt, %max3A_2413, %min3A_2572 : vector<128x128xf32>
    %min3A_3451 = arith.minimumf %max3A_2413, %min3A_2572 : vector<128x128xf32>
    %select_n3A_3452 = arith.select %lt3A_3450, %select_n3A_2414, %select_n3A_2573 : vector<128x128xi1>, vector<128x128xi32>
    %lt3A_3453 = arith.cmpf olt, %max3A_2408, %min3A_2562 : vector<128x128xf32>
    %min3A_3454 = arith.minimumf %max3A_2408, %min3A_2562 : vector<128x128xf32>
    %select_n3A_3455 = arith.select %lt3A_3453, %select_n3A_2409, %select_n3A_2563 : vector<128x128xi1>, vector<128x128xi32>
    %lt3A_3456 = arith.cmpf olt, %min3A_3445, %min3A_3451 : vector<128x128xf32>
    %min3A_3457 = arith.minimumf %min3A_3445, %min3A_3451 : vector<128x128xf32>
    %select_n3A_3458 = arith.select %lt3A_3456, %select_n3A_3446, %select_n3A_3452 : vector<128x128xi1>, vector<128x128xi32>
    %max3A_3459 = arith.maximumf %min3A_3445, %min3A_3451 : vector<128x128xf32>
    %select_n3A_3460 = arith.select %lt3A_3456, %select_n3A_3452, %select_n3A_3446 : vector<128x128xi1>, vector<128x128xi32>
    %lt3A_3461 = arith.cmpf olt, %min3A_3448, %min3A_3454 : vector<128x128xf32>
    %min3A_3462 = arith.minimumf %min3A_3448, %min3A_3454 : vector<128x128xf32>
    %select_n3A_3463 = arith.select %lt3A_3461, %select_n3A_3449, %select_n3A_3455 : vector<128x128xi1>, vector<128x128xi32>
    %max3A_3464 = arith.maximumf %min3A_3448, %min3A_3454 : vector<128x128xf32>
    %select_n3A_3465 = arith.select %lt3A_3461, %select_n3A_3455, %select_n3A_3449 : vector<128x128xi1>, vector<128x128xi32>
    %lt3A_3466 = arith.cmpf olt, %min3A_3457, %min3A_3462 : vector<128x128xf32>
    %min3A_3467 = arith.minimumf %min3A_3457, %min3A_3462 : vector<128x128xf32>
    %select_n3A_3468 = arith.select %lt3A_3466, %select_n3A_3458, %select_n3A_3463 : vector<128x128xi1>, vector<128x128xi32>
    %max3A_3469 = arith.maximumf %min3A_3457, %min3A_3462 : vector<128x128xf32>
    %select_n3A_3470 = arith.select %lt3A_3466, %select_n3A_3463, %select_n3A_3458 : vector<128x128xi1>, vector<128x128xi32>
    %lt3A_3471 = arith.cmpf olt, %max3A_3459, %max3A_3464 : vector<128x128xf32>
    %min3A_3472 = arith.minimumf %max3A_3459, %max3A_3464 : vector<128x128xf32>
    %select_n3A_3473 = arith.select %lt3A_3471, %select_n3A_3460, %select_n3A_3465 : vector<128x128xi1>, vector<128x128xi32>
    %max3A_3474 = arith.maximumf %max3A_3459, %max3A_3464 : vector<128x128xf32>
    %select_n3A_3475 = arith.select %lt3A_3471, %select_n3A_3465, %select_n3A_3460 : vector<128x128xi1>, vector<128x128xi32>
    %lt3A_3476 = arith.cmpf olt, %min3A_2723, %max3A_2891 : vector<128x128xf32>
    %min3A_3477 = arith.minimumf %min3A_2723, %max3A_2891 : vector<128x128xf32>
    %select_n3A_3478 = arith.select %lt3A_3476, %select_n3A_2724, %select_n3A_2892 : vector<128x128xi1>, vector<128x128xi32>
    %lt3A_3479 = arith.cmpf olt, %min3A_2733, %max3A_2896 : vector<128x128xf32>
    %min3A_3480 = arith.minimumf %min3A_2733, %max3A_2896 : vector<128x128xf32>
    %select_n3A_3481 = arith.select %lt3A_3479, %select_n3A_2734, %select_n3A_2897 : vector<128x128xi1>, vector<128x128xi32>
    %lt3A_3482 = arith.cmpf olt, %max3A_2735, %min3A_2894 : vector<128x128xf32>
    %min3A_3483 = arith.minimumf %max3A_2735, %min3A_2894 : vector<128x128xf32>
    %select_n3A_3484 = arith.select %lt3A_3482, %select_n3A_2736, %select_n3A_2895 : vector<128x128xi1>, vector<128x128xi32>
    %lt3A_3485 = arith.cmpf olt, %max3A_2730, %min3A_2884 : vector<128x128xf32>
    %min3A_3486 = arith.minimumf %max3A_2730, %min3A_2884 : vector<128x128xf32>
    %select_n3A_3487 = arith.select %lt3A_3485, %select_n3A_2731, %select_n3A_2885 : vector<128x128xi1>, vector<128x128xi32>
    %lt3A_3488 = arith.cmpf olt, %min3A_3477, %min3A_3483 : vector<128x128xf32>
    %min3A_3489 = arith.minimumf %min3A_3477, %min3A_3483 : vector<128x128xf32>
    %select_n3A_3490 = arith.select %lt3A_3488, %select_n3A_3478, %select_n3A_3484 : vector<128x128xi1>, vector<128x128xi32>
    %max3A_3491 = arith.maximumf %min3A_3477, %min3A_3483 : vector<128x128xf32>
    %select_n3A_3492 = arith.select %lt3A_3488, %select_n3A_3484, %select_n3A_3478 : vector<128x128xi1>, vector<128x128xi32>
    %lt3A_3493 = arith.cmpf olt, %min3A_3480, %min3A_3486 : vector<128x128xf32>
    %min3A_3494 = arith.minimumf %min3A_3480, %min3A_3486 : vector<128x128xf32>
    %select_n3A_3495 = arith.select %lt3A_3493, %select_n3A_3481, %select_n3A_3487 : vector<128x128xi1>, vector<128x128xi32>
    %max3A_3496 = arith.maximumf %min3A_3480, %min3A_3486 : vector<128x128xf32>
    %select_n3A_3497 = arith.select %lt3A_3493, %select_n3A_3487, %select_n3A_3481 : vector<128x128xi1>, vector<128x128xi32>
    %lt3A_3498 = arith.cmpf olt, %min3A_3489, %min3A_3494 : vector<128x128xf32>
    %min3A_3499 = arith.minimumf %min3A_3489, %min3A_3494 : vector<128x128xf32>
    %select_n3A_3500 = arith.select %lt3A_3498, %select_n3A_3490, %select_n3A_3495 : vector<128x128xi1>, vector<128x128xi32>
    %max3A_3501 = arith.maximumf %min3A_3489, %min3A_3494 : vector<128x128xf32>
    %select_n3A_3502 = arith.select %lt3A_3498, %select_n3A_3495, %select_n3A_3490 : vector<128x128xi1>, vector<128x128xi32>
    %lt3A_3503 = arith.cmpf olt, %max3A_3491, %max3A_3496 : vector<128x128xf32>
    %min3A_3504 = arith.minimumf %max3A_3491, %max3A_3496 : vector<128x128xf32>
    %select_n3A_3505 = arith.select %lt3A_3503, %select_n3A_3492, %select_n3A_3497 : vector<128x128xi1>, vector<128x128xi32>
    %max3A_3506 = arith.maximumf %max3A_3491, %max3A_3496 : vector<128x128xf32>
    %select_n3A_3507 = arith.select %lt3A_3503, %select_n3A_3497, %select_n3A_3492 : vector<128x128xi1>, vector<128x128xi32>
    %lt3A_3508 = arith.cmpf olt, %min3A_3045, %max3A_3213 : vector<128x128xf32>
    %min3A_3509 = arith.minimumf %min3A_3045, %max3A_3213 : vector<128x128xf32>
    %select_n3A_3510 = arith.select %lt3A_3508, %select_n3A_3046, %select_n3A_3214 : vector<128x128xi1>, vector<128x128xi32>
    %lt3A_3511 = arith.cmpf olt, %min3A_3055, %max3A_3218 : vector<128x128xf32>
    %min3A_3512 = arith.minimumf %min3A_3055, %max3A_3218 : vector<128x128xf32>
    %select_n3A_3513 = arith.select %lt3A_3511, %select_n3A_3056, %select_n3A_3219 : vector<128x128xi1>, vector<128x128xi32>
    %lt3A_3514 = arith.cmpf olt, %max3A_3057, %min3A_3216 : vector<128x128xf32>
    %min3A_3515 = arith.minimumf %max3A_3057, %min3A_3216 : vector<128x128xf32>
    %select_n3A_3516 = arith.select %lt3A_3514, %select_n3A_3058, %select_n3A_3217 : vector<128x128xi1>, vector<128x128xi32>
    %lt3A_3517 = arith.cmpf olt, %max3A_3052, %min3A_3206 : vector<128x128xf32>
    %min3A_3518 = arith.minimumf %max3A_3052, %min3A_3206 : vector<128x128xf32>
    %select_n3A_3519 = arith.select %lt3A_3517, %select_n3A_3053, %select_n3A_3207 : vector<128x128xi1>, vector<128x128xi32>
    %lt3A_3520 = arith.cmpf olt, %min3A_3509, %min3A_3515 : vector<128x128xf32>
    %min3A_3521 = arith.minimumf %min3A_3509, %min3A_3515 : vector<128x128xf32>
    %select_n3A_3522 = arith.select %lt3A_3520, %select_n3A_3510, %select_n3A_3516 : vector<128x128xi1>, vector<128x128xi32>
    %max3A_3523 = arith.maximumf %min3A_3509, %min3A_3515 : vector<128x128xf32>
    %select_n3A_3524 = arith.select %lt3A_3520, %select_n3A_3516, %select_n3A_3510 : vector<128x128xi1>, vector<128x128xi32>
    %lt3A_3525 = arith.cmpf olt, %min3A_3512, %min3A_3518 : vector<128x128xf32>
    %min3A_3526 = arith.minimumf %min3A_3512, %min3A_3518 : vector<128x128xf32>
    %select_n3A_3527 = arith.select %lt3A_3525, %select_n3A_3513, %select_n3A_3519 : vector<128x128xi1>, vector<128x128xi32>
    %max3A_3528 = arith.maximumf %min3A_3512, %min3A_3518 : vector<128x128xf32>
    %select_n3A_3529 = arith.select %lt3A_3525, %select_n3A_3519, %select_n3A_3513 : vector<128x128xi1>, vector<128x128xi32>
    %lt3A_3530 = arith.cmpf olt, %min3A_3521, %min3A_3526 : vector<128x128xf32>
    %min3A_3531 = arith.minimumf %min3A_3521, %min3A_3526 : vector<128x128xf32>
    %select_n3A_3532 = arith.select %lt3A_3530, %select_n3A_3522, %select_n3A_3527 : vector<128x128xi1>, vector<128x128xi32>
    %max3A_3533 = arith.maximumf %min3A_3521, %min3A_3526 : vector<128x128xf32>
    %select_n3A_3534 = arith.select %lt3A_3530, %select_n3A_3527, %select_n3A_3522 : vector<128x128xi1>, vector<128x128xi32>
    %lt3A_3535 = arith.cmpf olt, %max3A_3523, %max3A_3528 : vector<128x128xf32>
    %min3A_3536 = arith.minimumf %max3A_3523, %max3A_3528 : vector<128x128xf32>
    %select_n3A_3537 = arith.select %lt3A_3535, %select_n3A_3524, %select_n3A_3529 : vector<128x128xi1>, vector<128x128xi32>
    %max3A_3538 = arith.maximumf %max3A_3523, %max3A_3528 : vector<128x128xf32>
    %select_n3A_3539 = arith.select %lt3A_3535, %select_n3A_3529, %select_n3A_3524 : vector<128x128xi1>, vector<128x128xi32>
    %lt3A_3540 = arith.cmpf olt, %min3A_3243, %max3A_3282 : vector<128x128xf32>
    %min3A_3541 = arith.minimumf %min3A_3243, %max3A_3282 : vector<128x128xf32>
    %select_n3A_3542 = arith.select %lt3A_3540, %select_n3A_3244, %select_n3A_3283 : vector<128x128xi1>, vector<128x128xi32>
    %lt3A_3543 = arith.cmpf olt, %max3A_3245, %min3A_3280 : vector<128x128xf32>
    %min3A_3544 = arith.minimumf %max3A_3245, %min3A_3280 : vector<128x128xf32>
    %select_n3A_3545 = arith.select %lt3A_3543, %select_n3A_3246, %select_n3A_3281 : vector<128x128xi1>, vector<128x128xi32>
    %lt3A_3546 = arith.cmpf olt, %min3A_3248, %max3A_3277 : vector<128x128xf32>
    %min3A_3547 = arith.minimumf %min3A_3248, %max3A_3277 : vector<128x128xf32>
    %select_n3A_3548 = arith.select %lt3A_3546, %select_n3A_3249, %select_n3A_3278 : vector<128x128xi1>, vector<128x128xi32>
    %lt3A_3549 = arith.cmpf olt, %max3A_3250, %min3A_3275 : vector<128x128xf32>
    %min3A_3550 = arith.minimumf %max3A_3250, %min3A_3275 : vector<128x128xf32>
    %select_n3A_3551 = arith.select %lt3A_3549, %select_n3A_3251, %select_n3A_3276 : vector<128x128xi1>, vector<128x128xi32>
    %lt3A_3552 = arith.cmpf olt, %min3A_3541, %min3A_3547 : vector<128x128xf32>
    %min3A_3553 = arith.minimumf %min3A_3541, %min3A_3547 : vector<128x128xf32>
    %select_n3A_3554 = arith.select %lt3A_3552, %select_n3A_3542, %select_n3A_3548 : vector<128x128xi1>, vector<128x128xi32>
    %max3A_3555 = arith.maximumf %min3A_3541, %min3A_3547 : vector<128x128xf32>
    %select_n3A_3556 = arith.select %lt3A_3552, %select_n3A_3548, %select_n3A_3542 : vector<128x128xi1>, vector<128x128xi32>
    %lt3A_3557 = arith.cmpf olt, %min3A_3544, %min3A_3550 : vector<128x128xf32>
    %min3A_3558 = arith.minimumf %min3A_3544, %min3A_3550 : vector<128x128xf32>
    %select_n3A_3559 = arith.select %lt3A_3557, %select_n3A_3545, %select_n3A_3551 : vector<128x128xi1>, vector<128x128xi32>
    %max3A_3560 = arith.maximumf %min3A_3544, %min3A_3550 : vector<128x128xf32>
    %select_n3A_3561 = arith.select %lt3A_3557, %select_n3A_3551, %select_n3A_3545 : vector<128x128xi1>, vector<128x128xi32>
    %lt3A_3562 = arith.cmpf olt, %min3A_3553, %min3A_3558 : vector<128x128xf32>
    %min3A_3563 = arith.minimumf %min3A_3553, %min3A_3558 : vector<128x128xf32>
    %select_n3A_3564 = arith.select %lt3A_3562, %select_n3A_3554, %select_n3A_3559 : vector<128x128xi1>, vector<128x128xi32>
    %max3A_3565 = arith.maximumf %min3A_3553, %min3A_3558 : vector<128x128xf32>
    %select_n3A_3566 = arith.select %lt3A_3562, %select_n3A_3559, %select_n3A_3554 : vector<128x128xi1>, vector<128x128xi32>
    %lt3A_3567 = arith.cmpf olt, %max3A_3555, %max3A_3560 : vector<128x128xf32>
    %min3A_3568 = arith.minimumf %max3A_3555, %max3A_3560 : vector<128x128xf32>
    %select_n3A_3569 = arith.select %lt3A_3567, %select_n3A_3556, %select_n3A_3561 : vector<128x128xi1>, vector<128x128xi32>
    %max3A_3570 = arith.maximumf %max3A_3555, %max3A_3560 : vector<128x128xf32>
    %select_n3A_3571 = arith.select %lt3A_3567, %select_n3A_3561, %select_n3A_3556 : vector<128x128xi1>, vector<128x128xi32>
    %lt3A_3572 = arith.cmpf olt, %min3A_3307, %max3A_3346 : vector<128x128xf32>
    %min3A_3573 = arith.minimumf %min3A_3307, %max3A_3346 : vector<128x128xf32>
    %select_n3A_3574 = arith.select %lt3A_3572, %select_n3A_3308, %select_n3A_3347 : vector<128x128xi1>, vector<128x128xi32>
    %lt3A_3575 = arith.cmpf olt, %max3A_3309, %min3A_3344 : vector<128x128xf32>
    %min3A_3576 = arith.minimumf %max3A_3309, %min3A_3344 : vector<128x128xf32>
    %select_n3A_3577 = arith.select %lt3A_3575, %select_n3A_3310, %select_n3A_3345 : vector<128x128xi1>, vector<128x128xi32>
    %lt3A_3578 = arith.cmpf olt, %min3A_3312, %max3A_3341 : vector<128x128xf32>
    %min3A_3579 = arith.minimumf %min3A_3312, %max3A_3341 : vector<128x128xf32>
    %select_n3A_3580 = arith.select %lt3A_3578, %select_n3A_3313, %select_n3A_3342 : vector<128x128xi1>, vector<128x128xi32>
    %lt3A_3581 = arith.cmpf olt, %max3A_3314, %min3A_3339 : vector<128x128xf32>
    %min3A_3582 = arith.minimumf %max3A_3314, %min3A_3339 : vector<128x128xf32>
    %select_n3A_3583 = arith.select %lt3A_3581, %select_n3A_3315, %select_n3A_3340 : vector<128x128xi1>, vector<128x128xi32>
    %lt3A_3584 = arith.cmpf olt, %min3A_3573, %min3A_3579 : vector<128x128xf32>
    %min3A_3585 = arith.minimumf %min3A_3573, %min3A_3579 : vector<128x128xf32>
    %select_n3A_3586 = arith.select %lt3A_3584, %select_n3A_3574, %select_n3A_3580 : vector<128x128xi1>, vector<128x128xi32>
    %max3A_3587 = arith.maximumf %min3A_3573, %min3A_3579 : vector<128x128xf32>
    %select_n3A_3588 = arith.select %lt3A_3584, %select_n3A_3580, %select_n3A_3574 : vector<128x128xi1>, vector<128x128xi32>
    %lt3A_3589 = arith.cmpf olt, %min3A_3576, %min3A_3582 : vector<128x128xf32>
    %min3A_3590 = arith.minimumf %min3A_3576, %min3A_3582 : vector<128x128xf32>
    %select_n3A_3591 = arith.select %lt3A_3589, %select_n3A_3577, %select_n3A_3583 : vector<128x128xi1>, vector<128x128xi32>
    %max3A_3592 = arith.maximumf %min3A_3576, %min3A_3582 : vector<128x128xf32>
    %select_n3A_3593 = arith.select %lt3A_3589, %select_n3A_3583, %select_n3A_3577 : vector<128x128xi1>, vector<128x128xi32>
    %lt3A_3594 = arith.cmpf olt, %min3A_3585, %min3A_3590 : vector<128x128xf32>
    %min3A_3595 = arith.minimumf %min3A_3585, %min3A_3590 : vector<128x128xf32>
    %select_n3A_3596 = arith.select %lt3A_3594, %select_n3A_3586, %select_n3A_3591 : vector<128x128xi1>, vector<128x128xi32>
    %max3A_3597 = arith.maximumf %min3A_3585, %min3A_3590 : vector<128x128xf32>
    %select_n3A_3598 = arith.select %lt3A_3594, %select_n3A_3591, %select_n3A_3586 : vector<128x128xi1>, vector<128x128xi32>
    %lt3A_3599 = arith.cmpf olt, %max3A_3587, %max3A_3592 : vector<128x128xf32>
    %min3A_3600 = arith.minimumf %max3A_3587, %max3A_3592 : vector<128x128xf32>
    %select_n3A_3601 = arith.select %lt3A_3599, %select_n3A_3588, %select_n3A_3593 : vector<128x128xi1>, vector<128x128xi32>
    %max3A_3602 = arith.maximumf %max3A_3587, %max3A_3592 : vector<128x128xf32>
    %select_n3A_3603 = arith.select %lt3A_3599, %select_n3A_3593, %select_n3A_3588 : vector<128x128xi1>, vector<128x128xi32>
    %lt3A_3604 = arith.cmpf olt, %min3A_3371, %max3A_3410 : vector<128x128xf32>
    %min3A_3605 = arith.minimumf %min3A_3371, %max3A_3410 : vector<128x128xf32>
    %select_n3A_3606 = arith.select %lt3A_3604, %select_n3A_3372, %select_n3A_3411 : vector<128x128xi1>, vector<128x128xi32>
    %lt3A_3607 = arith.cmpf olt, %max3A_3373, %min3A_3408 : vector<128x128xf32>
    %min3A_3608 = arith.minimumf %max3A_3373, %min3A_3408 : vector<128x128xf32>
    %select_n3A_3609 = arith.select %lt3A_3607, %select_n3A_3374, %select_n3A_3409 : vector<128x128xi1>, vector<128x128xi32>
    %lt3A_3610 = arith.cmpf olt, %min3A_3376, %max3A_3405 : vector<128x128xf32>
    %min3A_3611 = arith.minimumf %min3A_3376, %max3A_3405 : vector<128x128xf32>
    %select_n3A_3612 = arith.select %lt3A_3610, %select_n3A_3377, %select_n3A_3406 : vector<128x128xi1>, vector<128x128xi32>
    %lt3A_3613 = arith.cmpf olt, %max3A_3378, %min3A_3403 : vector<128x128xf32>
    %min3A_3614 = arith.minimumf %max3A_3378, %min3A_3403 : vector<128x128xf32>
    %select_n3A_3615 = arith.select %lt3A_3613, %select_n3A_3379, %select_n3A_3404 : vector<128x128xi1>, vector<128x128xi32>
    %lt3A_3616 = arith.cmpf olt, %min3A_3605, %min3A_3611 : vector<128x128xf32>
    %min3A_3617 = arith.minimumf %min3A_3605, %min3A_3611 : vector<128x128xf32>
    %select_n3A_3618 = arith.select %lt3A_3616, %select_n3A_3606, %select_n3A_3612 : vector<128x128xi1>, vector<128x128xi32>
    %max3A_3619 = arith.maximumf %min3A_3605, %min3A_3611 : vector<128x128xf32>
    %select_n3A_3620 = arith.select %lt3A_3616, %select_n3A_3612, %select_n3A_3606 : vector<128x128xi1>, vector<128x128xi32>
    %lt3A_3621 = arith.cmpf olt, %min3A_3608, %min3A_3614 : vector<128x128xf32>
    %min3A_3622 = arith.minimumf %min3A_3608, %min3A_3614 : vector<128x128xf32>
    %select_n3A_3623 = arith.select %lt3A_3621, %select_n3A_3609, %select_n3A_3615 : vector<128x128xi1>, vector<128x128xi32>
    %max3A_3624 = arith.maximumf %min3A_3608, %min3A_3614 : vector<128x128xf32>
    %select_n3A_3625 = arith.select %lt3A_3621, %select_n3A_3615, %select_n3A_3609 : vector<128x128xi1>, vector<128x128xi32>
    %lt3A_3626 = arith.cmpf olt, %min3A_3617, %min3A_3622 : vector<128x128xf32>
    %min3A_3627 = arith.minimumf %min3A_3617, %min3A_3622 : vector<128x128xf32>
    %select_n3A_3628 = arith.select %lt3A_3626, %select_n3A_3618, %select_n3A_3623 : vector<128x128xi1>, vector<128x128xi32>
    %max3A_3629 = arith.maximumf %min3A_3617, %min3A_3622 : vector<128x128xf32>
    %select_n3A_3630 = arith.select %lt3A_3626, %select_n3A_3623, %select_n3A_3618 : vector<128x128xi1>, vector<128x128xi32>
    %lt3A_3631 = arith.cmpf olt, %max3A_3619, %max3A_3624 : vector<128x128xf32>
    %min3A_3632 = arith.minimumf %max3A_3619, %max3A_3624 : vector<128x128xf32>
    %select_n3A_3633 = arith.select %lt3A_3631, %select_n3A_3620, %select_n3A_3625 : vector<128x128xi1>, vector<128x128xi32>
    %max3A_3634 = arith.maximumf %max3A_3619, %max3A_3624 : vector<128x128xf32>
    %select_n3A_3635 = arith.select %lt3A_3631, %select_n3A_3625, %select_n3A_3620 : vector<128x128xi1>, vector<128x128xi32>
    %lt3A_3636 = arith.cmpf olt, %min3A_3435, %max3A_3474 : vector<128x128xf32>
    %min3A_3637 = arith.minimumf %min3A_3435, %max3A_3474 : vector<128x128xf32>
    %select_n3A_3638 = arith.select %lt3A_3636, %select_n3A_3436, %select_n3A_3475 : vector<128x128xi1>, vector<128x128xi32>
    %lt3A_3639 = arith.cmpf olt, %max3A_3437, %min3A_3472 : vector<128x128xf32>
    %min3A_3640 = arith.minimumf %max3A_3437, %min3A_3472 : vector<128x128xf32>
    %select_n3A_3641 = arith.select %lt3A_3639, %select_n3A_3438, %select_n3A_3473 : vector<128x128xi1>, vector<128x128xi32>
    %lt3A_3642 = arith.cmpf olt, %min3A_3440, %max3A_3469 : vector<128x128xf32>
    %min3A_3643 = arith.minimumf %min3A_3440, %max3A_3469 : vector<128x128xf32>
    %select_n3A_3644 = arith.select %lt3A_3642, %select_n3A_3441, %select_n3A_3470 : vector<128x128xi1>, vector<128x128xi32>
    %lt3A_3645 = arith.cmpf olt, %max3A_3442, %min3A_3467 : vector<128x128xf32>
    %min3A_3646 = arith.minimumf %max3A_3442, %min3A_3467 : vector<128x128xf32>
    %select_n3A_3647 = arith.select %lt3A_3645, %select_n3A_3443, %select_n3A_3468 : vector<128x128xi1>, vector<128x128xi32>
    %lt3A_3648 = arith.cmpf olt, %min3A_3637, %min3A_3643 : vector<128x128xf32>
    %min3A_3649 = arith.minimumf %min3A_3637, %min3A_3643 : vector<128x128xf32>
    %select_n3A_3650 = arith.select %lt3A_3648, %select_n3A_3638, %select_n3A_3644 : vector<128x128xi1>, vector<128x128xi32>
    %max3A_3651 = arith.maximumf %min3A_3637, %min3A_3643 : vector<128x128xf32>
    %select_n3A_3652 = arith.select %lt3A_3648, %select_n3A_3644, %select_n3A_3638 : vector<128x128xi1>, vector<128x128xi32>
    %lt3A_3653 = arith.cmpf olt, %min3A_3640, %min3A_3646 : vector<128x128xf32>
    %min3A_3654 = arith.minimumf %min3A_3640, %min3A_3646 : vector<128x128xf32>
    %select_n3A_3655 = arith.select %lt3A_3653, %select_n3A_3641, %select_n3A_3647 : vector<128x128xi1>, vector<128x128xi32>
    %max3A_3656 = arith.maximumf %min3A_3640, %min3A_3646 : vector<128x128xf32>
    %select_n3A_3657 = arith.select %lt3A_3653, %select_n3A_3647, %select_n3A_3641 : vector<128x128xi1>, vector<128x128xi32>
    %lt3A_3658 = arith.cmpf olt, %min3A_3649, %min3A_3654 : vector<128x128xf32>
    %min3A_3659 = arith.minimumf %min3A_3649, %min3A_3654 : vector<128x128xf32>
    %select_n3A_3660 = arith.select %lt3A_3658, %select_n3A_3650, %select_n3A_3655 : vector<128x128xi1>, vector<128x128xi32>
    %max3A_3661 = arith.maximumf %min3A_3649, %min3A_3654 : vector<128x128xf32>
    %select_n3A_3662 = arith.select %lt3A_3658, %select_n3A_3655, %select_n3A_3650 : vector<128x128xi1>, vector<128x128xi32>
    %lt3A_3663 = arith.cmpf olt, %max3A_3651, %max3A_3656 : vector<128x128xf32>
    %min3A_3664 = arith.minimumf %max3A_3651, %max3A_3656 : vector<128x128xf32>
    %select_n3A_3665 = arith.select %lt3A_3663, %select_n3A_3652, %select_n3A_3657 : vector<128x128xi1>, vector<128x128xi32>
    %max3A_3666 = arith.maximumf %max3A_3651, %max3A_3656 : vector<128x128xf32>
    %select_n3A_3667 = arith.select %lt3A_3663, %select_n3A_3657, %select_n3A_3652 : vector<128x128xi1>, vector<128x128xi32>
    %lt3A_3668 = arith.cmpf olt, %min3A_3499, %max3A_3538 : vector<128x128xf32>
    %min3A_3669 = arith.minimumf %min3A_3499, %max3A_3538 : vector<128x128xf32>
    %select_n3A_3670 = arith.select %lt3A_3668, %select_n3A_3500, %select_n3A_3539 : vector<128x128xi1>, vector<128x128xi32>
    %lt3A_3671 = arith.cmpf olt, %max3A_3501, %min3A_3536 : vector<128x128xf32>
    %min3A_3672 = arith.minimumf %max3A_3501, %min3A_3536 : vector<128x128xf32>
    %select_n3A_3673 = arith.select %lt3A_3671, %select_n3A_3502, %select_n3A_3537 : vector<128x128xi1>, vector<128x128xi32>
    %lt3A_3674 = arith.cmpf olt, %min3A_3504, %max3A_3533 : vector<128x128xf32>
    %min3A_3675 = arith.minimumf %min3A_3504, %max3A_3533 : vector<128x128xf32>
    %select_n3A_3676 = arith.select %lt3A_3674, %select_n3A_3505, %select_n3A_3534 : vector<128x128xi1>, vector<128x128xi32>
    %lt3A_3677 = arith.cmpf olt, %max3A_3506, %min3A_3531 : vector<128x128xf32>
    %min3A_3678 = arith.minimumf %max3A_3506, %min3A_3531 : vector<128x128xf32>
    %select_n3A_3679 = arith.select %lt3A_3677, %select_n3A_3507, %select_n3A_3532 : vector<128x128xi1>, vector<128x128xi32>
    %lt3A_3680 = arith.cmpf olt, %min3A_3669, %min3A_3675 : vector<128x128xf32>
    %min3A_3681 = arith.minimumf %min3A_3669, %min3A_3675 : vector<128x128xf32>
    %select_n3A_3682 = arith.select %lt3A_3680, %select_n3A_3670, %select_n3A_3676 : vector<128x128xi1>, vector<128x128xi32>
    %max3A_3683 = arith.maximumf %min3A_3669, %min3A_3675 : vector<128x128xf32>
    %select_n3A_3684 = arith.select %lt3A_3680, %select_n3A_3676, %select_n3A_3670 : vector<128x128xi1>, vector<128x128xi32>
    %lt3A_3685 = arith.cmpf olt, %min3A_3672, %min3A_3678 : vector<128x128xf32>
    %min3A_3686 = arith.minimumf %min3A_3672, %min3A_3678 : vector<128x128xf32>
    %select_n3A_3687 = arith.select %lt3A_3685, %select_n3A_3673, %select_n3A_3679 : vector<128x128xi1>, vector<128x128xi32>
    %max3A_3688 = arith.maximumf %min3A_3672, %min3A_3678 : vector<128x128xf32>
    %select_n3A_3689 = arith.select %lt3A_3685, %select_n3A_3679, %select_n3A_3673 : vector<128x128xi1>, vector<128x128xi32>
    %lt3A_3690 = arith.cmpf olt, %min3A_3681, %min3A_3686 : vector<128x128xf32>
    %min3A_3691 = arith.minimumf %min3A_3681, %min3A_3686 : vector<128x128xf32>
    %select_n3A_3692 = arith.select %lt3A_3690, %select_n3A_3682, %select_n3A_3687 : vector<128x128xi1>, vector<128x128xi32>
    %max3A_3693 = arith.maximumf %min3A_3681, %min3A_3686 : vector<128x128xf32>
    %select_n3A_3694 = arith.select %lt3A_3690, %select_n3A_3687, %select_n3A_3682 : vector<128x128xi1>, vector<128x128xi32>
    %lt3A_3695 = arith.cmpf olt, %max3A_3683, %max3A_3688 : vector<128x128xf32>
    %min3A_3696 = arith.minimumf %max3A_3683, %max3A_3688 : vector<128x128xf32>
    %select_n3A_3697 = arith.select %lt3A_3695, %select_n3A_3684, %select_n3A_3689 : vector<128x128xi1>, vector<128x128xi32>
    %max3A_3698 = arith.maximumf %max3A_3683, %max3A_3688 : vector<128x128xf32>
    %select_n3A_3699 = arith.select %lt3A_3695, %select_n3A_3689, %select_n3A_3684 : vector<128x128xi1>, vector<128x128xi32>
    %lt3A_3700 = arith.cmpf olt, %min3A_3563, %max3A_3602 : vector<128x128xf32>
    %min3A_3701 = arith.minimumf %min3A_3563, %max3A_3602 : vector<128x128xf32>
    %select_n3A_3702 = arith.select %lt3A_3700, %select_n3A_3564, %select_n3A_3603 : vector<128x128xi1>, vector<128x128xi32>
    %lt3A_3703 = arith.cmpf olt, %max3A_3565, %min3A_3600 : vector<128x128xf32>
    %min3A_3704 = arith.minimumf %max3A_3565, %min3A_3600 : vector<128x128xf32>
    %select_n3A_3705 = arith.select %lt3A_3703, %select_n3A_3566, %select_n3A_3601 : vector<128x128xi1>, vector<128x128xi32>
    %lt3A_3706 = arith.cmpf olt, %min3A_3568, %max3A_3597 : vector<128x128xf32>
    %min3A_3707 = arith.minimumf %min3A_3568, %max3A_3597 : vector<128x128xf32>
    %select_n3A_3708 = arith.select %lt3A_3706, %select_n3A_3569, %select_n3A_3598 : vector<128x128xi1>, vector<128x128xi32>
    %lt3A_3709 = arith.cmpf olt, %max3A_3570, %min3A_3595 : vector<128x128xf32>
    %min3A_3710 = arith.minimumf %max3A_3570, %min3A_3595 : vector<128x128xf32>
    %select_n3A_3711 = arith.select %lt3A_3709, %select_n3A_3571, %select_n3A_3596 : vector<128x128xi1>, vector<128x128xi32>
    %lt3A_3712 = arith.cmpf olt, %min3A_3701, %min3A_3707 : vector<128x128xf32>
    %min3A_3713 = arith.minimumf %min3A_3701, %min3A_3707 : vector<128x128xf32>
    %select_n3A_3714 = arith.select %lt3A_3712, %select_n3A_3702, %select_n3A_3708 : vector<128x128xi1>, vector<128x128xi32>
    %max3A_3715 = arith.maximumf %min3A_3701, %min3A_3707 : vector<128x128xf32>
    %select_n3A_3716 = arith.select %lt3A_3712, %select_n3A_3708, %select_n3A_3702 : vector<128x128xi1>, vector<128x128xi32>
    %lt3A_3717 = arith.cmpf olt, %min3A_3704, %min3A_3710 : vector<128x128xf32>
    %min3A_3718 = arith.minimumf %min3A_3704, %min3A_3710 : vector<128x128xf32>
    %select_n3A_3719 = arith.select %lt3A_3717, %select_n3A_3705, %select_n3A_3711 : vector<128x128xi1>, vector<128x128xi32>
    %max3A_3720 = arith.maximumf %min3A_3704, %min3A_3710 : vector<128x128xf32>
    %select_n3A_3721 = arith.select %lt3A_3717, %select_n3A_3711, %select_n3A_3705 : vector<128x128xi1>, vector<128x128xi32>
    %lt3A_3722 = arith.cmpf olt, %min3A_3713, %min3A_3718 : vector<128x128xf32>
    %min3A_3723 = arith.minimumf %min3A_3713, %min3A_3718 : vector<128x128xf32>
    %select_n3A_3724 = arith.select %lt3A_3722, %select_n3A_3714, %select_n3A_3719 : vector<128x128xi1>, vector<128x128xi32>
    %max3A_3725 = arith.maximumf %min3A_3713, %min3A_3718 : vector<128x128xf32>
    %select_n3A_3726 = arith.select %lt3A_3722, %select_n3A_3719, %select_n3A_3714 : vector<128x128xi1>, vector<128x128xi32>
    %lt3A_3727 = arith.cmpf olt, %max3A_3715, %max3A_3720 : vector<128x128xf32>
    %min3A_3728 = arith.minimumf %max3A_3715, %max3A_3720 : vector<128x128xf32>
    %select_n3A_3729 = arith.select %lt3A_3727, %select_n3A_3716, %select_n3A_3721 : vector<128x128xi1>, vector<128x128xi32>
    %max3A_3730 = arith.maximumf %max3A_3715, %max3A_3720 : vector<128x128xf32>
    %select_n3A_3731 = arith.select %lt3A_3727, %select_n3A_3721, %select_n3A_3716 : vector<128x128xi1>, vector<128x128xi32>
    %lt3A_3732 = arith.cmpf olt, %min3A_3627, %max3A_3666 : vector<128x128xf32>
    %min3A_3733 = arith.minimumf %min3A_3627, %max3A_3666 : vector<128x128xf32>
    %select_n3A_3734 = arith.select %lt3A_3732, %select_n3A_3628, %select_n3A_3667 : vector<128x128xi1>, vector<128x128xi32>
    %lt3A_3735 = arith.cmpf olt, %max3A_3629, %min3A_3664 : vector<128x128xf32>
    %min3A_3736 = arith.minimumf %max3A_3629, %min3A_3664 : vector<128x128xf32>
    %select_n3A_3737 = arith.select %lt3A_3735, %select_n3A_3630, %select_n3A_3665 : vector<128x128xi1>, vector<128x128xi32>
    %lt3A_3738 = arith.cmpf olt, %min3A_3632, %max3A_3661 : vector<128x128xf32>
    %min3A_3739 = arith.minimumf %min3A_3632, %max3A_3661 : vector<128x128xf32>
    %select_n3A_3740 = arith.select %lt3A_3738, %select_n3A_3633, %select_n3A_3662 : vector<128x128xi1>, vector<128x128xi32>
    %lt3A_3741 = arith.cmpf olt, %max3A_3634, %min3A_3659 : vector<128x128xf32>
    %min3A_3742 = arith.minimumf %max3A_3634, %min3A_3659 : vector<128x128xf32>
    %select_n3A_3743 = arith.select %lt3A_3741, %select_n3A_3635, %select_n3A_3660 : vector<128x128xi1>, vector<128x128xi32>
    %lt3A_3744 = arith.cmpf olt, %min3A_3733, %min3A_3739 : vector<128x128xf32>
    %min3A_3745 = arith.minimumf %min3A_3733, %min3A_3739 : vector<128x128xf32>
    %select_n3A_3746 = arith.select %lt3A_3744, %select_n3A_3734, %select_n3A_3740 : vector<128x128xi1>, vector<128x128xi32>
    %max3A_3747 = arith.maximumf %min3A_3733, %min3A_3739 : vector<128x128xf32>
    %select_n3A_3748 = arith.select %lt3A_3744, %select_n3A_3740, %select_n3A_3734 : vector<128x128xi1>, vector<128x128xi32>
    %lt3A_3749 = arith.cmpf olt, %min3A_3736, %min3A_3742 : vector<128x128xf32>
    %min3A_3750 = arith.minimumf %min3A_3736, %min3A_3742 : vector<128x128xf32>
    %select_n3A_3751 = arith.select %lt3A_3749, %select_n3A_3737, %select_n3A_3743 : vector<128x128xi1>, vector<128x128xi32>
    %max3A_3752 = arith.maximumf %min3A_3736, %min3A_3742 : vector<128x128xf32>
    %select_n3A_3753 = arith.select %lt3A_3749, %select_n3A_3743, %select_n3A_3737 : vector<128x128xi1>, vector<128x128xi32>
    %lt3A_3754 = arith.cmpf olt, %min3A_3745, %min3A_3750 : vector<128x128xf32>
    %min3A_3755 = arith.minimumf %min3A_3745, %min3A_3750 : vector<128x128xf32>
    %select_n3A_3756 = arith.select %lt3A_3754, %select_n3A_3746, %select_n3A_3751 : vector<128x128xi1>, vector<128x128xi32>
    %max3A_3757 = arith.maximumf %min3A_3745, %min3A_3750 : vector<128x128xf32>
    %select_n3A_3758 = arith.select %lt3A_3754, %select_n3A_3751, %select_n3A_3746 : vector<128x128xi1>, vector<128x128xi32>
    %lt3A_3759 = arith.cmpf olt, %max3A_3747, %max3A_3752 : vector<128x128xf32>
    %min3A_3760 = arith.minimumf %max3A_3747, %max3A_3752 : vector<128x128xf32>
    %select_n3A_3761 = arith.select %lt3A_3759, %select_n3A_3748, %select_n3A_3753 : vector<128x128xi1>, vector<128x128xi32>
    %max3A_3762 = arith.maximumf %max3A_3747, %max3A_3752 : vector<128x128xf32>
    %select_n3A_3763 = arith.select %lt3A_3759, %select_n3A_3753, %select_n3A_3748 : vector<128x128xi1>, vector<128x128xi32>
    %lt3A_3764 = arith.cmpf olt, %min3A_3723, %max3A_3762 : vector<128x128xf32>
    %min3A_3765 = arith.minimumf %min3A_3723, %max3A_3762 : vector<128x128xf32>
    %select_n3A_3766 = arith.select %lt3A_3764, %select_n3A_3724, %select_n3A_3763 : vector<128x128xi1>, vector<128x128xi32>
    %lt3A_3767 = arith.cmpf olt, %max3A_3725, %min3A_3760 : vector<128x128xf32>
    %min3A_3768 = arith.minimumf %max3A_3725, %min3A_3760 : vector<128x128xf32>
    %select_n3A_3769 = arith.select %lt3A_3767, %select_n3A_3726, %select_n3A_3761 : vector<128x128xi1>, vector<128x128xi32>
    %lt3A_3770 = arith.cmpf olt, %min3A_3728, %max3A_3757 : vector<128x128xf32>
    %min3A_3771 = arith.minimumf %min3A_3728, %max3A_3757 : vector<128x128xf32>
    %select_n3A_3772 = arith.select %lt3A_3770, %select_n3A_3729, %select_n3A_3758 : vector<128x128xi1>, vector<128x128xi32>
    %lt3A_3773 = arith.cmpf olt, %max3A_3730, %min3A_3755 : vector<128x128xf32>
    %min3A_3774 = arith.minimumf %max3A_3730, %min3A_3755 : vector<128x128xf32>
    %select_n3A_3775 = arith.select %lt3A_3773, %select_n3A_3731, %select_n3A_3756 : vector<128x128xi1>, vector<128x128xi32>
    %lt3A_3776 = arith.cmpf olt, %min3A_3765, %min3A_3771 : vector<128x128xf32>
    %min3A_3777 = arith.minimumf %min3A_3765, %min3A_3771 : vector<128x128xf32>
    %select_n3A_3778 = arith.select %lt3A_3776, %select_n3A_3766, %select_n3A_3772 : vector<128x128xi1>, vector<128x128xi32>
    %max3A_3779 = arith.maximumf %min3A_3765, %min3A_3771 : vector<128x128xf32>
    %select_n3A_3780 = arith.select %lt3A_3776, %select_n3A_3772, %select_n3A_3766 : vector<128x128xi1>, vector<128x128xi32>
    %lt3A_3781 = arith.cmpf olt, %min3A_3768, %min3A_3774 : vector<128x128xf32>
    %min3A_3782 = arith.minimumf %min3A_3768, %min3A_3774 : vector<128x128xf32>
    %select_n3A_3783 = arith.select %lt3A_3781, %select_n3A_3769, %select_n3A_3775 : vector<128x128xi1>, vector<128x128xi32>
    %max3A_3784 = arith.maximumf %min3A_3768, %min3A_3774 : vector<128x128xf32>
    %select_n3A_3785 = arith.select %lt3A_3781, %select_n3A_3775, %select_n3A_3769 : vector<128x128xi1>, vector<128x128xi32>
    %lt3A_3786 = arith.cmpf olt, %min3A_3777, %min3A_3782 : vector<128x128xf32>
    %min3A_3787 = arith.minimumf %min3A_3777, %min3A_3782 : vector<128x128xf32>
    %select_n3A_3788 = arith.select %lt3A_3786, %select_n3A_3778, %select_n3A_3783 : vector<128x128xi1>, vector<128x128xi32>
    %max3A_3789 = arith.maximumf %min3A_3777, %min3A_3782 : vector<128x128xf32>
    %select_n3A_3790 = arith.select %lt3A_3786, %select_n3A_3783, %select_n3A_3778 : vector<128x128xi1>, vector<128x128xi32>
    %lt3A_3791 = arith.cmpf olt, %max3A_3779, %max3A_3784 : vector<128x128xf32>
    %min3A_3792 = arith.minimumf %max3A_3779, %max3A_3784 : vector<128x128xf32>
    %select_n3A_3793 = arith.select %lt3A_3791, %select_n3A_3780, %select_n3A_3785 : vector<128x128xi1>, vector<128x128xi32>
    %max3A_3794 = arith.maximumf %max3A_3779, %max3A_3784 : vector<128x128xf32>
    %select_n3A_3795 = arith.select %lt3A_3791, %select_n3A_3785, %select_n3A_3780 : vector<128x128xi1>, vector<128x128xi32>
    %lt3A_3796 = arith.cmpf olt, %min3A_3787, %max3A_3698 : vector<128x128xf32>
    %min3A_3797 = arith.minimumf %min3A_3787, %max3A_3698 : vector<128x128xf32>
    %select_n3A_3798 = arith.select %lt3A_3796, %select_n3A_3788, %select_n3A_3699 : vector<128x128xi1>, vector<128x128xi32>
    %lt3A_3799 = arith.cmpf olt, %max3A_3789, %min3A_3696 : vector<128x128xf32>
    %min3A_3800 = arith.minimumf %max3A_3789, %min3A_3696 : vector<128x128xf32>
    %select_n3A_3801 = arith.select %lt3A_3799, %select_n3A_3790, %select_n3A_3697 : vector<128x128xi1>, vector<128x128xi32>
    %lt3A_3802 = arith.cmpf olt, %min3A_3792, %max3A_3693 : vector<128x128xf32>
    %min3A_3803 = arith.minimumf %min3A_3792, %max3A_3693 : vector<128x128xf32>
    %select_n3A_3804 = arith.select %lt3A_3802, %select_n3A_3793, %select_n3A_3694 : vector<128x128xi1>, vector<128x128xi32>
    %lt3A_3805 = arith.cmpf olt, %max3A_3794, %min3A_3691 : vector<128x128xf32>
    %min3A_3806 = arith.minimumf %max3A_3794, %min3A_3691 : vector<128x128xf32>
    %select_n3A_3807 = arith.select %lt3A_3805, %select_n3A_3795, %select_n3A_3692 : vector<128x128xi1>, vector<128x128xi32>
    %lt3A_3808 = arith.cmpf olt, %min3A_3797, %min3A_3803 : vector<128x128xf32>
    %min3A_3809 = arith.minimumf %min3A_3797, %min3A_3803 : vector<128x128xf32>
    %select_n3A_3810 = arith.select %lt3A_3808, %select_n3A_3798, %select_n3A_3804 : vector<128x128xi1>, vector<128x128xi32>
    %max3A_3811 = arith.maximumf %min3A_3797, %min3A_3803 : vector<128x128xf32>
    %select_n3A_3812 = arith.select %lt3A_3808, %select_n3A_3804, %select_n3A_3798 : vector<128x128xi1>, vector<128x128xi32>
    %lt3A_3813 = arith.cmpf olt, %min3A_3800, %min3A_3806 : vector<128x128xf32>
    %min3A_3814 = arith.minimumf %min3A_3800, %min3A_3806 : vector<128x128xf32>
    %select_n3A_3815 = arith.select %lt3A_3813, %select_n3A_3801, %select_n3A_3807 : vector<128x128xi1>, vector<128x128xi32>
    %max3A_3816 = arith.maximumf %min3A_3800, %min3A_3806 : vector<128x128xf32>
    %select_n3A_3817 = arith.select %lt3A_3813, %select_n3A_3807, %select_n3A_3801 : vector<128x128xi1>, vector<128x128xi32>
    %lt3A_3818 = arith.cmpf olt, %min3A_3809, %min3A_3814 : vector<128x128xf32>
    %min3A_3819 = arith.minimumf %min3A_3809, %min3A_3814 : vector<128x128xf32>
    %select_n3A_3820 = arith.select %lt3A_3818, %select_n3A_3810, %select_n3A_3815 : vector<128x128xi1>, vector<128x128xi32>
    %max3A_3821 = arith.maximumf %min3A_3809, %min3A_3814 : vector<128x128xf32>
    %select_n3A_3822 = arith.select %lt3A_3818, %select_n3A_3815, %select_n3A_3810 : vector<128x128xi1>, vector<128x128xi32>
    %lt3A_3823 = arith.cmpf olt, %max3A_3811, %max3A_3816 : vector<128x128xf32>
    %min3A_3824 = arith.minimumf %max3A_3811, %max3A_3816 : vector<128x128xf32>
    %select_n3A_3825 = arith.select %lt3A_3823, %select_n3A_3812, %select_n3A_3817 : vector<128x128xi1>, vector<128x128xi32>
    %max3A_3826 = arith.maximumf %max3A_3811, %max3A_3816 : vector<128x128xf32>
    %select_n3A_3827 = arith.select %lt3A_3823, %select_n3A_3817, %select_n3A_3812 : vector<128x128xi1>, vector<128x128xi32>
    %mul3A_3828 = arith.constant 128 : i32
    %mul3A_3829 = vector.broadcast %mul3A_3828 : i32 to vector<128x128xi32>
    %mul3A_3830 = arith.muli %select_n3A_3820, %mul3A_3829 : vector<128x128xi32>
    %add3A_3831 = arith.addi %mul3A_3830, %iota3A : vector<128x128xi32>
    %mul3A_3832 = arith.constant 128 : i32
    %mul3A_3833 = vector.broadcast %mul3A_3832 : i32 to vector<128x128xi32>
    %mul3A_3834 = arith.muli %select_n3A_3822, %mul3A_3833 : vector<128x128xi32>
    %add3A_3835 = arith.addi %mul3A_3834, %iota3A : vector<128x128xi32>
    %mul3A_3836 = arith.constant 128 : i32
    %mul3A_3837 = vector.broadcast %mul3A_3836 : i32 to vector<128x128xi32>
    %mul3A_3838 = arith.muli %select_n3A_3825, %mul3A_3837 : vector<128x128xi32>
    %add3A_3839 = arith.addi %mul3A_3838, %iota3A : vector<128x128xi32>
    %mul3A_3840 = arith.constant 128 : i32
    %mul3A_3841 = vector.broadcast %mul3A_3840 : i32 to vector<128x128xi32>
    %mul3A_3842 = arith.muli %select_n3A_3827, %mul3A_3841 : vector<128x128xi32>
    %add3A_3843 = arith.addi %mul3A_3842, %iota3A : vector<128x128xi32>
    %broadcast_in_dim3A_3844 = arith.constant 0.000000e+00 : f32
    %broadcast_in_dim3A_3845 = vector.broadcast %broadcast_in_dim3A_3844 : f32 to vector<128x16xf32>
    %broadcast_in_dim3A_3846 = arith.constant 0 : i32
    %broadcast_in_dim3A_3847 = vector.broadcast %broadcast_in_dim3A_3846 : i32 to vector<128x16xi32>
    %scan3A = arith.constant 0 : i32
    %scan3A_3848 = arith.constant 16 : i32
    %scan3A_3849 = arith.addi %scan3A, %scan3A_3848 : i32
    %scan3A_3850 = arith.constant 1 : i32
    %scan3A_3851:6 = scf.for %scan3A_3895 = %scan3A to %scan3A_3849 step %scan3A_3850 iter_args(%scan3A_3896 = %min3A_3819, %scan3A_3897 = %max3A_3821, %scan3A_3898 = %min3A_3824, %scan3A_3899 = %max3A_3826, %scan3A_3900 = %broadcast_in_dim3A_3845, %scan3A_3901 = %broadcast_in_dim3A_3847) -> (vector<128x128xf32>, vector<128x128xf32>, vector<128x128xf32>, vector<128x128xf32>, vector<128x16xf32>, vector<128x16xi32>)  : i32 {
      %min3A_3902 = arith.minimumf %scan3A_3896, %scan3A_3897 : vector<128x128xf32>
      %min3A_3903 = arith.minimumf %scan3A_3898, %scan3A_3899 : vector<128x128xf32>
      %min3A_3904 = arith.minimumf %min3A_3902, %min3A_3903 : vector<128x128xf32>
      %reduce_min3A = arith.constant dense<0x7F800000> : vector<128xf32>
      %reduce_min3A_3905 = vector.multi_reduction <minimumf>, %min3A_3904, %reduce_min3A [1] : vector<128x128xf32> to vector<128xf32>
      %broadcast_in_dim3A_3906 = vector.shape_cast %reduce_min3A_3905 : vector<128xf32> to vector<128x1xf32>
      %eq3A_3907 = vector.broadcast %broadcast_in_dim3A_3906 : vector<128x1xf32> to vector<128x128xf32>
      %eq3A_3908 = arith.cmpf oeq, %scan3A_3896, %eq3A_3907 : vector<128x128xf32>
      %jit3A_3909 = arith.constant 1073741824 : i32
      %broadcast_in_dim3A_3910 = vector.broadcast %jit3A_3909 : i32 to vector<128x128xi32>
      %select_n3A_3911 = arith.select %eq3A_3908, %add3A_3831, %broadcast_in_dim3A_3910 : vector<128x128xi1>, vector<128x128xi32>
      %eq3A_3912 = vector.broadcast %broadcast_in_dim3A_3906 : vector<128x1xf32> to vector<128x128xf32>
      %eq3A_3913 = arith.cmpf oeq, %scan3A_3897, %eq3A_3912 : vector<128x128xf32>
      %jit3A_3914 = arith.constant 1073741824 : i32
      %broadcast_in_dim3A_3915 = vector.broadcast %jit3A_3914 : i32 to vector<128x128xi32>
      %select_n3A_3916 = arith.select %eq3A_3913, %add3A_3835, %broadcast_in_dim3A_3915 : vector<128x128xi1>, vector<128x128xi32>
      %min3A_3917 = arith.minsi %select_n3A_3911, %select_n3A_3916 : vector<128x128xi32>
      %eq3A_3918 = vector.broadcast %broadcast_in_dim3A_3906 : vector<128x1xf32> to vector<128x128xf32>
      %eq3A_3919 = arith.cmpf oeq, %scan3A_3898, %eq3A_3918 : vector<128x128xf32>
      %jit3A_3920 = arith.constant 1073741824 : i32
      %broadcast_in_dim3A_3921 = vector.broadcast %jit3A_3920 : i32 to vector<128x128xi32>
      %select_n3A_3922 = arith.select %eq3A_3919, %add3A_3839, %broadcast_in_dim3A_3921 : vector<128x128xi1>, vector<128x128xi32>
      %eq3A_3923 = vector.broadcast %broadcast_in_dim3A_3906 : vector<128x1xf32> to vector<128x128xf32>
      %eq3A_3924 = arith.cmpf oeq, %scan3A_3899, %eq3A_3923 : vector<128x128xf32>
      %jit3A_3925 = arith.constant 1073741824 : i32
      %broadcast_in_dim3A_3926 = vector.broadcast %jit3A_3925 : i32 to vector<128x128xi32>
      %select_n3A_3927 = arith.select %eq3A_3924, %add3A_3843, %broadcast_in_dim3A_3926 : vector<128x128xi1>, vector<128x128xi32>
      %min3A_3928 = arith.minsi %select_n3A_3922, %select_n3A_3927 : vector<128x128xi32>
      %min3A_3929 = arith.minsi %min3A_3917, %min3A_3928 : vector<128x128xi32>
      %reduce_min3A_3930 = arith.constant dense<2147483647> : vector<128xi32>
      %reduce_min3A_3931 = vector.multi_reduction <minsi>, %min3A_3929, %reduce_min3A_3930 [1] : vector<128x128xi32> to vector<128xi32>
      %broadcast_in_dim3A_3932 = vector.shape_cast %reduce_min3A_3931 : vector<128xi32> to vector<128x1xi32>
      %eq3A_3933 = vector.broadcast %broadcast_in_dim3A_3906 : vector<128x1xf32> to vector<128x128xf32>
      %eq3A_3934 = arith.cmpf oeq, %scan3A_3896, %eq3A_3933 : vector<128x128xf32>
      %eq3A_3935 = vector.broadcast %broadcast_in_dim3A_3932 : vector<128x1xi32> to vector<128x128xi32>
      %eq3A_3936 = arith.cmpi eq, %add3A_3831, %eq3A_3935 : vector<128x128xi32>
      %and3A_3937 = arith.andi %eq3A_3934, %eq3A_3936 : vector<128x128xi1>
      %jit3A_3938 = arith.constant 0x7F800000 : f32
      %broadcast_in_dim3A_3939 = vector.broadcast %jit3A_3938 : f32 to vector<128x128xf32>
      %select_n3A_3940 = arith.select %and3A_3937, %broadcast_in_dim3A_3939, %scan3A_3896 : vector<128x128xi1>, vector<128x128xf32>
      %eq3A_3941 = vector.broadcast %broadcast_in_dim3A_3906 : vector<128x1xf32> to vector<128x128xf32>
      %eq3A_3942 = arith.cmpf oeq, %scan3A_3897, %eq3A_3941 : vector<128x128xf32>
      %eq3A_3943 = vector.broadcast %broadcast_in_dim3A_3932 : vector<128x1xi32> to vector<128x128xi32>
      %eq3A_3944 = arith.cmpi eq, %add3A_3835, %eq3A_3943 : vector<128x128xi32>
      %and3A_3945 = arith.andi %eq3A_3942, %eq3A_3944 : vector<128x128xi1>
      %jit3A_3946 = arith.constant 0x7F800000 : f32
      %broadcast_in_dim3A_3947 = vector.broadcast %jit3A_3946 : f32 to vector<128x128xf32>
      %select_n3A_3948 = arith.select %and3A_3945, %broadcast_in_dim3A_3947, %scan3A_3897 : vector<128x128xi1>, vector<128x128xf32>
      %eq3A_3949 = vector.broadcast %broadcast_in_dim3A_3906 : vector<128x1xf32> to vector<128x128xf32>
      %eq3A_3950 = arith.cmpf oeq, %scan3A_3898, %eq3A_3949 : vector<128x128xf32>
      %eq3A_3951 = vector.broadcast %broadcast_in_dim3A_3932 : vector<128x1xi32> to vector<128x128xi32>
      %eq3A_3952 = arith.cmpi eq, %add3A_3839, %eq3A_3951 : vector<128x128xi32>
      %and3A_3953 = arith.andi %eq3A_3950, %eq3A_3952 : vector<128x128xi1>
      %jit3A_3954 = arith.constant 0x7F800000 : f32
      %broadcast_in_dim3A_3955 = vector.broadcast %jit3A_3954 : f32 to vector<128x128xf32>
      %select_n3A_3956 = arith.select %and3A_3953, %broadcast_in_dim3A_3955, %scan3A_3898 : vector<128x128xi1>, vector<128x128xf32>
      %eq3A_3957 = vector.broadcast %broadcast_in_dim3A_3906 : vector<128x1xf32> to vector<128x128xf32>
      %eq3A_3958 = arith.cmpf oeq, %scan3A_3899, %eq3A_3957 : vector<128x128xf32>
      %eq3A_3959 = vector.broadcast %broadcast_in_dim3A_3932 : vector<128x1xi32> to vector<128x128xi32>
      %eq3A_3960 = arith.cmpi eq, %add3A_3843, %eq3A_3959 : vector<128x128xi32>
      %and3A_3961 = arith.andi %eq3A_3958, %eq3A_3960 : vector<128x128xi1>
      %jit3A_3962 = arith.constant 0x7F800000 : f32
      %broadcast_in_dim3A_3963 = vector.broadcast %jit3A_3962 : f32 to vector<128x128xf32>
      %select_n3A_3964 = arith.select %and3A_3961, %broadcast_in_dim3A_3963, %scan3A_3899 : vector<128x128xi1>, vector<128x128xf32>
      %eq3A_3965 = vector.broadcast %scan3A_3895 : i32 to vector<128x16xi32>
      %eq3A_3966 = arith.cmpi eq, %iota3A_8, %eq3A_3965 : vector<128x16xi32>
      %broadcast_in_dim3A_3967 = vector.shape_cast %broadcast_in_dim3A_3906 : vector<128x1xf32> to vector<128x1xf32>
      %broadcast_in_dim3A_3968 = vector.broadcast %broadcast_in_dim3A_3967 : vector<128x1xf32> to vector<128x16xf32>
      %select_n3A_3969 = arith.select %eq3A_3966, %broadcast_in_dim3A_3968, %scan3A_3900 : vector<128x16xi1>, vector<128x16xf32>
      %eq3A_3970 = vector.broadcast %scan3A_3895 : i32 to vector<128x16xi32>
      %eq3A_3971 = arith.cmpi eq, %iota3A_8, %eq3A_3970 : vector<128x16xi32>
      %broadcast_in_dim3A_3972 = vector.shape_cast %broadcast_in_dim3A_3932 : vector<128x1xi32> to vector<128x1xi32>
      %broadcast_in_dim3A_3973 = vector.broadcast %broadcast_in_dim3A_3972 : vector<128x1xi32> to vector<128x16xi32>
      %select_n3A_3974 = arith.select %eq3A_3971, %broadcast_in_dim3A_3973, %scan3A_3901 : vector<128x16xi1>, vector<128x16xi32>
      scf.yield %select_n3A_3940, %select_n3A_3948, %select_n3A_3956, %select_n3A_3964, %select_n3A_3969, %select_n3A_3974 : vector<128x128xf32>, vector<128x128xf32>, vector<128x128xf32>, vector<128x128xf32>, vector<128x16xf32>, vector<128x16xi32>
    }
    %scan3A_3852 = arith.constant 16 : i32
    %swap3A_3853 = arith.constant 0 : index
    %swap3A_3854 = arith.constant 0 : index
    %swap3A_3855 = arith.constant 0 : index
    %swap3A_3856 = vector.load %arg4[%swap3A_3853, %swap3A_3854, %swap3A_3855] : memref<1x128x16xf32, #tpu.memory_space<vmem>>, vector<1x128x16xf32>
    %swap3A_3857 = vector.shape_cast %swap3A_3856 : vector<1x128x16xf32> to vector<128x16xf32>
    %swap3A_3858 = vector.shape_cast %scan3A_3851#4 : vector<128x16xf32> to vector<1x128x16xf32>
    tpu.vector_store %arg4[%swap3A_3853, %swap3A_3854, %swap3A_3855], %swap3A_3858 {strides = array<i32>} : memref<1x128x16xf32, #tpu.memory_space<vmem>>, vector<1x128x16xf32>,
    %swap3A_3859 = arith.constant 0 : index
    %swap3A_3860 = arith.constant 0 : index
    %swap3A_3861 = arith.constant 0 : index
    %swap3A_3862 = vector.load %arg3[%swap3A_3859, %swap3A_3860, %swap3A_3861] : memref<1x128x16xi32, #tpu.memory_space<vmem>>, vector<1x128x16xi32>
    %swap3A_3863 = vector.shape_cast %swap3A_3862 : vector<1x128x16xi32> to vector<128x16xi32>
    %swap3A_3864 = vector.shape_cast %scan3A_3851#5 : vector<128x16xi32> to vector<1x128x16xi32>
    tpu.vector_store %arg3[%swap3A_3859, %swap3A_3860, %swap3A_3861], %swap3A_3864 {strides = array<i32>} : memref<1x128x16xi32, #tpu.memory_space<vmem>>, vector<1x128x16xi32>,
    %slice3A = vector.extract_strided_slice %scan3A_3851#4 {offsets = [0, 15], sizes = [128, 1], strides = [1, 1]} : vector<128x16xf32> to vector<128x1xf32>
    %eq3A = vector.broadcast %slice3A : vector<128x1xf32> to vector<128x16xf32>
    %eq3A_3865 = arith.cmpf oeq, %scan3A_3851#4, %eq3A : vector<128x16xf32>
    %jit3A = arith.constant -1 : i32
    %broadcast_in_dim3A_3866 = vector.broadcast %jit3A : i32 to vector<128x16xi32>
    %select_n3A_3867 = arith.select %eq3A_3865, %scan3A_3851#5, %broadcast_in_dim3A_3866 : vector<128x16xi1>, vector<128x16xi32>
    %reduce_max3A = arith.constant dense<-2147483648> : vector<128xi32>
    %reduce_max3A_3868 = vector.multi_reduction <maxsi>, %select_n3A_3867, %reduce_max3A [1] : vector<128x16xi32> to vector<128xi32>
    %broadcast_in_dim3A_3869 = vector.shape_cast %reduce_max3A_3868 : vector<128xi32> to vector<128x1xi32>
    %iota3A_3870 = tpu.iota {dimensions = array<i32: 1>} : vector<128x10240xi32>
    %get3A_3871 = arith.constant 0 : index
    %get3A_3872 = arith.constant 0 : index
    %get3A_3873 = vector.load %arg5[%get3A_3871, %get3A_3872] : memref<128x10240xf32, #tpu.memory_space<vmem>>, vector<128x10240xf32>
    %lt3A_3874 = vector.broadcast %slice3A : vector<128x1xf32> to vector<128x10240xf32>
    %lt3A_3875 = arith.cmpf olt, %get3A_3873, %lt3A_3874 : vector<128x10240xf32>
    %eq3A_3876 = vector.broadcast %slice3A : vector<128x1xf32> to vector<128x10240xf32>
    %eq3A_3877 = arith.cmpf oeq, %get3A_3873, %eq3A_3876 : vector<128x10240xf32>
    %le3A = vector.broadcast %broadcast_in_dim3A_3869 : vector<128x1xi32> to vector<128x10240xi32>
    %le3A_3878 = arith.cmpi sle, %iota3A_3870, %le3A : vector<128x10240xi32>
    %and3A = arith.andi %eq3A_3877, %le3A_3878 : vector<128x10240xi1>
    %or3A = arith.ori %lt3A_3875, %and3A : vector<128x10240xi1>
    %convert_element_type3A = arith.extui %or3A : vector<128x10240xi1> to vector<128x10240xi32>
    %reduce_sum3A = arith.constant dense<0> : vector<128xi32>
    %reduce_sum3A_3879 = vector.multi_reduction <add>, %convert_element_type3A, %reduce_sum3A [1] : vector<128x10240xi32> to vector<128xi32>
    %broadcast_in_dim3A_3880 = vector.shape_cast %reduce_sum3A_3879 : vector<128xi32> to vector<128x1xi32>
    %ne3A = arith.constant 16 : i32
    %ne3A_3881 = vector.broadcast %ne3A : i32 to vector<128x1xi32>
    %ne3A_3882 = arith.cmpi ne, %broadcast_in_dim3A_3880, %ne3A_3881 : vector<128x1xi32>
    %convert_element_type3A_3883 = arith.extui %ne3A_3882 : vector<128x1xi1> to vector<128x1xi32>
    %reduce_sum3A_3884 = arith.constant dense<0> : vector<128xi32>
    %reduce_sum3A_3885 = vector.multi_reduction <add>, %convert_element_type3A_3883, %reduce_sum3A_3884 [1] : vector<128x1xi32> to vector<128xi32>
    %reduce_sum3A_3886 = vector.shape_cast %reduce_sum3A_3885 : vector<128xi32> to vector<1x128xi32>
    %reduce_sum3A_3887 = arith.constant dense<0> : vector<1xi32>
    %reduce_sum3A_3888 = vector.multi_reduction <add>, %reduce_sum3A_3886, %reduce_sum3A_3887 [1] : vector<1x128xi32> to vector<1xi32>
    %reduce_sum3A_3889 = vector.shape_cast %reduce_sum3A_3888 : vector<1xi32> to vector<1x1xi32>
    %reduce_sum3A_3890 = vector.extract %reduce_sum3A_3889[0, 0] : i32 from vector<1x1xi32>
    %ne3A_3891 = arith.constant 0 : i32
    %ne3A_3892 = arith.cmpi ne, %reduce_sum3A_3890, %ne3A_3891 : i32
    %convert_element_type3A_3893 = arith.extui %ne3A_3892 : i1 to i32
    %cond3A = arith.constant 0 : i32
    %cond3A_3894 = arith.cmpi ne, %convert_element_type3A_3893, %cond3A : i32
    scf.if %cond3A_3894 {
      %broadcast_in_dim3A_3895 = arith.constant 0.000000e+00 : f32
      %broadcast_in_dim3A_3896 = vector.broadcast %broadcast_in_dim3A_3895 : f32 to vector<128x16xf32>
      %broadcast_in_dim3A_3897 = arith.constant 0 : i32
      %broadcast_in_dim3A_3898 = vector.broadcast %broadcast_in_dim3A_3897 : i32 to vector<128x16xi32>
      %scan3A_3899 = arith.constant 0 : i32
      %scan3A_3900 = arith.constant 16 : i32
      %scan3A_3901 = arith.addi %scan3A_3899, %scan3A_3900 : i32
      %scan3A_3902 = arith.constant 1 : i32
      %scan3A_3903:2 = scf.for %scan3A_3917 = %scan3A_3899 to %scan3A_3901 step %scan3A_3902 iter_args(%scan3A_3918 = %broadcast_in_dim3A_3896, %scan3A_3919 = %broadcast_in_dim3A_3898) -> (vector<128x16xf32>, vector<128x16xi32>)  : i32 {
        %get3A_3920 = arith.constant 0 : index
        %get3A_3921 = arith.constant 0 : index
        %get3A_3922 = vector.load %arg5[%get3A_3920, %get3A_3921] : memref<128x10240xf32, #tpu.memory_space<vmem>>, vector<128x10240xf32>
        %reduce_min3A = arith.constant dense<0x7F800000> : vector<128xf32>
        %reduce_min3A_3923 = vector.multi_reduction <minimumf>, %get3A_3922, %reduce_min3A [1] : vector<128x10240xf32> to vector<128xf32>
        %broadcast_in_dim3A_3924 = vector.shape_cast %reduce_min3A_3923 : vector<128xf32> to vector<128x1xf32>
        %eq3A_3925 = vector.broadcast %broadcast_in_dim3A_3924 : vector<128x1xf32> to vector<128x10240xf32>
        %eq3A_3926 = arith.cmpf oeq, %get3A_3922, %eq3A_3925 : vector<128x10240xf32>
        %jit3A_3927 = arith.constant 1073741824 : i32
        %broadcast_in_dim3A_3928 = vector.broadcast %jit3A_3927 : i32 to vector<128x10240xi32>
        %select_n3A_3929 = arith.select %eq3A_3926, %iota3A_3870, %broadcast_in_dim3A_3928 : vector<128x10240xi1>, vector<128x10240xi32>
        %reduce_min3A_3930 = arith.constant dense<2147483647> : vector<128xi32>
        %reduce_min3A_3931 = vector.multi_reduction <minsi>, %select_n3A_3929, %reduce_min3A_3930 [1] : vector<128x10240xi32> to vector<128xi32>
        %broadcast_in_dim3A_3932 = vector.shape_cast %reduce_min3A_3931 : vector<128xi32> to vector<128x1xi32>
        %eq3A_3933 = vector.broadcast %broadcast_in_dim3A_3932 : vector<128x1xi32> to vector<128x10240xi32>
        %eq3A_3934 = arith.cmpi eq, %iota3A_3870, %eq3A_3933 : vector<128x10240xi32>
        %jit3A_3935 = arith.constant 0x7F800000 : f32
        %broadcast_in_dim3A_3936 = vector.broadcast %jit3A_3935 : f32 to vector<128x10240xf32>
        %select_n3A_3937 = arith.select %eq3A_3934, %broadcast_in_dim3A_3936, %get3A_3922 : vector<128x10240xi1>, vector<128x10240xf32>
        %swap3A_3938 = arith.constant 0 : index
        %swap3A_3939 = arith.constant 0 : index
        %swap3A_3940 = vector.load %arg5[%swap3A_3938, %swap3A_3939] : memref<128x10240xf32, #tpu.memory_space<vmem>>, vector<128x10240xf32>
        tpu.vector_store %arg5[%swap3A_3938, %swap3A_3939], %select_n3A_3937 {strides = array<i32>} : memref<128x10240xf32, #tpu.memory_space<vmem>>, vector<128x10240xf32>,
        %eq3A_3941 = vector.broadcast %scan3A_3917 : i32 to vector<128x16xi32>
        %eq3A_3942 = arith.cmpi eq, %iota3A_8, %eq3A_3941 : vector<128x16xi32>
        %broadcast_in_dim3A_3943 = vector.shape_cast %broadcast_in_dim3A_3924 : vector<128x1xf32> to vector<128x1xf32>
        %broadcast_in_dim3A_3944 = vector.broadcast %broadcast_in_dim3A_3943 : vector<128x1xf32> to vector<128x16xf32>
        %select_n3A_3945 = arith.select %eq3A_3942, %broadcast_in_dim3A_3944, %scan3A_3918 : vector<128x16xi1>, vector<128x16xf32>
        %eq3A_3946 = vector.broadcast %scan3A_3917 : i32 to vector<128x16xi32>
        %eq3A_3947 = arith.cmpi eq, %iota3A_8, %eq3A_3946 : vector<128x16xi32>
        %broadcast_in_dim3A_3948 = vector.shape_cast %broadcast_in_dim3A_3932 : vector<128x1xi32> to vector<128x1xi32>
        %broadcast_in_dim3A_3949 = vector.broadcast %broadcast_in_dim3A_3948 : vector<128x1xi32> to vector<128x16xi32>
        %select_n3A_3950 = arith.select %eq3A_3947, %broadcast_in_dim3A_3949, %scan3A_3919 : vector<128x16xi1>, vector<128x16xi32>
        scf.yield %select_n3A_3945, %select_n3A_3950 : vector<128x16xf32>, vector<128x16xi32>
      }
      %scan3A_3904 = arith.constant 16 : i32
      %swap3A_3905 = arith.constant 0 : index
      %swap3A_3906 = arith.constant 0 : index
      %swap3A_3907 = arith.constant 0 : index
      %swap3A_3908 = vector.load %arg4[%swap3A_3905, %swap3A_3906, %swap3A_3907] : memref<1x128x16xf32, #tpu.memory_space<vmem>>, vector<1x128x16xf32>
      %swap3A_3909 = vector.shape_cast %swap3A_3908 : vector<1x128x16xf32> to vector<128x16xf32>
      %swap3A_3910 = vector.shape_cast %scan3A_3903#0 : vector<128x16xf32> to vector<1x128x16xf32>
      tpu.vector_store %arg4[%swap3A_3905, %swap3A_3906, %swap3A_3907], %swap3A_3910 {strides = array<i32>} : memref<1x128x16xf32, #tpu.memory_space<vmem>>, vector<1x128x16xf32>,
      %swap3A_3911 = arith.constant 0 : index
      %swap3A_3912 = arith.constant 0 : index
      %swap3A_3913 = arith.constant 0 : index
      %swap3A_3914 = vector.load %arg3[%swap3A_3911, %swap3A_3912, %swap3A_3913] : memref<1x128x16xi32, #tpu.memory_space<vmem>>, vector<1x128x16xi32>
      %swap3A_3915 = vector.shape_cast %swap3A_3914 : vector<1x128x16xi32> to vector<128x16xi32>
      %swap3A_3916 = vector.shape_cast %scan3A_3903#1 : vector<128x16xi32> to vector<1x128x16xi32>
      tpu.vector_store %arg3[%swap3A_3911, %swap3A_3912, %swap3A_3913], %swap3A_3916 {strides = array<i32>} : memref<1x128x16xi32, #tpu.memory_space<vmem>>, vector<1x128x16xi32>,
    } else {
    }
    return
  }
  func.func @transform_0(%arg0: i32) -> (i32, i32) {
    %c0_i32 = arith.constant 0 : i32
    %c0_i32_0 = arith.constant 0 : i32
    return %arg0, %c0_i32 : i32, i32
  }
  func.func @transform_1(%arg0: i32) -> (i32, i32, i32) {
    %c0_i32 = arith.constant 0 : i32
    %c0_i32_0 = arith.constant 0 : i32
    %c0_i32_1 = arith.constant 0 : i32
    %c0_i32_2 = arith.constant 0 : i32
    return %c0_i32, %c0_i32_0, %c0_i32_1 : i32, i32, i32
  }
  func.func @transform_2(%arg0: i32) -> (i32, i32, i32) {
    %c0_i32 = arith.constant 0 : i32
    %c0_i32_0 = arith.constant 0 : i32
    %c0_i32_1 = arith.constant 0 : i32
    return %c0_i32, %arg0, %c0_i32_0 : i32, i32, i32
  }
  func.func @transform_3(%arg0: i32) -> (i32, i32, i32) {
    %c0_i32 = arith.constant 0 : i32
    %c0_i32_0 = arith.constant 0 : i32
    %c0_i32_1 = arith.constant 0 : i32
    return %c0_i32, %arg0, %c0_i32_0 : i32, i32, i32
  }
}

module attributes {stable_mosaic.version = 14 : i64} {
  func.func @_dense_body(%arg0: i32, %arg1: memref<2x128x16xf32, #tpu.memory_space<vmem>>, %arg2: memref<2048x128xf32, #tpu.memory_space<vmem>>, %arg3: memref<2048x128xf32, #tpu.memory_space<vmem>>, %arg4: memref<2048x128xf32, #tpu.memory_space<vmem>>, %arg5: memref<2048x128xf32, #tpu.memory_space<vmem>>, %arg6: memref<128x3xf32, #tpu.memory_space<vmem>>, %arg7: memref<8x64xf32, #tpu.memory_space<vmem>>, %arg8: memref<128x128xf32, #tpu.memory_space<vmem>>, %arg9: memref<128x1xf32, #tpu.memory_space<vmem>>, %arg10: memref<64x128xf32, #tpu.memory_space<vmem>>, %arg11: memref<1x128xf32, #tpu.memory_space<vmem>>, %arg12: memref<128x128xf32, #tpu.memory_space<vmem>>, %arg13: memref<1x128xf32, #tpu.memory_space<vmem>>, %arg14: memref<128x128xf32, #tpu.memory_space<vmem>>, %arg15: memref<128x128xf32, #tpu.memory_space<vmem>>, %arg16: memref<128x128xf32, #tpu.memory_space<vmem>>, %arg17: memref<128x128xf32, #tpu.memory_space<vmem>>, %arg18: memref<128x128xf32, #tpu.memory_space<vmem>>) attributes {dimension_semantics = [#tpu.dimension_semantics<arbitrary>], iteration_bounds = array<i64: 8>, scalar_prefetch = 0 : i64, scratch_operands = 0 : i64, tpu.core_type = #tpu.core_type<tc>, window_params = [{transform_indices = @transform_0, window_bounds = array<i64: 2, 128, 16>}, {transform_indices = @transform_1, window_bounds = array<i64: 2048, 128>}, {transform_indices = @transform_2, window_bounds = array<i64: 2048, 128>}, {transform_indices = @transform_3, window_bounds = array<i64: 2048, 128>}, {transform_indices = @transform_4, window_bounds = array<i64: 2048, 128>}, {transform_indices = @transform_5, window_bounds = array<i64: 128, 3>}, {pipeline_mode = #tpu.pipeline_mode<synchronous>, transform_indices = @transform_6, window_bounds = array<i64: 8, 64>}, {pipeline_mode = #tpu.pipeline_mode<synchronous>, transform_indices = @transform_7, window_bounds = array<i64: 128, 128>}, {pipeline_mode = #tpu.pipeline_mode<synchronous>, transform_indices = @transform_8, window_bounds = array<i64: 128, 1>}, {pipeline_mode = #tpu.pipeline_mode<synchronous>, transform_indices = @transform_9, window_bounds = array<i64: 64, 128>}, {pipeline_mode = #tpu.pipeline_mode<synchronous>, transform_indices = @transform_10, window_bounds = array<i64: 1, 128>}, {pipeline_mode = #tpu.pipeline_mode<synchronous>, transform_indices = @transform_11, window_bounds = array<i64: 128, 128>}, {pipeline_mode = #tpu.pipeline_mode<synchronous>, transform_indices = @transform_12, window_bounds = array<i64: 1, 128>}, {pipeline_mode = #tpu.pipeline_mode<synchronous>, transform_indices = @transform_13, window_bounds = array<i64: 128, 128>}, {pipeline_mode = #tpu.pipeline_mode<synchronous>, transform_indices = @transform_14, window_bounds = array<i64: 128, 128>}, {pipeline_mode = #tpu.pipeline_mode<synchronous>, transform_indices = @transform_15, window_bounds = array<i64: 128, 128>}, {pipeline_mode = #tpu.pipeline_mode<synchronous>, transform_indices = @transform_16, window_bounds = array<i64: 128, 128>}, {transform_indices = @transform_17, window_bounds = array<i64: 128, 128>}]} {
    %get3A = arith.constant 0 : index
    %get3A_0 = arith.constant 0 : index
    %get3A_1 = vector.load %arg7[%get3A, %get3A_0] : memref<8x64xf32, #tpu.memory_space<vmem>>, vector<8x64xf32>
    %get3A_2 = arith.constant 0 : index
    %get3A_3 = arith.constant 0 : index
    %get3A_4 = vector.load %arg10[%get3A_2, %get3A_3] : memref<64x128xf32, #tpu.memory_space<vmem>>, vector<64x128xf32>
    %dot_general3A = arith.constant dense<0.000000e+00> : vector<8x128xf32>
    %dot_general3A_5 = tpu.matmul %get3A_1, %get3A_4, %dot_general3A {dimension_numbers = #tpu.dot_dimension_numbers<[1], [0], [0], [1], [0, 0, 1, 1], [], []>, transpose_lhs_hint = false} : vector<8x64xf32>, vector<64x128xf32>, vector<8x128xf32> -> vector<8x128xf32>
    %get3A_6 = arith.constant 0 : index
    %get3A_7 = arith.constant 0 : index
    %get3A_8 = vector.load %arg11[%get3A_6, %get3A_7] : memref<1x128xf32, #tpu.memory_space<vmem>>, vector<1x128xf32>
    %add3A = vector.broadcast %get3A_8 : vector<1x128xf32> to vector<8x128xf32>
    %add3A_9 = arith.addf %dot_general3A_5, %add3A : vector<8x128xf32>
    %logistic3A = arith.negf %add3A_9 : vector<8x128xf32>
    %logistic3A_10 = math.exp %logistic3A : vector<8x128xf32>
    %logistic3A_11 = arith.constant 1.000000e+00 : f32
    %logistic3A_12 = vector.broadcast %logistic3A_11 : f32 to vector<8x128xf32>
    %logistic3A_13 = arith.addf %logistic3A_12, %logistic3A_10 : vector<8x128xf32>
    %logistic3A_14 = arith.divf %logistic3A_12, %logistic3A_13 : vector<8x128xf32>
    %mul3A = arith.mulf %add3A_9, %logistic3A_14 : vector<8x128xf32>
    %get3A_15 = arith.constant 0 : index
    %get3A_16 = arith.constant 0 : index
    %get3A_17 = vector.load %arg12[%get3A_15, %get3A_16] : memref<128x128xf32, #tpu.memory_space<vmem>>, vector<128x128xf32>
    %dot_general3A_18 = arith.constant dense<0.000000e+00> : vector<8x128xf32>
    %dot_general3A_19 = tpu.matmul %mul3A, %get3A_17, %dot_general3A_18 {dimension_numbers = #tpu.dot_dimension_numbers<[1], [0], [0], [1], [0, 0, 1, 1], [], []>, transpose_lhs_hint = false} : vector<8x128xf32>, vector<128x128xf32>, vector<8x128xf32> -> vector<8x128xf32>
    %get3A_20 = arith.constant 0 : index
    %get3A_21 = arith.constant 0 : index
    %get3A_22 = vector.load %arg13[%get3A_20, %get3A_21] : memref<1x128xf32, #tpu.memory_space<vmem>>, vector<1x128xf32>
    %add3A_23 = vector.broadcast %get3A_22 : vector<1x128xf32> to vector<8x128xf32>
    %add3A_24 = arith.addf %dot_general3A_19, %add3A_23 : vector<8x128xf32>
    %iota3A = tpu.iota {dimensions = array<i32: 0>} : vector<8x128xi32>
    %eq3A = vector.broadcast %arg0 : i32 to vector<8x128xi32>
    %eq3A_25 = arith.cmpi eq, %iota3A, %eq3A : vector<8x128xi32>
    %jit3A = arith.constant 0.000000e+00 : f32
    %broadcast_in_dim3A = vector.broadcast %jit3A : f32 to vector<8x128xf32>
    %select_n3A = arith.select %eq3A_25, %add3A_24, %broadcast_in_dim3A : vector<8x128xi1>, vector<8x128xf32>
    %reduce_sum3A = arith.constant dense<0.000000e+00> : vector<128xf32>
    %reduce_sum3A_26 = vector.multi_reduction <add>, %select_n3A, %reduce_sum3A [0] : vector<8x128xf32> to vector<128xf32>
    %broadcast_in_dim3A_27 = vector.shape_cast %reduce_sum3A_26 : vector<128xf32> to vector<1x128xf32>
    %get3A_28 = arith.constant 0 : index
    %get3A_29 = arith.constant 0 : index
    %get3A_30 = arith.constant 0 : index
    %get3A_31 = vector.load %arg1[%get3A_28, %get3A_29, %get3A_30] : memref<2x128x16xf32, #tpu.memory_space<vmem>>, vector<2x128x16xf32>
    %slice3A = vector.extract_strided_slice %get3A_31 {offsets = [0, 0, 0], sizes = [1, 128, 16], strides = [1, 1, 1]} : vector<2x128x16xf32> to vector<1x128x16xf32>
    %squeeze3A = vector.shape_cast %slice3A : vector<1x128x16xf32> to vector<128x16xf32>
    %neg3A = arith.constant 0.000000e+00 : f32
    %neg3A_32 = vector.broadcast %neg3A : f32 to vector<128x16xf32>
    %neg3A_33 = arith.subf %neg3A_32, %squeeze3A : vector<128x16xf32>
    %div3A = arith.constant 2.500000e-01 : f32
    %div3A_34 = vector.broadcast %div3A : f32 to vector<128x16xf32>
    %div3A_35 = arith.divf %neg3A_33, %div3A_34 : vector<128x16xf32>
    %exp3A = math.exp %div3A_35 : vector<128x16xf32>
    %slice3A_36 = vector.extract_strided_slice %get3A_31 {offsets = [1, 0, 0], sizes = [1, 128, 16], strides = [1, 1, 1]} : vector<2x128x16xf32> to vector<1x128x16xf32>
    %squeeze3A_37 = vector.shape_cast %slice3A_36 : vector<1x128x16xf32> to vector<128x16xf32>
    %neg3A_38 = arith.constant 0.000000e+00 : f32
    %neg3A_39 = vector.broadcast %neg3A_38 : f32 to vector<128x16xf32>
    %neg3A_40 = arith.subf %neg3A_39, %squeeze3A_37 : vector<128x16xf32>
    %div3A_41 = arith.constant 1.000000e+00 : f32
    %div3A_42 = vector.broadcast %div3A_41 : f32 to vector<128x16xf32>
    %div3A_43 = arith.divf %neg3A_40, %div3A_42 : vector<128x16xf32>
    %exp3A_44 = math.exp %div3A_43 : vector<128x16xf32>
    %get3A_45 = arith.constant 0 : index
    %get3A_46 = arith.constant 0 : index
    %get3A_47 = vector.load %arg2[%get3A_45, %get3A_46] : memref<2048x128xf32, #tpu.memory_space<vmem>>, vector<2048x128xf32>
    %reshape3A = vector.shape_cast %get3A_47 : vector<2048x128xf32> to vector<128x16x128xf32>
    %get3A_48 = arith.constant 0 : index
    %get3A_49 = arith.constant 0 : index
    %get3A_50 = vector.load %arg4[%get3A_48, %get3A_49] : memref<2048x128xf32, #tpu.memory_space<vmem>>, vector<2048x128xf32>
    %reshape3A_51 = vector.shape_cast %get3A_50 : vector<2048x128xf32> to vector<128x16x128xf32>
    %broadcast_in_dim3A_52 = vector.shape_cast %exp3A : vector<128x16xf32> to vector<128x16x1xf32>
    %mul3A_53 = vector.broadcast %broadcast_in_dim3A_52 : vector<128x16x1xf32> to vector<128x16x128xf32>
    %mul3A_54 = arith.mulf %reshape3A, %mul3A_53 : vector<128x16x128xf32>
    %reduce_sum3A_55 = arith.constant dense<0.000000e+00> : vector<128x128xf32>
    %reduce_sum3A_56 = vector.multi_reduction <add>, %mul3A_54, %reduce_sum3A_55 [1] : vector<128x16x128xf32> to vector<128x128xf32>
    %broadcast_in_dim3A_57 = vector.shape_cast %exp3A_44 : vector<128x16xf32> to vector<128x16x1xf32>
    %mul3A_58 = vector.broadcast %broadcast_in_dim3A_57 : vector<128x16x1xf32> to vector<128x16x128xf32>
    %mul3A_59 = arith.mulf %reshape3A_51, %mul3A_58 : vector<128x16x128xf32>
    %reduce_sum3A_60 = arith.constant dense<0.000000e+00> : vector<128x128xf32>
    %reduce_sum3A_61 = vector.multi_reduction <add>, %mul3A_59, %reduce_sum3A_60 [1] : vector<128x16x128xf32> to vector<128x128xf32>
    %get3A_62 = arith.constant 0 : index
    %get3A_63 = arith.constant 0 : index
    %get3A_64 = vector.load %arg14[%get3A_62, %get3A_63] : memref<128x128xf32, #tpu.memory_space<vmem>>, vector<128x128xf32>
    %dot_general3A_65 = arith.constant dense<0.000000e+00> : vector<128x128xf32>
    %dot_general3A_66 = tpu.matmul %reduce_sum3A_56, %get3A_64, %dot_general3A_65 {dimension_numbers = #tpu.dot_dimension_numbers<[1], [0], [0], [1], [0, 0, 1, 1], [], []>, transpose_lhs_hint = false} : vector<128x128xf32>, vector<128x128xf32>, vector<128x128xf32> -> vector<128x128xf32>
    %get3A_67 = arith.constant 0 : index
    %get3A_68 = arith.constant 0 : index
    %get3A_69 = vector.load %arg16[%get3A_67, %get3A_68] : memref<128x128xf32, #tpu.memory_space<vmem>>, vector<128x128xf32>
    %dot_general3A_70 = arith.constant dense<0.000000e+00> : vector<128x128xf32>
    %dot_general3A_71 = tpu.matmul %reduce_sum3A_61, %get3A_69, %dot_general3A_70 {dimension_numbers = #tpu.dot_dimension_numbers<[1], [0], [0], [1], [0, 0, 1, 1], [], []>, transpose_lhs_hint = false} : vector<128x128xf32>, vector<128x128xf32>, vector<128x128xf32> -> vector<128x128xf32>
    %add3A_72 = arith.addf %dot_general3A_66, %dot_general3A_71 : vector<128x128xf32>
    %get3A_73 = arith.constant 0 : index
    %get3A_74 = arith.constant 0 : index
    %get3A_75 = vector.load %arg15[%get3A_73, %get3A_74] : memref<128x128xf32, #tpu.memory_space<vmem>>, vector<128x128xf32>
    %get3A_76 = arith.constant 0 : index
    %get3A_77 = arith.constant 0 : index
    %get3A_78 = vector.load %arg17[%get3A_76, %get3A_77] : memref<128x128xf32, #tpu.memory_space<vmem>>, vector<128x128xf32>
    %add3A_79 = arith.addf %get3A_75, %get3A_78 : vector<128x128xf32>
    %dot_general3A_80 = arith.constant dense<0.000000e+00> : vector<1x128xf32>
    %dot_general3A_81 = tpu.matmul %broadcast_in_dim3A_27, %add3A_79, %dot_general3A_80 {dimension_numbers = #tpu.dot_dimension_numbers<[1], [0], [0], [1], [0, 0, 1, 1], [], []>, transpose_lhs_hint = false} : vector<1x128xf32>, vector<128x128xf32>, vector<1x128xf32> -> vector<1x128xf32>
    %add3A_82 = vector.broadcast %dot_general3A_81 : vector<1x128xf32> to vector<128x128xf32>
    %add3A_83 = arith.addf %add3A_72, %add3A_82 : vector<128x128xf32>
    %get3A_84 = arith.constant 0 : index
    %get3A_85 = arith.constant 0 : index
    %get3A_86 = vector.load %arg8[%get3A_84, %get3A_85] : memref<128x128xf32, #tpu.memory_space<vmem>>, vector<128x128xf32>
    %sub3A = arith.subf %add3A_83, %get3A_86 : vector<128x128xf32>
    %get3A_87 = arith.constant 0 : index
    %get3A_88 = arith.constant 0 : index
    %get3A_89 = vector.load %arg9[%get3A_87, %get3A_88] : memref<128x1xf32, #tpu.memory_space<vmem>>, vector<128x1xf32>
    %mul3A_90 = arith.constant -1.562500e-02 : f32
    %mul3A_91 = vector.broadcast %mul3A_90 : f32 to vector<128x1xf32>
    %mul3A_92 = arith.mulf %mul3A_91, %get3A_89 : vector<128x1xf32>
    %mul3A_93 = vector.broadcast %mul3A_92 : vector<128x1xf32> to vector<128x128xf32>
    %mul3A_94 = arith.mulf %mul3A_93, %sub3A : vector<128x128xf32>
    %get3A_95 = arith.constant 0 : index
    %get3A_96 = arith.constant 0 : index
    %get3A_97 = vector.load %arg14[%get3A_95, %get3A_96] : memref<128x128xf32, #tpu.memory_space<vmem>>, vector<128x128xf32>
    %dot_general3A_98 = arith.constant dense<0.000000e+00> : vector<128x128xf32>
    %dot_general3A_99 = tpu.matmul %mul3A_94, %get3A_97, %dot_general3A_98 {dimension_numbers = #tpu.dot_dimension_numbers<[1], [1], [0], [0], [0, 0, 1, 0], [], []>, transpose_lhs_hint = false} : vector<128x128xf32>, vector<128x128xf32>, vector<128x128xf32> -> vector<128x128xf32>
    %get3A_100 = arith.constant 0 : index
    %get3A_101 = arith.constant 0 : index
    %get3A_102 = vector.load %arg16[%get3A_100, %get3A_101] : memref<128x128xf32, #tpu.memory_space<vmem>>, vector<128x128xf32>
    %dot_general3A_103 = arith.constant dense<0.000000e+00> : vector<128x128xf32>
    %dot_general3A_104 = tpu.matmul %mul3A_94, %get3A_102, %dot_general3A_103 {dimension_numbers = #tpu.dot_dimension_numbers<[1], [1], [0], [0], [0, 0, 1, 0], [], []>, transpose_lhs_hint = false} : vector<128x128xf32>, vector<128x128xf32>, vector<128x128xf32> -> vector<128x128xf32>
    %broadcast_in_dim3A_105 = vector.shape_cast %dot_general3A_99 : vector<128x128xf32> to vector<128x1x128xf32>
    %mul3A_106 = vector.broadcast %broadcast_in_dim3A_105 : vector<128x1x128xf32> to vector<128x16x128xf32>
    %mul3A_107 = arith.mulf %reshape3A, %mul3A_106 : vector<128x16x128xf32>
    %reduce_sum3A_108 = arith.constant dense<0.000000e+00> : vector<128x16xf32>
    %reduce_sum3A_109 = vector.multi_reduction <add>, %mul3A_107, %reduce_sum3A_108 [2] : vector<128x16x128xf32> to vector<128x16xf32>
    %broadcast_in_dim3A_110 = vector.shape_cast %dot_general3A_104 : vector<128x128xf32> to vector<128x1x128xf32>
    %mul3A_111 = vector.broadcast %broadcast_in_dim3A_110 : vector<128x1x128xf32> to vector<128x16x128xf32>
    %mul3A_112 = arith.mulf %reshape3A_51, %mul3A_111 : vector<128x16x128xf32>
    %reduce_sum3A_113 = arith.constant dense<0.000000e+00> : vector<128x16xf32>
    %reduce_sum3A_114 = vector.multi_reduction <add>, %mul3A_112, %reduce_sum3A_113 [2] : vector<128x16x128xf32> to vector<128x16xf32>
    %mul3A_115 = arith.mulf %reduce_sum3A_109, %exp3A : vector<128x16xf32>
    %mul3A_116 = arith.constant -8.000000e+00 : f32
    %mul3A_117 = vector.broadcast %mul3A_116 : f32 to vector<128x16xf32>
    %mul3A_118 = arith.mulf %mul3A_115, %mul3A_117 : vector<128x16xf32>
    %mul3A_119 = arith.mulf %reduce_sum3A_114, %exp3A_44 : vector<128x16xf32>
    %mul3A_120 = arith.constant -2.000000e+00 : f32
    %mul3A_121 = vector.broadcast %mul3A_120 : f32 to vector<128x16xf32>
    %mul3A_122 = arith.mulf %mul3A_119, %mul3A_121 : vector<128x16xf32>
    %get3A_123 = arith.constant 0 : index
    %get3A_124 = arith.constant 0 : index
    %get3A_125 = vector.load %arg3[%get3A_123, %get3A_124] : memref<2048x128xf32, #tpu.memory_space<vmem>>, vector<2048x128xf32>
    %reshape3A_126 = vector.shape_cast %get3A_125 : vector<2048x128xf32> to vector<128x16x128xf32>
    %get3A_127 = arith.constant 0 : index
    %get3A_128 = arith.constant 0 : index
    %get3A_129 = vector.load %arg5[%get3A_127, %get3A_128] : memref<2048x128xf32, #tpu.memory_space<vmem>>, vector<2048x128xf32>
    %reshape3A_130 = vector.shape_cast %get3A_129 : vector<2048x128xf32> to vector<128x16x128xf32>
    %get3A_131 = arith.constant 0 : index
    %get3A_132 = arith.constant 0 : index
    %get3A_133 = vector.load %arg6[%get3A_131, %get3A_132] : memref<128x3xf32, #tpu.memory_space<vmem>>, vector<128x3xf32>
    %iota3A_134 = tpu.iota {dimensions = array<i32: 1>} : vector<128x128xi32>
    %broadcast_in_dim3A_135 = arith.constant 0.000000e+00 : f32
    %broadcast_in_dim3A_136 = vector.broadcast %broadcast_in_dim3A_135 : f32 to vector<128x128xf32>
    %slice3A_137 = vector.extract_strided_slice %get3A_133 {offsets = [0, 0], sizes = [128, 1], strides = [1, 1]} : vector<128x3xf32> to vector<128x1xf32>
    %slice3A_138 = vector.extract_strided_slice %reshape3A_126 {offsets = [0, 0, 0], sizes = [128, 16, 1], strides = [1, 1, 1]} : vector<128x16x128xf32> to vector<128x16x1xf32>
    %squeeze3A_139 = vector.shape_cast %slice3A_138 : vector<128x16x1xf32> to vector<128x16xf32>
    %sub3A_140 = vector.broadcast %slice3A_137 : vector<128x1xf32> to vector<128x16xf32>
    %sub3A_141 = arith.subf %sub3A_140, %squeeze3A_139 : vector<128x16xf32>
    %mul3A_142 = arith.mulf %mul3A_118, %sub3A_141 : vector<128x16xf32>
    %reduce_sum3A_143 = arith.constant dense<0.000000e+00> : vector<128xf32>
    %reduce_sum3A_144 = vector.multi_reduction <add>, %mul3A_142, %reduce_sum3A_143 [1] : vector<128x16xf32> to vector<128xf32>
    %broadcast_in_dim3A_145 = vector.shape_cast %reduce_sum3A_144 : vector<128xf32> to vector<128x1xf32>
    %slice3A_146 = vector.extract_strided_slice %get3A_133 {offsets = [0, 0], sizes = [128, 1], strides = [1, 1]} : vector<128x3xf32> to vector<128x1xf32>
    %slice3A_147 = vector.extract_strided_slice %reshape3A_130 {offsets = [0, 0, 0], sizes = [128, 16, 1], strides = [1, 1, 1]} : vector<128x16x128xf32> to vector<128x16x1xf32>
    %squeeze3A_148 = vector.shape_cast %slice3A_147 : vector<128x16x1xf32> to vector<128x16xf32>
    %sub3A_149 = vector.broadcast %slice3A_146 : vector<128x1xf32> to vector<128x16xf32>
    %sub3A_150 = arith.subf %sub3A_149, %squeeze3A_148 : vector<128x16xf32>
    %mul3A_151 = arith.mulf %mul3A_122, %sub3A_150 : vector<128x16xf32>
    %reduce_sum3A_152 = arith.constant dense<0.000000e+00> : vector<128xf32>
    %reduce_sum3A_153 = vector.multi_reduction <add>, %mul3A_151, %reduce_sum3A_152 [1] : vector<128x16xf32> to vector<128xf32>
    %broadcast_in_dim3A_154 = vector.shape_cast %reduce_sum3A_153 : vector<128xf32> to vector<128x1xf32>
    %add3A_155 = arith.addf %broadcast_in_dim3A_145, %broadcast_in_dim3A_154 : vector<128x1xf32>
    %eq3A_156 = arith.constant 0 : i32
    %eq3A_157 = vector.broadcast %eq3A_156 : i32 to vector<128x128xi32>
    %eq3A_158 = arith.cmpi eq, %iota3A_134, %eq3A_157 : vector<128x128xi32>
    %broadcast_in_dim3A_159 = vector.shape_cast %add3A_155 : vector<128x1xf32> to vector<128x1xf32>
    %broadcast_in_dim3A_160 = vector.broadcast %broadcast_in_dim3A_159 : vector<128x1xf32> to vector<128x128xf32>
    %select_n3A_161 = arith.select %eq3A_158, %broadcast_in_dim3A_160, %broadcast_in_dim3A_136 : vector<128x128xi1>, vector<128x128xf32>
    %slice3A_162 = vector.extract_strided_slice %get3A_133 {offsets = [0, 1], sizes = [128, 1], strides = [1, 1]} : vector<128x3xf32> to vector<128x1xf32>
    %slice3A_163 = vector.extract_strided_slice %reshape3A_126 {offsets = [0, 0, 1], sizes = [128, 16, 1], strides = [1, 1, 1]} : vector<128x16x128xf32> to vector<128x16x1xf32>
    %squeeze3A_164 = vector.shape_cast %slice3A_163 : vector<128x16x1xf32> to vector<128x16xf32>
    %sub3A_165 = vector.broadcast %slice3A_162 : vector<128x1xf32> to vector<128x16xf32>
    %sub3A_166 = arith.subf %sub3A_165, %squeeze3A_164 : vector<128x16xf32>
    %mul3A_167 = arith.mulf %mul3A_118, %sub3A_166 : vector<128x16xf32>
    %reduce_sum3A_168 = arith.constant dense<0.000000e+00> : vector<128xf32>
    %reduce_sum3A_169 = vector.multi_reduction <add>, %mul3A_167, %reduce_sum3A_168 [1] : vector<128x16xf32> to vector<128xf32>
    %broadcast_in_dim3A_170 = vector.shape_cast %reduce_sum3A_169 : vector<128xf32> to vector<128x1xf32>
    %slice3A_171 = vector.extract_strided_slice %get3A_133 {offsets = [0, 1], sizes = [128, 1], strides = [1, 1]} : vector<128x3xf32> to vector<128x1xf32>
    %slice3A_172 = vector.extract_strided_slice %reshape3A_130 {offsets = [0, 0, 1], sizes = [128, 16, 1], strides = [1, 1, 1]} : vector<128x16x128xf32> to vector<128x16x1xf32>
    %squeeze3A_173 = vector.shape_cast %slice3A_172 : vector<128x16x1xf32> to vector<128x16xf32>
    %sub3A_174 = vector.broadcast %slice3A_171 : vector<128x1xf32> to vector<128x16xf32>
    %sub3A_175 = arith.subf %sub3A_174, %squeeze3A_173 : vector<128x16xf32>
    %mul3A_176 = arith.mulf %mul3A_122, %sub3A_175 : vector<128x16xf32>
    %reduce_sum3A_177 = arith.constant dense<0.000000e+00> : vector<128xf32>
    %reduce_sum3A_178 = vector.multi_reduction <add>, %mul3A_176, %reduce_sum3A_177 [1] : vector<128x16xf32> to vector<128xf32>
    %broadcast_in_dim3A_179 = vector.shape_cast %reduce_sum3A_178 : vector<128xf32> to vector<128x1xf32>
    %add3A_180 = arith.addf %broadcast_in_dim3A_170, %broadcast_in_dim3A_179 : vector<128x1xf32>
    %eq3A_181 = arith.constant 1 : i32
    %eq3A_182 = vector.broadcast %eq3A_181 : i32 to vector<128x128xi32>
    %eq3A_183 = arith.cmpi eq, %iota3A_134, %eq3A_182 : vector<128x128xi32>
    %broadcast_in_dim3A_184 = vector.shape_cast %add3A_180 : vector<128x1xf32> to vector<128x1xf32>
    %broadcast_in_dim3A_185 = vector.broadcast %broadcast_in_dim3A_184 : vector<128x1xf32> to vector<128x128xf32>
    %select_n3A_186 = arith.select %eq3A_183, %broadcast_in_dim3A_185, %select_n3A_161 : vector<128x128xi1>, vector<128x128xf32>
    %slice3A_187 = vector.extract_strided_slice %get3A_133 {offsets = [0, 2], sizes = [128, 1], strides = [1, 1]} : vector<128x3xf32> to vector<128x1xf32>
    %slice3A_188 = vector.extract_strided_slice %reshape3A_126 {offsets = [0, 0, 2], sizes = [128, 16, 1], strides = [1, 1, 1]} : vector<128x16x128xf32> to vector<128x16x1xf32>
    %squeeze3A_189 = vector.shape_cast %slice3A_188 : vector<128x16x1xf32> to vector<128x16xf32>
    %sub3A_190 = vector.broadcast %slice3A_187 : vector<128x1xf32> to vector<128x16xf32>
    %sub3A_191 = arith.subf %sub3A_190, %squeeze3A_189 : vector<128x16xf32>
    %mul3A_192 = arith.mulf %mul3A_118, %sub3A_191 : vector<128x16xf32>
    %reduce_sum3A_193 = arith.constant dense<0.000000e+00> : vector<128xf32>
    %reduce_sum3A_194 = vector.multi_reduction <add>, %mul3A_192, %reduce_sum3A_193 [1] : vector<128x16xf32> to vector<128xf32>
    %broadcast_in_dim3A_195 = vector.shape_cast %reduce_sum3A_194 : vector<128xf32> to vector<128x1xf32>
    %slice3A_196 = vector.extract_strided_slice %get3A_133 {offsets = [0, 2], sizes = [128, 1], strides = [1, 1]} : vector<128x3xf32> to vector<128x1xf32>
    %slice3A_197 = vector.extract_strided_slice %reshape3A_130 {offsets = [0, 0, 2], sizes = [128, 16, 1], strides = [1, 1, 1]} : vector<128x16x128xf32> to vector<128x16x1xf32>
    %squeeze3A_198 = vector.shape_cast %slice3A_197 : vector<128x16x1xf32> to vector<128x16xf32>
    %sub3A_199 = vector.broadcast %slice3A_196 : vector<128x1xf32> to vector<128x16xf32>
    %sub3A_200 = arith.subf %sub3A_199, %squeeze3A_198 : vector<128x16xf32>
    %mul3A_201 = arith.mulf %mul3A_122, %sub3A_200 : vector<128x16xf32>
    %reduce_sum3A_202 = arith.constant dense<0.000000e+00> : vector<128xf32>
    %reduce_sum3A_203 = vector.multi_reduction <add>, %mul3A_201, %reduce_sum3A_202 [1] : vector<128x16xf32> to vector<128xf32>
    %broadcast_in_dim3A_204 = vector.shape_cast %reduce_sum3A_203 : vector<128xf32> to vector<128x1xf32>
    %add3A_205 = arith.addf %broadcast_in_dim3A_195, %broadcast_in_dim3A_204 : vector<128x1xf32>
    %eq3A_206 = arith.constant 2 : i32
    %eq3A_207 = vector.broadcast %eq3A_206 : i32 to vector<128x128xi32>
    %eq3A_208 = arith.cmpi eq, %iota3A_134, %eq3A_207 : vector<128x128xi32>
    %broadcast_in_dim3A_209 = vector.shape_cast %add3A_205 : vector<128x1xf32> to vector<128x1xf32>
    %broadcast_in_dim3A_210 = vector.broadcast %broadcast_in_dim3A_209 : vector<128x1xf32> to vector<128x128xf32>
    %select_n3A_211 = arith.select %eq3A_208, %broadcast_in_dim3A_210, %select_n3A_186 : vector<128x128xi1>, vector<128x128xf32>
    %swap3A = arith.constant 0 : index
    %swap3A_212 = arith.constant 0 : index
    %swap3A_213 = vector.load %arg18[%swap3A, %swap3A_212] : memref<128x128xf32, #tpu.memory_space<vmem>>, vector<128x128xf32>
    tpu.vector_store %arg18[%swap3A, %swap3A_212], %select_n3A_211 {strides = array<i32>} : memref<128x128xf32, #tpu.memory_space<vmem>>, vector<128x128xf32>,
    return
  }
  func.func @transform_0(%arg0: i32) -> (i32, i32, i32) {
    %c0_i32 = arith.constant 0 : i32
    %c0_i32_0 = arith.constant 0 : i32
    %c0_i32_1 = arith.constant 0 : i32
    return %c0_i32, %arg0, %c0_i32_0 : i32, i32, i32
  }
  func.func @transform_1(%arg0: i32) -> (i32, i32) {
    %c0_i32 = arith.constant 0 : i32
    %c0_i32_0 = arith.constant 0 : i32
    return %arg0, %c0_i32 : i32, i32
  }
  func.func @transform_2(%arg0: i32) -> (i32, i32) {
    %c0_i32 = arith.constant 0 : i32
    %c0_i32_0 = arith.constant 0 : i32
    return %arg0, %c0_i32 : i32, i32
  }
  func.func @transform_3(%arg0: i32) -> (i32, i32) {
    %c0_i32 = arith.constant 0 : i32
    %c0_i32_0 = arith.constant 0 : i32
    return %arg0, %c0_i32 : i32, i32
  }
  func.func @transform_4(%arg0: i32) -> (i32, i32) {
    %c0_i32 = arith.constant 0 : i32
    %c0_i32_0 = arith.constant 0 : i32
    return %arg0, %c0_i32 : i32, i32
  }
  func.func @transform_5(%arg0: i32) -> (i32, i32) {
    %c0_i32 = arith.constant 0 : i32
    %c0_i32_0 = arith.constant 0 : i32
    return %arg0, %c0_i32 : i32, i32
  }
  func.func @transform_6(%arg0: i32) -> (i32, i32) {
    %c0_i32 = arith.constant 0 : i32
    %c0_i32_0 = arith.constant 0 : i32
    %c0_i32_1 = arith.constant 0 : i32
    return %c0_i32, %c0_i32_0 : i32, i32
  }
  func.func @transform_7(%arg0: i32) -> (i32, i32) {
    %c0_i32 = arith.constant 0 : i32
    %c0_i32_0 = arith.constant 0 : i32
    %c0_i32_1 = arith.constant 0 : i32
    return %c0_i32, %c0_i32_0 : i32, i32
  }
  func.func @transform_8(%arg0: i32) -> (i32, i32) {
    %c0_i32 = arith.constant 0 : i32
    %c0_i32_0 = arith.constant 0 : i32
    %c0_i32_1 = arith.constant 0 : i32
    return %c0_i32, %c0_i32_0 : i32, i32
  }
  func.func @transform_9(%arg0: i32) -> (i32, i32) {
    %c0_i32 = arith.constant 0 : i32
    %c0_i32_0 = arith.constant 0 : i32
    %c0_i32_1 = arith.constant 0 : i32
    return %c0_i32, %c0_i32_0 : i32, i32
  }
  func.func @transform_10(%arg0: i32) -> (i32, i32) {
    %c0_i32 = arith.constant 0 : i32
    %c0_i32_0 = arith.constant 0 : i32
    %c0_i32_1 = arith.constant 0 : i32
    return %c0_i32, %c0_i32_0 : i32, i32
  }
  func.func @transform_11(%arg0: i32) -> (i32, i32) {
    %c0_i32 = arith.constant 0 : i32
    %c0_i32_0 = arith.constant 0 : i32
    %c0_i32_1 = arith.constant 0 : i32
    return %c0_i32, %c0_i32_0 : i32, i32
  }
  func.func @transform_12(%arg0: i32) -> (i32, i32) {
    %c0_i32 = arith.constant 0 : i32
    %c0_i32_0 = arith.constant 0 : i32
    %c0_i32_1 = arith.constant 0 : i32
    return %c0_i32, %c0_i32_0 : i32, i32
  }
  func.func @transform_13(%arg0: i32) -> (i32, i32) {
    %c0_i32 = arith.constant 0 : i32
    %c0_i32_0 = arith.constant 0 : i32
    %c0_i32_1 = arith.constant 0 : i32
    return %c0_i32, %c0_i32_0 : i32, i32
  }
  func.func @transform_14(%arg0: i32) -> (i32, i32) {
    %c0_i32 = arith.constant 0 : i32
    %c0_i32_0 = arith.constant 0 : i32
    %c0_i32_1 = arith.constant 0 : i32
    return %c0_i32, %c0_i32_0 : i32, i32
  }
  func.func @transform_15(%arg0: i32) -> (i32, i32) {
    %c0_i32 = arith.constant 0 : i32
    %c0_i32_0 = arith.constant 0 : i32
    %c0_i32_1 = arith.constant 0 : i32
    return %c0_i32, %c0_i32_0 : i32, i32
  }
  func.func @transform_16(%arg0: i32) -> (i32, i32) {
    %c0_i32 = arith.constant 0 : i32
    %c0_i32_0 = arith.constant 0 : i32
    %c0_i32_1 = arith.constant 0 : i32
    return %c0_i32, %c0_i32_0 : i32, i32
  }
  func.func @transform_17(%arg0: i32) -> (i32, i32) {
    %c0_i32 = arith.constant 0 : i32
    %c0_i32_0 = arith.constant 0 : i32
    return %arg0, %c0_i32 : i32, i32
  }
}

</mosaic_0001>

<sc_bundles>
// kernel: kernel.10.cloned.1.call-start
scs
__scs_entry_jumppad:
0x0: {  	(pc) =	sbr.rel $0x88, $3  }
0x1: {  	(tag) =	ssettag $0x0;
	lr =	simm.s32 $0x1  }
0x2: {  	[smem:$0x3F90] =	sst lr;
	_ =	strace $0xD0000000  }
0x3: {  	_ = 	snop  }
0x4: {  	_ = 	snop  }
0x5: {  	_ = 	snop  }
0x6: {  	_ = 	snop  }
0x7: {  	_ = 	snop  }
__scs_overlays_trampoline_lowered:
0x8: {  	[smem:$0x3F9F] =	sst s0  }
0x9: {  	[smem:$0x3FA0] =	sst s1  }
0xa: {  	[smem:$0x3FA1] =	sst s2  }
0xb: {  	[smem:$0x3FA2] =	sst s3  }
0xc: {  	[smem:$0x3FA3] =	sst s4  }
0xd: {  	[smem:$0x3FA4] =	sst s5  }
0xe: {  	[smem:$0x3FA5] =	sst s6  }
0xf: {  	[smem:$0x3FA6] =	sst s7  }
0x10: {  	[smem:$0x3FA7] =	sst s8  }
0x11: {  	[smem:$0x3FA8] =	sst s9;
	s0 =	simm.s32 @!p0 $0x0  }
0x12: {  	s1 =	sld [smem:$0x3F8E];
	s0 =	simm.s32 @p0 $0x1  }
0x13: {  	[smem:$0x3FA9] =	sst s0;
	s0 =	simm.s32 @!p1 $0x0  }
0x14: {  	s2 =	sld [smem:$0x3F8D];
	s0 =	simm.s32 @p1 $0x1  }
0x15: {  	[smem:$0x3FAA] =	sst s0;
	s0 =	simm.s32 @!p2 $0x0  }
0x16: {  	s3 =	sld [smem:$0x3FDB];
	s0 =	simm.s32 @p2 $0x1  }
0x17: {  	s4 =	simm.s32 $0x1BF5;
	[smem:$0x3FAC] =	sst s0  }
0x18: {  	s0 =	sld [smem:$0x3F8F];
	_ =	swait.ge [sflag:s4], $0x0  }
0x19: {  	s7 =	sld [smem:$0x3F90]  }
0x1a: {  	s8 =	sadd.s32 $0xFFFFE003, lr  }
0x1b: {  	s9 =	sadd.s32 $0xFFFFFEF7, lr;
	s5 =	simm.s32 $0xFFFFFFFF;
	p2 =	slt.u32 s8, $0xFFFFF086  }
0x1c: {  	p1 =	slt.u32 s9, $0xF7A;
	s5 =	simm.s32 @!p2 $0x0  }
0x1d: {  	s5 =	simm.s32 @p1 $0x1;
	p0 =	seq.s32 s7, s2  }
0x1e: {  	s7 =	smul.u32 @!p0 $0xF7A, s2;
	p2 =	seq.s32 @!p0 s5, $0x0  }
0x1f: {  	s9 =	smul.u32 $0xF7A, s1;
	s8 =	simm.s32 @!p0 $0x1BF5;
	p2 =	por !p2, p0  }
0x20: {  	[sflag:s8] =	ssyncset.s32 @!p0 $0xFFFFF086;
	s6 =	sadd.s32 @!p0 s3, s7;
	s7 =	simm.s32 @!p0 $0x108  }
0x21: {  	s3 =	sadd.s32 s3, s9;
	s6 =	sadd.s32 @!p0 $0x88, s6;
	s7 =	simm.s32 @p2 $0x1082  }
0x22: {  	[simem:s7], [sflag:s8] =	dma.local @!p0 [hbm:s6], $0xF7A  }
0x23: {  	s9 =	sor.u32 $0xD0000000, s2;
	s6 =	simm.s32 $0x108;
	_ =	swait.ge @!p0 [sflag:s8], $0x0  }
0x24: {  	s3 =	sadd.s32 $0x88, s3;
	s6 =	simm.s32 @!p1 $0x1082;
	[sflag:s4] =	ssyncset.s32 $0xFFFFF086  }
0x25: {  	[simem:s6], [sflag:s4] =	dma.local [hbm:s3], $0xF7A  }
0x26: {  	[smem:$0x3F90] =	sst s1;
	(tag) =	ssettag s2;
	_ =	strace s9  }
0x27: {  	s1 =	sld [smem:$0x3FA0]  }
0x28: {  	s2 =	sld [smem:$0x3FA1]  }
0x29: {  	s4 =	sld [smem:$0x3FA3]  }
0x2a: {  	p0 =	seq.s32 s5, $0x0;
	s5 =	sld [smem:$0x3FA4]  }
0x2b: {  	s6 =	sld [smem:$0x3FA5]  }
0x2c: {  	s7 =	sld [smem:$0x3FA6]  }
0x2d: {  	s3 =	simm.s32 $0x108;
	s8 =	sld [smem:$0x3FA7]  }
0x2e: {  	s3 =	simm.s32 @!p0 $0x1082;
	s9 =	sld [smem:$0x3FA8]  }
0x2f: {  	lr =	sadd.s32 s0, s3;
	s0 =	sld [smem:$0x3F9F]  }
0x30: {  	s3 =	sld [smem:$0x3FA2]  }
0x31: {  	[smem:$0x3FAB] =	sst s10  }
0x32: {  	s10 =	sld [smem:$0x3FA9];
	_ =	sdelay $0x3  }
0x33: {  	p0 =	seq.s32 s10, $0x1;
	s10 =	sld [smem:$0x3FAB];
	_ =	sdelay $0x3  }
0x34: {  	[smem:$0x3FAB] =	sst s10  }
0x35: {  	s10 =	sld [smem:$0x3FAA];
	_ =	sdelay $0x3  }
0x36: {  	p1 =	seq.s32 s10, $0x1;
	s10 =	sld [smem:$0x3FAB];
	_ =	sdelay $0x3  }
0x37: {  	[smem:$0x3FAB] =	sst s10  }
0x38: {  	s10 =	sld [smem:$0x3FAC]  }
0x39: {  	_ = 	snop;
	(pc) =	sbr.ind lr, $3  }
0x3a: {  	_ = 	snop  }
0x3b: {  	_ = 	snop  }
0x3c: {  	p2 =	seq.s32 s10, $0x1;
	s10 =	sld [smem:$0x3FAB]  }
0x3d: {  	_ =	shalt  }
0x3e: {  	_ =	shalt  }
0x3f: {  	_ =	shalt  }
0x40: {  	_ =	shalt  }
0x41: {  	_ =	shalt  }
0x42: {  	_ =	shalt  }
0x43: {  	_ =	shalt  }
0x44: {  	_ =	shalt  }
0x45: {  	_ =	shalt  }
0x46: {  	_ =	shalt  }
0x47: {  	_ =	shalt  }
0x48: {  	_ =	shalt  }
0x49: {  	_ =	shalt  }
0x4a: {  	_ =	shalt  }
0x4b: {  	_ =	shalt  }
0x4c: {  	_ =	shalt  }
0x4d: {  	_ =	shalt  }
0x4e: {  	_ =	shalt  }
0x4f: {  	_ =	shalt  }
0x50: {  	_ =	shalt  }
0x51: {  	_ =	shalt  }
0x52: {  	_ =	shalt  }
0x53: {  	_ =	shalt  }
0x54: {  	_ =	shalt  }
0x55: {  	_ =	shalt  }
0x56: {  	_ =	shalt  }
0x57: {  	_ =	shalt  }
0x58: {  	_ =	shalt  }
0x59: {  	_ =	shalt  }
0x5a: {  	_ =	shalt  }
0x5b: {  	_ =	shalt  }
0x5c: {  	_ =	shalt  }
0x5d: {  	_ =	shalt  }
0x5e: {  	_ =	shalt  }
0x5f: {  	_ =	shalt  }
0x60: {  	_ =	shalt  }
0x61: {  	_ =	shalt  }
0x62: {  	_ =	shalt  }
0x63: {  	_ =	shalt  }
0x64: {  	_ =	shalt  }
0x65: {  	_ =	shalt  }
0x66: {  	_ =	shalt  }
0x67: {  	_ =	shalt  }
0x68: {  	_ =	shalt  }
0x69: {  	_ =	shalt  }
0x6a: {  	_ =	shalt  }
0x6b: {  	_ =	shalt  }
0x6c: {  	_ =	shalt  }
0x6d: {  	_ =	shalt  }
0x6e: {  	_ =	shalt  }
0x6f: {  	_ =	shalt  }
0x70: {  	_ =	shalt  }
0x71: {  	_ =	shalt  }
0x72: {  	_ =	shalt  }
0x73: {  	_ =	shalt  }
0x74: {  	_ =	shalt  }
0x75: {  	_ =	shalt  }
0x76: {  	_ =	shalt  }
0x77: {  	_ =	shalt  }
0x78: {  	_ =	shalt  }
0x79: {  	_ =	shalt  }
0x7a: {  	_ =	shalt  }
0x7b: {  	_ =	shalt  }
0x7c: {  	_ =	shalt  }
0x7d: {  	_ =	shalt  }
0x7e: {  	_ =	shalt  }
0x7f: {  	_ =	shalt  }
0x80: {  	_ =	shalt  }
0x81: {  	_ =	shalt  }
0x82: {  	_ =	shalt  }
0x83: {  	_ =	shalt  }
0x84: {  	_ =	shalt  }
0x85: {  	_ =	shalt  }
0x86: {  	_ =	shalt  }
0x87: {  	_ =	shalt  }
.Lfunc_end0:
.L_simem_size_0:
called_computation.1_lowered:
.L_overlay_start_0:
0x88: {  	s2 =	sld [smem:$0x3FD9]  }
0x89: {  	s3 =	sld [smem:$0x3FFE];
	_ =	sdelay $0x1  }
0x8a: {  	s1 =	srdreg.scid  }
0x8b: {  	s0 =	sand.u32 $0x1, s1  }
0x8c: {  	s17 =	sshll.u32 s0, $0xA;
	s2 =	sadd.s32 s3, s2  }
0x8d: {  	s2 =	sadd.s32 s2, s17  }
0x8e: {  	[smem:$0x3FB7] =	sst s2  }
0x8f: {  	_ = 	snop  }
0x90: {  	s2 =	sld [smem:$0x3FC4];
	(tm) =	ssettm $0x1  }
0x91: {  	s18 =	sld [smem:$0x3FFB];
	_ =	sdelay $0x3  }
0x92: {  	_ =	strace s18  }
0x93: {  	s3 =	sld [smem:$0x3FFC];
	_ =	sdelay $0x3  }
0x94: {  	_ =	strace s3  }
0x95: {  	s3 =	sld [smem:$0x3FFD];
	_ =	sdelay $0x3  }
0x96: {  	_ =	strace s3  }
0x97: {  	_ =	strace $0x8FFFFFFF  }
0x98: {  	s19 =	sld [smem:$0x3FDB];
	_ =	sdelay $0x1  }
0x99: {  	s4 =	simm.s32 $_scs_section_size  }
0x9a: {  	s5 =	simm.s32 $_size__tile_overlayer_lowered;
	s6 =	simm.s32 $_tile_overlayer_lowered  }
0x9b: {  	s22 =	simm.s32 $0x1BFF;
	s21 =	sshll.u32 s6, $0x1;
	s3 =	sadd.s32 s4, s19  }
0x9c: {  	s7 =	simm.s32 $0x0;
	s20 =	sshll.u32 s5, $0x1;
	s5 =	sadd.s32 s21, s3  }
0x9d: {  	[timem:s7], [sflag:s22] =	dma.local [hbm:s5], s20  }
0x9e: {  	_ =	swait.ge [sflag:s22], s20  }
0x9f: {  	s4 =	ssub.s32 $0x0, s20;
	[sflag:s22] =	ssyncset.done $0x0  }
0xa0: {  	[sflag:s22] =	ssyncadd.s32 s4;
	_ =	sdelay $0x1  }
0xa1: {  	s23 =	simm.s32 $0x1B8B  }
0xa2: {  	_ =	swait.ge [sflag:s23], $0x1  }
0xa3: {  	[sflag:s23] =	ssyncset.done $0x0  }
0xa4: {  	s25 =	simm.s32 $0x1B8E;
	s24 =	sld [smem:$0x3FFE];
	[sflag:s23] =	ssyncadd.s32 $0xFFFFFFFF  }
0xa5: {  	s26 =	simm.s32 $execute0_lowered;
	[smem:$0x3FD2] =	sst s25  }
0xa6: {  	s5 =	sshll.u32 s26, $0x1;
	_ =	strace $0x80000046;
	[dreg:$0x1] =	wrdreg $0xFFFFFFFF  }
0xa7: {  	s28 =	simm.s32 $_size_execute0_lowered;
	s3 =	sadd.s32 s3, s5;
	[dreg:$0x0] =	wrdreg $0x0  }
0xa8: {  	s5 =	sshll.u32 s28, $0x1;
	[dreg:$0x2] =	wrdreg s3  }
0xa9: {  	[dreg:$0x3] =	wrdreg s5  }
0xaa: {  	[dreg:$0x4] =	wrdreg $0xC0  }
0xab: {  	_ =	task [dreg:s7], $0x5FFFF  }
0xac: {  	[dreg:$0x1] =	wrdreg $0xFFFFFFFF  }
0xad: {  	[dreg:$0x0] =	wrdreg $0x60  }
0xae: {  	[dreg:$0x2] =	wrdreg s2  }
0xaf: {  	[dreg:$0x3] =	wrdreg s24  }
0xb0: {  	[dreg:$0x4] =	wrdreg $0xA  }
0xb1: {  	_ =	task.clear_ibuf [dreg:s7], $0x5FFFF;
	_ =	strace $0x90000046  }
0xb2: {  	s29 =	simm.s32 $0xA;
	_ =	strace $0x80000051  }
0xb3: {  	_ =	swait.ge [sflag:s29], $0x1  }
0xb4: {  	[sflag:s29] =	ssyncadd.s32 $0xFFFFFFFF  }
0xb5: {  	_ =	strace $0x90000051  }
0xb6: {  	_ =	sfence  }
0xb7: {  	s30 =	sld [smem:$0x0];
	_ =	sdelay $0x2  }
0xb8: {  	s31 =	sshll.u32 s1, $0xD;
	s1 =	sshrl.u32 s1, $0x2  }
0xb9: {  	s3 =	sand.u32 $0x4000, s31;
	s1 =	sadd.s32 s1, s30  }
0xba: {  	s0 =	sor.u32 s3, s0;
	s1 =	sshll.u32 s1, $0x11  }
0xbb: {  	s0 =	sor.u32 s1, s0  }
0xbc: {  	s0 =	sadd.s32 $0x8F2B, s0  }
0xbd: {  	[sflag:s0] =	ssyncadd.remote.s32 $0x1  }
0xbe: {  	_ =	sfence.sel $0xFFFF  }
0xbf: {  	[dreg:$0x0] =	wrdreg $0xFFFFFFFF;
	(pc) =	sbr.abs _section_cstart, $3  }
0xc0: {  	[dreg:$0x1] =	wrdreg $0xFFFFFFFF  }
0xc1: {  	_ =	task.clear_ibuf [dreg:s7], $0x2FFFF;
	_ =	strace $0x9FFFFFFF  }
0xc2: {  	(tm) =	ssettm $0x7FFFFFFF  }
0xc3: {  	_ =	shalt  }
tec
execute0_lowered:
.L_overlay_start_1:
0x0: {  	(tag) =	ssettag $0x1  }
0x1: {  	s1 =	rddreg [dreg:$0x0]  }
0x2: {  	s2 =	rddreg [dreg:$0x1]  }
0x3: {  	s0 =	rddreg [dreg:$0x2]  }
0x4: {  	s3 =	simm.s32 $0x0;
	s4 =	srdreg.scid;
	s12 =	simm.s32 $0x7  }
0x5: {  	s13 =	simm.s32 $0x0;
	[smem:$0x7FF] =	sst s3;
	s5 =	sadd.s32 $0x800, s2  }
0x6: {  	s6 =	sand.u32 $0x1, s4;
	s4 =	stileid.u32;
	_ =	strace $0x80000047  }
0x7: {  	s8 =	ssub.s32 $0x2, s6;
	s7 =	sshll.u32 s6, $0x4;
	s6 =	sadd.s32 $0x27A00, s2  }
0x8: {  	s9 =	sshrl.u32 s8, $0x1;
	s10 =	sor.u32 s4, s7;
	s7 =	sadd.s32 $0x67A00, s2  }
0x9: {  	s11 =	ssub.s32 s8, s9;
	s31 =	sshll.u32 s10, $0x6;
	s8 =	sshll.u32 s10, $0x2  }
0xa: {  	s9 =	sadd.s32 s2, s31;
	s10 =	smax.u32 s11, $0x1;
	s11 =	simm.s32 $0x80  }
.LBB2_1:
0xb: {  	_ =	strace $0x80000048  }
0xc: {  	s15 =	simm.s32 $0x4;
	s22 =	simm.s32 $0x0;
	s14 =	simm.s32 $0x0  }
0xd: {  	s16 =	simm.s32 $0x0;
	s20 =	simm.s32 $0x0;
	s17 =	simm.s32 $0x0  }
0xe: {  	[tilespmem:s3], [sflag:$0x1] =	stream.linear.gather [hbm4b:s9+s3], $0x80, $0x200038;
	[tilespmem:$0x10100] =	vst v63  }
0xf: {  	s18 =	simm.s32 $0x0;
	s19 =	simm.s32 $0x1;
	_ =	strace $0x90000048  }
.LBB2_2:
0x10: {  	s21 =	sadd.s32 $0x1, s22  }
0x11: {  	p0 =	seq.s32 s21, $0x4  }
0x12: {  	s21 =	simm.s32 @p0 $0x0  }
0x13: {  	p1 =	sne.s32 s15, $0x1;
	p0 =	sne.s32 s22, s21  }
0x14: {  	p0 =	por !p1, !p0  }
0x15: {  	p0 =	por !p0, !p0  }
0x16: {  	s23 =	sadd.s32 @p0 s8, s21  }
0x17: {  	s24 =	sand.u32 @p0 $0x1, s19;
	s23 =	sshll.u32 @p0 s23, $0x4  }
0x18: {  	_ =	strace @p0 $0x80000049;
	s26 =	simm.s32 @p0 $0x0;
	s23 =	sand.u32 @p0 $0x1FFFFFF0, s23  }
0x19: {  	s25 =	sshll.u32 @p0 s24, $0x7;
	s24 =	sadd.s32 @p0 $0x1, s24;
	s23 =	sadd.s32 @p0 s2, s23  }
0x1a: {  	[tilespmem:s25], [sflag:s24] =	stream.linear.gather @p0 [hbm4b:s23+s26], $0x80, $0x200038;
	[tilespmem:$0x10100] =	vst v63  }
0x1b: {  	s28 =	sand.u32 $0x1, s18;
	_ =	strace @p0 $0x90000049  }
0x1c: {  	s23 =	sadd.s32 $0x1, s28;
	_ =	strace $0x8000004A  }
0x1d: {  	_ =	swait.ge [sflag:s23], $0x80  }
0x1e: {  	[sflag:s23] =	ssyncset.done $0x0  }
0x1f: {  	s24 =	sand.u32 $0x1, s17;
	[sflag:s23] =	ssyncadd.s32 $0xFFFFFF80  }
0x20: {  	s30 =	sshll.u32 s18, $0x7;
	s29 =	sshll.u32 s24, $0xE;
	_ =	strace $0x9000004A  }
0x21: {  	s31 =	sand.u32 $0x80, s30;
	s26 =	sor.u32 $0x100, s29;
	_ =	strace $0x8000004B  }
0x22: {  	[tilespmem:s26], [sflag:$0x7] =	stream.indirect.gather [hbm4b:s1+s11], $0x80, s31, s11, $0x2000b8;
	[tilespmem:$0x10100] =	vst v63  }
0x23: {  	s25 =	sand.u32 $0x1, s16;
	_ =	swait.ge [sflag:s12], $0x4000  }
0x24: {  	p1 =	seq.s32 s15, $0x1;
	s28 =	sshll.u32 s25, $0xE;
	[sflag:s12] =	ssyncset.done $0x0  }
0x25: {  	p2 =	seq.s32 @!p1 s22, s21;
	s28 =	sor.u32 $0x8100, s28;
	[sflag:s12] =	ssyncadd.s32 $0xFFFFC000  }
0x26: {  	[tilespmem:s28], [sflag:$0x7] =	stream.indirect.gather [hbm4b:s5+s11], $0x80, s31, s11, $0x2000b8;
	[tilespmem:$0x10100] =	vst v63  }
0x27: {  	p1 =	por p1, !p2;
	_ =	swait.ge [sflag:s12], $0x4000  }
0x28: {  	s22 =	sadd.s32 @p1 s8, s22;
	[sflag:s12] =	ssyncset.done $0x0  }
0x29: {  	s22 =	sshll.u32 @p1 s22, $0xB;
	[sflag:s12] =	ssyncadd.s32 $0xFFFFC000  }
0x2a: {  	s22 =	sand.u32 @p1 $0x1FFFF800, s22;
	s23 =	simm.s32 $0x0;
	_ =	strace $0x9000004B  }
0x2b: {  	s23 =	sadd.s32 @p1 $0x3, s24;
	s24 =	sadd.s32 @p1 s6, s22;
	_ =	strace @p1 $0x8000004C  }
0x2c: {  	[hbm4b:s24+s3] =	stream.linear.scatter @p1 [tilespmem:s26], [sflag:s23], $0x4000, $0x200038;
	[tilespmem:$0x10100] =	vst v63  }
0x2d: {  	s17 =	sadd.s32 @p1 $0x1, s17;
	_ =	strace @p1 $0x9000004C  }
0x2e: {  	s22 =	sadd.s32 @p1 s7, s22;
	s23 =	sadd.s32 @p1 $0x5, s25;
	_ =	strace @p1 $0x8000004D  }
0x2f: {  	[hbm4b:s22+s3] =	stream.linear.scatter @p1 [tilespmem:s28], [sflag:s23], $0x4000, $0x200038;
	[tilespmem:$0x10100] =	vst v63  }
0x30: {  	s23 =	simm.s32 @p1 $0x1;
	_ =	strace @p1 $0x9000004D;
	p1 =	seq.s32 s15, $0x4  }
0x31: {  	s22 =	sand.u32 @!p1 $0x1, s20  }
0x32: {  	_ =	strace @!p1 $0x8000004E;
	s22 =	sadd.s32 @!p1 $0x3, s22  }
0x33: {  	_ =	swait.ge @!p1 [sflag:s22], $0x4000  }
0x34: {  	s24 =	simm.s32 $0x1;
	[sflag:s22] =	ssyncset.done @!p1 $0x0  }
0x35: {  	s24 =	simm.s32 @!p0 $0x0;
	[sflag:s22] =	ssyncadd.s32 @!p1 $0xFFFFC000  }
0x36: {  	s15 =	sadd.s32 $0xFFFFFFFF, s15;
	s22 =	sand.u32 @!p1 $0x1, s14;
	_ =	strace @!p1 $0x9000004E  }
0x37: {  	p0 =	sne.s32 s15, $0x0;
	s22 =	sadd.s32 @!p1 $0x5, s22;
	_ =	strace @!p1 $0x8000004F  }
.Ltmp0:
0x38: {  	s19 =	sadd.s32 s24, s19;
	_ =	swait.ge @!p1 [sflag:s22], $0x4000;
	(pc) =	sbr.rel @p0 .LBB2_2-.Ltmp0, $4  }
0x39: {  	s16 =	sadd.s32 s16, s23;
	s24 =	sadd.s32 @!p1 $0x1, s20;
	[sflag:s22] =	ssyncset.done @!p1 $0x0  }
0x3a: {  	s24 =	smov.u32 @p1 s20;
	[sflag:s22] =	ssyncadd.s32 @!p1 $0xFFFFC000;
	s22 =	simm.s32 @!p1 $0x1  }
0x3b: {  	s18 =	sadd.s32 s18, s23;
	s20 =	smov.u32 s24;
	s22 =	simm.s32 @p1 $0x0  }
0x3c: {  	_ =	strace @!p1 $0x9000004F;
	s14 =	sadd.s32 s14, s22;
	s22 =	smov.u32 s21  }
0x3d: {  	s15 =	sand.u32 $0x1, s24  }
0x3e: {  	_ =	strace $0x80000050;
	s15 =	sadd.s32 $0x3, s15  }
0x3f: {  	s13 =	sadd.s32 $0x1, s13;
	_ =	swait.ge [sflag:s15], $0x4000  }
0x40: {  	s14 =	sand.u32 $0x1, s14;
	p0 =	sne.s32 s13, s10;
	[sflag:s15] =	ssyncset.done $0x0  }
.Ltmp1:
0x41: {  	s14 =	sadd.s32 $0x5, s14;
	[sflag:s15] =	ssyncadd.s32 $0xFFFFC000;
	(pc) =	sbr.rel @p0 .LBB2_1-.Ltmp1, $4  }
0x42: {  	_ =	swait.ge [sflag:s14], $0x4000  }
0x43: {  	[sflag:s14] =	ssyncset.done $0x0  }
0x44: {  	[sflag:s14] =	ssyncadd.s32 $0xFFFFC000  }
0x45: {  	_ =	strace $0x90000050  }
0x46: {  	_ =	sfence.sel $0x180000  }
0x47: {  	[bflag:$0x0] =	sbarrier.arrive $0xFFFF  }
0x48: {  	p0 =	sne.s32 s4, $0x0;
	_ =	strace $0x90000047  }
0x49: {  	s0 =	sadd.s32 @!p0 $0x100000, s0;
	[bflag:$0x2] =	sbarrier.arrive $0xFFFF  }
0x4a: {  	[sflag:s0] =	ssyncadd.tile.s32 @!p0 $0x1;
	_ =	shalt  }
.Lfunc_end2:
_tile_overlayer_lowered:
.L_overlay_start_2:
0x4b: {  	(tag) =	ssettag $0x2  }
0x4c: {  	s0 =	rddreg [dreg:$0x0];
	s2 =	stileid.u32  }
0x4d: {  	s1 =	rddreg [dreg:$0x1];
	p0 =	sne.s32 s2, $0x0  }
0x4e: {  	s3 =	rddreg [dreg:$0x2];
	[bflag:$0x3] =	sbarrier.arrive $0xFFFF;
	s2 =	simm.s32 @!p0 $0x1C01  }
0x4f: {  	[timem:s3], [sflag:s2] =	dma.local @!p0 [hbm:s0], s1  }
0x50: {  	s0 =	simm.s32 @!p0 $0x1  }
0x51: {  	_ =	swait.ge @!p0 [sflag:s0], s1  }
0x52: {  	s1 =	ssub.s32 @!p0 $0x0, s1;
	[sflag:s0] =	ssyncset.done @!p0 $0x0  }
0x53: {  	[sflag:s0] =	ssyncadd.s32 @!p0 s1  }
0x54: {  	[bflag:$0x3] =	sbarrier.arrive $0xFFFF  }
0x55: {  	_ =	shalt  }

// kernel: kernel.7.cloned.1.call-start
scs
__scs_entry_jumppad:
0x0: {  	(pc) =	sbr.rel $0x88, $3  }
0x1: {  	(tag) =	ssettag $0x0;
	lr =	simm.s32 $0x1  }
0x2: {  	[smem:$0x3F90] =	sst lr;
	_ =	strace $0xD0000000  }
0x3: {  	_ = 	snop  }
0x4: {  	_ = 	snop  }
0x5: {  	_ = 	snop  }
0x6: {  	_ = 	snop  }
0x7: {  	_ = 	snop  }
__scs_overlays_trampoline_lowered:
0x8: {  	[smem:$0x3F9F] =	sst s0  }
0x9: {  	[smem:$0x3FA0] =	sst s1  }
0xa: {  	[smem:$0x3FA1] =	sst s2  }
0xb: {  	[smem:$0x3FA2] =	sst s3  }
0xc: {  	[smem:$0x3FA3] =	sst s4  }
0xd: {  	[smem:$0x3FA4] =	sst s5  }
0xe: {  	[smem:$0x3FA5] =	sst s6  }
0xf: {  	[smem:$0x3FA6] =	sst s7  }
0x10: {  	[smem:$0x3FA7] =	sst s8  }
0x11: {  	[smem:$0x3FA8] =	sst s9;
	s0 =	simm.s32 @!p0 $0x0  }
0x12: {  	s1 =	sld [smem:$0x3F8E];
	s0 =	simm.s32 @p0 $0x1  }
0x13: {  	[smem:$0x3FA9] =	sst s0;
	s0 =	simm.s32 @!p1 $0x0  }
0x14: {  	s2 =	sld [smem:$0x3F8D];
	s0 =	simm.s32 @p1 $0x1  }
0x15: {  	[smem:$0x3FAA] =	sst s0;
	s0 =	simm.s32 @!p2 $0x0  }
0x16: {  	s3 =	sld [smem:$0x3FDB];
	s0 =	simm.s32 @p2 $0x1  }
0x17: {  	s4 =	simm.s32 $0x1BF5;
	[smem:$0x3FAC] =	sst s0  }
0x18: {  	s0 =	sld [smem:$0x3F8F];
	_ =	swait.ge [sflag:s4], $0x0  }
0x19: {  	s7 =	sld [smem:$0x3F90]  }
0x1a: {  	s8 =	sadd.s32 $0xFFFFE003, lr  }
0x1b: {  	s9 =	sadd.s32 $0xFFFFFEF7, lr;
	s5 =	simm.s32 $0xFFFFFFFF;
	p2 =	slt.u32 s8, $0xFFFFF086  }
0x1c: {  	p1 =	slt.u32 s9, $0xF7A;
	s5 =	simm.s32 @!p2 $0x0  }
0x1d: {  	s5 =	simm.s32 @p1 $0x1;
	p0 =	seq.s32 s7, s2  }
0x1e: {  	s7 =	smul.u32 @!p0 $0xF7A, s2;
	p2 =	seq.s32 @!p0 s5, $0x0  }
0x1f: {  	s9 =	smul.u32 $0xF7A, s1;
	s8 =	simm.s32 @!p0 $0x1BF5;
	p2 =	por !p2, p0  }
0x20: {  	[sflag:s8] =	ssyncset.s32 @!p0 $0xFFFFF086;
	s6 =	sadd.s32 @!p0 s3, s7;
	s7 =	simm.s32 @!p0 $0x108  }
0x21: {  	s3 =	sadd.s32 s3, s9;
	s6 =	sadd.s32 @!p0 $0x88, s6;
	s7 =	simm.s32 @p2 $0x1082  }
0x22: {  	[simem:s7], [sflag:s8] =	dma.local @!p0 [hbm:s6], $0xF7A  }
0x23: {  	s9 =	sor.u32 $0xD0000000, s2;
	s6 =	simm.s32 $0x108;
	_ =	swait.ge @!p0 [sflag:s8], $0x0  }
0x24: {  	s3 =	sadd.s32 $0x88, s3;
	s6 =	simm.s32 @!p1 $0x1082;
	[sflag:s4] =	ssyncset.s32 $0xFFFFF086  }
0x25: {  	[simem:s6], [sflag:s4] =	dma.local [hbm:s3], $0xF7A  }
0x26: {  	[smem:$0x3F90] =	sst s1;
	(tag) =	ssettag s2;
	_ =	strace s9  }
0x27: {  	s1 =	sld [smem:$0x3FA0]  }
0x28: {  	s2 =	sld [smem:$0x3FA1]  }
0x29: {  	s4 =	sld [smem:$0x3FA3]  }
0x2a: {  	p0 =	seq.s32 s5, $0x0;
	s5 =	sld [smem:$0x3FA4]  }
0x2b: {  	s6 =	sld [smem:$0x3FA5]  }
0x2c: {  	s7 =	sld [smem:$0x3FA6]  }
0x2d: {  	s3 =	simm.s32 $0x108;
	s8 =	sld [smem:$0x3FA7]  }
0x2e: {  	s3 =	simm.s32 @!p0 $0x1082;
	s9 =	sld [smem:$0x3FA8]  }
0x2f: {  	lr =	sadd.s32 s0, s3;
	s0 =	sld [smem:$0x3F9F]  }
0x30: {  	s3 =	sld [smem:$0x3FA2]  }
0x31: {  	[smem:$0x3FAB] =	sst s10  }
0x32: {  	s10 =	sld [smem:$0x3FA9];
	_ =	sdelay $0x3  }
0x33: {  	p0 =	seq.s32 s10, $0x1;
	s10 =	sld [smem:$0x3FAB];
	_ =	sdelay $0x3  }
0x34: {  	[smem:$0x3FAB] =	sst s10  }
0x35: {  	s10 =	sld [smem:$0x3FAA];
	_ =	sdelay $0x3  }
0x36: {  	p1 =	seq.s32 s10, $0x1;
	s10 =	sld [smem:$0x3FAB];
	_ =	sdelay $0x3  }
0x37: {  	[smem:$0x3FAB] =	sst s10  }
0x38: {  	s10 =	sld [smem:$0x3FAC]  }
0x39: {  	_ = 	snop;
	(pc) =	sbr.ind lr, $3  }
0x3a: {  	_ = 	snop  }
0x3b: {  	_ = 	snop  }
0x3c: {  	p2 =	seq.s32 s10, $0x1;
	s10 =	sld [smem:$0x3FAB]  }
0x3d: {  	_ =	shalt  }
0x3e: {  	_ =	shalt  }
0x3f: {  	_ =	shalt  }
0x40: {  	_ =	shalt  }
0x41: {  	_ =	shalt  }
0x42: {  	_ =	shalt  }
0x43: {  	_ =	shalt  }
0x44: {  	_ =	shalt  }
0x45: {  	_ =	shalt  }
0x46: {  	_ =	shalt  }
0x47: {  	_ =	shalt  }
0x48: {  	_ =	shalt  }
0x49: {  	_ =	shalt  }
0x4a: {  	_ =	shalt  }
0x4b: {  	_ =	shalt  }
0x4c: {  	_ =	shalt  }
0x4d: {  	_ =	shalt  }
0x4e: {  	_ =	shalt  }
0x4f: {  	_ =	shalt  }
0x50: {  	_ =	shalt  }
0x51: {  	_ =	shalt  }
0x52: {  	_ =	shalt  }
0x53: {  	_ =	shalt  }
0x54: {  	_ =	shalt  }
0x55: {  	_ =	shalt  }
0x56: {  	_ =	shalt  }
0x57: {  	_ =	shalt  }
0x58: {  	_ =	shalt  }
0x59: {  	_ =	shalt  }
0x5a: {  	_ =	shalt  }
0x5b: {  	_ =	shalt  }
0x5c: {  	_ =	shalt  }
0x5d: {  	_ =	shalt  }
0x5e: {  	_ =	shalt  }
0x5f: {  	_ =	shalt  }
0x60: {  	_ =	shalt  }
0x61: {  	_ =	shalt  }
0x62: {  	_ =	shalt  }
0x63: {  	_ =	shalt  }
0x64: {  	_ =	shalt  }
0x65: {  	_ =	shalt  }
0x66: {  	_ =	shalt  }
0x67: {  	_ =	shalt  }
0x68: {  	_ =	shalt  }
0x69: {  	_ =	shalt  }
0x6a: {  	_ =	shalt  }
0x6b: {  	_ =	shalt  }
0x6c: {  	_ =	shalt  }
0x6d: {  	_ =	shalt  }
0x6e: {  	_ =	shalt  }
0x6f: {  	_ =	shalt  }
0x70: {  	_ =	shalt  }
0x71: {  	_ =	shalt  }
0x72: {  	_ =	shalt  }
0x73: {  	_ =	shalt  }
0x74: {  	_ =	shalt  }
0x75: {  	_ =	shalt  }
0x76: {  	_ =	shalt  }
0x77: {  	_ =	shalt  }
0x78: {  	_ =	shalt  }
0x79: {  	_ =	shalt  }
0x7a: {  	_ =	shalt  }
0x7b: {  	_ =	shalt  }
0x7c: {  	_ =	shalt  }
0x7d: {  	_ =	shalt  }
0x7e: {  	_ =	shalt  }
0x7f: {  	_ =	shalt  }
0x80: {  	_ =	shalt  }
0x81: {  	_ =	shalt  }
0x82: {  	_ =	shalt  }
0x83: {  	_ =	shalt  }
0x84: {  	_ =	shalt  }
0x85: {  	_ =	shalt  }
0x86: {  	_ =	shalt  }
0x87: {  	_ =	shalt  }
.Lfunc_end0:
.L_simem_size_0:
called_computation_lowered:
.L_overlay_start_0:
0x88: {  	s2 =	sld [smem:$0x3FD9]  }
0x89: {  	s3 =	sld [smem:$0x3FFE];
	_ =	sdelay $0x1  }
0x8a: {  	s1 =	srdreg.scid  }
0x8b: {  	s0 =	sand.u32 $0x1, s1  }
0x8c: {  	s17 =	sshll.u32 s0, $0xA;
	s2 =	sadd.s32 s3, s2  }
0x8d: {  	s2 =	sadd.s32 s2, s17  }
0x8e: {  	[smem:$0x3FB7] =	sst s2  }
0x8f: {  	_ = 	snop  }
0x90: {  	s18 =	sld [smem:$0x3FC6];
	(tm) =	ssettm $0x1  }
0x91: {  	s19 =	sld [smem:$0x3FFB];
	_ =	sdelay $0x3  }
0x92: {  	_ =	strace s19  }
0x93: {  	s2 =	sld [smem:$0x3FFC];
	_ =	sdelay $0x3  }
0x94: {  	_ =	strace s2  }
0x95: {  	s2 =	sld [smem:$0x3FFD];
	_ =	sdelay $0x3  }
0x96: {  	_ =	strace s2  }
0x97: {  	_ =	strace $0x8FFFFFFF  }
0x98: {  	s20 =	sld [smem:$0x3FDB];
	_ =	sdelay $0x1  }
0x99: {  	s4 =	simm.s32 $_scs_section_size  }
0x9a: {  	s5 =	simm.s32 $_size__tile_overlayer_lowered;
	s6 =	simm.s32 $_tile_overlayer_lowered  }
0x9b: {  	s7 =	simm.s32 $0x1BFF;
	s21 =	sshll.u32 s6, $0x1;
	s4 =	sadd.s32 s4, s20  }
0x9c: {  	s22 =	simm.s32 $0x0;
	s5 =	sshll.u32 s5, $0x1;
	s6 =	sadd.s32 s21, s4  }
0x9d: {  	[timem:s22], [sflag:s7] =	dma.local [hbm:s6], s5  }
0x9e: {  	_ =	swait.ge [sflag:s7], s5  }
0x9f: {  	s5 =	ssub.s32 $0x0, s5;
	[sflag:s7] =	ssyncset.done $0x0  }
0xa0: {  	[sflag:s7] =	ssyncadd.s32 s5;
	_ =	sdelay $0x1  }
0xa1: {  	s23 =	simm.s32 $0x1B8B  }
0xa2: {  	_ =	swait.ge [sflag:s23], $0x1  }
0xa3: {  	[sflag:s23] =	ssyncset.done $0x0  }
0xa4: {  	[sflag:s23] =	ssyncadd.s32 $0xFFFFFFFF  }
0xa5: {  	s5 =	sld [smem:$0x0]  }
0xa6: {  	s6 =	sand.u32 $0xFFFFFFFE, s1  }
0xa7: {  	p0 =	sne.s32 s1, s6  }
0xa8: {  	s6 =	sshll.u32 @p0 s6, $0xE  }
0xa9: {  	s6 =	sadd.s32 @p0 $0x11B8D, s6;
	s7 =	sshll.u32 @p0 s5, $0x11  }
0xaa: {  	s6 =	sor.u32 @p0 s7, s6  }
0xab: {  	[sflag:s6] =	ssyncadd.remote.s32 @p0 $0x1;
	_ =	sdelay $0x1  }
0xac: {  	s6 =	simm.s32 @p0 $0x1B8D  }
0xad: {  	_ =	swait.eq @p0 [sflag:s6], $0x1  }
0xae: {  	[sflag:s6] =	ssyncadd.s32 @p0 $0xFFFFFFFF  }
0xaf: {  	s7 =	sshll.u32 @!p0 s1, $0xE  }
0xb0: {  	s7 =	sor.u32 @!p0 $0x4000, s7;
	s6 =	simm.s32 @!p0 $0x1B8D  }
0xb1: {  	s5 =	sshll.u32 @!p0 s5, $0x11;
	s7 =	sadd.s32 @!p0 $0x11B8D, s7;
	_ =	swait.eq @!p0 [sflag:s6], $0x1  }
0xb2: {  	s5 =	sor.u32 @!p0 s5, s7;
	[sflag:s6] =	ssyncadd.s32 @!p0 $0xFFFFFFFF  }
0xb3: {  	s25 =	simm.s32 $0x1B8E;
	s24 =	sld [smem:$0x3FFE];
	[sflag:s5] =	ssyncadd.remote.s32 @!p0 $0x1  }
0xb4: {  	s26 =	simm.s32 $execute0_lowered;
	[smem:$0x3FD2] =	sst s25  }
0xb5: {  	s6 =	sshll.u32 s26, $0x1;
	_ =	strace $0x80000052;
	[dreg:$0x1] =	wrdreg $0xFFFFFFFF  }
0xb6: {  	s28 =	simm.s32 $_size_execute0_lowered;
	s4 =	sadd.s32 s4, s6;
	[dreg:$0x0] =	wrdreg $0x0  }
0xb7: {  	s6 =	sshll.u32 s28, $0x1;
	[dreg:$0x2] =	wrdreg s4  }
0xb8: {  	[dreg:$0x3] =	wrdreg s6  }
0xb9: {  	[dreg:$0x4] =	wrdreg $0xC0  }
0xba: {  	_ =	task [dreg:s22], $0x5FFFF  }
0xbb: {  	[dreg:$0x1] =	wrdreg $0xFFFFFFFF  }
0xbc: {  	[dreg:$0x0] =	wrdreg $0x60  }
0xbd: {  	[dreg:$0x2] =	wrdreg s18  }
0xbe: {  	[dreg:$0x3] =	wrdreg s24  }
0xbf: {  	[dreg:$0x4] =	wrdreg $0x9  }
0xc0: {  	_ =	task.clear_ibuf [dreg:s22], $0x5FFFF;
	_ =	strace $0x90000052  }
0xc1: {  	s29 =	simm.s32 $0x9;
	_ =	strace $0x8000005D  }
0xc2: {  	_ =	swait.ge [sflag:s29], $0x1  }
0xc3: {  	[sflag:s29] =	ssyncadd.s32 $0xFFFFFFFF  }
0xc4: {  	_ =	strace $0x9000005D  }
0xc5: {  	_ =	sfence  }
0xc6: {  	s30 =	sld [smem:$0x0];
	_ =	sdelay $0x2  }
0xc7: {  	s31 =	sshll.u32 s1, $0xD;
	s1 =	sshrl.u32 s1, $0x2  }
0xc8: {  	s4 =	sand.u32 $0x4000, s31;
	s1 =	sadd.s32 s1, s30  }
0xc9: {  	s0 =	sor.u32 s4, s0;
	s1 =	sshll.u32 s1, $0x11  }
0xca: {  	s0 =	sor.u32 s1, s0  }
0xcb: {  	s0 =	sadd.s32 $0x8F2B, s0  }
0xcc: {  	[sflag:s0] =	ssyncadd.remote.s32 $0x1  }
0xcd: {  	_ =	sfence.sel $0xFFFF  }
0xce: {  	[dreg:$0x0] =	wrdreg $0xFFFFFFFF;
	(pc) =	sbr.abs _section_cstart, $3  }
0xcf: {  	[dreg:$0x1] =	wrdreg $0xFFFFFFFF  }
0xd0: {  	_ =	task.clear_ibuf [dreg:s22], $0x2FFFF;
	_ =	strace $0x9FFFFFFF  }
0xd1: {  	(tm) =	ssettm $0x7FFFFFFF  }
tec
execute0_lowered:
.L_overlay_start_1:
0x0: {  	(tag) =	ssettag $0x1  }
0x1: {  	s1 =	rddreg [dreg:$0x0]  }
0x2: {  	s7 =	rddreg [dreg:$0x1]  }
0x3: {  	s0 =	rddreg [dreg:$0x2];
	s2 =	simm.s32 $0x0  }
0x4: {  	s3 =	srdreg.scid;
	s12 =	simm.s32 $0x7;
	s13 =	simm.s32 $0x0  }
0x5: {  	[smem:$0x7FF] =	sst s2;
	s4 =	sadd.s32 $0xA8200, s7;
	s5 =	sadd.s32 $0xA7A00, s7  }
0x6: {  	s6 =	sand.u32 $0x1, s3;
	s3 =	stileid.u32;
	_ =	strace $0x80000053  }
0x7: {  	s8 =	ssub.s32 $0x2, s6;
	s9 =	sshll.u32 s6, $0x4;
	s6 =	sadd.s32 $0xCF400, s7  }
0x8: {  	s7 =	sadd.s32 $0x10F400, s7;
	s10 =	sshrl.u32 s8, $0x1;
	s9 =	sor.u32 s3, s9  }
0x9: {  	s10 =	ssub.s32 s8, s10;
	s11 =	sshll.u32 s9, $0x6;
	s8 =	sshll.u32 s9, $0x2  }
0xa: {  	s9 =	sadd.s32 s5, s11;
	s10 =	smax.u32 s10, $0x1;
	s11 =	simm.s32 $0x80  }
.LBB2_1:
0xb: {  	_ =	strace $0x80000054  }
0xc: {  	s15 =	simm.s32 $0x4;
	s22 =	simm.s32 $0x0;
	s14 =	simm.s32 $0x0  }
0xd: {  	s16 =	simm.s32 $0x0;
	s20 =	simm.s32 $0x0;
	s17 =	simm.s32 $0x0  }
0xe: {  	[tilespmem:s2], [sflag:$0x1] =	stream.linear.gather [hbm4b:s9+s2], $0x80, $0x200038;
	[tilespmem:$0x10100] =	vst v63  }
0xf: {  	s18 =	simm.s32 $0x0;
	s19 =	simm.s32 $0x1;
	_ =	strace $0x90000054  }
.LBB2_2:
0x10: {  	s21 =	sadd.s32 $0x1, s22  }
0x11: {  	p0 =	seq.s32 s21, $0x4  }
0x12: {  	s21 =	simm.s32 @p0 $0x0  }
0x13: {  	p1 =	sne.s32 s15, $0x1;
	p0 =	sne.s32 s22, s21  }
0x14: {  	p0 =	por !p1, !p0  }
0x15: {  	p0 =	por !p0, !p0  }
0x16: {  	s23 =	sadd.s32 @p0 s8, s21  }
0x17: {  	s24 =	sand.u32 @p0 $0x1, s19;
	s23 =	sshll.u32 @p0 s23, $0x4  }
0x18: {  	_ =	strace @p0 $0x80000055;
	s26 =	simm.s32 @p0 $0x0;
	s23 =	sand.u32 @p0 $0x1FFFFFF0, s23  }
0x19: {  	s25 =	sshll.u32 @p0 s24, $0x7;
	s24 =	sadd.s32 @p0 $0x1, s24;
	s23 =	sadd.s32 @p0 s5, s23  }
0x1a: {  	[tilespmem:s25], [sflag:s24] =	stream.linear.gather @p0 [hbm4b:s23+s26], $0x80, $0x200038;
	[tilespmem:$0x10100] =	vst v63  }
0x1b: {  	s28 =	sand.u32 $0x1, s18;
	_ =	strace @p0 $0x90000055  }
0x1c: {  	s23 =	sadd.s32 $0x1, s28;
	_ =	strace $0x80000056  }
0x1d: {  	_ =	swait.ge [sflag:s23], $0x80  }
0x1e: {  	[sflag:s23] =	ssyncset.done $0x0  }
0x1f: {  	s24 =	sand.u32 $0x1, s17;
	[sflag:s23] =	ssyncadd.s32 $0xFFFFFF80  }
0x20: {  	s30 =	sshll.u32 s18, $0x7;
	s29 =	sshll.u32 s24, $0xE;
	_ =	strace $0x90000056  }
0x21: {  	s31 =	sand.u32 $0x80, s30;
	s26 =	sor.u32 $0x100, s29;
	_ =	strace $0x80000057  }
0x22: {  	[tilespmem:s26], [sflag:$0x7] =	stream.indirect.gather [hbm4b:s1+s11], $0x80, s31, s11, $0x2000b8;
	[tilespmem:$0x10100] =	vst v63  }
0x23: {  	s25 =	sand.u32 $0x1, s16;
	_ =	swait.ge [sflag:s12], $0x4000  }
0x24: {  	p1 =	seq.s32 s15, $0x1;
	s28 =	sshll.u32 s25, $0xE;
	[sflag:s12] =	ssyncset.done $0x0  }
0x25: {  	p2 =	seq.s32 @!p1 s22, s21;
	s28 =	sor.u32 $0x8100, s28;
	[sflag:s12] =	ssyncadd.s32 $0xFFFFC000  }
0x26: {  	[tilespmem:s28], [sflag:$0x7] =	stream.indirect.gather [hbm4b:s4+s11], $0x80, s31, s11, $0x2000b8;
	[tilespmem:$0x10100] =	vst v63  }
0x27: {  	p1 =	por p1, !p2;
	_ =	swait.ge [sflag:s12], $0x4000  }
0x28: {  	s22 =	sadd.s32 @p1 s8, s22;
	[sflag:s12] =	ssyncset.done $0x0  }
0x29: {  	s22 =	sshll.u32 @p1 s22, $0xB;
	[sflag:s12] =	ssyncadd.s32 $0xFFFFC000  }
0x2a: {  	s22 =	sand.u32 @p1 $0x1FFFF800, s22;
	s23 =	simm.s32 $0x0;
	_ =	strace $0x90000057  }
0x2b: {  	s23 =	sadd.s32 @p1 $0x3, s24;
	s24 =	sadd.s32 @p1 s6, s22;
	_ =	strace @p1 $0x80000058  }
0x2c: {  	[hbm4b:s24+s2] =	stream.linear.scatter @p1 [tilespmem:s26], [sflag:s23], $0x4000, $0x200038;
	[tilespmem:$0x10100] =	vst v63  }
0x2d: {  	s17 =	sadd.s32 @p1 $0x1, s17;
	_ =	strace @p1 $0x90000058  }
0x2e: {  	s22 =	sadd.s32 @p1 s7, s22;
	s23 =	sadd.s32 @p1 $0x5, s25;
	_ =	strace @p1 $0x80000059  }
0x2f: {  	[hbm4b:s22+s2] =	stream.linear.scatter @p1 [tilespmem:s28], [sflag:s23], $0x4000, $0x200038;
	[tilespmem:$0x10100] =	vst v63  }
0x30: {  	s23 =	simm.s32 @p1 $0x1;
	_ =	strace @p1 $0x90000059;
	p1 =	seq.s32 s15, $0x4  }
0x31: {  	s22 =	sand.u32 @!p1 $0x1, s20  }
0x32: {  	_ =	strace @!p1 $0x8000005A;
	s22 =	sadd.s32 @!p1 $0x3, s22  }
0x33: {  	_ =	swait.ge @!p1 [sflag:s22], $0x4000  }
0x34: {  	s24 =	simm.s32 $0x1;
	[sflag:s22] =	ssyncset.done @!p1 $0x0  }
0x35: {  	s24 =	simm.s32 @!p0 $0x0;
	[sflag:s22] =	ssyncadd.s32 @!p1 $0xFFFFC000  }
0x36: {  	s15 =	sadd.s32 $0xFFFFFFFF, s15;
	s22 =	sand.u32 @!p1 $0x1, s14;
	_ =	strace @!p1 $0x9000005A  }
0x37: {  	p0 =	sne.s32 s15, $0x0;
	s22 =	sadd.s32 @!p1 $0x5, s22;
	_ =	strace @!p1 $0x8000005B  }
.Ltmp0:
0x38: {  	s19 =	sadd.s32 s24, s19;
	_ =	swait.ge @!p1 [sflag:s22], $0x4000;
	(pc) =	sbr.rel @p0 .LBB2_2-.Ltmp0, $4  }
0x39: {  	s16 =	sadd.s32 s16, s23;
	s24 =	sadd.s32 @!p1 $0x1, s20;
	[sflag:s22] =	ssyncset.done @!p1 $0x0  }
0x3a: {  	s24 =	smov.u32 @p1 s20;
	[sflag:s22] =	ssyncadd.s32 @!p1 $0xFFFFC000;
	s22 =	simm.s32 @!p1 $0x1  }
0x3b: {  	s18 =	sadd.s32 s18, s23;
	s20 =	smov.u32 s24;
	s22 =	simm.s32 @p1 $0x0  }
0x3c: {  	_ =	strace @!p1 $0x9000005B;
	s14 =	sadd.s32 s14, s22;
	s22 =	smov.u32 s21  }
0x3d: {  	s15 =	sand.u32 $0x1, s24  }
0x3e: {  	_ =	strace $0x8000005C;
	s15 =	sadd.s32 $0x3, s15  }
0x3f: {  	s13 =	sadd.s32 $0x1, s13;
	_ =	swait.ge [sflag:s15], $0x4000  }
0x40: {  	s14 =	sand.u32 $0x1, s14;
	p0 =	sne.s32 s13, s10;
	[sflag:s15] =	ssyncset.done $0x0  }
.Ltmp1:
0x41: {  	s14 =	sadd.s32 $0x5, s14;
	[sflag:s15] =	ssyncadd.s32 $0xFFFFC000;
	(pc) =	sbr.rel @p0 .LBB2_1-.Ltmp1, $4  }
0x42: {  	_ =	swait.ge [sflag:s14], $0x4000  }
0x43: {  	[sflag:s14] =	ssyncset.done $0x0  }
0x44: {  	[sflag:s14] =	ssyncadd.s32 $0xFFFFC000  }
0x45: {  	_ =	strace $0x9000005C  }
0x46: {  	_ =	sfence.sel $0x180000  }
0x47: {  	[bflag:$0x0] =	sbarrier.arrive $0xFFFF  }
0x48: {  	p0 =	sne.s32 s3, $0x0;
	_ =	strace $0x90000053  }
0x49: {  	s0 =	sadd.s32 @!p0 $0x100000, s0;
	[bflag:$0x2] =	sbarrier.arrive $0xFFFF  }
0x4a: {  	[sflag:s0] =	ssyncadd.tile.s32 @!p0 $0x1;
	_ =	shalt  }
.Lfunc_end2:
_tile_overlayer_lowered:
.L_overlay_start_2:
0x4b: {  	(tag) =	ssettag $0x2  }
0x4c: {  	s0 =	rddreg [dreg:$0x0];
	s2 =	stileid.u32  }
0x4d: {  	s1 =	rddreg [dreg:$0x1];
	p0 =	sne.s32 s2, $0x0  }
0x4e: {  	s3 =	rddreg [dreg:$0x2];
	[bflag:$0x3] =	sbarrier.arrive $0xFFFF;
	s2 =	simm.s32 @!p0 $0x1C01  }
0x4f: {  	[timem:s3], [sflag:s2] =	dma.local @!p0 [hbm:s0], s1  }
0x50: {  	s0 =	simm.s32 @!p0 $0x1  }
0x51: {  	_ =	swait.ge @!p0 [sflag:s0], s1  }
0x52: {  	s1 =	ssub.s32 @!p0 $0x0, s1;
	[sflag:s0] =	ssyncset.done @!p0 $0x0  }
0x53: {  	[sflag:s0] =	ssyncadd.s32 @!p0 s1  }
0x54: {  	[bflag:$0x3] =	sbarrier.arrive $0xFFFF  }
0x55: {  	_ =	shalt  }

</sc_bundles>
